<compile_context>
chip_gen: v7x
topology: tpu7x:2x2x1
jax: 0.10.2.dev20260603
libtpu: 0.0.44.dev20260713+nightly
codegen_flags: <defaults>
</compile_context>

<pallas_src>
import functools

import jax
import jax.numpy as jnp
from jax import lax
from jax.experimental import pallas as pl
from jax.experimental.pallas import tpu as pltpu
from jax.experimental.pallas import tpu_sc as plsc

N = 10000
D = 128
D_HID = 512
E = 320000

NC = 2
NS = 16
NW = NC * NS
L = 16
CH = 16
NCHUNK = E // CH
CPW = 640
NBUF = 8
NCHUNK_PAD = NW * CPW
ZBLK = 80
NFULLBLK = N // ZBLK
DROW = 80
PROW = 80
BATCH = 16


def _p1_body(s_ref, wfcT_ref, wa1_ref, g_ref, p_ref):
    zs = jnp.dot(s_ref[...], wfcT_ref[...], preferred_element_type=jnp.float32)
    a = jnp.dot(zs, wa1_ref[...], preferred_element_type=jnp.float32)
    f = jnp.where(a > 0, a, 0.01 * a)
    p = jnp.exp(f)
    g_ref[...] = zs * p
    p_ref[...] = p


def _phase1(s, wfcT, wa1):
    R = 2000
    grid = N // R
    return pl.pallas_call(
        _p1_body,
        grid=(grid,),
        in_specs=[
            pl.BlockSpec((R, D), lambda i: (i, 0)),
            pl.BlockSpec((D, D), lambda i: (0, 0)),
            pl.BlockSpec((D, 1), lambda i: (0, 0)),
        ],
        out_specs=[
            pl.BlockSpec((R, D), lambda i: (i, 0)),
            pl.BlockSpec((R, 1), lambda i: (i, 0)),
        ],
        out_shape=[
            jax.ShapeDtypeStruct((N, D), jnp.float32),
            jax.ShapeDtypeStruct((N, 1), jnp.float32),
        ],
    )(s, wfcT, wa1)


def _sc_body(g_hbm, p_hbm, src_hbm, dst_hbm, iota_hbm,
             outh_hbm, outden_hbm,
             sidx, didx, iotav, buf0, buf1, buf2, buf3, buf4, buf5, buf6,
             buf7, pv, denv, hsh, densh,
             sem_i, sem_g0, sem_g1, sem_g2, sem_g3, sem_g4, sem_g5, sem_g6,
             sem_g7, sem_s0, sem_s1, sem_s2, sem_s3, sem_s4, sem_s5, sem_s6,
             sem_s7):
    cid = lax.axis_index("c")
    sid = lax.axis_index("s")
    wid = sid * NC + cid

    base = wid * CPW
    nch = jnp.minimum(CPW, NCHUNK - CPW * wid)

    pltpu.sync_copy(p_hbm, pv)
    pltpu.sync_copy(iota_hbm, iotav)
    zv = jnp.zeros((L,), jnp.float32)

    def zrow(r, carry):
        for k in range(D // L):
            denv[r, pl.ds(k * L, L)] = zv
        return carry

    lax.fori_loop(0, DROW, zrow, 0)

    nblk = (NFULLBLK - sid + NS - 1) // NS

    def zblk(j, carry):
        off = pl.multiple_of((sid + NS * j) * ZBLK, ZBLK)
        pltpu.async_copy(denv, hsh.at[pl.ds(off, ZBLK)], sem_i)
        return carry

    lax.fori_loop(0, nblk, zblk, 0)

    @pl.when(sid == 0)
    def _():
        pltpu.sync_copy(denv, densh)

    def zdrain(j, carry):
        off = pl.multiple_of((sid + NS * j) * ZBLK, ZBLK)
        pltpu.make_async_copy(denv, hsh.at[pl.ds(off, ZBLK)], sem_i).wait()
        return carry

    lax.fori_loop(0, nblk, zdrain, 0)
    plsc.subcore_barrier()

    bufs = (buf0, buf1, buf2, buf3, buf4, buf5, buf6, buf7)
    gsems = (sem_g0, sem_g1, sem_g2, sem_g3, sem_g4, sem_g5, sem_g6, sem_g7)
    ssems = (sem_s0, sem_s1, sem_s2, sem_s3, sem_s4, sem_s5, sem_s6, sem_s7)

    def _ifetch(m, h):
        off = m * BATCH
        pltpu.async_copy(src_hbm.at[pl.ds(base + off, BATCH)],
                         sidx.at[h], sem_i)
        pltpu.async_copy(dst_hbm.at[pl.ds(base + off, BATCH)],
                         didx.at[h], sem_i)

    def _ifwait(m, h):
        off = m * BATCH
        pltpu.make_async_copy(src_hbm.at[pl.ds(base + off, BATCH)],
                              sidx.at[h], sem_i).wait()
        pltpu.make_async_copy(dst_hbm.at[pl.ds(base + off, BATCH)],
                              didx.at[h], sem_i).wait()

    def _den_work(h, r):
        for k in range(CH // L):
            s16 = sidx[h, r, pl.ds(k * L, L)]
            d16 = didx[h, r, pl.ds(k * L, L)]
            p16 = plsc.load_gather(
                pv, [lax.shift_right_logical(s16, 7),
                     jnp.bitwise_and(s16, 127)])
            plsc.addupdate_scatter(
                denv, [lax.shift_right_logical(d16, 7),
                       jnp.bitwise_and(d16, 127)], p16)

    def _gstart(b, h, r):
        pltpu.async_copy(g_hbm.at[sidx.at[h, r]], bufs[b], gsems[b])

    def _gwait(b, h, r):
        pltpu.make_async_copy(
            g_hbm.at[sidx.at[h, r]], bufs[b], gsems[b]).wait()

    def _sstart(b, h, r):
        pltpu.async_copy(bufs[b], hsh.at[didx.at[h, r]], ssems[b], add=True)

    def _swait(b, h, r):
        pltpu.make_async_copy(
            bufs[b], hsh.at[didx.at[h, r]], ssems[b]).wait()

    nbat = nch // BATCH
    AHEAD = NBUF - 1
    _ifetch(0, 0)
    _ifwait(0, 0)
    for rr in range(AHEAD):
        _gstart(rr, 0, rr)

    def batch_body(m, carry):
        h = m % 2
        for r in range(BATCH):
            b = r % NBUF
            j = m * BATCH + r
            if r == 2:
                @pl.when(m + 1 < nbat)
                def _():
                    _ifetch(m + 1, 1 - h)
            if r == BATCH - AHEAD:
                @pl.when(m + 1 < nbat)
                def _():
                    _ifwait(m + 1, 1 - h)
            _den_work(h, r)
            _gwait(b, h, r)

            @pl.when(j >= 1)
            def _():
                _swait((b + NBUF - 1) % NBUF, h, r)

            ra = r + AHEAD
            if ra < BATCH:
                @pl.when(j + AHEAD < nch)
                def _():
                    _gstart((b + AHEAD) % NBUF, h, ra)
            else:
                @pl.when(j + AHEAD < nch)
                def _():
                    _gstart((b + AHEAD) % NBUF, 1 - h, ra - BATCH)
            _sstart(b, h, r)
        return carry

    lax.fori_loop(0, nbat, batch_body, 0)
    _swait((CPW - 1) % NBUF, 0, 0)

    pltpu.sync_copy(denv, densh.at[iotav.at[0]], add=True)
    plsc.subcore_barrier()

    def dblk(j, carry):
        off = pl.multiple_of((sid + NS * j) * ZBLK, ZBLK)
        pltpu.async_copy(hsh.at[pl.ds(off, ZBLK)],
                         outh_hbm.at[cid, pl.ds(off, ZBLK)], sem_i)
        return carry

    lax.fori_loop(0, nblk, dblk, 0)

    def ddrain(j, carry):
        off = pl.multiple_of((sid + NS * j) * ZBLK, ZBLK)
        pltpu.make_async_copy(hsh.at[pl.ds(off, ZBLK)],
                              outh_hbm.at[cid, pl.ds(off, ZBLK)], sem_i).wait()
        return carry

    lax.fori_loop(0, nblk, ddrain, 0)

    @pl.when(sid == 0)
    def _():
        pltpu.sync_copy(densh, outden_hbm.at[cid])


def _phase2(g, p, src2d, dst2d, iota2d):
    mesh = plsc.VectorSubcoreMesh(core_axis_name="c", subcore_axis_name="s")
    kern = pl.kernel(
        _sc_body,
        compiler_params=pltpu.CompilerParams(needs_layout_passes=False),
        out_type=(
            jax.ShapeDtypeStruct((NC, N, D), jnp.float32),
            jax.ShapeDtypeStruct((NC, DROW, 128), jnp.float32),
        ),
        mesh=mesh,
        scratch_types=[
            pltpu.VMEM((2, BATCH, CH), jnp.int32),
            pltpu.VMEM((2, BATCH, CH), jnp.int32),
            pltpu.VMEM((1, DROW), jnp.int32),
        ] + [pltpu.VMEM((CH, D), jnp.float32)] * NBUF
          + [
            pltpu.VMEM((PROW, 128), jnp.float32),
            pltpu.VMEM((DROW, 128), jnp.float32),
            pltpu.VMEM_SHARED((N, D), jnp.float32),
            pltpu.VMEM_SHARED((DROW, 128), jnp.float32),
            pltpu.SemaphoreType.DMA,
        ] + [pltpu.SemaphoreType.DMA] * (2 * NBUF),
    )
    return kern(g, p, src2d, dst2d, iota2d)


def _p3_body(hp0_ref, hp1_ref, d0_ref, d1_ref, c_ref, w1T_ref, b1_ref,
             w2T_ref, b2_ref, gamma_ref, beta_ref, out_ref):
    den = d0_ref[...] + d1_ref[...]
    inv = jnp.where(den > 0, 1.0 / den, 0.0)
    hdiv = (hp0_ref[...] + hp1_ref[...]) * inv
    hc = jnp.where(hdiv > 0, hdiv, jnp.exp(hdiv) - 1.0) + c_ref[...]
    t = jnp.maximum(
        jnp.dot(hc, w1T_ref[...], preferred_element_type=jnp.float32)
        + b1_ref[...], 0.0)
    o = jnp.dot(t, w2T_ref[...], preferred_element_type=jnp.float32) \
        + b2_ref[...] + hc
    mu = jnp.mean(o, axis=1, keepdims=True)
    var = jnp.mean((o - mu) ** 2, axis=1, keepdims=True)
    out_ref[...] = (o - mu) * lax.rsqrt(var + 1e-5) * gamma_ref[...] \
        + beta_ref[...]


def _phase3(hp0, hp1, d0, d1, c, w1T, b1, w2T, b2, gamma, beta):
    R = 2000
    grid = N // R
    return pl.pallas_call(
        _p3_body,
        grid=(grid,),
        in_specs=[
            pl.BlockSpec((R, D), lambda i: (i, 0)),
            pl.BlockSpec((R, D), lambda i: (i, 0)),
            pl.BlockSpec((R, 1), lambda i: (i, 0)),
            pl.BlockSpec((R, 1), lambda i: (i, 0)),
            pl.BlockSpec((R, D), lambda i: (i, 0)),
            pl.BlockSpec((D, D_HID), lambda i: (0, 0)),
            pl.BlockSpec((1, D_HID), lambda i: (0, 0)),
            pl.BlockSpec((D_HID, D), lambda i: (0, 0)),
            pl.BlockSpec((1, D), lambda i: (0, 0)),
            pl.BlockSpec((1, D), lambda i: (0, 0)),
            pl.BlockSpec((1, D), lambda i: (0, 0)),
        ],
        out_specs=pl.BlockSpec((R, D), lambda i: (i, 0)),
        out_shape=jax.ShapeDtypeStruct((N, D), jnp.float32),
    )(hp0, hp1, d0, d1, c, w1T, b1, w2T, b2, gamma, beta)


def kernel(c, s, edge_index, Wfc, Wa, W1, b1, W2, b2, gamma, beta):
    src2d = edge_index[0].astype(jnp.int32).reshape(NCHUNK, CH)
    dst2d = edge_index[1].astype(jnp.int32).reshape(NCHUNK, CH)
    iota2d = jnp.arange(DROW, dtype=jnp.int32).reshape(1, DROW)
    wfcT = Wfc.T
    wa1 = Wa[0, :D].reshape(D, 1)
    g, p = _phase1(s, wfcT, wa1)
    p2d = jnp.concatenate(
        [p.reshape(N), jnp.zeros((PROW * 128 - N,), jnp.float32)]
    ).reshape(PROW, 128)
    hparts, denparts = _phase2(g, p2d, src2d, dst2d, iota2d)
    d0 = denparts[0].reshape(DROW * 128)[:N].reshape(N, 1)
    d1 = denparts[1].reshape(DROW * 128)[:N].reshape(N, 1)
    return _phase3(hparts[0], hparts[1], d0, d1, c, W1.T.reshape(D, D_HID),
                   b1.reshape(1, D_HID), W2.T.reshape(D_HID, D),
                   b2.reshape(1, D), gamma.reshape(1, D), beta.reshape(1, D))

# --- scband reference (transcript-rebuilt; emitter-appended) ---
"""Pipeline reference for scband-gatlayer-73753178406980 (READ-ONLY COPY).

The authoritative reference and input builder live on the scoring server;
editing this copy changes nothing except your own understanding.
"""

import jax, jax.numpy as jnp
import numpy as np

D = 128
D_HID = 512
N = 10000
E = 320000


def setup_inputs(seed: int = 0) -> dict:
    key = jax.random.key(seed)
    ks = jax.random.split(key, 12)
    c = jax.random.normal(ks[0], (N, D), dtype=jnp.float32)
    s = jax.random.normal(ks[1], (N, D), dtype=jnp.float32)
    edge_index = jax.random.randint(ks[2], (2, E), 0, N, dtype=jnp.int64)
    Wfc = jax.random.normal(ks[3], (D, D), dtype=jnp.float32) * 0.05
    Wa = jax.random.normal(ks[4], (1, 2 * D), dtype=jnp.float32) * 0.05
    W1 = jax.random.normal(ks[5], (D_HID, D), dtype=jnp.float32) * 0.05
    b1 = jax.random.normal(ks[6], (D_HID,), dtype=jnp.float32) * 0.01
    W2 = jax.random.normal(ks[7], (D, D_HID), dtype=jnp.float32) * 0.05
    b2 = jax.random.normal(ks[8], (D,), dtype=jnp.float32) * 0.01
    gamma = jnp.ones((D,), dtype=jnp.float32)
    beta = jnp.zeros((D,), dtype=jnp.float32)
    return {"c": c, "s": s, "edge_index": edge_index, "Wfc": Wfc, "Wa": Wa,
            "W1": W1, "b1": b1, "W2": W2, "b2": b2, "gamma": gamma, "beta": beta}


def reference(c, s, edge_index, Wfc, Wa, W1, b1, W2, b2, gamma, beta):
    n_c = c.shape[0]
    src = edge_index[0]
    dst = edge_index[1]
    # gtype == 's2c': zs = fc(s); z set on s-nodes only (DGL zero-fills c-node z)
    zs = s @ Wfc.T
    z_src = jnp.take(zs, src, axis=0)
    z_dst = jnp.zeros_like(z_src)  # dst ('c') nodes have zero-initialized 'z' in DGL
    z2 = jnp.concatenate([z_src, z_dst], axis=1)
    e = jax.nn.leaky_relu(z2 @ Wa.T, negative_slope=0.01)[:, 0]  # [E]
    # softmax over incoming edges per dst node (mailbox softmax)
    m = jax.ops.segment_max(e, dst, num_segments=n_c)
    m = jnp.where(jnp.isneginf(m), 0.0, m)
    ex = jnp.exp(e - jnp.take(m, dst))
    denom = jax.ops.segment_sum(ex, dst, num_segments=n_c)
    alpha = ex / jnp.maximum(jnp.take(denom, dst), 1e-16)
    h = jax.ops.segment_sum(alpha[:, None] * z_src, dst, num_segments=n_c)
    hc = jax.nn.elu(h) + c
    # PositionwiseFeedForward (kernel-size-1 convs == linear); dropout is identity in eval
    residual = hc
    out = jnp.maximum(hc @ W1.T + b1, 0.0) @ W2.T + b2
    out = out + residual
    mu = jnp.mean(out, axis=-1, keepdims=True)
    var = jnp.mean((out - mu) ** 2, axis=-1, keepdims=True)
    out = (out - mu) / jnp.sqrt(var + 1e-5) * gamma + beta
    return out

if __name__ == "__main__":
    import jax
    _d = setup_inputs()
    print(jax.jit(kernel)(*tuple(_d.values())))

</pallas_src>

<mosaic_0001>
#map = affine_map<(d0, d1) -> (0, 0)>
#map1 = affine_map<(d0, d1) -> (0, 0, 0)>
module attributes {stable_mosaic.version = 14 : i64} {
  func.func @_sc_body(%arg0: i32, %arg1: i32, %arg2: memref<10000x128xf32, #tpu.memory_space<hbm>>, %arg3: memref<80x128xf32, #tpu.memory_space<hbm>>, %arg4: memref<20000x16xi32, #tpu.memory_space<hbm>>, %arg5: memref<20000x16xi32, #tpu.memory_space<hbm>>, %arg6: memref<1x80xi32, #tpu.memory_space<hbm>>, %arg7: memref<2x10000x128xf32, #tpu.memory_space<hbm>>, %arg8: memref<2x80x128xf32, #tpu.memory_space<hbm>>, %arg9: memref<2x16x16xi32, #tpu.memory_space<vmem>>, %arg10: memref<2x16x16xi32, #tpu.memory_space<vmem>>, %arg11: memref<1x80xi32, #tpu.memory_space<vmem>>, %arg12: memref<16x128xf32, #tpu.memory_space<vmem>>, %arg13: memref<16x128xf32, #tpu.memory_space<vmem>>, %arg14: memref<16x128xf32, #tpu.memory_space<vmem>>, %arg15: memref<16x128xf32, #tpu.memory_space<vmem>>, %arg16: memref<16x128xf32, #tpu.memory_space<vmem>>, %arg17: memref<16x128xf32, #tpu.memory_space<vmem>>, %arg18: memref<16x128xf32, #tpu.memory_space<vmem>>, %arg19: memref<16x128xf32, #tpu.memory_space<vmem>>, %arg20: memref<80x128xf32, #tpu.memory_space<vmem>>, %arg21: memref<80x128xf32, #tpu.memory_space<vmem>>, %arg22: memref<10000x128xf32, #tpu.memory_space<vmem_shared>>, %arg23: memref<80x128xf32, #tpu.memory_space<vmem_shared>>, %arg24: memref<!tpu.dma_semaphore, #tpu.memory_space<semaphore_mem>>, %arg25: memref<!tpu.dma_semaphore, #tpu.memory_space<semaphore_mem>>, %arg26: memref<!tpu.dma_semaphore, #tpu.memory_space<semaphore_mem>>, %arg27: memref<!tpu.dma_semaphore, #tpu.memory_space<semaphore_mem>>, %arg28: memref<!tpu.dma_semaphore, #tpu.memory_space<semaphore_mem>>, %arg29: memref<!tpu.dma_semaphore, #tpu.memory_space<semaphore_mem>>, %arg30: memref<!tpu.dma_semaphore, #tpu.memory_space<semaphore_mem>>, %arg31: memref<!tpu.dma_semaphore, #tpu.memory_space<semaphore_mem>>, %arg32: memref<!tpu.dma_semaphore, #tpu.memory_space<semaphore_mem>>, %arg33: memref<!tpu.dma_semaphore, #tpu.memory_space<semaphore_mem>>, %arg34: memref<!tpu.dma_semaphore, #tpu.memory_space<semaphore_mem>>, %arg35: memref<!tpu.dma_semaphore, #tpu.memory_space<semaphore_mem>>, %arg36: memref<!tpu.dma_semaphore, #tpu.memory_space<semaphore_mem>>, %arg37: memref<!tpu.dma_semaphore, #tpu.memory_space<semaphore_mem>>, %arg38: memref<!tpu.dma_semaphore, #tpu.memory_space<semaphore_mem>>, %arg39: memref<!tpu.dma_semaphore, #tpu.memory_space<semaphore_mem>>, %arg40: memref<!tpu.dma_semaphore, #tpu.memory_space<semaphore_mem>>) attributes {dimension_semantics = [#tpu.dimension_semantics<core_parallel>, #tpu.dimension_semantics<subcore_parallel>], iteration_bounds = array<i64: 2, 16>, scalar_prefetch = 0 : i64, scratch_operands = 32 : i64, tpu.core_type = #tpu.core_type<sc_vector_subcore>, window_params = [{transform_indices = #map}, {transform_indices = #map}, {transform_indices = #map}, {transform_indices = #map}, {transform_indices = #map}, {transform_indices = #map1}, {transform_indices = #map1}]} {
    %mul3A = arith.constant 2 : i32
    %mul3A_0 = arith.muli %arg1, %mul3A : i32
    %add3A = arith.addi %mul3A_0, %arg0 : i32
    %mul3A_1 = arith.constant 640 : i32
    %mul3A_2 = arith.muli %add3A, %mul3A_1 : i32
    %mul3A_3 = arith.constant 640 : i32
    %mul3A_4 = arith.muli %mul3A_3, %add3A : i32
    %sub3A = arith.constant 20000 : i32
    %sub3A_5 = arith.subi %sub3A, %mul3A_4 : i32
    %min3A = arith.constant 640 : i32
    %min3A_6 = arith.minsi %min3A, %sub3A_5 : i32
    "tpu.region"() ({
      %run_scoped3A_239 = tpu.sem_alloc : memref<!tpu.dma_semaphore, #tpu.memory_space<semaphore_mem>>
      tpu.enqueue_dma source(%arg3 : memref<80x128xf32, #tpu.memory_space<hbm>>) target(%arg20 : memref<80x128xf32, #tpu.memory_space<vmem>>) target_semaphore(%run_scoped3A_239 : memref<!tpu.dma_semaphore, #tpu.memory_space<semaphore_mem>>)
      tpu.wait_dma2 semaphore(%run_scoped3A_239 : memref<!tpu.dma_semaphore, #tpu.memory_space<semaphore_mem>>) src(%arg3 : memref<80x128xf32, #tpu.memory_space<hbm>>) dst(%arg20 : memref<80x128xf32, #tpu.memory_space<vmem>>)
      tpu.yield
    }) : () -> ()
    "tpu.region"() ({
      %run_scoped3A_239 = tpu.sem_alloc : memref<!tpu.dma_semaphore, #tpu.memory_space<semaphore_mem>>
      tpu.enqueue_dma source(%arg6 : memref<1x80xi32, #tpu.memory_space<hbm>>) target(%arg11 : memref<1x80xi32, #tpu.memory_space<vmem>>) target_semaphore(%run_scoped3A_239 : memref<!tpu.dma_semaphore, #tpu.memory_space<semaphore_mem>>)
      tpu.wait_dma2 semaphore(%run_scoped3A_239 : memref<!tpu.dma_semaphore, #tpu.memory_space<semaphore_mem>>) src(%arg6 : memref<1x80xi32, #tpu.memory_space<hbm>>) dst(%arg11 : memref<1x80xi32, #tpu.memory_space<vmem>>)
      tpu.yield
    }) : () -> ()
    %broadcast_in_dim3A = arith.constant 0.000000e+00 : f32
    %broadcast_in_dim3A_7 = vector.broadcast %broadcast_in_dim3A : f32 to vector<16xf32>
    %scan3A = arith.constant 0 : i32
    %scan3A_8 = arith.constant 0 : i32
    %scan3A_9 = arith.constant 80 : i32
    %scan3A_10 = arith.addi %scan3A_8, %scan3A_9 : i32
    %scan3A_11 = arith.constant 1 : i32
    scf.for %scan3A_239 = %scan3A_8 to %scan3A_10 step %scan3A_11  : i32 {
      %swap3A = arith.index_cast %scan3A_239 : i32 to index
      %swap3A_240 = arith.constant 0 : index
      %swap3A_241 = tpu.vector_load %arg21[%swap3A, %swap3A_240] {strides = array<i32>} : memref<80x128xf32, #tpu.memory_space<vmem>>, vector<16xf32>,
      tpu.vector_store %arg21[%swap3A, %swap3A_240], %broadcast_in_dim3A_7 {strides = array<i32>} : memref<80x128xf32, #tpu.memory_space<vmem>>, vector<16xf32>,
      %swap3A_242 = arith.index_cast %scan3A_239 : i32 to index
      %swap3A_243 = arith.constant 16 : index
      %swap3A_244 = tpu.vector_load %arg21[%swap3A_242, %swap3A_243] {strides = array<i32>} : memref<80x128xf32, #tpu.memory_space<vmem>>, vector<16xf32>,
      tpu.vector_store %arg21[%swap3A_242, %swap3A_243], %broadcast_in_dim3A_7 {strides = array<i32>} : memref<80x128xf32, #tpu.memory_space<vmem>>, vector<16xf32>,
      %swap3A_245 = arith.index_cast %scan3A_239 : i32 to index
      %swap3A_246 = arith.constant 32 : index
      %swap3A_247 = tpu.vector_load %arg21[%swap3A_245, %swap3A_246] {strides = array<i32>} : memref<80x128xf32, #tpu.memory_space<vmem>>, vector<16xf32>,
      tpu.vector_store %arg21[%swap3A_245, %swap3A_246], %broadcast_in_dim3A_7 {strides = array<i32>} : memref<80x128xf32, #tpu.memory_space<vmem>>, vector<16xf32>,
      %swap3A_248 = arith.index_cast %scan3A_239 : i32 to index
      %swap3A_249 = arith.constant 48 : index
      %swap3A_250 = tpu.vector_load %arg21[%swap3A_248, %swap3A_249] {strides = array<i32>} : memref<80x128xf32, #tpu.memory_space<vmem>>, vector<16xf32>,
      tpu.vector_store %arg21[%swap3A_248, %swap3A_249], %broadcast_in_dim3A_7 {strides = array<i32>} : memref<80x128xf32, #tpu.memory_space<vmem>>, vector<16xf32>,
      %swap3A_251 = arith.index_cast %scan3A_239 : i32 to index
      %swap3A_252 = arith.constant 64 : index
      %swap3A_253 = tpu.vector_load %arg21[%swap3A_251, %swap3A_252] {strides = array<i32>} : memref<80x128xf32, #tpu.memory_space<vmem>>, vector<16xf32>,
      tpu.vector_store %arg21[%swap3A_251, %swap3A_252], %broadcast_in_dim3A_7 {strides = array<i32>} : memref<80x128xf32, #tpu.memory_space<vmem>>, vector<16xf32>,
      %swap3A_254 = arith.index_cast %scan3A_239 : i32 to index
      %swap3A_255 = arith.constant 80 : index
      %swap3A_256 = tpu.vector_load %arg21[%swap3A_254, %swap3A_255] {strides = array<i32>} : memref<80x128xf32, #tpu.memory_space<vmem>>, vector<16xf32>,
      tpu.vector_store %arg21[%swap3A_254, %swap3A_255], %broadcast_in_dim3A_7 {strides = array<i32>} : memref<80x128xf32, #tpu.memory_space<vmem>>, vector<16xf32>,
      %swap3A_257 = arith.index_cast %scan3A_239 : i32 to index
      %swap3A_258 = arith.constant 96 : index
      %swap3A_259 = tpu.vector_load %arg21[%swap3A_257, %swap3A_258] {strides = array<i32>} : memref<80x128xf32, #tpu.memory_space<vmem>>, vector<16xf32>,
      tpu.vector_store %arg21[%swap3A_257, %swap3A_258], %broadcast_in_dim3A_7 {strides = array<i32>} : memref<80x128xf32, #tpu.memory_space<vmem>>, vector<16xf32>,
      %swap3A_260 = arith.index_cast %scan3A_239 : i32 to index
      %swap3A_261 = arith.constant 112 : index
      %swap3A_262 = tpu.vector_load %arg21[%swap3A_260, %swap3A_261] {strides = array<i32>} : memref<80x128xf32, #tpu.memory_space<vmem>>, vector<16xf32>,
      tpu.vector_store %arg21[%swap3A_260, %swap3A_261], %broadcast_in_dim3A_7 {strides = array<i32>} : memref<80x128xf32, #tpu.memory_space<vmem>>, vector<16xf32>,
    }
    %scan3A_12 = arith.constant 80 : i32
    %sub3A_13 = arith.constant 125 : i32
    %sub3A_14 = arith.subi %sub3A_13, %arg1 : i32
    %add3A_15 = arith.constant 16 : i32
    %add3A_16 = arith.addi %sub3A_14, %add3A_15 : i32
    %sub3A_17 = arith.constant 1 : i32
    %sub3A_18 = arith.subi %add3A_16, %sub3A_17 : i32
    %jit3A = arith.constant 16 : i32
    %div3A = arith.divsi %sub3A_18, %jit3A : i32
    %sign3A = arith.constant 0 : i32
    %sign3A_19 = arith.cmpi sgt, %sub3A_18, %sign3A : i32
    %sign3A_20 = arith.extui %sign3A_19 : i1 to i32
    %sign3A_21 = arith.constant 0 : i32
    %sign3A_22 = arith.cmpi slt, %sub3A_18, %sign3A_21 : i32
    %sign3A_23 = arith.extui %sign3A_22 : i1 to i32
    %sign3A_24 = arith.subi %sign3A_20, %sign3A_23 : i32
    %sign3A_25 = arith.constant 0 : i32
    %sign3A_26 = arith.cmpi sgt, %jit3A, %sign3A_25 : i32
    %sign3A_27 = arith.extui %sign3A_26 : i1 to i32
    %sign3A_28 = arith.constant 0 : i32
    %sign3A_29 = arith.cmpi slt, %jit3A, %sign3A_28 : i32
    %sign3A_30 = arith.extui %sign3A_29 : i1 to i32
    %sign3A_31 = arith.subi %sign3A_27, %sign3A_30 : i32
    %ne3A = arith.cmpi ne, %sign3A_24, %sign3A_31 : i32
    %rem3A = arith.remsi %sub3A_18, %jit3A : i32
    %ne3A_32 = arith.constant 0 : i32
    %ne3A_33 = arith.cmpi ne, %rem3A, %ne3A_32 : i32
    %and3A = arith.andi %ne3A, %ne3A_33 : i1
    %sub3A_34 = arith.constant 1 : i32
    %sub3A_35 = arith.subi %div3A, %sub3A_34 : i32
    %select_n3A = arith.select %and3A, %sub3A_35, %div3A : i32
    %while3A = arith.constant 0 : i32
    %while3A_36 = arith.constant 0 : i32
    %while3A_37 = arith.subi %select_n3A, %while3A_36 : i32
    %while3A_38 = arith.addi %while3A_36, %while3A_37 : i32
    %while3A_39 = arith.constant 1 : i32
    %while3A_40 = arith.divsi %while3A_37, %while3A_39 : i32
    %while3A_41 = arith.muli %while3A_40, %while3A_39 : i32
    %while3A_42 = arith.addi %while3A_36, %while3A_41 : i32
    %while3A_43 = arith.constant 1 : i32
    scf.for %while3A_239 = %while3A_36 to %while3A_42 step %while3A_43  : i32 {
      %mul3A_240 = arith.constant 16 : i32
      %mul3A_241 = arith.muli %mul3A_240, %while3A_239 : i32
      %add3A_242 = arith.addi %arg1, %mul3A_241 : i32
      %mul3A_243 = arith.constant 80 : i32
      %mul3A_244 = arith.muli %add3A_242, %mul3A_243 : i32
      %multiple_of3A = tpu.assume_multiple %mul3A_244, 80 : i32
      %dma_start3A_245 = arith.constant 0 : i32
      %dma_start3A_246 = tpu.memref_slice %arg22[%multiple_of3A, %dma_start3A_245] : memref<10000x128xf32, #tpu.memory_space<vmem_shared>> -> memref<80x128xf32, #tpu.memory_space<vmem_shared>>
      %dma_start3A_247 = arith.constant 0 : i32
      %dma_start3A_248 = tpu.memref_slice %arg22[%multiple_of3A, %dma_start3A_247] : memref<10000x128xf32, #tpu.memory_space<vmem_shared>> -> memref<80x128xf32, #tpu.memory_space<vmem_shared>>
      tpu.enqueue_dma source(%arg21 : memref<80x128xf32, #tpu.memory_space<vmem>>) target(%dma_start3A_248 : memref<80x128xf32, #tpu.memory_space<vmem_shared>>) target_semaphore(%arg24 : memref<!tpu.dma_semaphore, #tpu.memory_space<semaphore_mem>>)
    }
    %while3A_44 = arith.constant 1 : i32
    scf.for %while3A_239 = %while3A_42 to %while3A_38 step %while3A_44  : i32 {
      %mul3A_240 = arith.constant 16 : i32
      %mul3A_241 = arith.muli %mul3A_240, %while3A_239 : i32
      %add3A_242 = arith.addi %arg1, %mul3A_241 : i32
      %mul3A_243 = arith.constant 80 : i32
      %mul3A_244 = arith.muli %add3A_242, %mul3A_243 : i32
      %multiple_of3A = tpu.assume_multiple %mul3A_244, 80 : i32
      %dma_start3A_245 = arith.constant 0 : i32
      %dma_start3A_246 = tpu.memref_slice %arg22[%multiple_of3A, %dma_start3A_245] : memref<10000x128xf32, #tpu.memory_space<vmem_shared>> -> memref<80x128xf32, #tpu.memory_space<vmem_shared>>
      %dma_start3A_247 = arith.constant 0 : i32
      %dma_start3A_248 = tpu.memref_slice %arg22[%multiple_of3A, %dma_start3A_247] : memref<10000x128xf32, #tpu.memory_space<vmem_shared>> -> memref<80x128xf32, #tpu.memory_space<vmem_shared>>
      tpu.enqueue_dma source(%arg21 : memref<80x128xf32, #tpu.memory_space<vmem>>) target(%dma_start3A_248 : memref<80x128xf32, #tpu.memory_space<vmem_shared>>) target_semaphore(%arg24 : memref<!tpu.dma_semaphore, #tpu.memory_space<semaphore_mem>>)
    }
    %eq3A = arith.constant 0 : i32
    %eq3A_45 = arith.cmpi eq, %arg1, %eq3A : i32
    %convert_element_type3A = arith.extui %eq3A_45 : i1 to i32
    %cond3A = arith.constant 0 : i32
    %cond3A_46 = arith.cmpi ne, %convert_element_type3A, %cond3A : i32
    scf.if %cond3A_46 {
      "tpu.region"() ({
        %run_scoped3A_239 = tpu.sem_alloc : memref<!tpu.dma_semaphore, #tpu.memory_space<semaphore_mem>>
        tpu.enqueue_dma source(%arg21 : memref<80x128xf32, #tpu.memory_space<vmem>>) target(%arg23 : memref<80x128xf32, #tpu.memory_space<vmem_shared>>) target_semaphore(%run_scoped3A_239 : memref<!tpu.dma_semaphore, #tpu.memory_space<semaphore_mem>>)
        tpu.wait_dma2 semaphore(%run_scoped3A_239 : memref<!tpu.dma_semaphore, #tpu.memory_space<semaphore_mem>>) src(%arg21 : memref<80x128xf32, #tpu.memory_space<vmem>>) dst(%arg23 : memref<80x128xf32, #tpu.memory_space<vmem_shared>>)
        tpu.yield
      }) : () -> ()
    } else {
    }
    %while3A_47 = arith.constant 0 : i32
    %while3A_48 = arith.constant 0 : i32
    %while3A_49 = arith.subi %select_n3A, %while3A_48 : i32
    %while3A_50 = arith.addi %while3A_48, %while3A_49 : i32
    %while3A_51 = arith.constant 1 : i32
    %while3A_52 = arith.divsi %while3A_49, %while3A_51 : i32
    %while3A_53 = arith.muli %while3A_52, %while3A_51 : i32
    %while3A_54 = arith.addi %while3A_48, %while3A_53 : i32
    %while3A_55 = arith.constant 1 : i32
    scf.for %while3A_239 = %while3A_48 to %while3A_54 step %while3A_55  : i32 {
      %mul3A_240 = arith.constant 16 : i32
      %mul3A_241 = arith.muli %mul3A_240, %while3A_239 : i32
      %add3A_242 = arith.addi %arg1, %mul3A_241 : i32
      %mul3A_243 = arith.constant 80 : i32
      %mul3A_244 = arith.muli %add3A_242, %mul3A_243 : i32
      %multiple_of3A = tpu.assume_multiple %mul3A_244, 80 : i32
      %dma_wait3A_245 = arith.constant 0 : i32
      %dma_wait3A_246 = tpu.memref_slice %arg22[%multiple_of3A, %dma_wait3A_245] : memref<10000x128xf32, #tpu.memory_space<vmem_shared>> -> memref<80x128xf32, #tpu.memory_space<vmem_shared>>
      %dma_wait3A_247 = arith.constant 0 : i32
      %dma_wait3A_248 = tpu.memref_slice %arg22[%multiple_of3A, %dma_wait3A_247] : memref<10000x128xf32, #tpu.memory_space<vmem_shared>> -> memref<80x128xf32, #tpu.memory_space<vmem_shared>>
      tpu.wait_dma2 semaphore(%arg24 : memref<!tpu.dma_semaphore, #tpu.memory_space<semaphore_mem>>) src(%arg21 : memref<80x128xf32, #tpu.memory_space<vmem>>) dst(%dma_wait3A_248 : memref<80x128xf32, #tpu.memory_space<vmem_shared>>)
    }
    %while3A_56 = arith.constant 1 : i32
    scf.for %while3A_239 = %while3A_54 to %while3A_50 step %while3A_56  : i32 {
      %mul3A_240 = arith.constant 16 : i32
      %mul3A_241 = arith.muli %mul3A_240, %while3A_239 : i32
      %add3A_242 = arith.addi %arg1, %mul3A_241 : i32
      %mul3A_243 = arith.constant 80 : i32
      %mul3A_244 = arith.muli %add3A_242, %mul3A_243 : i32
      %multiple_of3A = tpu.assume_multiple %mul3A_244, 80 : i32
      %dma_wait3A_245 = arith.constant 0 : i32
      %dma_wait3A_246 = tpu.memref_slice %arg22[%multiple_of3A, %dma_wait3A_245] : memref<10000x128xf32, #tpu.memory_space<vmem_shared>> -> memref<80x128xf32, #tpu.memory_space<vmem_shared>>
      %dma_wait3A_247 = arith.constant 0 : i32
      %dma_wait3A_248 = tpu.memref_slice %arg22[%multiple_of3A, %dma_wait3A_247] : memref<10000x128xf32, #tpu.memory_space<vmem_shared>> -> memref<80x128xf32, #tpu.memory_space<vmem_shared>>
      tpu.wait_dma2 semaphore(%arg24 : memref<!tpu.dma_semaphore, #tpu.memory_space<semaphore_mem>>) src(%arg21 : memref<80x128xf32, #tpu.memory_space<vmem>>) dst(%dma_wait3A_248 : memref<80x128xf32, #tpu.memory_space<vmem_shared>>)
    }
    %barrier3A = arith.constant 0 : index
    tpu.barrier barrier_id(%barrier3A)
    %jit3A_57 = arith.constant 16 : i32
    %div3A_58 = arith.divsi %min3A_6, %jit3A_57 : i32
    %sign3A_59 = arith.constant 0 : i32
    %sign3A_60 = arith.cmpi sgt, %min3A_6, %sign3A_59 : i32
    %sign3A_61 = arith.extui %sign3A_60 : i1 to i32
    %sign3A_62 = arith.constant 0 : i32
    %sign3A_63 = arith.cmpi slt, %min3A_6, %sign3A_62 : i32
    %sign3A_64 = arith.extui %sign3A_63 : i1 to i32
    %sign3A_65 = arith.subi %sign3A_61, %sign3A_64 : i32
    %sign3A_66 = arith.constant 0 : i32
    %sign3A_67 = arith.cmpi sgt, %jit3A_57, %sign3A_66 : i32
    %sign3A_68 = arith.extui %sign3A_67 : i1 to i32
    %sign3A_69 = arith.constant 0 : i32
    %sign3A_70 = arith.cmpi slt, %jit3A_57, %sign3A_69 : i32
    %sign3A_71 = arith.extui %sign3A_70 : i1 to i32
    %sign3A_72 = arith.subi %sign3A_68, %sign3A_71 : i32
    %ne3A_73 = arith.cmpi ne, %sign3A_65, %sign3A_72 : i32
    %rem3A_74 = arith.remsi %min3A_6, %jit3A_57 : i32
    %ne3A_75 = arith.constant 0 : i32
    %ne3A_76 = arith.cmpi ne, %rem3A_74, %ne3A_75 : i32
    %and3A_77 = arith.andi %ne3A_73, %ne3A_76 : i1
    %sub3A_78 = arith.constant 1 : i32
    %sub3A_79 = arith.subi %div3A_58, %sub3A_78 : i32
    %select_n3A_80 = arith.select %and3A_77, %sub3A_79, %div3A_58 : i32
    %add3A_81 = arith.constant 0 : i32
    %add3A_82 = arith.addi %mul3A_2, %add3A_81 : i32
    %dma_start3A = arith.constant 0 : i32
    %dma_start3A_83 = arith.constant 0 : i32
    %dma_start3A_84 = arith.constant 0 : i32
    %dma_start3A_85 = tpu.memref_slice %arg9[%dma_start3A, %dma_start3A_83, %dma_start3A_84] : memref<2x16x16xi32, #tpu.memory_space<vmem>> -> memref<1x16x16xi32, #tpu.memory_space<vmem>>
    %dma_start3A_86 = tpu.memref_squeeze %dma_start3A_85 : memref<1x16x16xi32, #tpu.memory_space<vmem>> -> memref<16x16xi32, #tpu.memory_space<vmem>>
    %dma_start3A_87 = arith.constant 0 : i32
    %dma_start3A_88 = tpu.memref_slice %arg4[%add3A_82, %dma_start3A_87] : memref<20000x16xi32, #tpu.memory_space<hbm>> -> memref<16x16xi32, #tpu.memory_space<hbm>>
    %dma_start3A_89 = arith.constant 0 : i32
    %dma_start3A_90 = arith.constant 0 : i32
    %dma_start3A_91 = tpu.memref_slice %arg9[%dma_start3A, %dma_start3A_89, %dma_start3A_90] : memref<2x16x16xi32, #tpu.memory_space<vmem>> -> memref<1x16x16xi32, #tpu.memory_space<vmem>>
    %dma_start3A_92 = tpu.memref_squeeze %dma_start3A_91 : memref<1x16x16xi32, #tpu.memory_space<vmem>> -> memref<16x16xi32, #tpu.memory_space<vmem>>
    %dma_start3A_93 = arith.constant 0 : i32
    %dma_start3A_94 = tpu.memref_slice %arg4[%add3A_82, %dma_start3A_93] : memref<20000x16xi32, #tpu.memory_space<hbm>> -> memref<16x16xi32, #tpu.memory_space<hbm>>
    tpu.enqueue_dma source(%dma_start3A_94 : memref<16x16xi32, #tpu.memory_space<hbm>>) target(%dma_start3A_92 : memref<16x16xi32, #tpu.memory_space<vmem>>) target_semaphore(%arg24 : memref<!tpu.dma_semaphore, #tpu.memory_space<semaphore_mem>>)
    %add3A_95 = arith.constant 0 : i32
    %add3A_96 = arith.addi %mul3A_2, %add3A_95 : i32
    %dma_start3A_97 = arith.constant 0 : i32
    %dma_start3A_98 = arith.constant 0 : i32
    %dma_start3A_99 = arith.constant 0 : i32
    %dma_start3A_100 = tpu.memref_slice %arg10[%dma_start3A_97, %dma_start3A_98, %dma_start3A_99] : memref<2x16x16xi32, #tpu.memory_space<vmem>> -> memref<1x16x16xi32, #tpu.memory_space<vmem>>
    %dma_start3A_101 = tpu.memref_squeeze %dma_start3A_100 : memref<1x16x16xi32, #tpu.memory_space<vmem>> -> memref<16x16xi32, #tpu.memory_space<vmem>>
    %dma_start3A_102 = arith.constant 0 : i32
    %dma_start3A_103 = tpu.memref_slice %arg5[%add3A_96, %dma_start3A_102] : memref<20000x16xi32, #tpu.memory_space<hbm>> -> memref<16x16xi32, #tpu.memory_space<hbm>>
    %dma_start3A_104 = arith.constant 0 : i32
    %dma_start3A_105 = arith.constant 0 : i32
    %dma_start3A_106 = tpu.memref_slice %arg10[%dma_start3A_97, %dma_start3A_104, %dma_start3A_105] : memref<2x16x16xi32, #tpu.memory_space<vmem>> -> memref<1x16x16xi32, #tpu.memory_space<vmem>>
    %dma_start3A_107 = tpu.memref_squeeze %dma_start3A_106 : memref<1x16x16xi32, #tpu.memory_space<vmem>> -> memref<16x16xi32, #tpu.memory_space<vmem>>
    %dma_start3A_108 = arith.constant 0 : i32
    %dma_start3A_109 = tpu.memref_slice %arg5[%add3A_96, %dma_start3A_108] : memref<20000x16xi32, #tpu.memory_space<hbm>> -> memref<16x16xi32, #tpu.memory_space<hbm>>
    tpu.enqueue_dma source(%dma_start3A_109 : memref<16x16xi32, #tpu.memory_space<hbm>>) target(%dma_start3A_107 : memref<16x16xi32, #tpu.memory_space<vmem>>) target_semaphore(%arg24 : memref<!tpu.dma_semaphore, #tpu.memory_space<semaphore_mem>>)
    %add3A_110 = arith.constant 0 : i32
    %add3A_111 = arith.addi %mul3A_2, %add3A_110 : i32
    %dma_wait3A = arith.constant 0 : i32
    %dma_wait3A_112 = arith.constant 0 : i32
    %dma_wait3A_113 = arith.constant 0 : i32
    %dma_wait3A_114 = tpu.memref_slice %arg9[%dma_wait3A, %dma_wait3A_112, %dma_wait3A_113] : memref<2x16x16xi32, #tpu.memory_space<vmem>> -> memref<1x16x16xi32, #tpu.memory_space<vmem>>
    %dma_wait3A_115 = tpu.memref_squeeze %dma_wait3A_114 : memref<1x16x16xi32, #tpu.memory_space<vmem>> -> memref<16x16xi32, #tpu.memory_space<vmem>>
    %dma_wait3A_116 = arith.constant 0 : i32
    %dma_wait3A_117 = tpu.memref_slice %arg4[%add3A_111, %dma_wait3A_116] : memref<20000x16xi32, #tpu.memory_space<hbm>> -> memref<16x16xi32, #tpu.memory_space<hbm>>
    %dma_wait3A_118 = arith.constant 0 : i32
    %dma_wait3A_119 = arith.constant 0 : i32
    %dma_wait3A_120 = tpu.memref_slice %arg9[%dma_wait3A, %dma_wait3A_118, %dma_wait3A_119] : memref<2x16x16xi32, #tpu.memory_space<vmem>> -> memref<1x16x16xi32, #tpu.memory_space<vmem>>
    %dma_wait3A_121 = tpu.memref_squeeze %dma_wait3A_120 : memref<1x16x16xi32, #tpu.memory_space<vmem>> -> memref<16x16xi32, #tpu.memory_space<vmem>>
    %dma_wait3A_122 = arith.constant 0 : i32
    %dma_wait3A_123 = tpu.memref_slice %arg4[%add3A_111, %dma_wait3A_122] : memref<20000x16xi32, #tpu.memory_space<hbm>> -> memref<16x16xi32, #tpu.memory_space<hbm>>
    tpu.wait_dma2 semaphore(%arg24 : memref<!tpu.dma_semaphore, #tpu.memory_space<semaphore_mem>>) src(%dma_wait3A_123 : memref<16x16xi32, #tpu.memory_space<hbm>>) dst(%dma_wait3A_121 : memref<16x16xi32, #tpu.memory_space<vmem>>)
    %add3A_124 = arith.constant 0 : i32
    %add3A_125 = arith.addi %mul3A_2, %add3A_124 : i32
    %dma_wait3A_126 = arith.constant 0 : i32
    %dma_wait3A_127 = arith.constant 0 : i32
    %dma_wait3A_128 = arith.constant 0 : i32
    %dma_wait3A_129 = tpu.memref_slice %arg10[%dma_wait3A_126, %dma_wait3A_127, %dma_wait3A_128] : memref<2x16x16xi32, #tpu.memory_space<vmem>> -> memref<1x16x16xi32, #tpu.memory_space<vmem>>
    %dma_wait3A_130 = tpu.memref_squeeze %dma_wait3A_129 : memref<1x16x16xi32, #tpu.memory_space<vmem>> -> memref<16x16xi32, #tpu.memory_space<vmem>>
    %dma_wait3A_131 = arith.constant 0 : i32
    %dma_wait3A_132 = tpu.memref_slice %arg5[%add3A_125, %dma_wait3A_131] : memref<20000x16xi32, #tpu.memory_space<hbm>> -> memref<16x16xi32, #tpu.memory_space<hbm>>
    %dma_wait3A_133 = arith.constant 0 : i32
    %dma_wait3A_134 = arith.constant 0 : i32
    %dma_wait3A_135 = tpu.memref_slice %arg10[%dma_wait3A_126, %dma_wait3A_133, %dma_wait3A_134] : memref<2x16x16xi32, #tpu.memory_space<vmem>> -> memref<1x16x16xi32, #tpu.memory_space<vmem>>
    %dma_wait3A_136 = tpu.memref_squeeze %dma_wait3A_135 : memref<1x16x16xi32, #tpu.memory_space<vmem>> -> memref<16x16xi32, #tpu.memory_space<vmem>>
    %dma_wait3A_137 = arith.constant 0 : i32
    %dma_wait3A_138 = tpu.memref_slice %arg5[%add3A_125, %dma_wait3A_137] : memref<20000x16xi32, #tpu.memory_space<hbm>> -> memref<16x16xi32, #tpu.memory_space<hbm>>
    tpu.wait_dma2 semaphore(%arg24 : memref<!tpu.dma_semaphore, #tpu.memory_space<semaphore_mem>>) src(%dma_wait3A_138 : memref<16x16xi32, #tpu.memory_space<hbm>>) dst(%dma_wait3A_136 : memref<16x16xi32, #tpu.memory_space<vmem>>)
    %dma_start3A_139 = arith.constant 0 : i32
    %dma_start3A_140 = arith.constant 0 : i32
    %dma_start3A_141 = arith.constant 0 : i32
    %dma_start3A_142 = tpu.memref_slice %arg9[%dma_start3A_139, %dma_start3A_140, %dma_start3A_141] : memref<2x16x16xi32, #tpu.memory_space<vmem>> -> memref<1x1x16xi32, #tpu.memory_space<vmem>>
    %dma_start3A_143 = tpu.memref_squeeze %dma_start3A_142 : memref<1x1x16xi32, #tpu.memory_space<vmem>> -> memref<16xi32, #tpu.memory_space<vmem>>
    %dma_start3A_144 = arith.constant 0 : i32
    %dma_start3A_145 = arith.constant 0 : i32
    %dma_start3A_146 = tpu.memref_slice %arg2[%dma_start3A_144, %dma_start3A_145] : memref<10000x128xf32, #tpu.memory_space<hbm>> -> memref<10000x128xf32, #tpu.memory_space<hbm>>
    tpu.enqueue_indirect_dma source(%dma_start3A_146 : memref<10000x128xf32, #tpu.memory_space<hbm>>) target(%arg12 : memref<16x128xf32, #tpu.memory_space<vmem>>) offsets(%dma_start3A_143 : memref<16xi32, #tpu.memory_space<vmem>>) semaphore(%arg25 : memref<!tpu.dma_semaphore, #tpu.memory_space<semaphore_mem>>)
    %dma_start3A_147 = arith.constant 0 : i32
    %dma_start3A_148 = arith.constant 1 : i32
    %dma_start3A_149 = arith.constant 0 : i32
    %dma_start3A_150 = tpu.memref_slice %arg9[%dma_start3A_147, %dma_start3A_148, %dma_start3A_149] : memref<2x16x16xi32, #tpu.memory_space<vmem>> -> memref<1x1x16xi32, #tpu.memory_space<vmem>>
    %dma_start3A_151 = tpu.memref_squeeze %dma_start3A_150 : memref<1x1x16xi32, #tpu.memory_space<vmem>> -> memref<16xi32, #tpu.memory_space<vmem>>
    %dma_start3A_152 = arith.constant 0 : i32
    %dma_start3A_153 = arith.constant 0 : i32
    %dma_start3A_154 = tpu.memref_slice %arg2[%dma_start3A_152, %dma_start3A_153] : memref<10000x128xf32, #tpu.memory_space<hbm>> -> memref<10000x128xf32, #tpu.memory_space<hbm>>
    tpu.enqueue_indirect_dma source(%dma_start3A_154 : memref<10000x128xf32, #tpu.memory_space<hbm>>) target(%arg13 : memref<16x128xf32, #tpu.memory_space<vmem>>) offsets(%dma_start3A_151 : memref<16xi32, #tpu.memory_space<vmem>>) semaphore(%arg26 : memref<!tpu.dma_semaphore, #tpu.memory_space<semaphore_mem>>)
    %dma_start3A_155 = arith.constant 0 : i32
    %dma_start3A_156 = arith.constant 2 : i32
    %dma_start3A_157 = arith.constant 0 : i32
    %dma_start3A_158 = tpu.memref_slice %arg9[%dma_start3A_155, %dma_start3A_156, %dma_start3A_157] : memref<2x16x16xi32, #tpu.memory_space<vmem>> -> memref<1x1x16xi32, #tpu.memory_space<vmem>>
    %dma_start3A_159 = tpu.memref_squeeze %dma_start3A_158 : memref<1x1x16xi32, #tpu.memory_space<vmem>> -> memref<16xi32, #tpu.memory_space<vmem>>
    %dma_start3A_160 = arith.constant 0 : i32
    %dma_start3A_161 = arith.constant 0 : i32
    %dma_start3A_162 = tpu.memref_slice %arg2[%dma_start3A_160, %dma_start3A_161] : memref<10000x128xf32, #tpu.memory_space<hbm>> -> memref<10000x128xf32, #tpu.memory_space<hbm>>
    tpu.enqueue_indirect_dma source(%dma_start3A_162 : memref<10000x128xf32, #tpu.memory_space<hbm>>) target(%arg14 : memref<16x128xf32, #tpu.memory_space<vmem>>) offsets(%dma_start3A_159 : memref<16xi32, #tpu.memory_space<vmem>>) semaphore(%arg27 : memref<!tpu.dma_semaphore, #tpu.memory_space<semaphore_mem>>)
    %dma_start3A_163 = arith.constant 0 : i32
    %dma_start3A_164 = arith.constant 3 : i32
    %dma_start3A_165 = arith.constant 0 : i32
    %dma_start3A_166 = tpu.memref_slice %arg9[%dma_start3A_163, %dma_start3A_164, %dma_start3A_165] : memref<2x16x16xi32, #tpu.memory_space<vmem>> -> memref<1x1x16xi32, #tpu.memory_space<vmem>>
    %dma_start3A_167 = tpu.memref_squeeze %dma_start3A_166 : memref<1x1x16xi32, #tpu.memory_space<vmem>> -> memref<16xi32, #tpu.memory_space<vmem>>
    %dma_start3A_168 = arith.constant 0 : i32
    %dma_start3A_169 = arith.constant 0 : i32
    %dma_start3A_170 = tpu.memref_slice %arg2[%dma_start3A_168, %dma_start3A_169] : memref<10000x128xf32, #tpu.memory_space<hbm>> -> memref<10000x128xf32, #tpu.memory_space<hbm>>
    tpu.enqueue_indirect_dma source(%dma_start3A_170 : memref<10000x128xf32, #tpu.memory_space<hbm>>) target(%arg15 : memref<16x128xf32, #tpu.memory_space<vmem>>) offsets(%dma_start3A_167 : memref<16xi32, #tpu.memory_space<vmem>>) semaphore(%arg28 : memref<!tpu.dma_semaphore, #tpu.memory_space<semaphore_mem>>)
    %dma_start3A_171 = arith.constant 0 : i32
    %dma_start3A_172 = arith.constant 4 : i32
    %dma_start3A_173 = arith.constant 0 : i32
    %dma_start3A_174 = tpu.memref_slice %arg9[%dma_start3A_171, %dma_start3A_172, %dma_start3A_173] : memref<2x16x16xi32, #tpu.memory_space<vmem>> -> memref<1x1x16xi32, #tpu.memory_space<vmem>>
    %dma_start3A_175 = tpu.memref_squeeze %dma_start3A_174 : memref<1x1x16xi32, #tpu.memory_space<vmem>> -> memref<16xi32, #tpu.memory_space<vmem>>
    %dma_start3A_176 = arith.constant 0 : i32
    %dma_start3A_177 = arith.constant 0 : i32
    %dma_start3A_178 = tpu.memref_slice %arg2[%dma_start3A_176, %dma_start3A_177] : memref<10000x128xf32, #tpu.memory_space<hbm>> -> memref<10000x128xf32, #tpu.memory_space<hbm>>
    tpu.enqueue_indirect_dma source(%dma_start3A_178 : memref<10000x128xf32, #tpu.memory_space<hbm>>) target(%arg16 : memref<16x128xf32, #tpu.memory_space<vmem>>) offsets(%dma_start3A_175 : memref<16xi32, #tpu.memory_space<vmem>>) semaphore(%arg29 : memref<!tpu.dma_semaphore, #tpu.memory_space<semaphore_mem>>)
    %dma_start3A_179 = arith.constant 0 : i32
    %dma_start3A_180 = arith.constant 5 : i32
    %dma_start3A_181 = arith.constant 0 : i32
    %dma_start3A_182 = tpu.memref_slice %arg9[%dma_start3A_179, %dma_start3A_180, %dma_start3A_181] : memref<2x16x16xi32, #tpu.memory_space<vmem>> -> memref<1x1x16xi32, #tpu.memory_space<vmem>>
    %dma_start3A_183 = tpu.memref_squeeze %dma_start3A_182 : memref<1x1x16xi32, #tpu.memory_space<vmem>> -> memref<16xi32, #tpu.memory_space<vmem>>
    %dma_start3A_184 = arith.constant 0 : i32
    %dma_start3A_185 = arith.constant 0 : i32
    %dma_start3A_186 = tpu.memref_slice %arg2[%dma_start3A_184, %dma_start3A_185] : memref<10000x128xf32, #tpu.memory_space<hbm>> -> memref<10000x128xf32, #tpu.memory_space<hbm>>
    tpu.enqueue_indirect_dma source(%dma_start3A_186 : memref<10000x128xf32, #tpu.memory_space<hbm>>) target(%arg17 : memref<16x128xf32, #tpu.memory_space<vmem>>) offsets(%dma_start3A_183 : memref<16xi32, #tpu.memory_space<vmem>>) semaphore(%arg30 : memref<!tpu.dma_semaphore, #tpu.memory_space<semaphore_mem>>)
    %dma_start3A_187 = arith.constant 0 : i32
    %dma_start3A_188 = arith.constant 6 : i32
    %dma_start3A_189 = arith.constant 0 : i32
    %dma_start3A_190 = tpu.memref_slice %arg9[%dma_start3A_187, %dma_start3A_188, %dma_start3A_189] : memref<2x16x16xi32, #tpu.memory_space<vmem>> -> memref<1x1x16xi32, #tpu.memory_space<vmem>>
    %dma_start3A_191 = tpu.memref_squeeze %dma_start3A_190 : memref<1x1x16xi32, #tpu.memory_space<vmem>> -> memref<16xi32, #tpu.memory_space<vmem>>
    %dma_start3A_192 = arith.constant 0 : i32
    %dma_start3A_193 = arith.constant 0 : i32
    %dma_start3A_194 = tpu.memref_slice %arg2[%dma_start3A_192, %dma_start3A_193] : memref<10000x128xf32, #tpu.memory_space<hbm>> -> memref<10000x128xf32, #tpu.memory_space<hbm>>
    tpu.enqueue_indirect_dma source(%dma_start3A_194 : memref<10000x128xf32, #tpu.memory_space<hbm>>) target(%arg18 : memref<16x128xf32, #tpu.memory_space<vmem>>) offsets(%dma_start3A_191 : memref<16xi32, #tpu.memory_space<vmem>>) semaphore(%arg31 : memref<!tpu.dma_semaphore, #tpu.memory_space<semaphore_mem>>)
    %while3A_195 = arith.constant 0 : i32
    %while3A_196 = arith.constant 0 : i32
    %while3A_197 = arith.subi %select_n3A_80, %while3A_196 : i32
    %while3A_198 = arith.addi %while3A_196, %while3A_197 : i32
    %while3A_199 = arith.constant 1 : i32
    %while3A_200 = arith.divsi %while3A_197, %while3A_199 : i32
    %while3A_201 = arith.muli %while3A_200, %while3A_199 : i32
    %while3A_202 = arith.addi %while3A_196, %while3A_201 : i32
    %while3A_203 = arith.constant 1 : i32
    scf.for %while3A_239 = %while3A_196 to %while3A_202 step %while3A_203  : i32 {
      %jit3A_240 = arith.constant 2 : i32
      %eq3A_241 = arith.constant 0 : i32
      %eq3A_242 = arith.cmpi eq, %jit3A_240, %eq3A_241 : i32
      %jit3A_243 = arith.constant 1 : i32
      %select_n3A_244 = arith.select %eq3A_242, %jit3A_243, %jit3A_240 : i32
      %rem3A_245 = arith.remsi %while3A_239, %select_n3A_244 : i32
      %ne3A_246 = arith.constant 0 : i32
      %ne3A_247 = arith.cmpi ne, %rem3A_245, %ne3A_246 : i32
      %lt3A = arith.constant 0 : i32
      %lt3A_248 = arith.cmpi slt, %rem3A_245, %lt3A : i32
      %lt3A_249 = arith.constant 0 : i32
      %lt3A_250 = arith.cmpi slt, %select_n3A_244, %lt3A_249 : i32
      %ne3A_251 = arith.xori %lt3A_248, %lt3A_250 : i1
      %and3A_252 = arith.andi %ne3A_251, %ne3A_247 : i1
      %add3A_253 = arith.addi %rem3A_245, %select_n3A_244 : i32
      %select_n3A_254 = arith.select %and3A_252, %add3A_253, %rem3A_245 : i32
      %mul3A_255 = arith.constant 16 : i32
      %mul3A_256 = arith.muli %while3A_239, %mul3A_255 : i32
      %add3A_257 = arith.constant 0 : i32
      %add3A_258 = arith.addi %mul3A_256, %add3A_257 : i32
      %get3A = arith.constant 0 : i32
      %get3A_259 = arith.index_cast %select_n3A_254 : i32 to index
      %get3A_260 = arith.index_cast %get3A : i32 to index
      %get3A_261 = arith.constant 0 : index
      %get3A_262 = tpu.vector_load %arg9[%get3A_259, %get3A_260, %get3A_261] {strides = array<i32>} : memref<2x16x16xi32, #tpu.memory_space<vmem>>, vector<16xi32>,
      %get3A_263 = arith.constant 0 : i32
      %get3A_264 = arith.index_cast %select_n3A_254 : i32 to index
      %get3A_265 = arith.index_cast %get3A_263 : i32 to index
      %get3A_266 = arith.constant 0 : index
      %get3A_267 = tpu.vector_load %arg10[%get3A_264, %get3A_265, %get3A_266] {strides = array<i32>} : memref<2x16x16xi32, #tpu.memory_space<vmem>>, vector<16xi32>,
      %shift_right_logical3A = arith.constant 7 : i32
      %shift_right_logical3A_268 = vector.broadcast %shift_right_logical3A : i32 to vector<16xi32>
      %shift_right_logical3A_269 = arith.shrui %get3A_262, %shift_right_logical3A_268 : vector<16xi32>
      %and3A_270 = arith.constant 127 : i32
      %and3A_271 = vector.broadcast %and3A_270 : i32 to vector<16xi32>
      %and3A_272 = arith.andi %get3A_262, %and3A_271 : vector<16xi32>
      %gather3A = tpu.vector_load_idx %arg20[%shift_right_logical3A_269, %and3A_272] : memref<80x128xf32, #tpu.memory_space<vmem>>[vector<16xi32>, vector<16xi32>], vector<16xf32>,
      %shift_right_logical3A_273 = arith.constant 7 : i32
      %shift_right_logical3A_274 = vector.broadcast %shift_right_logical3A_273 : i32 to vector<16xi32>
      %shift_right_logical3A_275 = arith.shrui %get3A_267, %shift_right_logical3A_274 : vector<16xi32>
      %and3A_276 = arith.constant 127 : i32
      %and3A_277 = vector.broadcast %and3A_276 : i32 to vector<16xi32>
      %and3A_278 = arith.andi %get3A_267, %and3A_277 : vector<16xi32>
      tpu.vector_store_idx %arg21[%shift_right_logical3A_275, %and3A_278], %gather3A {add = true} : memref<80x128xf32, #tpu.memory_space<vmem>>[vector<16xi32>, vector<16xi32>], vector<16xf32>,
      %dma_wait3A_279 = arith.constant 0 : i32
      %dma_wait3A_280 = arith.constant 0 : i32
      %dma_wait3A_281 = tpu.memref_slice %arg9[%select_n3A_254, %dma_wait3A_279, %dma_wait3A_280] : memref<2x16x16xi32, #tpu.memory_space<vmem>> -> memref<1x1x16xi32, #tpu.memory_space<vmem>>
      %dma_wait3A_282 = tpu.memref_squeeze %dma_wait3A_281 : memref<1x1x16xi32, #tpu.memory_space<vmem>> -> memref<16xi32, #tpu.memory_space<vmem>>
      %dma_wait3A_283 = arith.constant 0 : i32
      %dma_wait3A_284 = arith.constant 0 : i32
      %dma_wait3A_285 = tpu.memref_slice %arg2[%dma_wait3A_283, %dma_wait3A_284] : memref<10000x128xf32, #tpu.memory_space<hbm>> -> memref<10000x128xf32, #tpu.memory_space<hbm>>
      tpu.wait_indirect_dma semaphore(%arg25 : memref<!tpu.dma_semaphore, #tpu.memory_space<semaphore_mem>>) src(%dma_wait3A_285 : memref<10000x128xf32, #tpu.memory_space<hbm>>) dst(%arg12 : memref<16x128xf32, #tpu.memory_space<vmem>>)
      %ge3A = arith.constant 1 : i32
      %ge3A_286 = arith.cmpi sge, %add3A_258, %ge3A : i32
      %convert_element_type3A_287 = arith.extui %ge3A_286 : i1 to i32
      %cond3A_288 = arith.constant 0 : i32
      %cond3A_289 = arith.cmpi ne, %convert_element_type3A_287, %cond3A_288 : i32
      scf.if %cond3A_289 {
        %dma_wait3A_1095 = arith.constant 0 : i32
        %dma_wait3A_1096 = arith.constant 0 : i32
        %dma_wait3A_1097 = tpu.memref_slice %arg10[%select_n3A_254, %dma_wait3A_1095, %dma_wait3A_1096] : memref<2x16x16xi32, #tpu.memory_space<vmem>> -> memref<1x1x16xi32, #tpu.memory_space<vmem>>
        %dma_wait3A_1098 = tpu.memref_squeeze %dma_wait3A_1097 : memref<1x1x16xi32, #tpu.memory_space<vmem>> -> memref<16xi32, #tpu.memory_space<vmem>>
        %dma_wait3A_1099 = arith.constant 0 : i32
        %dma_wait3A_1100 = arith.constant 0 : i32
        %dma_wait3A_1101 = tpu.memref_slice %arg22[%dma_wait3A_1099, %dma_wait3A_1100] : memref<10000x128xf32, #tpu.memory_space<vmem_shared>> -> memref<10000x128xf32, #tpu.memory_space<vmem_shared>>
        tpu.wait_indirect_dma semaphore(%arg40 : memref<!tpu.dma_semaphore, #tpu.memory_space<semaphore_mem>>) src(%arg19 : memref<16x128xf32, #tpu.memory_space<vmem>>) dst(%dma_wait3A_1101 : memref<10000x128xf32, #tpu.memory_space<vmem_shared>>)
      } else {
      }
      %add3A_290 = arith.constant 7 : i32
      %add3A_291 = arith.addi %add3A_258, %add3A_290 : i32
      %lt3A_292 = arith.cmpi slt, %add3A_291, %min3A_6 : i32
      %convert_element_type3A_293 = arith.extui %lt3A_292 : i1 to i32
      %cond3A_294 = arith.constant 0 : i32
      %cond3A_295 = arith.cmpi ne, %convert_element_type3A_293, %cond3A_294 : i32
      scf.if %cond3A_295 {
        %dma_start3A_1095 = arith.constant 7 : i32
        %dma_start3A_1096 = arith.constant 0 : i32
        %dma_start3A_1097 = tpu.memref_slice %arg9[%select_n3A_254, %dma_start3A_1095, %dma_start3A_1096] : memref<2x16x16xi32, #tpu.memory_space<vmem>> -> memref<1x1x16xi32, #tpu.memory_space<vmem>>
        %dma_start3A_1098 = tpu.memref_squeeze %dma_start3A_1097 : memref<1x1x16xi32, #tpu.memory_space<vmem>> -> memref<16xi32, #tpu.memory_space<vmem>>
        %dma_start3A_1099 = arith.constant 0 : i32
        %dma_start3A_1100 = arith.constant 0 : i32
        %dma_start3A_1101 = tpu.memref_slice %arg2[%dma_start3A_1099, %dma_start3A_1100] : memref<10000x128xf32, #tpu.memory_space<hbm>> -> memref<10000x128xf32, #tpu.memory_space<hbm>>
        tpu.enqueue_indirect_dma source(%dma_start3A_1101 : memref<10000x128xf32, #tpu.memory_space<hbm>>) target(%arg19 : memref<16x128xf32, #tpu.memory_space<vmem>>) offsets(%dma_start3A_1098 : memref<16xi32, #tpu.memory_space<vmem>>) semaphore(%arg32 : memref<!tpu.dma_semaphore, #tpu.memory_space<semaphore_mem>>)
      } else {
      }
      %dma_start3A_296 = arith.constant 0 : i32
      %dma_start3A_297 = arith.constant 0 : i32
      %dma_start3A_298 = tpu.memref_slice %arg10[%select_n3A_254, %dma_start3A_296, %dma_start3A_297] : memref<2x16x16xi32, #tpu.memory_space<vmem>> -> memref<1x1x16xi32, #tpu.memory_space<vmem>>
      %dma_start3A_299 = tpu.memref_squeeze %dma_start3A_298 : memref<1x1x16xi32, #tpu.memory_space<vmem>> -> memref<16xi32, #tpu.memory_space<vmem>>
      %dma_start3A_300 = arith.constant 0 : i32
      %dma_start3A_301 = arith.constant 0 : i32
      %dma_start3A_302 = tpu.memref_slice %arg22[%dma_start3A_300, %dma_start3A_301] : memref<10000x128xf32, #tpu.memory_space<vmem_shared>> -> memref<10000x128xf32, #tpu.memory_space<vmem_shared>>
      tpu.enqueue_indirect_dma source(%arg12 : memref<16x128xf32, #tpu.memory_space<vmem>>) target(%dma_start3A_302 : memref<10000x128xf32, #tpu.memory_space<vmem_shared>>) offsets(%dma_start3A_299 : memref<16xi32, #tpu.memory_space<vmem>>) semaphore(%arg33 : memref<!tpu.dma_semaphore, #tpu.memory_space<semaphore_mem>>) {add = true}
      %mul3A_303 = arith.constant 16 : i32
      %mul3A_304 = arith.muli %while3A_239, %mul3A_303 : i32
      %add3A_305 = arith.constant 1 : i32
      %add3A_306 = arith.addi %mul3A_304, %add3A_305 : i32
      %get3A_307 = arith.constant 1 : i32
      %get3A_308 = arith.index_cast %select_n3A_254 : i32 to index
      %get3A_309 = arith.index_cast %get3A_307 : i32 to index
      %get3A_310 = arith.constant 0 : index
      %get3A_311 = tpu.vector_load %arg9[%get3A_308, %get3A_309, %get3A_310] {strides = array<i32>} : memref<2x16x16xi32, #tpu.memory_space<vmem>>, vector<16xi32>,
      %get3A_312 = arith.constant 1 : i32
      %get3A_313 = arith.index_cast %select_n3A_254 : i32 to index
      %get3A_314 = arith.index_cast %get3A_312 : i32 to index
      %get3A_315 = arith.constant 0 : index
      %get3A_316 = tpu.vector_load %arg10[%get3A_313, %get3A_314, %get3A_315] {strides = array<i32>} : memref<2x16x16xi32, #tpu.memory_space<vmem>>, vector<16xi32>,
      %shift_right_logical3A_317 = arith.constant 7 : i32
      %shift_right_logical3A_318 = vector.broadcast %shift_right_logical3A_317 : i32 to vector<16xi32>
      %shift_right_logical3A_319 = arith.shrui %get3A_311, %shift_right_logical3A_318 : vector<16xi32>
      %and3A_320 = arith.constant 127 : i32
      %and3A_321 = vector.broadcast %and3A_320 : i32 to vector<16xi32>
      %and3A_322 = arith.andi %get3A_311, %and3A_321 : vector<16xi32>
      %gather3A_323 = tpu.vector_load_idx %arg20[%shift_right_logical3A_319, %and3A_322] : memref<80x128xf32, #tpu.memory_space<vmem>>[vector<16xi32>, vector<16xi32>], vector<16xf32>,
      %shift_right_logical3A_324 = arith.constant 7 : i32
      %shift_right_logical3A_325 = vector.broadcast %shift_right_logical3A_324 : i32 to vector<16xi32>
      %shift_right_logical3A_326 = arith.shrui %get3A_316, %shift_right_logical3A_325 : vector<16xi32>
      %and3A_327 = arith.constant 127 : i32
      %and3A_328 = vector.broadcast %and3A_327 : i32 to vector<16xi32>
      %and3A_329 = arith.andi %get3A_316, %and3A_328 : vector<16xi32>
      tpu.vector_store_idx %arg21[%shift_right_logical3A_326, %and3A_329], %gather3A_323 {add = true} : memref<80x128xf32, #tpu.memory_space<vmem>>[vector<16xi32>, vector<16xi32>], vector<16xf32>,
      %dma_wait3A_330 = arith.constant 1 : i32
      %dma_wait3A_331 = arith.constant 0 : i32
      %dma_wait3A_332 = tpu.memref_slice %arg9[%select_n3A_254, %dma_wait3A_330, %dma_wait3A_331] : memref<2x16x16xi32, #tpu.memory_space<vmem>> -> memref<1x1x16xi32, #tpu.memory_space<vmem>>
      %dma_wait3A_333 = tpu.memref_squeeze %dma_wait3A_332 : memref<1x1x16xi32, #tpu.memory_space<vmem>> -> memref<16xi32, #tpu.memory_space<vmem>>
      %dma_wait3A_334 = arith.constant 0 : i32
      %dma_wait3A_335 = arith.constant 0 : i32
      %dma_wait3A_336 = tpu.memref_slice %arg2[%dma_wait3A_334, %dma_wait3A_335] : memref<10000x128xf32, #tpu.memory_space<hbm>> -> memref<10000x128xf32, #tpu.memory_space<hbm>>
      tpu.wait_indirect_dma semaphore(%arg26 : memref<!tpu.dma_semaphore, #tpu.memory_space<semaphore_mem>>) src(%dma_wait3A_336 : memref<10000x128xf32, #tpu.memory_space<hbm>>) dst(%arg13 : memref<16x128xf32, #tpu.memory_space<vmem>>)
      %ge3A_337 = arith.constant 1 : i32
      %ge3A_338 = arith.cmpi sge, %add3A_306, %ge3A_337 : i32
      %convert_element_type3A_339 = arith.extui %ge3A_338 : i1 to i32
      %cond3A_340 = arith.constant 0 : i32
      %cond3A_341 = arith.cmpi ne, %convert_element_type3A_339, %cond3A_340 : i32
      scf.if %cond3A_341 {
        %dma_wait3A_1095 = arith.constant 1 : i32
        %dma_wait3A_1096 = arith.constant 0 : i32
        %dma_wait3A_1097 = tpu.memref_slice %arg10[%select_n3A_254, %dma_wait3A_1095, %dma_wait3A_1096] : memref<2x16x16xi32, #tpu.memory_space<vmem>> -> memref<1x1x16xi32, #tpu.memory_space<vmem>>
        %dma_wait3A_1098 = tpu.memref_squeeze %dma_wait3A_1097 : memref<1x1x16xi32, #tpu.memory_space<vmem>> -> memref<16xi32, #tpu.memory_space<vmem>>
        %dma_wait3A_1099 = arith.constant 0 : i32
        %dma_wait3A_1100 = arith.constant 0 : i32
        %dma_wait3A_1101 = tpu.memref_slice %arg22[%dma_wait3A_1099, %dma_wait3A_1100] : memref<10000x128xf32, #tpu.memory_space<vmem_shared>> -> memref<10000x128xf32, #tpu.memory_space<vmem_shared>>
        tpu.wait_indirect_dma semaphore(%arg33 : memref<!tpu.dma_semaphore, #tpu.memory_space<semaphore_mem>>) src(%arg12 : memref<16x128xf32, #tpu.memory_space<vmem>>) dst(%dma_wait3A_1101 : memref<10000x128xf32, #tpu.memory_space<vmem_shared>>)
      } else {
      }
      %add3A_342 = arith.constant 7 : i32
      %add3A_343 = arith.addi %add3A_306, %add3A_342 : i32
      %lt3A_344 = arith.cmpi slt, %add3A_343, %min3A_6 : i32
      %convert_element_type3A_345 = arith.extui %lt3A_344 : i1 to i32
      %cond3A_346 = arith.constant 0 : i32
      %cond3A_347 = arith.cmpi ne, %convert_element_type3A_345, %cond3A_346 : i32
      scf.if %cond3A_347 {
        %dma_start3A_1095 = arith.constant 8 : i32
        %dma_start3A_1096 = arith.constant 0 : i32
        %dma_start3A_1097 = tpu.memref_slice %arg9[%select_n3A_254, %dma_start3A_1095, %dma_start3A_1096] : memref<2x16x16xi32, #tpu.memory_space<vmem>> -> memref<1x1x16xi32, #tpu.memory_space<vmem>>
        %dma_start3A_1098 = tpu.memref_squeeze %dma_start3A_1097 : memref<1x1x16xi32, #tpu.memory_space<vmem>> -> memref<16xi32, #tpu.memory_space<vmem>>
        %dma_start3A_1099 = arith.constant 0 : i32
        %dma_start3A_1100 = arith.constant 0 : i32
        %dma_start3A_1101 = tpu.memref_slice %arg2[%dma_start3A_1099, %dma_start3A_1100] : memref<10000x128xf32, #tpu.memory_space<hbm>> -> memref<10000x128xf32, #tpu.memory_space<hbm>>
        tpu.enqueue_indirect_dma source(%dma_start3A_1101 : memref<10000x128xf32, #tpu.memory_space<hbm>>) target(%arg12 : memref<16x128xf32, #tpu.memory_space<vmem>>) offsets(%dma_start3A_1098 : memref<16xi32, #tpu.memory_space<vmem>>) semaphore(%arg25 : memref<!tpu.dma_semaphore, #tpu.memory_space<semaphore_mem>>)
      } else {
      }
      %dma_start3A_348 = arith.constant 1 : i32
      %dma_start3A_349 = arith.constant 0 : i32
      %dma_start3A_350 = tpu.memref_slice %arg10[%select_n3A_254, %dma_start3A_348, %dma_start3A_349] : memref<2x16x16xi32, #tpu.memory_space<vmem>> -> memref<1x1x16xi32, #tpu.memory_space<vmem>>
      %dma_start3A_351 = tpu.memref_squeeze %dma_start3A_350 : memref<1x1x16xi32, #tpu.memory_space<vmem>> -> memref<16xi32, #tpu.memory_space<vmem>>
      %dma_start3A_352 = arith.constant 0 : i32
      %dma_start3A_353 = arith.constant 0 : i32
      %dma_start3A_354 = tpu.memref_slice %arg22[%dma_start3A_352, %dma_start3A_353] : memref<10000x128xf32, #tpu.memory_space<vmem_shared>> -> memref<10000x128xf32, #tpu.memory_space<vmem_shared>>
      tpu.enqueue_indirect_dma source(%arg13 : memref<16x128xf32, #tpu.memory_space<vmem>>) target(%dma_start3A_354 : memref<10000x128xf32, #tpu.memory_space<vmem_shared>>) offsets(%dma_start3A_351 : memref<16xi32, #tpu.memory_space<vmem>>) semaphore(%arg34 : memref<!tpu.dma_semaphore, #tpu.memory_space<semaphore_mem>>) {add = true}
      %mul3A_355 = arith.constant 16 : i32
      %mul3A_356 = arith.muli %while3A_239, %mul3A_355 : i32
      %add3A_357 = arith.constant 2 : i32
      %add3A_358 = arith.addi %mul3A_356, %add3A_357 : i32
      %add3A_359 = arith.constant 1 : i32
      %add3A_360 = arith.addi %while3A_239, %add3A_359 : i32
      %lt3A_361 = arith.cmpi slt, %add3A_360, %select_n3A_80 : i32
      %convert_element_type3A_362 = arith.extui %lt3A_361 : i1 to i32
      %cond3A_363 = arith.constant 0 : i32
      %cond3A_364 = arith.cmpi ne, %convert_element_type3A_362, %cond3A_363 : i32
      scf.if %cond3A_364 {
        %add3A_1095 = arith.constant 1 : i32
        %add3A_1096 = arith.addi %while3A_239, %add3A_1095 : i32
        %sub3A_1097 = arith.constant 1 : i32
        %sub3A_1098 = arith.subi %sub3A_1097, %select_n3A_254 : i32
        %mul3A_1099 = arith.constant 16 : i32
        %mul3A_1100 = arith.muli %add3A_1096, %mul3A_1099 : i32
        %add3A_1101 = arith.addi %mul3A_2, %mul3A_1100 : i32
        %dma_start3A_1102 = arith.constant 0 : i32
        %dma_start3A_1103 = arith.constant 0 : i32
        %dma_start3A_1104 = tpu.memref_slice %arg9[%sub3A_1098, %dma_start3A_1102, %dma_start3A_1103] : memref<2x16x16xi32, #tpu.memory_space<vmem>> -> memref<1x16x16xi32, #tpu.memory_space<vmem>>
        %dma_start3A_1105 = tpu.memref_squeeze %dma_start3A_1104 : memref<1x16x16xi32, #tpu.memory_space<vmem>> -> memref<16x16xi32, #tpu.memory_space<vmem>>
        %dma_start3A_1106 = arith.constant 0 : i32
        %dma_start3A_1107 = tpu.memref_slice %arg4[%add3A_1101, %dma_start3A_1106] : memref<20000x16xi32, #tpu.memory_space<hbm>> -> memref<16x16xi32, #tpu.memory_space<hbm>>
        %dma_start3A_1108 = arith.constant 0 : i32
        %dma_start3A_1109 = arith.constant 0 : i32
        %dma_start3A_1110 = tpu.memref_slice %arg9[%sub3A_1098, %dma_start3A_1108, %dma_start3A_1109] : memref<2x16x16xi32, #tpu.memory_space<vmem>> -> memref<1x16x16xi32, #tpu.memory_space<vmem>>
        %dma_start3A_1111 = tpu.memref_squeeze %dma_start3A_1110 : memref<1x16x16xi32, #tpu.memory_space<vmem>> -> memref<16x16xi32, #tpu.memory_space<vmem>>
        %dma_start3A_1112 = arith.constant 0 : i32
        %dma_start3A_1113 = tpu.memref_slice %arg4[%add3A_1101, %dma_start3A_1112] : memref<20000x16xi32, #tpu.memory_space<hbm>> -> memref<16x16xi32, #tpu.memory_space<hbm>>
        tpu.enqueue_dma source(%dma_start3A_1113 : memref<16x16xi32, #tpu.memory_space<hbm>>) target(%dma_start3A_1111 : memref<16x16xi32, #tpu.memory_space<vmem>>) target_semaphore(%arg24 : memref<!tpu.dma_semaphore, #tpu.memory_space<semaphore_mem>>)
        %add3A_1114 = arith.addi %mul3A_2, %mul3A_1100 : i32
        %dma_start3A_1115 = arith.constant 0 : i32
        %dma_start3A_1116 = arith.constant 0 : i32
        %dma_start3A_1117 = tpu.memref_slice %arg10[%sub3A_1098, %dma_start3A_1115, %dma_start3A_1116] : memref<2x16x16xi32, #tpu.memory_space<vmem>> -> memref<1x16x16xi32, #tpu.memory_space<vmem>>
        %dma_start3A_1118 = tpu.memref_squeeze %dma_start3A_1117 : memref<1x16x16xi32, #tpu.memory_space<vmem>> -> memref<16x16xi32, #tpu.memory_space<vmem>>
        %dma_start3A_1119 = arith.constant 0 : i32
        %dma_start3A_1120 = tpu.memref_slice %arg5[%add3A_1114, %dma_start3A_1119] : memref<20000x16xi32, #tpu.memory_space<hbm>> -> memref<16x16xi32, #tpu.memory_space<hbm>>
        %dma_start3A_1121 = arith.constant 0 : i32
        %dma_start3A_1122 = arith.constant 0 : i32
        %dma_start3A_1123 = tpu.memref_slice %arg10[%sub3A_1098, %dma_start3A_1121, %dma_start3A_1122] : memref<2x16x16xi32, #tpu.memory_space<vmem>> -> memref<1x16x16xi32, #tpu.memory_space<vmem>>
        %dma_start3A_1124 = tpu.memref_squeeze %dma_start3A_1123 : memref<1x16x16xi32, #tpu.memory_space<vmem>> -> memref<16x16xi32, #tpu.memory_space<vmem>>
        %dma_start3A_1125 = arith.constant 0 : i32
        %dma_start3A_1126 = tpu.memref_slice %arg5[%add3A_1114, %dma_start3A_1125] : memref<20000x16xi32, #tpu.memory_space<hbm>> -> memref<16x16xi32, #tpu.memory_space<hbm>>
        tpu.enqueue_dma source(%dma_start3A_1126 : memref<16x16xi32, #tpu.memory_space<hbm>>) target(%dma_start3A_1124 : memref<16x16xi32, #tpu.memory_space<vmem>>) target_semaphore(%arg24 : memref<!tpu.dma_semaphore, #tpu.memory_space<semaphore_mem>>)
      } else {
      }
      %get3A_365 = arith.constant 2 : i32
      %get3A_366 = arith.index_cast %select_n3A_254 : i32 to index
      %get3A_367 = arith.index_cast %get3A_365 : i32 to index
      %get3A_368 = arith.constant 0 : index
      %get3A_369 = tpu.vector_load %arg9[%get3A_366, %get3A_367, %get3A_368] {strides = array<i32>} : memref<2x16x16xi32, #tpu.memory_space<vmem>>, vector<16xi32>,
      %get3A_370 = arith.constant 2 : i32
      %get3A_371 = arith.index_cast %select_n3A_254 : i32 to index
      %get3A_372 = arith.index_cast %get3A_370 : i32 to index
      %get3A_373 = arith.constant 0 : index
      %get3A_374 = tpu.vector_load %arg10[%get3A_371, %get3A_372, %get3A_373] {strides = array<i32>} : memref<2x16x16xi32, #tpu.memory_space<vmem>>, vector<16xi32>,
      %shift_right_logical3A_375 = arith.constant 7 : i32
      %shift_right_logical3A_376 = vector.broadcast %shift_right_logical3A_375 : i32 to vector<16xi32>
      %shift_right_logical3A_377 = arith.shrui %get3A_369, %shift_right_logical3A_376 : vector<16xi32>
      %and3A_378 = arith.constant 127 : i32
      %and3A_379 = vector.broadcast %and3A_378 : i32 to vector<16xi32>
      %and3A_380 = arith.andi %get3A_369, %and3A_379 : vector<16xi32>
      %gather3A_381 = tpu.vector_load_idx %arg20[%shift_right_logical3A_377, %and3A_380] : memref<80x128xf32, #tpu.memory_space<vmem>>[vector<16xi32>, vector<16xi32>], vector<16xf32>,
      %shift_right_logical3A_382 = arith.constant 7 : i32
      %shift_right_logical3A_383 = vector.broadcast %shift_right_logical3A_382 : i32 to vector<16xi32>
      %shift_right_logical3A_384 = arith.shrui %get3A_374, %shift_right_logical3A_383 : vector<16xi32>
      %and3A_385 = arith.constant 127 : i32
      %and3A_386 = vector.broadcast %and3A_385 : i32 to vector<16xi32>
      %and3A_387 = arith.andi %get3A_374, %and3A_386 : vector<16xi32>
      tpu.vector_store_idx %arg21[%shift_right_logical3A_384, %and3A_387], %gather3A_381 {add = true} : memref<80x128xf32, #tpu.memory_space<vmem>>[vector<16xi32>, vector<16xi32>], vector<16xf32>,
      %dma_wait3A_388 = arith.constant 2 : i32
      %dma_wait3A_389 = arith.constant 0 : i32
      %dma_wait3A_390 = tpu.memref_slice %arg9[%select_n3A_254, %dma_wait3A_388, %dma_wait3A_389] : memref<2x16x16xi32, #tpu.memory_space<vmem>> -> memref<1x1x16xi32, #tpu.memory_space<vmem>>
      %dma_wait3A_391 = tpu.memref_squeeze %dma_wait3A_390 : memref<1x1x16xi32, #tpu.memory_space<vmem>> -> memref<16xi32, #tpu.memory_space<vmem>>
      %dma_wait3A_392 = arith.constant 0 : i32
      %dma_wait3A_393 = arith.constant 0 : i32
      %dma_wait3A_394 = tpu.memref_slice %arg2[%dma_wait3A_392, %dma_wait3A_393] : memref<10000x128xf32, #tpu.memory_space<hbm>> -> memref<10000x128xf32, #tpu.memory_space<hbm>>
      tpu.wait_indirect_dma semaphore(%arg27 : memref<!tpu.dma_semaphore, #tpu.memory_space<semaphore_mem>>) src(%dma_wait3A_394 : memref<10000x128xf32, #tpu.memory_space<hbm>>) dst(%arg14 : memref<16x128xf32, #tpu.memory_space<vmem>>)
      %ge3A_395 = arith.constant 1 : i32
      %ge3A_396 = arith.cmpi sge, %add3A_358, %ge3A_395 : i32
      %convert_element_type3A_397 = arith.extui %ge3A_396 : i1 to i32
      %cond3A_398 = arith.constant 0 : i32
      %cond3A_399 = arith.cmpi ne, %convert_element_type3A_397, %cond3A_398 : i32
      scf.if %cond3A_399 {
        %dma_wait3A_1095 = arith.constant 2 : i32
        %dma_wait3A_1096 = arith.constant 0 : i32
        %dma_wait3A_1097 = tpu.memref_slice %arg10[%select_n3A_254, %dma_wait3A_1095, %dma_wait3A_1096] : memref<2x16x16xi32, #tpu.memory_space<vmem>> -> memref<1x1x16xi32, #tpu.memory_space<vmem>>
        %dma_wait3A_1098 = tpu.memref_squeeze %dma_wait3A_1097 : memref<1x1x16xi32, #tpu.memory_space<vmem>> -> memref<16xi32, #tpu.memory_space<vmem>>
        %dma_wait3A_1099 = arith.constant 0 : i32
        %dma_wait3A_1100 = arith.constant 0 : i32
        %dma_wait3A_1101 = tpu.memref_slice %arg22[%dma_wait3A_1099, %dma_wait3A_1100] : memref<10000x128xf32, #tpu.memory_space<vmem_shared>> -> memref<10000x128xf32, #tpu.memory_space<vmem_shared>>
        tpu.wait_indirect_dma semaphore(%arg34 : memref<!tpu.dma_semaphore, #tpu.memory_space<semaphore_mem>>) src(%arg13 : memref<16x128xf32, #tpu.memory_space<vmem>>) dst(%dma_wait3A_1101 : memref<10000x128xf32, #tpu.memory_space<vmem_shared>>)
      } else {
      }
      %add3A_400 = arith.constant 7 : i32
      %add3A_401 = arith.addi %add3A_358, %add3A_400 : i32
      %lt3A_402 = arith.cmpi slt, %add3A_401, %min3A_6 : i32
      %convert_element_type3A_403 = arith.extui %lt3A_402 : i1 to i32
      %cond3A_404 = arith.constant 0 : i32
      %cond3A_405 = arith.cmpi ne, %convert_element_type3A_403, %cond3A_404 : i32
      scf.if %cond3A_405 {
        %dma_start3A_1095 = arith.constant 9 : i32
        %dma_start3A_1096 = arith.constant 0 : i32
        %dma_start3A_1097 = tpu.memref_slice %arg9[%select_n3A_254, %dma_start3A_1095, %dma_start3A_1096] : memref<2x16x16xi32, #tpu.memory_space<vmem>> -> memref<1x1x16xi32, #tpu.memory_space<vmem>>
        %dma_start3A_1098 = tpu.memref_squeeze %dma_start3A_1097 : memref<1x1x16xi32, #tpu.memory_space<vmem>> -> memref<16xi32, #tpu.memory_space<vmem>>
        %dma_start3A_1099 = arith.constant 0 : i32
        %dma_start3A_1100 = arith.constant 0 : i32
        %dma_start3A_1101 = tpu.memref_slice %arg2[%dma_start3A_1099, %dma_start3A_1100] : memref<10000x128xf32, #tpu.memory_space<hbm>> -> memref<10000x128xf32, #tpu.memory_space<hbm>>
        tpu.enqueue_indirect_dma source(%dma_start3A_1101 : memref<10000x128xf32, #tpu.memory_space<hbm>>) target(%arg13 : memref<16x128xf32, #tpu.memory_space<vmem>>) offsets(%dma_start3A_1098 : memref<16xi32, #tpu.memory_space<vmem>>) semaphore(%arg26 : memref<!tpu.dma_semaphore, #tpu.memory_space<semaphore_mem>>)
      } else {
      }
      %dma_start3A_406 = arith.constant 2 : i32
      %dma_start3A_407 = arith.constant 0 : i32
      %dma_start3A_408 = tpu.memref_slice %arg10[%select_n3A_254, %dma_start3A_406, %dma_start3A_407] : memref<2x16x16xi32, #tpu.memory_space<vmem>> -> memref<1x1x16xi32, #tpu.memory_space<vmem>>
      %dma_start3A_409 = tpu.memref_squeeze %dma_start3A_408 : memref<1x1x16xi32, #tpu.memory_space<vmem>> -> memref<16xi32, #tpu.memory_space<vmem>>
      %dma_start3A_410 = arith.constant 0 : i32
      %dma_start3A_411 = arith.constant 0 : i32
      %dma_start3A_412 = tpu.memref_slice %arg22[%dma_start3A_410, %dma_start3A_411] : memref<10000x128xf32, #tpu.memory_space<vmem_shared>> -> memref<10000x128xf32, #tpu.memory_space<vmem_shared>>
      tpu.enqueue_indirect_dma source(%arg14 : memref<16x128xf32, #tpu.memory_space<vmem>>) target(%dma_start3A_412 : memref<10000x128xf32, #tpu.memory_space<vmem_shared>>) offsets(%dma_start3A_409 : memref<16xi32, #tpu.memory_space<vmem>>) semaphore(%arg35 : memref<!tpu.dma_semaphore, #tpu.memory_space<semaphore_mem>>) {add = true}
      %mul3A_413 = arith.constant 16 : i32
      %mul3A_414 = arith.muli %while3A_239, %mul3A_413 : i32
      %add3A_415 = arith.constant 3 : i32
      %add3A_416 = arith.addi %mul3A_414, %add3A_415 : i32
      %get3A_417 = arith.constant 3 : i32
      %get3A_418 = arith.index_cast %select_n3A_254 : i32 to index
      %get3A_419 = arith.index_cast %get3A_417 : i32 to index
      %get3A_420 = arith.constant 0 : index
      %get3A_421 = tpu.vector_load %arg9[%get3A_418, %get3A_419, %get3A_420] {strides = array<i32>} : memref<2x16x16xi32, #tpu.memory_space<vmem>>, vector<16xi32>,
      %get3A_422 = arith.constant 3 : i32
      %get3A_423 = arith.index_cast %select_n3A_254 : i32 to index
      %get3A_424 = arith.index_cast %get3A_422 : i32 to index
      %get3A_425 = arith.constant 0 : index
      %get3A_426 = tpu.vector_load %arg10[%get3A_423, %get3A_424, %get3A_425] {strides = array<i32>} : memref<2x16x16xi32, #tpu.memory_space<vmem>>, vector<16xi32>,
      %shift_right_logical3A_427 = arith.constant 7 : i32
      %shift_right_logical3A_428 = vector.broadcast %shift_right_logical3A_427 : i32 to vector<16xi32>
      %shift_right_logical3A_429 = arith.shrui %get3A_421, %shift_right_logical3A_428 : vector<16xi32>
      %and3A_430 = arith.constant 127 : i32
      %and3A_431 = vector.broadcast %and3A_430 : i32 to vector<16xi32>
      %and3A_432 = arith.andi %get3A_421, %and3A_431 : vector<16xi32>
      %gather3A_433 = tpu.vector_load_idx %arg20[%shift_right_logical3A_429, %and3A_432] : memref<80x128xf32, #tpu.memory_space<vmem>>[vector<16xi32>, vector<16xi32>], vector<16xf32>,
      %shift_right_logical3A_434 = arith.constant 7 : i32
      %shift_right_logical3A_435 = vector.broadcast %shift_right_logical3A_434 : i32 to vector<16xi32>
      %shift_right_logical3A_436 = arith.shrui %get3A_426, %shift_right_logical3A_435 : vector<16xi32>
      %and3A_437 = arith.constant 127 : i32
      %and3A_438 = vector.broadcast %and3A_437 : i32 to vector<16xi32>
      %and3A_439 = arith.andi %get3A_426, %and3A_438 : vector<16xi32>
      tpu.vector_store_idx %arg21[%shift_right_logical3A_436, %and3A_439], %gather3A_433 {add = true} : memref<80x128xf32, #tpu.memory_space<vmem>>[vector<16xi32>, vector<16xi32>], vector<16xf32>,
      %dma_wait3A_440 = arith.constant 3 : i32
      %dma_wait3A_441 = arith.constant 0 : i32
      %dma_wait3A_442 = tpu.memref_slice %arg9[%select_n3A_254, %dma_wait3A_440, %dma_wait3A_441] : memref<2x16x16xi32, #tpu.memory_space<vmem>> -> memref<1x1x16xi32, #tpu.memory_space<vmem>>
      %dma_wait3A_443 = tpu.memref_squeeze %dma_wait3A_442 : memref<1x1x16xi32, #tpu.memory_space<vmem>> -> memref<16xi32, #tpu.memory_space<vmem>>
      %dma_wait3A_444 = arith.constant 0 : i32
      %dma_wait3A_445 = arith.constant 0 : i32
      %dma_wait3A_446 = tpu.memref_slice %arg2[%dma_wait3A_444, %dma_wait3A_445] : memref<10000x128xf32, #tpu.memory_space<hbm>> -> memref<10000x128xf32, #tpu.memory_space<hbm>>
      tpu.wait_indirect_dma semaphore(%arg28 : memref<!tpu.dma_semaphore, #tpu.memory_space<semaphore_mem>>) src(%dma_wait3A_446 : memref<10000x128xf32, #tpu.memory_space<hbm>>) dst(%arg15 : memref<16x128xf32, #tpu.memory_space<vmem>>)
      %ge3A_447 = arith.constant 1 : i32
      %ge3A_448 = arith.cmpi sge, %add3A_416, %ge3A_447 : i32
      %convert_element_type3A_449 = arith.extui %ge3A_448 : i1 to i32
      %cond3A_450 = arith.constant 0 : i32
      %cond3A_451 = arith.cmpi ne, %convert_element_type3A_449, %cond3A_450 : i32
      scf.if %cond3A_451 {
        %dma_wait3A_1095 = arith.constant 3 : i32
        %dma_wait3A_1096 = arith.constant 0 : i32
        %dma_wait3A_1097 = tpu.memref_slice %arg10[%select_n3A_254, %dma_wait3A_1095, %dma_wait3A_1096] : memref<2x16x16xi32, #tpu.memory_space<vmem>> -> memref<1x1x16xi32, #tpu.memory_space<vmem>>
        %dma_wait3A_1098 = tpu.memref_squeeze %dma_wait3A_1097 : memref<1x1x16xi32, #tpu.memory_space<vmem>> -> memref<16xi32, #tpu.memory_space<vmem>>
        %dma_wait3A_1099 = arith.constant 0 : i32
        %dma_wait3A_1100 = arith.constant 0 : i32
        %dma_wait3A_1101 = tpu.memref_slice %arg22[%dma_wait3A_1099, %dma_wait3A_1100] : memref<10000x128xf32, #tpu.memory_space<vmem_shared>> -> memref<10000x128xf32, #tpu.memory_space<vmem_shared>>
        tpu.wait_indirect_dma semaphore(%arg35 : memref<!tpu.dma_semaphore, #tpu.memory_space<semaphore_mem>>) src(%arg14 : memref<16x128xf32, #tpu.memory_space<vmem>>) dst(%dma_wait3A_1101 : memref<10000x128xf32, #tpu.memory_space<vmem_shared>>)
      } else {
      }
      %add3A_452 = arith.constant 7 : i32
      %add3A_453 = arith.addi %add3A_416, %add3A_452 : i32
      %lt3A_454 = arith.cmpi slt, %add3A_453, %min3A_6 : i32
      %convert_element_type3A_455 = arith.extui %lt3A_454 : i1 to i32
      %cond3A_456 = arith.constant 0 : i32
      %cond3A_457 = arith.cmpi ne, %convert_element_type3A_455, %cond3A_456 : i32
      scf.if %cond3A_457 {
        %dma_start3A_1095 = arith.constant 10 : i32
        %dma_start3A_1096 = arith.constant 0 : i32
        %dma_start3A_1097 = tpu.memref_slice %arg9[%select_n3A_254, %dma_start3A_1095, %dma_start3A_1096] : memref<2x16x16xi32, #tpu.memory_space<vmem>> -> memref<1x1x16xi32, #tpu.memory_space<vmem>>
        %dma_start3A_1098 = tpu.memref_squeeze %dma_start3A_1097 : memref<1x1x16xi32, #tpu.memory_space<vmem>> -> memref<16xi32, #tpu.memory_space<vmem>>
        %dma_start3A_1099 = arith.constant 0 : i32
        %dma_start3A_1100 = arith.constant 0 : i32
        %dma_start3A_1101 = tpu.memref_slice %arg2[%dma_start3A_1099, %dma_start3A_1100] : memref<10000x128xf32, #tpu.memory_space<hbm>> -> memref<10000x128xf32, #tpu.memory_space<hbm>>
        tpu.enqueue_indirect_dma source(%dma_start3A_1101 : memref<10000x128xf32, #tpu.memory_space<hbm>>) target(%arg14 : memref<16x128xf32, #tpu.memory_space<vmem>>) offsets(%dma_start3A_1098 : memref<16xi32, #tpu.memory_space<vmem>>) semaphore(%arg27 : memref<!tpu.dma_semaphore, #tpu.memory_space<semaphore_mem>>)
      } else {
      }
      %dma_start3A_458 = arith.constant 3 : i32
      %dma_start3A_459 = arith.constant 0 : i32
      %dma_start3A_460 = tpu.memref_slice %arg10[%select_n3A_254, %dma_start3A_458, %dma_start3A_459] : memref<2x16x16xi32, #tpu.memory_space<vmem>> -> memref<1x1x16xi32, #tpu.memory_space<vmem>>
      %dma_start3A_461 = tpu.memref_squeeze %dma_start3A_460 : memref<1x1x16xi32, #tpu.memory_space<vmem>> -> memref<16xi32, #tpu.memory_space<vmem>>
      %dma_start3A_462 = arith.constant 0 : i32
      %dma_start3A_463 = arith.constant 0 : i32
      %dma_start3A_464 = tpu.memref_slice %arg22[%dma_start3A_462, %dma_start3A_463] : memref<10000x128xf32, #tpu.memory_space<vmem_shared>> -> memref<10000x128xf32, #tpu.memory_space<vmem_shared>>
      tpu.enqueue_indirect_dma source(%arg15 : memref<16x128xf32, #tpu.memory_space<vmem>>) target(%dma_start3A_464 : memref<10000x128xf32, #tpu.memory_space<vmem_shared>>) offsets(%dma_start3A_461 : memref<16xi32, #tpu.memory_space<vmem>>) semaphore(%arg36 : memref<!tpu.dma_semaphore, #tpu.memory_space<semaphore_mem>>) {add = true}
      %mul3A_465 = arith.constant 16 : i32
      %mul3A_466 = arith.muli %while3A_239, %mul3A_465 : i32
      %add3A_467 = arith.constant 4 : i32
      %add3A_468 = arith.addi %mul3A_466, %add3A_467 : i32
      %get3A_469 = arith.constant 4 : i32
      %get3A_470 = arith.index_cast %select_n3A_254 : i32 to index
      %get3A_471 = arith.index_cast %get3A_469 : i32 to index
      %get3A_472 = arith.constant 0 : index
      %get3A_473 = tpu.vector_load %arg9[%get3A_470, %get3A_471, %get3A_472] {strides = array<i32>} : memref<2x16x16xi32, #tpu.memory_space<vmem>>, vector<16xi32>,
      %get3A_474 = arith.constant 4 : i32
      %get3A_475 = arith.index_cast %select_n3A_254 : i32 to index
      %get3A_476 = arith.index_cast %get3A_474 : i32 to index
      %get3A_477 = arith.constant 0 : index
      %get3A_478 = tpu.vector_load %arg10[%get3A_475, %get3A_476, %get3A_477] {strides = array<i32>} : memref<2x16x16xi32, #tpu.memory_space<vmem>>, vector<16xi32>,
      %shift_right_logical3A_479 = arith.constant 7 : i32
      %shift_right_logical3A_480 = vector.broadcast %shift_right_logical3A_479 : i32 to vector<16xi32>
      %shift_right_logical3A_481 = arith.shrui %get3A_473, %shift_right_logical3A_480 : vector<16xi32>
      %and3A_482 = arith.constant 127 : i32
      %and3A_483 = vector.broadcast %and3A_482 : i32 to vector<16xi32>
      %and3A_484 = arith.andi %get3A_473, %and3A_483 : vector<16xi32>
      %gather3A_485 = tpu.vector_load_idx %arg20[%shift_right_logical3A_481, %and3A_484] : memref<80x128xf32, #tpu.memory_space<vmem>>[vector<16xi32>, vector<16xi32>], vector<16xf32>,
      %shift_right_logical3A_486 = arith.constant 7 : i32
      %shift_right_logical3A_487 = vector.broadcast %shift_right_logical3A_486 : i32 to vector<16xi32>
      %shift_right_logical3A_488 = arith.shrui %get3A_478, %shift_right_logical3A_487 : vector<16xi32>
      %and3A_489 = arith.constant 127 : i32
      %and3A_490 = vector.broadcast %and3A_489 : i32 to vector<16xi32>
      %and3A_491 = arith.andi %get3A_478, %and3A_490 : vector<16xi32>
      tpu.vector_store_idx %arg21[%shift_right_logical3A_488, %and3A_491], %gather3A_485 {add = true} : memref<80x128xf32, #tpu.memory_space<vmem>>[vector<16xi32>, vector<16xi32>], vector<16xf32>,
      %dma_wait3A_492 = arith.constant 4 : i32
      %dma_wait3A_493 = arith.constant 0 : i32
      %dma_wait3A_494 = tpu.memref_slice %arg9[%select_n3A_254, %dma_wait3A_492, %dma_wait3A_493] : memref<2x16x16xi32, #tpu.memory_space<vmem>> -> memref<1x1x16xi32, #tpu.memory_space<vmem>>
      %dma_wait3A_495 = tpu.memref_squeeze %dma_wait3A_494 : memref<1x1x16xi32, #tpu.memory_space<vmem>> -> memref<16xi32, #tpu.memory_space<vmem>>
      %dma_wait3A_496 = arith.constant 0 : i32
      %dma_wait3A_497 = arith.constant 0 : i32
      %dma_wait3A_498 = tpu.memref_slice %arg2[%dma_wait3A_496, %dma_wait3A_497] : memref<10000x128xf32, #tpu.memory_space<hbm>> -> memref<10000x128xf32, #tpu.memory_space<hbm>>
      tpu.wait_indirect_dma semaphore(%arg29 : memref<!tpu.dma_semaphore, #tpu.memory_space<semaphore_mem>>) src(%dma_wait3A_498 : memref<10000x128xf32, #tpu.memory_space<hbm>>) dst(%arg16 : memref<16x128xf32, #tpu.memory_space<vmem>>)
      %ge3A_499 = arith.constant 1 : i32
      %ge3A_500 = arith.cmpi sge, %add3A_468, %ge3A_499 : i32
      %convert_element_type3A_501 = arith.extui %ge3A_500 : i1 to i32
      %cond3A_502 = arith.constant 0 : i32
      %cond3A_503 = arith.cmpi ne, %convert_element_type3A_501, %cond3A_502 : i32
      scf.if %cond3A_503 {
        %dma_wait3A_1095 = arith.constant 4 : i32
        %dma_wait3A_1096 = arith.constant 0 : i32
        %dma_wait3A_1097 = tpu.memref_slice %arg10[%select_n3A_254, %dma_wait3A_1095, %dma_wait3A_1096] : memref<2x16x16xi32, #tpu.memory_space<vmem>> -> memref<1x1x16xi32, #tpu.memory_space<vmem>>
        %dma_wait3A_1098 = tpu.memref_squeeze %dma_wait3A_1097 : memref<1x1x16xi32, #tpu.memory_space<vmem>> -> memref<16xi32, #tpu.memory_space<vmem>>
        %dma_wait3A_1099 = arith.constant 0 : i32
        %dma_wait3A_1100 = arith.constant 0 : i32
        %dma_wait3A_1101 = tpu.memref_slice %arg22[%dma_wait3A_1099, %dma_wait3A_1100] : memref<10000x128xf32, #tpu.memory_space<vmem_shared>> -> memref<10000x128xf32, #tpu.memory_space<vmem_shared>>
        tpu.wait_indirect_dma semaphore(%arg36 : memref<!tpu.dma_semaphore, #tpu.memory_space<semaphore_mem>>) src(%arg15 : memref<16x128xf32, #tpu.memory_space<vmem>>) dst(%dma_wait3A_1101 : memref<10000x128xf32, #tpu.memory_space<vmem_shared>>)
      } else {
      }
      %add3A_504 = arith.constant 7 : i32
      %add3A_505 = arith.addi %add3A_468, %add3A_504 : i32
      %lt3A_506 = arith.cmpi slt, %add3A_505, %min3A_6 : i32
      %convert_element_type3A_507 = arith.extui %lt3A_506 : i1 to i32
      %cond3A_508 = arith.constant 0 : i32
      %cond3A_509 = arith.cmpi ne, %convert_element_type3A_507, %cond3A_508 : i32
      scf.if %cond3A_509 {
        %dma_start3A_1095 = arith.constant 11 : i32
        %dma_start3A_1096 = arith.constant 0 : i32
        %dma_start3A_1097 = tpu.memref_slice %arg9[%select_n3A_254, %dma_start3A_1095, %dma_start3A_1096] : memref<2x16x16xi32, #tpu.memory_space<vmem>> -> memref<1x1x16xi32, #tpu.memory_space<vmem>>
        %dma_start3A_1098 = tpu.memref_squeeze %dma_start3A_1097 : memref<1x1x16xi32, #tpu.memory_space<vmem>> -> memref<16xi32, #tpu.memory_space<vmem>>
        %dma_start3A_1099 = arith.constant 0 : i32
        %dma_start3A_1100 = arith.constant 0 : i32
        %dma_start3A_1101 = tpu.memref_slice %arg2[%dma_start3A_1099, %dma_start3A_1100] : memref<10000x128xf32, #tpu.memory_space<hbm>> -> memref<10000x128xf32, #tpu.memory_space<hbm>>
        tpu.enqueue_indirect_dma source(%dma_start3A_1101 : memref<10000x128xf32, #tpu.memory_space<hbm>>) target(%arg15 : memref<16x128xf32, #tpu.memory_space<vmem>>) offsets(%dma_start3A_1098 : memref<16xi32, #tpu.memory_space<vmem>>) semaphore(%arg28 : memref<!tpu.dma_semaphore, #tpu.memory_space<semaphore_mem>>)
      } else {
      }
      %dma_start3A_510 = arith.constant 4 : i32
      %dma_start3A_511 = arith.constant 0 : i32
      %dma_start3A_512 = tpu.memref_slice %arg10[%select_n3A_254, %dma_start3A_510, %dma_start3A_511] : memref<2x16x16xi32, #tpu.memory_space<vmem>> -> memref<1x1x16xi32, #tpu.memory_space<vmem>>
      %dma_start3A_513 = tpu.memref_squeeze %dma_start3A_512 : memref<1x1x16xi32, #tpu.memory_space<vmem>> -> memref<16xi32, #tpu.memory_space<vmem>>
      %dma_start3A_514 = arith.constant 0 : i32
      %dma_start3A_515 = arith.constant 0 : i32
      %dma_start3A_516 = tpu.memref_slice %arg22[%dma_start3A_514, %dma_start3A_515] : memref<10000x128xf32, #tpu.memory_space<vmem_shared>> -> memref<10000x128xf32, #tpu.memory_space<vmem_shared>>
      tpu.enqueue_indirect_dma source(%arg16 : memref<16x128xf32, #tpu.memory_space<vmem>>) target(%dma_start3A_516 : memref<10000x128xf32, #tpu.memory_space<vmem_shared>>) offsets(%dma_start3A_513 : memref<16xi32, #tpu.memory_space<vmem>>) semaphore(%arg37 : memref<!tpu.dma_semaphore, #tpu.memory_space<semaphore_mem>>) {add = true}
      %mul3A_517 = arith.constant 16 : i32
      %mul3A_518 = arith.muli %while3A_239, %mul3A_517 : i32
      %add3A_519 = arith.constant 5 : i32
      %add3A_520 = arith.addi %mul3A_518, %add3A_519 : i32
      %get3A_521 = arith.constant 5 : i32
      %get3A_522 = arith.index_cast %select_n3A_254 : i32 to index
      %get3A_523 = arith.index_cast %get3A_521 : i32 to index
      %get3A_524 = arith.constant 0 : index
      %get3A_525 = tpu.vector_load %arg9[%get3A_522, %get3A_523, %get3A_524] {strides = array<i32>} : memref<2x16x16xi32, #tpu.memory_space<vmem>>, vector<16xi32>,
      %get3A_526 = arith.constant 5 : i32
      %get3A_527 = arith.index_cast %select_n3A_254 : i32 to index
      %get3A_528 = arith.index_cast %get3A_526 : i32 to index
      %get3A_529 = arith.constant 0 : index
      %get3A_530 = tpu.vector_load %arg10[%get3A_527, %get3A_528, %get3A_529] {strides = array<i32>} : memref<2x16x16xi32, #tpu.memory_space<vmem>>, vector<16xi32>,
      %shift_right_logical3A_531 = arith.constant 7 : i32
      %shift_right_logical3A_532 = vector.broadcast %shift_right_logical3A_531 : i32 to vector<16xi32>
      %shift_right_logical3A_533 = arith.shrui %get3A_525, %shift_right_logical3A_532 : vector<16xi32>
      %and3A_534 = arith.constant 127 : i32
      %and3A_535 = vector.broadcast %and3A_534 : i32 to vector<16xi32>
      %and3A_536 = arith.andi %get3A_525, %and3A_535 : vector<16xi32>
      %gather3A_537 = tpu.vector_load_idx %arg20[%shift_right_logical3A_533, %and3A_536] : memref<80x128xf32, #tpu.memory_space<vmem>>[vector<16xi32>, vector<16xi32>], vector<16xf32>,
      %shift_right_logical3A_538 = arith.constant 7 : i32
      %shift_right_logical3A_539 = vector.broadcast %shift_right_logical3A_538 : i32 to vector<16xi32>
      %shift_right_logical3A_540 = arith.shrui %get3A_530, %shift_right_logical3A_539 : vector<16xi32>
      %and3A_541 = arith.constant 127 : i32
      %and3A_542 = vector.broadcast %and3A_541 : i32 to vector<16xi32>
      %and3A_543 = arith.andi %get3A_530, %and3A_542 : vector<16xi32>
      tpu.vector_store_idx %arg21[%shift_right_logical3A_540, %and3A_543], %gather3A_537 {add = true} : memref<80x128xf32, #tpu.memory_space<vmem>>[vector<16xi32>, vector<16xi32>], vector<16xf32>,
      %dma_wait3A_544 = arith.constant 5 : i32
      %dma_wait3A_545 = arith.constant 0 : i32
      %dma_wait3A_546 = tpu.memref_slice %arg9[%select_n3A_254, %dma_wait3A_544, %dma_wait3A_545] : memref<2x16x16xi32, #tpu.memory_space<vmem>> -> memref<1x1x16xi32, #tpu.memory_space<vmem>>
      %dma_wait3A_547 = tpu.memref_squeeze %dma_wait3A_546 : memref<1x1x16xi32, #tpu.memory_space<vmem>> -> memref<16xi32, #tpu.memory_space<vmem>>
      %dma_wait3A_548 = arith.constant 0 : i32
      %dma_wait3A_549 = arith.constant 0 : i32
      %dma_wait3A_550 = tpu.memref_slice %arg2[%dma_wait3A_548, %dma_wait3A_549] : memref<10000x128xf32, #tpu.memory_space<hbm>> -> memref<10000x128xf32, #tpu.memory_space<hbm>>
      tpu.wait_indirect_dma semaphore(%arg30 : memref<!tpu.dma_semaphore, #tpu.memory_space<semaphore_mem>>) src(%dma_wait3A_550 : memref<10000x128xf32, #tpu.memory_space<hbm>>) dst(%arg17 : memref<16x128xf32, #tpu.memory_space<vmem>>)
      %ge3A_551 = arith.constant 1 : i32
      %ge3A_552 = arith.cmpi sge, %add3A_520, %ge3A_551 : i32
      %convert_element_type3A_553 = arith.extui %ge3A_552 : i1 to i32
      %cond3A_554 = arith.constant 0 : i32
      %cond3A_555 = arith.cmpi ne, %convert_element_type3A_553, %cond3A_554 : i32
      scf.if %cond3A_555 {
        %dma_wait3A_1095 = arith.constant 5 : i32
        %dma_wait3A_1096 = arith.constant 0 : i32
        %dma_wait3A_1097 = tpu.memref_slice %arg10[%select_n3A_254, %dma_wait3A_1095, %dma_wait3A_1096] : memref<2x16x16xi32, #tpu.memory_space<vmem>> -> memref<1x1x16xi32, #tpu.memory_space<vmem>>
        %dma_wait3A_1098 = tpu.memref_squeeze %dma_wait3A_1097 : memref<1x1x16xi32, #tpu.memory_space<vmem>> -> memref<16xi32, #tpu.memory_space<vmem>>
        %dma_wait3A_1099 = arith.constant 0 : i32
        %dma_wait3A_1100 = arith.constant 0 : i32
        %dma_wait3A_1101 = tpu.memref_slice %arg22[%dma_wait3A_1099, %dma_wait3A_1100] : memref<10000x128xf32, #tpu.memory_space<vmem_shared>> -> memref<10000x128xf32, #tpu.memory_space<vmem_shared>>
        tpu.wait_indirect_dma semaphore(%arg37 : memref<!tpu.dma_semaphore, #tpu.memory_space<semaphore_mem>>) src(%arg16 : memref<16x128xf32, #tpu.memory_space<vmem>>) dst(%dma_wait3A_1101 : memref<10000x128xf32, #tpu.memory_space<vmem_shared>>)
      } else {
      }
      %add3A_556 = arith.constant 7 : i32
      %add3A_557 = arith.addi %add3A_520, %add3A_556 : i32
      %lt3A_558 = arith.cmpi slt, %add3A_557, %min3A_6 : i32
      %convert_element_type3A_559 = arith.extui %lt3A_558 : i1 to i32
      %cond3A_560 = arith.constant 0 : i32
      %cond3A_561 = arith.cmpi ne, %convert_element_type3A_559, %cond3A_560 : i32
      scf.if %cond3A_561 {
        %dma_start3A_1095 = arith.constant 12 : i32
        %dma_start3A_1096 = arith.constant 0 : i32
        %dma_start3A_1097 = tpu.memref_slice %arg9[%select_n3A_254, %dma_start3A_1095, %dma_start3A_1096] : memref<2x16x16xi32, #tpu.memory_space<vmem>> -> memref<1x1x16xi32, #tpu.memory_space<vmem>>
        %dma_start3A_1098 = tpu.memref_squeeze %dma_start3A_1097 : memref<1x1x16xi32, #tpu.memory_space<vmem>> -> memref<16xi32, #tpu.memory_space<vmem>>
        %dma_start3A_1099 = arith.constant 0 : i32
        %dma_start3A_1100 = arith.constant 0 : i32
        %dma_start3A_1101 = tpu.memref_slice %arg2[%dma_start3A_1099, %dma_start3A_1100] : memref<10000x128xf32, #tpu.memory_space<hbm>> -> memref<10000x128xf32, #tpu.memory_space<hbm>>
        tpu.enqueue_indirect_dma source(%dma_start3A_1101 : memref<10000x128xf32, #tpu.memory_space<hbm>>) target(%arg16 : memref<16x128xf32, #tpu.memory_space<vmem>>) offsets(%dma_start3A_1098 : memref<16xi32, #tpu.memory_space<vmem>>) semaphore(%arg29 : memref<!tpu.dma_semaphore, #tpu.memory_space<semaphore_mem>>)
      } else {
      }
      %dma_start3A_562 = arith.constant 5 : i32
      %dma_start3A_563 = arith.constant 0 : i32
      %dma_start3A_564 = tpu.memref_slice %arg10[%select_n3A_254, %dma_start3A_562, %dma_start3A_563] : memref<2x16x16xi32, #tpu.memory_space<vmem>> -> memref<1x1x16xi32, #tpu.memory_space<vmem>>
      %dma_start3A_565 = tpu.memref_squeeze %dma_start3A_564 : memref<1x1x16xi32, #tpu.memory_space<vmem>> -> memref<16xi32, #tpu.memory_space<vmem>>
      %dma_start3A_566 = arith.constant 0 : i32
      %dma_start3A_567 = arith.constant 0 : i32
      %dma_start3A_568 = tpu.memref_slice %arg22[%dma_start3A_566, %dma_start3A_567] : memref<10000x128xf32, #tpu.memory_space<vmem_shared>> -> memref<10000x128xf32, #tpu.memory_space<vmem_shared>>
      tpu.enqueue_indirect_dma source(%arg17 : memref<16x128xf32, #tpu.memory_space<vmem>>) target(%dma_start3A_568 : memref<10000x128xf32, #tpu.memory_space<vmem_shared>>) offsets(%dma_start3A_565 : memref<16xi32, #tpu.memory_space<vmem>>) semaphore(%arg38 : memref<!tpu.dma_semaphore, #tpu.memory_space<semaphore_mem>>) {add = true}
      %mul3A_569 = arith.constant 16 : i32
      %mul3A_570 = arith.muli %while3A_239, %mul3A_569 : i32
      %add3A_571 = arith.constant 6 : i32
      %add3A_572 = arith.addi %mul3A_570, %add3A_571 : i32
      %get3A_573 = arith.constant 6 : i32
      %get3A_574 = arith.index_cast %select_n3A_254 : i32 to index
      %get3A_575 = arith.index_cast %get3A_573 : i32 to index
      %get3A_576 = arith.constant 0 : index
      %get3A_577 = tpu.vector_load %arg9[%get3A_574, %get3A_575, %get3A_576] {strides = array<i32>} : memref<2x16x16xi32, #tpu.memory_space<vmem>>, vector<16xi32>,
      %get3A_578 = arith.constant 6 : i32
      %get3A_579 = arith.index_cast %select_n3A_254 : i32 to index
      %get3A_580 = arith.index_cast %get3A_578 : i32 to index
      %get3A_581 = arith.constant 0 : index
      %get3A_582 = tpu.vector_load %arg10[%get3A_579, %get3A_580, %get3A_581] {strides = array<i32>} : memref<2x16x16xi32, #tpu.memory_space<vmem>>, vector<16xi32>,
      %shift_right_logical3A_583 = arith.constant 7 : i32
      %shift_right_logical3A_584 = vector.broadcast %shift_right_logical3A_583 : i32 to vector<16xi32>
      %shift_right_logical3A_585 = arith.shrui %get3A_577, %shift_right_logical3A_584 : vector<16xi32>
      %and3A_586 = arith.constant 127 : i32
      %and3A_587 = vector.broadcast %and3A_586 : i32 to vector<16xi32>
      %and3A_588 = arith.andi %get3A_577, %and3A_587 : vector<16xi32>
      %gather3A_589 = tpu.vector_load_idx %arg20[%shift_right_logical3A_585, %and3A_588] : memref<80x128xf32, #tpu.memory_space<vmem>>[vector<16xi32>, vector<16xi32>], vector<16xf32>,
      %shift_right_logical3A_590 = arith.constant 7 : i32
      %shift_right_logical3A_591 = vector.broadcast %shift_right_logical3A_590 : i32 to vector<16xi32>
      %shift_right_logical3A_592 = arith.shrui %get3A_582, %shift_right_logical3A_591 : vector<16xi32>
      %and3A_593 = arith.constant 127 : i32
      %and3A_594 = vector.broadcast %and3A_593 : i32 to vector<16xi32>
      %and3A_595 = arith.andi %get3A_582, %and3A_594 : vector<16xi32>
      tpu.vector_store_idx %arg21[%shift_right_logical3A_592, %and3A_595], %gather3A_589 {add = true} : memref<80x128xf32, #tpu.memory_space<vmem>>[vector<16xi32>, vector<16xi32>], vector<16xf32>,
      %dma_wait3A_596 = arith.constant 6 : i32
      %dma_wait3A_597 = arith.constant 0 : i32
      %dma_wait3A_598 = tpu.memref_slice %arg9[%select_n3A_254, %dma_wait3A_596, %dma_wait3A_597] : memref<2x16x16xi32, #tpu.memory_space<vmem>> -> memref<1x1x16xi32, #tpu.memory_space<vmem>>
      %dma_wait3A_599 = tpu.memref_squeeze %dma_wait3A_598 : memref<1x1x16xi32, #tpu.memory_space<vmem>> -> memref<16xi32, #tpu.memory_space<vmem>>
      %dma_wait3A_600 = arith.constant 0 : i32
      %dma_wait3A_601 = arith.constant 0 : i32
      %dma_wait3A_602 = tpu.memref_slice %arg2[%dma_wait3A_600, %dma_wait3A_601] : memref<10000x128xf32, #tpu.memory_space<hbm>> -> memref<10000x128xf32, #tpu.memory_space<hbm>>
      tpu.wait_indirect_dma semaphore(%arg31 : memref<!tpu.dma_semaphore, #tpu.memory_space<semaphore_mem>>) src(%dma_wait3A_602 : memref<10000x128xf32, #tpu.memory_space<hbm>>) dst(%arg18 : memref<16x128xf32, #tpu.memory_space<vmem>>)
      %ge3A_603 = arith.constant 1 : i32
      %ge3A_604 = arith.cmpi sge, %add3A_572, %ge3A_603 : i32
      %convert_element_type3A_605 = arith.extui %ge3A_604 : i1 to i32
      %cond3A_606 = arith.constant 0 : i32
      %cond3A_607 = arith.cmpi ne, %convert_element_type3A_605, %cond3A_606 : i32
      scf.if %cond3A_607 {
        %dma_wait3A_1095 = arith.constant 6 : i32
        %dma_wait3A_1096 = arith.constant 0 : i32
        %dma_wait3A_1097 = tpu.memref_slice %arg10[%select_n3A_254, %dma_wait3A_1095, %dma_wait3A_1096] : memref<2x16x16xi32, #tpu.memory_space<vmem>> -> memref<1x1x16xi32, #tpu.memory_space<vmem>>
        %dma_wait3A_1098 = tpu.memref_squeeze %dma_wait3A_1097 : memref<1x1x16xi32, #tpu.memory_space<vmem>> -> memref<16xi32, #tpu.memory_space<vmem>>
        %dma_wait3A_1099 = arith.constant 0 : i32
        %dma_wait3A_1100 = arith.constant 0 : i32
        %dma_wait3A_1101 = tpu.memref_slice %arg22[%dma_wait3A_1099, %dma_wait3A_1100] : memref<10000x128xf32, #tpu.memory_space<vmem_shared>> -> memref<10000x128xf32, #tpu.memory_space<vmem_shared>>
        tpu.wait_indirect_dma semaphore(%arg38 : memref<!tpu.dma_semaphore, #tpu.memory_space<semaphore_mem>>) src(%arg17 : memref<16x128xf32, #tpu.memory_space<vmem>>) dst(%dma_wait3A_1101 : memref<10000x128xf32, #tpu.memory_space<vmem_shared>>)
      } else {
      }
      %add3A_608 = arith.constant 7 : i32
      %add3A_609 = arith.addi %add3A_572, %add3A_608 : i32
      %lt3A_610 = arith.cmpi slt, %add3A_609, %min3A_6 : i32
      %convert_element_type3A_611 = arith.extui %lt3A_610 : i1 to i32
      %cond3A_612 = arith.constant 0 : i32
      %cond3A_613 = arith.cmpi ne, %convert_element_type3A_611, %cond3A_612 : i32
      scf.if %cond3A_613 {
        %dma_start3A_1095 = arith.constant 13 : i32
        %dma_start3A_1096 = arith.constant 0 : i32
        %dma_start3A_1097 = tpu.memref_slice %arg9[%select_n3A_254, %dma_start3A_1095, %dma_start3A_1096] : memref<2x16x16xi32, #tpu.memory_space<vmem>> -> memref<1x1x16xi32, #tpu.memory_space<vmem>>
        %dma_start3A_1098 = tpu.memref_squeeze %dma_start3A_1097 : memref<1x1x16xi32, #tpu.memory_space<vmem>> -> memref<16xi32, #tpu.memory_space<vmem>>
        %dma_start3A_1099 = arith.constant 0 : i32
        %dma_start3A_1100 = arith.constant 0 : i32
        %dma_start3A_1101 = tpu.memref_slice %arg2[%dma_start3A_1099, %dma_start3A_1100] : memref<10000x128xf32, #tpu.memory_space<hbm>> -> memref<10000x128xf32, #tpu.memory_space<hbm>>
        tpu.enqueue_indirect_dma source(%dma_start3A_1101 : memref<10000x128xf32, #tpu.memory_space<hbm>>) target(%arg17 : memref<16x128xf32, #tpu.memory_space<vmem>>) offsets(%dma_start3A_1098 : memref<16xi32, #tpu.memory_space<vmem>>) semaphore(%arg30 : memref<!tpu.dma_semaphore, #tpu.memory_space<semaphore_mem>>)
      } else {
      }
      %dma_start3A_614 = arith.constant 6 : i32
      %dma_start3A_615 = arith.constant 0 : i32
      %dma_start3A_616 = tpu.memref_slice %arg10[%select_n3A_254, %dma_start3A_614, %dma_start3A_615] : memref<2x16x16xi32, #tpu.memory_space<vmem>> -> memref<1x1x16xi32, #tpu.memory_space<vmem>>
      %dma_start3A_617 = tpu.memref_squeeze %dma_start3A_616 : memref<1x1x16xi32, #tpu.memory_space<vmem>> -> memref<16xi32, #tpu.memory_space<vmem>>
      %dma_start3A_618 = arith.constant 0 : i32
      %dma_start3A_619 = arith.constant 0 : i32
      %dma_start3A_620 = tpu.memref_slice %arg22[%dma_start3A_618, %dma_start3A_619] : memref<10000x128xf32, #tpu.memory_space<vmem_shared>> -> memref<10000x128xf32, #tpu.memory_space<vmem_shared>>
      tpu.enqueue_indirect_dma source(%arg18 : memref<16x128xf32, #tpu.memory_space<vmem>>) target(%dma_start3A_620 : memref<10000x128xf32, #tpu.memory_space<vmem_shared>>) offsets(%dma_start3A_617 : memref<16xi32, #tpu.memory_space<vmem>>) semaphore(%arg39 : memref<!tpu.dma_semaphore, #tpu.memory_space<semaphore_mem>>) {add = true}
      %mul3A_621 = arith.constant 16 : i32
      %mul3A_622 = arith.muli %while3A_239, %mul3A_621 : i32
      %add3A_623 = arith.constant 7 : i32
      %add3A_624 = arith.addi %mul3A_622, %add3A_623 : i32
      %get3A_625 = arith.constant 7 : i32
      %get3A_626 = arith.index_cast %select_n3A_254 : i32 to index
      %get3A_627 = arith.index_cast %get3A_625 : i32 to index
      %get3A_628 = arith.constant 0 : index
      %get3A_629 = tpu.vector_load %arg9[%get3A_626, %get3A_627, %get3A_628] {strides = array<i32>} : memref<2x16x16xi32, #tpu.memory_space<vmem>>, vector<16xi32>,
      %get3A_630 = arith.constant 7 : i32
      %get3A_631 = arith.index_cast %select_n3A_254 : i32 to index
      %get3A_632 = arith.index_cast %get3A_630 : i32 to index
      %get3A_633 = arith.constant 0 : index
      %get3A_634 = tpu.vector_load %arg10[%get3A_631, %get3A_632, %get3A_633] {strides = array<i32>} : memref<2x16x16xi32, #tpu.memory_space<vmem>>, vector<16xi32>,
      %shift_right_logical3A_635 = arith.constant 7 : i32
      %shift_right_logical3A_636 = vector.broadcast %shift_right_logical3A_635 : i32 to vector<16xi32>
      %shift_right_logical3A_637 = arith.shrui %get3A_629, %shift_right_logical3A_636 : vector<16xi32>
      %and3A_638 = arith.constant 127 : i32
      %and3A_639 = vector.broadcast %and3A_638 : i32 to vector<16xi32>
      %and3A_640 = arith.andi %get3A_629, %and3A_639 : vector<16xi32>
      %gather3A_641 = tpu.vector_load_idx %arg20[%shift_right_logical3A_637, %and3A_640] : memref<80x128xf32, #tpu.memory_space<vmem>>[vector<16xi32>, vector<16xi32>], vector<16xf32>,
      %shift_right_logical3A_642 = arith.constant 7 : i32
      %shift_right_logical3A_643 = vector.broadcast %shift_right_logical3A_642 : i32 to vector<16xi32>
      %shift_right_logical3A_644 = arith.shrui %get3A_634, %shift_right_logical3A_643 : vector<16xi32>
      %and3A_645 = arith.constant 127 : i32
      %and3A_646 = vector.broadcast %and3A_645 : i32 to vector<16xi32>
      %and3A_647 = arith.andi %get3A_634, %and3A_646 : vector<16xi32>
      tpu.vector_store_idx %arg21[%shift_right_logical3A_644, %and3A_647], %gather3A_641 {add = true} : memref<80x128xf32, #tpu.memory_space<vmem>>[vector<16xi32>, vector<16xi32>], vector<16xf32>,
      %dma_wait3A_648 = arith.constant 7 : i32
      %dma_wait3A_649 = arith.constant 0 : i32
      %dma_wait3A_650 = tpu.memref_slice %arg9[%select_n3A_254, %dma_wait3A_648, %dma_wait3A_649] : memref<2x16x16xi32, #tpu.memory_space<vmem>> -> memref<1x1x16xi32, #tpu.memory_space<vmem>>
      %dma_wait3A_651 = tpu.memref_squeeze %dma_wait3A_650 : memref<1x1x16xi32, #tpu.memory_space<vmem>> -> memref<16xi32, #tpu.memory_space<vmem>>
      %dma_wait3A_652 = arith.constant 0 : i32
      %dma_wait3A_653 = arith.constant 0 : i32
      %dma_wait3A_654 = tpu.memref_slice %arg2[%dma_wait3A_652, %dma_wait3A_653] : memref<10000x128xf32, #tpu.memory_space<hbm>> -> memref<10000x128xf32, #tpu.memory_space<hbm>>
      tpu.wait_indirect_dma semaphore(%arg32 : memref<!tpu.dma_semaphore, #tpu.memory_space<semaphore_mem>>) src(%dma_wait3A_654 : memref<10000x128xf32, #tpu.memory_space<hbm>>) dst(%arg19 : memref<16x128xf32, #tpu.memory_space<vmem>>)
      %ge3A_655 = arith.constant 1 : i32
      %ge3A_656 = arith.cmpi sge, %add3A_624, %ge3A_655 : i32
      %convert_element_type3A_657 = arith.extui %ge3A_656 : i1 to i32
      %cond3A_658 = arith.constant 0 : i32
      %cond3A_659 = arith.cmpi ne, %convert_element_type3A_657, %cond3A_658 : i32
      scf.if %cond3A_659 {
        %dma_wait3A_1095 = arith.constant 7 : i32
        %dma_wait3A_1096 = arith.constant 0 : i32
        %dma_wait3A_1097 = tpu.memref_slice %arg10[%select_n3A_254, %dma_wait3A_1095, %dma_wait3A_1096] : memref<2x16x16xi32, #tpu.memory_space<vmem>> -> memref<1x1x16xi32, #tpu.memory_space<vmem>>
        %dma_wait3A_1098 = tpu.memref_squeeze %dma_wait3A_1097 : memref<1x1x16xi32, #tpu.memory_space<vmem>> -> memref<16xi32, #tpu.memory_space<vmem>>
        %dma_wait3A_1099 = arith.constant 0 : i32
        %dma_wait3A_1100 = arith.constant 0 : i32
        %dma_wait3A_1101 = tpu.memref_slice %arg22[%dma_wait3A_1099, %dma_wait3A_1100] : memref<10000x128xf32, #tpu.memory_space<vmem_shared>> -> memref<10000x128xf32, #tpu.memory_space<vmem_shared>>
        tpu.wait_indirect_dma semaphore(%arg39 : memref<!tpu.dma_semaphore, #tpu.memory_space<semaphore_mem>>) src(%arg18 : memref<16x128xf32, #tpu.memory_space<vmem>>) dst(%dma_wait3A_1101 : memref<10000x128xf32, #tpu.memory_space<vmem_shared>>)
      } else {
      }
      %add3A_660 = arith.constant 7 : i32
      %add3A_661 = arith.addi %add3A_624, %add3A_660 : i32
      %lt3A_662 = arith.cmpi slt, %add3A_661, %min3A_6 : i32
      %convert_element_type3A_663 = arith.extui %lt3A_662 : i1 to i32
      %cond3A_664 = arith.constant 0 : i32
      %cond3A_665 = arith.cmpi ne, %convert_element_type3A_663, %cond3A_664 : i32
      scf.if %cond3A_665 {
        %dma_start3A_1095 = arith.constant 14 : i32
        %dma_start3A_1096 = arith.constant 0 : i32
        %dma_start3A_1097 = tpu.memref_slice %arg9[%select_n3A_254, %dma_start3A_1095, %dma_start3A_1096] : memref<2x16x16xi32, #tpu.memory_space<vmem>> -> memref<1x1x16xi32, #tpu.memory_space<vmem>>
        %dma_start3A_1098 = tpu.memref_squeeze %dma_start3A_1097 : memref<1x1x16xi32, #tpu.memory_space<vmem>> -> memref<16xi32, #tpu.memory_space<vmem>>
        %dma_start3A_1099 = arith.constant 0 : i32
        %dma_start3A_1100 = arith.constant 0 : i32
        %dma_start3A_1101 = tpu.memref_slice %arg2[%dma_start3A_1099, %dma_start3A_1100] : memref<10000x128xf32, #tpu.memory_space<hbm>> -> memref<10000x128xf32, #tpu.memory_space<hbm>>
        tpu.enqueue_indirect_dma source(%dma_start3A_1101 : memref<10000x128xf32, #tpu.memory_space<hbm>>) target(%arg18 : memref<16x128xf32, #tpu.memory_space<vmem>>) offsets(%dma_start3A_1098 : memref<16xi32, #tpu.memory_space<vmem>>) semaphore(%arg31 : memref<!tpu.dma_semaphore, #tpu.memory_space<semaphore_mem>>)
      } else {
      }
      %dma_start3A_666 = arith.constant 7 : i32
      %dma_start3A_667 = arith.constant 0 : i32
      %dma_start3A_668 = tpu.memref_slice %arg10[%select_n3A_254, %dma_start3A_666, %dma_start3A_667] : memref<2x16x16xi32, #tpu.memory_space<vmem>> -> memref<1x1x16xi32, #tpu.memory_space<vmem>>
      %dma_start3A_669 = tpu.memref_squeeze %dma_start3A_668 : memref<1x1x16xi32, #tpu.memory_space<vmem>> -> memref<16xi32, #tpu.memory_space<vmem>>
      %dma_start3A_670 = arith.constant 0 : i32
      %dma_start3A_671 = arith.constant 0 : i32
      %dma_start3A_672 = tpu.memref_slice %arg22[%dma_start3A_670, %dma_start3A_671] : memref<10000x128xf32, #tpu.memory_space<vmem_shared>> -> memref<10000x128xf32, #tpu.memory_space<vmem_shared>>
      tpu.enqueue_indirect_dma source(%arg19 : memref<16x128xf32, #tpu.memory_space<vmem>>) target(%dma_start3A_672 : memref<10000x128xf32, #tpu.memory_space<vmem_shared>>) offsets(%dma_start3A_669 : memref<16xi32, #tpu.memory_space<vmem>>) semaphore(%arg40 : memref<!tpu.dma_semaphore, #tpu.memory_space<semaphore_mem>>) {add = true}
      %mul3A_673 = arith.constant 16 : i32
      %mul3A_674 = arith.muli %while3A_239, %mul3A_673 : i32
      %add3A_675 = arith.constant 8 : i32
      %add3A_676 = arith.addi %mul3A_674, %add3A_675 : i32
      %get3A_677 = arith.constant 8 : i32
      %get3A_678 = arith.index_cast %select_n3A_254 : i32 to index
      %get3A_679 = arith.index_cast %get3A_677 : i32 to index
      %get3A_680 = arith.constant 0 : index
      %get3A_681 = tpu.vector_load %arg9[%get3A_678, %get3A_679, %get3A_680] {strides = array<i32>} : memref<2x16x16xi32, #tpu.memory_space<vmem>>, vector<16xi32>,
      %get3A_682 = arith.constant 8 : i32
      %get3A_683 = arith.index_cast %select_n3A_254 : i32 to index
      %get3A_684 = arith.index_cast %get3A_682 : i32 to index
      %get3A_685 = arith.constant 0 : index
      %get3A_686 = tpu.vector_load %arg10[%get3A_683, %get3A_684, %get3A_685] {strides = array<i32>} : memref<2x16x16xi32, #tpu.memory_space<vmem>>, vector<16xi32>,
      %shift_right_logical3A_687 = arith.constant 7 : i32
      %shift_right_logical3A_688 = vector.broadcast %shift_right_logical3A_687 : i32 to vector<16xi32>
      %shift_right_logical3A_689 = arith.shrui %get3A_681, %shift_right_logical3A_688 : vector<16xi32>
      %and3A_690 = arith.constant 127 : i32
      %and3A_691 = vector.broadcast %and3A_690 : i32 to vector<16xi32>
      %and3A_692 = arith.andi %get3A_681, %and3A_691 : vector<16xi32>
      %gather3A_693 = tpu.vector_load_idx %arg20[%shift_right_logical3A_689, %and3A_692] : memref<80x128xf32, #tpu.memory_space<vmem>>[vector<16xi32>, vector<16xi32>], vector<16xf32>,
      %shift_right_logical3A_694 = arith.constant 7 : i32
      %shift_right_logical3A_695 = vector.broadcast %shift_right_logical3A_694 : i32 to vector<16xi32>
      %shift_right_logical3A_696 = arith.shrui %get3A_686, %shift_right_logical3A_695 : vector<16xi32>
      %and3A_697 = arith.constant 127 : i32
      %and3A_698 = vector.broadcast %and3A_697 : i32 to vector<16xi32>
      %and3A_699 = arith.andi %get3A_686, %and3A_698 : vector<16xi32>
      tpu.vector_store_idx %arg21[%shift_right_logical3A_696, %and3A_699], %gather3A_693 {add = true} : memref<80x128xf32, #tpu.memory_space<vmem>>[vector<16xi32>, vector<16xi32>], vector<16xf32>,
      %dma_wait3A_700 = arith.constant 8 : i32
      %dma_wait3A_701 = arith.constant 0 : i32
      %dma_wait3A_702 = tpu.memref_slice %arg9[%select_n3A_254, %dma_wait3A_700, %dma_wait3A_701] : memref<2x16x16xi32, #tpu.memory_space<vmem>> -> memref<1x1x16xi32, #tpu.memory_space<vmem>>
      %dma_wait3A_703 = tpu.memref_squeeze %dma_wait3A_702 : memref<1x1x16xi32, #tpu.memory_space<vmem>> -> memref<16xi32, #tpu.memory_space<vmem>>
      %dma_wait3A_704 = arith.constant 0 : i32
      %dma_wait3A_705 = arith.constant 0 : i32
      %dma_wait3A_706 = tpu.memref_slice %arg2[%dma_wait3A_704, %dma_wait3A_705] : memref<10000x128xf32, #tpu.memory_space<hbm>> -> memref<10000x128xf32, #tpu.memory_space<hbm>>
      tpu.wait_indirect_dma semaphore(%arg25 : memref<!tpu.dma_semaphore, #tpu.memory_space<semaphore_mem>>) src(%dma_wait3A_706 : memref<10000x128xf32, #tpu.memory_space<hbm>>) dst(%arg12 : memref<16x128xf32, #tpu.memory_space<vmem>>)
      %ge3A_707 = arith.constant 1 : i32
      %ge3A_708 = arith.cmpi sge, %add3A_676, %ge3A_707 : i32
      %convert_element_type3A_709 = arith.extui %ge3A_708 : i1 to i32
      %cond3A_710 = arith.constant 0 : i32
      %cond3A_711 = arith.cmpi ne, %convert_element_type3A_709, %cond3A_710 : i32
      scf.if %cond3A_711 {
        %dma_wait3A_1095 = arith.constant 8 : i32
        %dma_wait3A_1096 = arith.constant 0 : i32
        %dma_wait3A_1097 = tpu.memref_slice %arg10[%select_n3A_254, %dma_wait3A_1095, %dma_wait3A_1096] : memref<2x16x16xi32, #tpu.memory_space<vmem>> -> memref<1x1x16xi32, #tpu.memory_space<vmem>>
        %dma_wait3A_1098 = tpu.memref_squeeze %dma_wait3A_1097 : memref<1x1x16xi32, #tpu.memory_space<vmem>> -> memref<16xi32, #tpu.memory_space<vmem>>
        %dma_wait3A_1099 = arith.constant 0 : i32
        %dma_wait3A_1100 = arith.constant 0 : i32
        %dma_wait3A_1101 = tpu.memref_slice %arg22[%dma_wait3A_1099, %dma_wait3A_1100] : memref<10000x128xf32, #tpu.memory_space<vmem_shared>> -> memref<10000x128xf32, #tpu.memory_space<vmem_shared>>
        tpu.wait_indirect_dma semaphore(%arg40 : memref<!tpu.dma_semaphore, #tpu.memory_space<semaphore_mem>>) src(%arg19 : memref<16x128xf32, #tpu.memory_space<vmem>>) dst(%dma_wait3A_1101 : memref<10000x128xf32, #tpu.memory_space<vmem_shared>>)
      } else {
      }
      %add3A_712 = arith.constant 7 : i32
      %add3A_713 = arith.addi %add3A_676, %add3A_712 : i32
      %lt3A_714 = arith.cmpi slt, %add3A_713, %min3A_6 : i32
      %convert_element_type3A_715 = arith.extui %lt3A_714 : i1 to i32
      %cond3A_716 = arith.constant 0 : i32
      %cond3A_717 = arith.cmpi ne, %convert_element_type3A_715, %cond3A_716 : i32
      scf.if %cond3A_717 {
        %dma_start3A_1095 = arith.constant 15 : i32
        %dma_start3A_1096 = arith.constant 0 : i32
        %dma_start3A_1097 = tpu.memref_slice %arg9[%select_n3A_254, %dma_start3A_1095, %dma_start3A_1096] : memref<2x16x16xi32, #tpu.memory_space<vmem>> -> memref<1x1x16xi32, #tpu.memory_space<vmem>>
        %dma_start3A_1098 = tpu.memref_squeeze %dma_start3A_1097 : memref<1x1x16xi32, #tpu.memory_space<vmem>> -> memref<16xi32, #tpu.memory_space<vmem>>
        %dma_start3A_1099 = arith.constant 0 : i32
        %dma_start3A_1100 = arith.constant 0 : i32
        %dma_start3A_1101 = tpu.memref_slice %arg2[%dma_start3A_1099, %dma_start3A_1100] : memref<10000x128xf32, #tpu.memory_space<hbm>> -> memref<10000x128xf32, #tpu.memory_space<hbm>>
        tpu.enqueue_indirect_dma source(%dma_start3A_1101 : memref<10000x128xf32, #tpu.memory_space<hbm>>) target(%arg19 : memref<16x128xf32, #tpu.memory_space<vmem>>) offsets(%dma_start3A_1098 : memref<16xi32, #tpu.memory_space<vmem>>) semaphore(%arg32 : memref<!tpu.dma_semaphore, #tpu.memory_space<semaphore_mem>>)
      } else {
      }
      %dma_start3A_718 = arith.constant 8 : i32
      %dma_start3A_719 = arith.constant 0 : i32
      %dma_start3A_720 = tpu.memref_slice %arg10[%select_n3A_254, %dma_start3A_718, %dma_start3A_719] : memref<2x16x16xi32, #tpu.memory_space<vmem>> -> memref<1x1x16xi32, #tpu.memory_space<vmem>>
      %dma_start3A_721 = tpu.memref_squeeze %dma_start3A_720 : memref<1x1x16xi32, #tpu.memory_space<vmem>> -> memref<16xi32, #tpu.memory_space<vmem>>
      %dma_start3A_722 = arith.constant 0 : i32
      %dma_start3A_723 = arith.constant 0 : i32
      %dma_start3A_724 = tpu.memref_slice %arg22[%dma_start3A_722, %dma_start3A_723] : memref<10000x128xf32, #tpu.memory_space<vmem_shared>> -> memref<10000x128xf32, #tpu.memory_space<vmem_shared>>
      tpu.enqueue_indirect_dma source(%arg12 : memref<16x128xf32, #tpu.memory_space<vmem>>) target(%dma_start3A_724 : memref<10000x128xf32, #tpu.memory_space<vmem_shared>>) offsets(%dma_start3A_721 : memref<16xi32, #tpu.memory_space<vmem>>) semaphore(%arg33 : memref<!tpu.dma_semaphore, #tpu.memory_space<semaphore_mem>>) {add = true}
      %mul3A_725 = arith.constant 16 : i32
      %mul3A_726 = arith.muli %while3A_239, %mul3A_725 : i32
      %add3A_727 = arith.constant 9 : i32
      %add3A_728 = arith.addi %mul3A_726, %add3A_727 : i32
      %add3A_729 = arith.constant 1 : i32
      %add3A_730 = arith.addi %while3A_239, %add3A_729 : i32
      %lt3A_731 = arith.cmpi slt, %add3A_730, %select_n3A_80 : i32
      %convert_element_type3A_732 = arith.extui %lt3A_731 : i1 to i32
      %cond3A_733 = arith.constant 0 : i32
      %cond3A_734 = arith.cmpi ne, %convert_element_type3A_732, %cond3A_733 : i32
      scf.if %cond3A_734 {
        %add3A_1095 = arith.constant 1 : i32
        %add3A_1096 = arith.addi %while3A_239, %add3A_1095 : i32
        %sub3A_1097 = arith.constant 1 : i32
        %sub3A_1098 = arith.subi %sub3A_1097, %select_n3A_254 : i32
        %mul3A_1099 = arith.constant 16 : i32
        %mul3A_1100 = arith.muli %add3A_1096, %mul3A_1099 : i32
        %add3A_1101 = arith.addi %mul3A_2, %mul3A_1100 : i32
        %dma_wait3A_1102 = arith.constant 0 : i32
        %dma_wait3A_1103 = arith.constant 0 : i32
        %dma_wait3A_1104 = tpu.memref_slice %arg9[%sub3A_1098, %dma_wait3A_1102, %dma_wait3A_1103] : memref<2x16x16xi32, #tpu.memory_space<vmem>> -> memref<1x16x16xi32, #tpu.memory_space<vmem>>
        %dma_wait3A_1105 = tpu.memref_squeeze %dma_wait3A_1104 : memref<1x16x16xi32, #tpu.memory_space<vmem>> -> memref<16x16xi32, #tpu.memory_space<vmem>>
        %dma_wait3A_1106 = arith.constant 0 : i32
        %dma_wait3A_1107 = tpu.memref_slice %arg4[%add3A_1101, %dma_wait3A_1106] : memref<20000x16xi32, #tpu.memory_space<hbm>> -> memref<16x16xi32, #tpu.memory_space<hbm>>
        %dma_wait3A_1108 = arith.constant 0 : i32
        %dma_wait3A_1109 = arith.constant 0 : i32
        %dma_wait3A_1110 = tpu.memref_slice %arg9[%sub3A_1098, %dma_wait3A_1108, %dma_wait3A_1109] : memref<2x16x16xi32, #tpu.memory_space<vmem>> -> memref<1x16x16xi32, #tpu.memory_space<vmem>>
        %dma_wait3A_1111 = tpu.memref_squeeze %dma_wait3A_1110 : memref<1x16x16xi32, #tpu.memory_space<vmem>> -> memref<16x16xi32, #tpu.memory_space<vmem>>
        %dma_wait3A_1112 = arith.constant 0 : i32
        %dma_wait3A_1113 = tpu.memref_slice %arg4[%add3A_1101, %dma_wait3A_1112] : memref<20000x16xi32, #tpu.memory_space<hbm>> -> memref<16x16xi32, #tpu.memory_space<hbm>>
        tpu.wait_dma2 semaphore(%arg24 : memref<!tpu.dma_semaphore, #tpu.memory_space<semaphore_mem>>) src(%dma_wait3A_1113 : memref<16x16xi32, #tpu.memory_space<hbm>>) dst(%dma_wait3A_1111 : memref<16x16xi32, #tpu.memory_space<vmem>>)
        %add3A_1114 = arith.addi %mul3A_2, %mul3A_1100 : i32
        %dma_wait3A_1115 = arith.constant 0 : i32
        %dma_wait3A_1116 = arith.constant 0 : i32
        %dma_wait3A_1117 = tpu.memref_slice %arg10[%sub3A_1098, %dma_wait3A_1115, %dma_wait3A_1116] : memref<2x16x16xi32, #tpu.memory_space<vmem>> -> memref<1x16x16xi32, #tpu.memory_space<vmem>>
        %dma_wait3A_1118 = tpu.memref_squeeze %dma_wait3A_1117 : memref<1x16x16xi32, #tpu.memory_space<vmem>> -> memref<16x16xi32, #tpu.memory_space<vmem>>
        %dma_wait3A_1119 = arith.constant 0 : i32
        %dma_wait3A_1120 = tpu.memref_slice %arg5[%add3A_1114, %dma_wait3A_1119] : memref<20000x16xi32, #tpu.memory_space<hbm>> -> memref<16x16xi32, #tpu.memory_space<hbm>>
        %dma_wait3A_1121 = arith.constant 0 : i32
        %dma_wait3A_1122 = arith.constant 0 : i32
        %dma_wait3A_1123 = tpu.memref_slice %arg10[%sub3A_1098, %dma_wait3A_1121, %dma_wait3A_1122] : memref<2x16x16xi32, #tpu.memory_space<vmem>> -> memref<1x16x16xi32, #tpu.memory_space<vmem>>
        %dma_wait3A_1124 = tpu.memref_squeeze %dma_wait3A_1123 : memref<1x16x16xi32, #tpu.memory_space<vmem>> -> memref<16x16xi32, #tpu.memory_space<vmem>>
        %dma_wait3A_1125 = arith.constant 0 : i32
        %dma_wait3A_1126 = tpu.memref_slice %arg5[%add3A_1114, %dma_wait3A_1125] : memref<20000x16xi32, #tpu.memory_space<hbm>> -> memref<16x16xi32, #tpu.memory_space<hbm>>
        tpu.wait_dma2 semaphore(%arg24 : memref<!tpu.dma_semaphore, #tpu.memory_space<semaphore_mem>>) src(%dma_wait3A_1126 : memref<16x16xi32, #tpu.memory_space<hbm>>) dst(%dma_wait3A_1124 : memref<16x16xi32, #tpu.memory_space<vmem>>)
      } else {
      }
      %get3A_735 = arith.constant 9 : i32
      %get3A_736 = arith.index_cast %select_n3A_254 : i32 to index
      %get3A_737 = arith.index_cast %get3A_735 : i32 to index
      %get3A_738 = arith.constant 0 : index
      %get3A_739 = tpu.vector_load %arg9[%get3A_736, %get3A_737, %get3A_738] {strides = array<i32>} : memref<2x16x16xi32, #tpu.memory_space<vmem>>, vector<16xi32>,
      %get3A_740 = arith.constant 9 : i32
      %get3A_741 = arith.index_cast %select_n3A_254 : i32 to index
      %get3A_742 = arith.index_cast %get3A_740 : i32 to index
      %get3A_743 = arith.constant 0 : index
      %get3A_744 = tpu.vector_load %arg10[%get3A_741, %get3A_742, %get3A_743] {strides = array<i32>} : memref<2x16x16xi32, #tpu.memory_space<vmem>>, vector<16xi32>,
      %shift_right_logical3A_745 = arith.constant 7 : i32
      %shift_right_logical3A_746 = vector.broadcast %shift_right_logical3A_745 : i32 to vector<16xi32>
      %shift_right_logical3A_747 = arith.shrui %get3A_739, %shift_right_logical3A_746 : vector<16xi32>
      %and3A_748 = arith.constant 127 : i32
      %and3A_749 = vector.broadcast %and3A_748 : i32 to vector<16xi32>
      %and3A_750 = arith.andi %get3A_739, %and3A_749 : vector<16xi32>
      %gather3A_751 = tpu.vector_load_idx %arg20[%shift_right_logical3A_747, %and3A_750] : memref<80x128xf32, #tpu.memory_space<vmem>>[vector<16xi32>, vector<16xi32>], vector<16xf32>,
      %shift_right_logical3A_752 = arith.constant 7 : i32
      %shift_right_logical3A_753 = vector.broadcast %shift_right_logical3A_752 : i32 to vector<16xi32>
      %shift_right_logical3A_754 = arith.shrui %get3A_744, %shift_right_logical3A_753 : vector<16xi32>
      %and3A_755 = arith.constant 127 : i32
      %and3A_756 = vector.broadcast %and3A_755 : i32 to vector<16xi32>
      %and3A_757 = arith.andi %get3A_744, %and3A_756 : vector<16xi32>
      tpu.vector_store_idx %arg21[%shift_right_logical3A_754, %and3A_757], %gather3A_751 {add = true} : memref<80x128xf32, #tpu.memory_space<vmem>>[vector<16xi32>, vector<16xi32>], vector<16xf32>,
      %dma_wait3A_758 = arith.constant 9 : i32
      %dma_wait3A_759 = arith.constant 0 : i32
      %dma_wait3A_760 = tpu.memref_slice %arg9[%select_n3A_254, %dma_wait3A_758, %dma_wait3A_759] : memref<2x16x16xi32, #tpu.memory_space<vmem>> -> memref<1x1x16xi32, #tpu.memory_space<vmem>>
      %dma_wait3A_761 = tpu.memref_squeeze %dma_wait3A_760 : memref<1x1x16xi32, #tpu.memory_space<vmem>> -> memref<16xi32, #tpu.memory_space<vmem>>
      %dma_wait3A_762 = arith.constant 0 : i32
      %dma_wait3A_763 = arith.constant 0 : i32
      %dma_wait3A_764 = tpu.memref_slice %arg2[%dma_wait3A_762, %dma_wait3A_763] : memref<10000x128xf32, #tpu.memory_space<hbm>> -> memref<10000x128xf32, #tpu.memory_space<hbm>>
      tpu.wait_indirect_dma semaphore(%arg26 : memref<!tpu.dma_semaphore, #tpu.memory_space<semaphore_mem>>) src(%dma_wait3A_764 : memref<10000x128xf32, #tpu.memory_space<hbm>>) dst(%arg13 : memref<16x128xf32, #tpu.memory_space<vmem>>)
      %ge3A_765 = arith.constant 1 : i32
      %ge3A_766 = arith.cmpi sge, %add3A_728, %ge3A_765 : i32
      %convert_element_type3A_767 = arith.extui %ge3A_766 : i1 to i32
      %cond3A_768 = arith.constant 0 : i32
      %cond3A_769 = arith.cmpi ne, %convert_element_type3A_767, %cond3A_768 : i32
      scf.if %cond3A_769 {
        %dma_wait3A_1095 = arith.constant 9 : i32
        %dma_wait3A_1096 = arith.constant 0 : i32
        %dma_wait3A_1097 = tpu.memref_slice %arg10[%select_n3A_254, %dma_wait3A_1095, %dma_wait3A_1096] : memref<2x16x16xi32, #tpu.memory_space<vmem>> -> memref<1x1x16xi32, #tpu.memory_space<vmem>>
        %dma_wait3A_1098 = tpu.memref_squeeze %dma_wait3A_1097 : memref<1x1x16xi32, #tpu.memory_space<vmem>> -> memref<16xi32, #tpu.memory_space<vmem>>
        %dma_wait3A_1099 = arith.constant 0 : i32
        %dma_wait3A_1100 = arith.constant 0 : i32
        %dma_wait3A_1101 = tpu.memref_slice %arg22[%dma_wait3A_1099, %dma_wait3A_1100] : memref<10000x128xf32, #tpu.memory_space<vmem_shared>> -> memref<10000x128xf32, #tpu.memory_space<vmem_shared>>
        tpu.wait_indirect_dma semaphore(%arg33 : memref<!tpu.dma_semaphore, #tpu.memory_space<semaphore_mem>>) src(%arg12 : memref<16x128xf32, #tpu.memory_space<vmem>>) dst(%dma_wait3A_1101 : memref<10000x128xf32, #tpu.memory_space<vmem_shared>>)
      } else {
      }
      %add3A_770 = arith.constant 7 : i32
      %add3A_771 = arith.addi %add3A_728, %add3A_770 : i32
      %lt3A_772 = arith.cmpi slt, %add3A_771, %min3A_6 : i32
      %convert_element_type3A_773 = arith.extui %lt3A_772 : i1 to i32
      %cond3A_774 = arith.constant 0 : i32
      %cond3A_775 = arith.cmpi ne, %convert_element_type3A_773, %cond3A_774 : i32
      scf.if %cond3A_775 {
        %sub3A_1095 = arith.constant 1 : i32
        %sub3A_1096 = arith.subi %sub3A_1095, %select_n3A_254 : i32
        %dma_start3A_1097 = arith.constant 0 : i32
        %dma_start3A_1098 = arith.constant 0 : i32
        %dma_start3A_1099 = tpu.memref_slice %arg9[%sub3A_1096, %dma_start3A_1097, %dma_start3A_1098] : memref<2x16x16xi32, #tpu.memory_space<vmem>> -> memref<1x1x16xi32, #tpu.memory_space<vmem>>
        %dma_start3A_1100 = tpu.memref_squeeze %dma_start3A_1099 : memref<1x1x16xi32, #tpu.memory_space<vmem>> -> memref<16xi32, #tpu.memory_space<vmem>>
        %dma_start3A_1101 = arith.constant 0 : i32
        %dma_start3A_1102 = arith.constant 0 : i32
        %dma_start3A_1103 = tpu.memref_slice %arg2[%dma_start3A_1101, %dma_start3A_1102] : memref<10000x128xf32, #tpu.memory_space<hbm>> -> memref<10000x128xf32, #tpu.memory_space<hbm>>
        tpu.enqueue_indirect_dma source(%dma_start3A_1103 : memref<10000x128xf32, #tpu.memory_space<hbm>>) target(%arg12 : memref<16x128xf32, #tpu.memory_space<vmem>>) offsets(%dma_start3A_1100 : memref<16xi32, #tpu.memory_space<vmem>>) semaphore(%arg25 : memref<!tpu.dma_semaphore, #tpu.memory_space<semaphore_mem>>)
      } else {
      }
      %dma_start3A_776 = arith.constant 9 : i32
      %dma_start3A_777 = arith.constant 0 : i32
      %dma_start3A_778 = tpu.memref_slice %arg10[%select_n3A_254, %dma_start3A_776, %dma_start3A_777] : memref<2x16x16xi32, #tpu.memory_space<vmem>> -> memref<1x1x16xi32, #tpu.memory_space<vmem>>
      %dma_start3A_779 = tpu.memref_squeeze %dma_start3A_778 : memref<1x1x16xi32, #tpu.memory_space<vmem>> -> memref<16xi32, #tpu.memory_space<vmem>>
      %dma_start3A_780 = arith.constant 0 : i32
      %dma_start3A_781 = arith.constant 0 : i32
      %dma_start3A_782 = tpu.memref_slice %arg22[%dma_start3A_780, %dma_start3A_781] : memref<10000x128xf32, #tpu.memory_space<vmem_shared>> -> memref<10000x128xf32, #tpu.memory_space<vmem_shared>>
      tpu.enqueue_indirect_dma source(%arg13 : memref<16x128xf32, #tpu.memory_space<vmem>>) target(%dma_start3A_782 : memref<10000x128xf32, #tpu.memory_space<vmem_shared>>) offsets(%dma_start3A_779 : memref<16xi32, #tpu.memory_space<vmem>>) semaphore(%arg34 : memref<!tpu.dma_semaphore, #tpu.memory_space<semaphore_mem>>) {add = true}
      %mul3A_783 = arith.constant 16 : i32
      %mul3A_784 = arith.muli %while3A_239, %mul3A_783 : i32
      %add3A_785 = arith.constant 10 : i32
      %add3A_786 = arith.addi %mul3A_784, %add3A_785 : i32
      %get3A_787 = arith.constant 10 : i32
      %get3A_788 = arith.index_cast %select_n3A_254 : i32 to index
      %get3A_789 = arith.index_cast %get3A_787 : i32 to index
      %get3A_790 = arith.constant 0 : index
      %get3A_791 = tpu.vector_load %arg9[%get3A_788, %get3A_789, %get3A_790] {strides = array<i32>} : memref<2x16x16xi32, #tpu.memory_space<vmem>>, vector<16xi32>,
      %get3A_792 = arith.constant 10 : i32
      %get3A_793 = arith.index_cast %select_n3A_254 : i32 to index
      %get3A_794 = arith.index_cast %get3A_792 : i32 to index
      %get3A_795 = arith.constant 0 : index
      %get3A_796 = tpu.vector_load %arg10[%get3A_793, %get3A_794, %get3A_795] {strides = array<i32>} : memref<2x16x16xi32, #tpu.memory_space<vmem>>, vector<16xi32>,
      %shift_right_logical3A_797 = arith.constant 7 : i32
      %shift_right_logical3A_798 = vector.broadcast %shift_right_logical3A_797 : i32 to vector<16xi32>
      %shift_right_logical3A_799 = arith.shrui %get3A_791, %shift_right_logical3A_798 : vector<16xi32>
      %and3A_800 = arith.constant 127 : i32
      %and3A_801 = vector.broadcast %and3A_800 : i32 to vector<16xi32>
      %and3A_802 = arith.andi %get3A_791, %and3A_801 : vector<16xi32>
      %gather3A_803 = tpu.vector_load_idx %arg20[%shift_right_logical3A_799, %and3A_802] : memref<80x128xf32, #tpu.memory_space<vmem>>[vector<16xi32>, vector<16xi32>], vector<16xf32>,
      %shift_right_logical3A_804 = arith.constant 7 : i32
      %shift_right_logical3A_805 = vector.broadcast %shift_right_logical3A_804 : i32 to vector<16xi32>
      %shift_right_logical3A_806 = arith.shrui %get3A_796, %shift_right_logical3A_805 : vector<16xi32>
      %and3A_807 = arith.constant 127 : i32
      %and3A_808 = vector.broadcast %and3A_807 : i32 to vector<16xi32>
      %and3A_809 = arith.andi %get3A_796, %and3A_808 : vector<16xi32>
      tpu.vector_store_idx %arg21[%shift_right_logical3A_806, %and3A_809], %gather3A_803 {add = true} : memref<80x128xf32, #tpu.memory_space<vmem>>[vector<16xi32>, vector<16xi32>], vector<16xf32>,
      %dma_wait3A_810 = arith.constant 10 : i32
      %dma_wait3A_811 = arith.constant 0 : i32
      %dma_wait3A_812 = tpu.memref_slice %arg9[%select_n3A_254, %dma_wait3A_810, %dma_wait3A_811] : memref<2x16x16xi32, #tpu.memory_space<vmem>> -> memref<1x1x16xi32, #tpu.memory_space<vmem>>
      %dma_wait3A_813 = tpu.memref_squeeze %dma_wait3A_812 : memref<1x1x16xi32, #tpu.memory_space<vmem>> -> memref<16xi32, #tpu.memory_space<vmem>>
      %dma_wait3A_814 = arith.constant 0 : i32
      %dma_wait3A_815 = arith.constant 0 : i32
      %dma_wait3A_816 = tpu.memref_slice %arg2[%dma_wait3A_814, %dma_wait3A_815] : memref<10000x128xf32, #tpu.memory_space<hbm>> -> memref<10000x128xf32, #tpu.memory_space<hbm>>
      tpu.wait_indirect_dma semaphore(%arg27 : memref<!tpu.dma_semaphore, #tpu.memory_space<semaphore_mem>>) src(%dma_wait3A_816 : memref<10000x128xf32, #tpu.memory_space<hbm>>) dst(%arg14 : memref<16x128xf32, #tpu.memory_space<vmem>>)
      %ge3A_817 = arith.constant 1 : i32
      %ge3A_818 = arith.cmpi sge, %add3A_786, %ge3A_817 : i32
      %convert_element_type3A_819 = arith.extui %ge3A_818 : i1 to i32
      %cond3A_820 = arith.constant 0 : i32
      %cond3A_821 = arith.cmpi ne, %convert_element_type3A_819, %cond3A_820 : i32
      scf.if %cond3A_821 {
        %dma_wait3A_1095 = arith.constant 10 : i32
        %dma_wait3A_1096 = arith.constant 0 : i32
        %dma_wait3A_1097 = tpu.memref_slice %arg10[%select_n3A_254, %dma_wait3A_1095, %dma_wait3A_1096] : memref<2x16x16xi32, #tpu.memory_space<vmem>> -> memref<1x1x16xi32, #tpu.memory_space<vmem>>
        %dma_wait3A_1098 = tpu.memref_squeeze %dma_wait3A_1097 : memref<1x1x16xi32, #tpu.memory_space<vmem>> -> memref<16xi32, #tpu.memory_space<vmem>>
        %dma_wait3A_1099 = arith.constant 0 : i32
        %dma_wait3A_1100 = arith.constant 0 : i32
        %dma_wait3A_1101 = tpu.memref_slice %arg22[%dma_wait3A_1099, %dma_wait3A_1100] : memref<10000x128xf32, #tpu.memory_space<vmem_shared>> -> memref<10000x128xf32, #tpu.memory_space<vmem_shared>>
        tpu.wait_indirect_dma semaphore(%arg34 : memref<!tpu.dma_semaphore, #tpu.memory_space<semaphore_mem>>) src(%arg13 : memref<16x128xf32, #tpu.memory_space<vmem>>) dst(%dma_wait3A_1101 : memref<10000x128xf32, #tpu.memory_space<vmem_shared>>)
      } else {
      }
      %add3A_822 = arith.constant 7 : i32
      %add3A_823 = arith.addi %add3A_786, %add3A_822 : i32
      %lt3A_824 = arith.cmpi slt, %add3A_823, %min3A_6 : i32
      %convert_element_type3A_825 = arith.extui %lt3A_824 : i1 to i32
      %cond3A_826 = arith.constant 0 : i32
      %cond3A_827 = arith.cmpi ne, %convert_element_type3A_825, %cond3A_826 : i32
      scf.if %cond3A_827 {
        %sub3A_1095 = arith.constant 1 : i32
        %sub3A_1096 = arith.subi %sub3A_1095, %select_n3A_254 : i32
        %dma_start3A_1097 = arith.constant 1 : i32
        %dma_start3A_1098 = arith.constant 0 : i32
        %dma_start3A_1099 = tpu.memref_slice %arg9[%sub3A_1096, %dma_start3A_1097, %dma_start3A_1098] : memref<2x16x16xi32, #tpu.memory_space<vmem>> -> memref<1x1x16xi32, #tpu.memory_space<vmem>>
        %dma_start3A_1100 = tpu.memref_squeeze %dma_start3A_1099 : memref<1x1x16xi32, #tpu.memory_space<vmem>> -> memref<16xi32, #tpu.memory_space<vmem>>
        %dma_start3A_1101 = arith.constant 0 : i32
        %dma_start3A_1102 = arith.constant 0 : i32
        %dma_start3A_1103 = tpu.memref_slice %arg2[%dma_start3A_1101, %dma_start3A_1102] : memref<10000x128xf32, #tpu.memory_space<hbm>> -> memref<10000x128xf32, #tpu.memory_space<hbm>>
        tpu.enqueue_indirect_dma source(%dma_start3A_1103 : memref<10000x128xf32, #tpu.memory_space<hbm>>) target(%arg13 : memref<16x128xf32, #tpu.memory_space<vmem>>) offsets(%dma_start3A_1100 : memref<16xi32, #tpu.memory_space<vmem>>) semaphore(%arg26 : memref<!tpu.dma_semaphore, #tpu.memory_space<semaphore_mem>>)
      } else {
      }
      %dma_start3A_828 = arith.constant 10 : i32
      %dma_start3A_829 = arith.constant 0 : i32
      %dma_start3A_830 = tpu.memref_slice %arg10[%select_n3A_254, %dma_start3A_828, %dma_start3A_829] : memref<2x16x16xi32, #tpu.memory_space<vmem>> -> memref<1x1x16xi32, #tpu.memory_space<vmem>>
      %dma_start3A_831 = tpu.memref_squeeze %dma_start3A_830 : memref<1x1x16xi32, #tpu.memory_space<vmem>> -> memref<16xi32, #tpu.memory_space<vmem>>
      %dma_start3A_832 = arith.constant 0 : i32
      %dma_start3A_833 = arith.constant 0 : i32
      %dma_start3A_834 = tpu.memref_slice %arg22[%dma_start3A_832, %dma_start3A_833] : memref<10000x128xf32, #tpu.memory_space<vmem_shared>> -> memref<10000x128xf32, #tpu.memory_space<vmem_shared>>
      tpu.enqueue_indirect_dma source(%arg14 : memref<16x128xf32, #tpu.memory_space<vmem>>) target(%dma_start3A_834 : memref<10000x128xf32, #tpu.memory_space<vmem_shared>>) offsets(%dma_start3A_831 : memref<16xi32, #tpu.memory_space<vmem>>) semaphore(%arg35 : memref<!tpu.dma_semaphore, #tpu.memory_space<semaphore_mem>>) {add = true}
      %mul3A_835 = arith.constant 16 : i32
      %mul3A_836 = arith.muli %while3A_239, %mul3A_835 : i32
      %add3A_837 = arith.constant 11 : i32
      %add3A_838 = arith.addi %mul3A_836, %add3A_837 : i32
      %get3A_839 = arith.constant 11 : i32
      %get3A_840 = arith.index_cast %select_n3A_254 : i32 to index
      %get3A_841 = arith.index_cast %get3A_839 : i32 to index
      %get3A_842 = arith.constant 0 : index
      %get3A_843 = tpu.vector_load %arg9[%get3A_840, %get3A_841, %get3A_842] {strides = array<i32>} : memref<2x16x16xi32, #tpu.memory_space<vmem>>, vector<16xi32>,
      %get3A_844 = arith.constant 11 : i32
      %get3A_845 = arith.index_cast %select_n3A_254 : i32 to index
      %get3A_846 = arith.index_cast %get3A_844 : i32 to index
      %get3A_847 = arith.constant 0 : index
      %get3A_848 = tpu.vector_load %arg10[%get3A_845, %get3A_846, %get3A_847] {strides = array<i32>} : memref<2x16x16xi32, #tpu.memory_space<vmem>>, vector<16xi32>,
      %shift_right_logical3A_849 = arith.constant 7 : i32
      %shift_right_logical3A_850 = vector.broadcast %shift_right_logical3A_849 : i32 to vector<16xi32>
      %shift_right_logical3A_851 = arith.shrui %get3A_843, %shift_right_logical3A_850 : vector<16xi32>
      %and3A_852 = arith.constant 127 : i32
      %and3A_853 = vector.broadcast %and3A_852 : i32 to vector<16xi32>
      %and3A_854 = arith.andi %get3A_843, %and3A_853 : vector<16xi32>
      %gather3A_855 = tpu.vector_load_idx %arg20[%shift_right_logical3A_851, %and3A_854] : memref<80x128xf32, #tpu.memory_space<vmem>>[vector<16xi32>, vector<16xi32>], vector<16xf32>,
      %shift_right_logical3A_856 = arith.constant 7 : i32
      %shift_right_logical3A_857 = vector.broadcast %shift_right_logical3A_856 : i32 to vector<16xi32>
      %shift_right_logical3A_858 = arith.shrui %get3A_848, %shift_right_logical3A_857 : vector<16xi32>
      %and3A_859 = arith.constant 127 : i32
      %and3A_860 = vector.broadcast %and3A_859 : i32 to vector<16xi32>
      %and3A_861 = arith.andi %get3A_848, %and3A_860 : vector<16xi32>
      tpu.vector_store_idx %arg21[%shift_right_logical3A_858, %and3A_861], %gather3A_855 {add = true} : memref<80x128xf32, #tpu.memory_space<vmem>>[vector<16xi32>, vector<16xi32>], vector<16xf32>,
      %dma_wait3A_862 = arith.constant 11 : i32
      %dma_wait3A_863 = arith.constant 0 : i32
      %dma_wait3A_864 = tpu.memref_slice %arg9[%select_n3A_254, %dma_wait3A_862, %dma_wait3A_863] : memref<2x16x16xi32, #tpu.memory_space<vmem>> -> memref<1x1x16xi32, #tpu.memory_space<vmem>>
      %dma_wait3A_865 = tpu.memref_squeeze %dma_wait3A_864 : memref<1x1x16xi32, #tpu.memory_space<vmem>> -> memref<16xi32, #tpu.memory_space<vmem>>
      %dma_wait3A_866 = arith.constant 0 : i32
      %dma_wait3A_867 = arith.constant 0 : i32
      %dma_wait3A_868 = tpu.memref_slice %arg2[%dma_wait3A_866, %dma_wait3A_867] : memref<10000x128xf32, #tpu.memory_space<hbm>> -> memref<10000x128xf32, #tpu.memory_space<hbm>>
      tpu.wait_indirect_dma semaphore(%arg28 : memref<!tpu.dma_semaphore, #tpu.memory_space<semaphore_mem>>) src(%dma_wait3A_868 : memref<10000x128xf32, #tpu.memory_space<hbm>>) dst(%arg15 : memref<16x128xf32, #tpu.memory_space<vmem>>)
      %ge3A_869 = arith.constant 1 : i32
      %ge3A_870 = arith.cmpi sge, %add3A_838, %ge3A_869 : i32
      %convert_element_type3A_871 = arith.extui %ge3A_870 : i1 to i32
      %cond3A_872 = arith.constant 0 : i32
      %cond3A_873 = arith.cmpi ne, %convert_element_type3A_871, %cond3A_872 : i32
      scf.if %cond3A_873 {
        %dma_wait3A_1095 = arith.constant 11 : i32
        %dma_wait3A_1096 = arith.constant 0 : i32
        %dma_wait3A_1097 = tpu.memref_slice %arg10[%select_n3A_254, %dma_wait3A_1095, %dma_wait3A_1096] : memref<2x16x16xi32, #tpu.memory_space<vmem>> -> memref<1x1x16xi32, #tpu.memory_space<vmem>>
        %dma_wait3A_1098 = tpu.memref_squeeze %dma_wait3A_1097 : memref<1x1x16xi32, #tpu.memory_space<vmem>> -> memref<16xi32, #tpu.memory_space<vmem>>
        %dma_wait3A_1099 = arith.constant 0 : i32
        %dma_wait3A_1100 = arith.constant 0 : i32
        %dma_wait3A_1101 = tpu.memref_slice %arg22[%dma_wait3A_1099, %dma_wait3A_1100] : memref<10000x128xf32, #tpu.memory_space<vmem_shared>> -> memref<10000x128xf32, #tpu.memory_space<vmem_shared>>
        tpu.wait_indirect_dma semaphore(%arg35 : memref<!tpu.dma_semaphore, #tpu.memory_space<semaphore_mem>>) src(%arg14 : memref<16x128xf32, #tpu.memory_space<vmem>>) dst(%dma_wait3A_1101 : memref<10000x128xf32, #tpu.memory_space<vmem_shared>>)
      } else {
      }
      %add3A_874 = arith.constant 7 : i32
      %add3A_875 = arith.addi %add3A_838, %add3A_874 : i32
      %lt3A_876 = arith.cmpi slt, %add3A_875, %min3A_6 : i32
      %convert_element_type3A_877 = arith.extui %lt3A_876 : i1 to i32
      %cond3A_878 = arith.constant 0 : i32
      %cond3A_879 = arith.cmpi ne, %convert_element_type3A_877, %cond3A_878 : i32
      scf.if %cond3A_879 {
        %sub3A_1095 = arith.constant 1 : i32
        %sub3A_1096 = arith.subi %sub3A_1095, %select_n3A_254 : i32
        %dma_start3A_1097 = arith.constant 2 : i32
        %dma_start3A_1098 = arith.constant 0 : i32
        %dma_start3A_1099 = tpu.memref_slice %arg9[%sub3A_1096, %dma_start3A_1097, %dma_start3A_1098] : memref<2x16x16xi32, #tpu.memory_space<vmem>> -> memref<1x1x16xi32, #tpu.memory_space<vmem>>
        %dma_start3A_1100 = tpu.memref_squeeze %dma_start3A_1099 : memref<1x1x16xi32, #tpu.memory_space<vmem>> -> memref<16xi32, #tpu.memory_space<vmem>>
        %dma_start3A_1101 = arith.constant 0 : i32
        %dma_start3A_1102 = arith.constant 0 : i32
        %dma_start3A_1103 = tpu.memref_slice %arg2[%dma_start3A_1101, %dma_start3A_1102] : memref<10000x128xf32, #tpu.memory_space<hbm>> -> memref<10000x128xf32, #tpu.memory_space<hbm>>
        tpu.enqueue_indirect_dma source(%dma_start3A_1103 : memref<10000x128xf32, #tpu.memory_space<hbm>>) target(%arg14 : memref<16x128xf32, #tpu.memory_space<vmem>>) offsets(%dma_start3A_1100 : memref<16xi32, #tpu.memory_space<vmem>>) semaphore(%arg27 : memref<!tpu.dma_semaphore, #tpu.memory_space<semaphore_mem>>)
      } else {
      }
      %dma_start3A_880 = arith.constant 11 : i32
      %dma_start3A_881 = arith.constant 0 : i32
      %dma_start3A_882 = tpu.memref_slice %arg10[%select_n3A_254, %dma_start3A_880, %dma_start3A_881] : memref<2x16x16xi32, #tpu.memory_space<vmem>> -> memref<1x1x16xi32, #tpu.memory_space<vmem>>
      %dma_start3A_883 = tpu.memref_squeeze %dma_start3A_882 : memref<1x1x16xi32, #tpu.memory_space<vmem>> -> memref<16xi32, #tpu.memory_space<vmem>>
      %dma_start3A_884 = arith.constant 0 : i32
      %dma_start3A_885 = arith.constant 0 : i32
      %dma_start3A_886 = tpu.memref_slice %arg22[%dma_start3A_884, %dma_start3A_885] : memref<10000x128xf32, #tpu.memory_space<vmem_shared>> -> memref<10000x128xf32, #tpu.memory_space<vmem_shared>>
      tpu.enqueue_indirect_dma source(%arg15 : memref<16x128xf32, #tpu.memory_space<vmem>>) target(%dma_start3A_886 : memref<10000x128xf32, #tpu.memory_space<vmem_shared>>) offsets(%dma_start3A_883 : memref<16xi32, #tpu.memory_space<vmem>>) semaphore(%arg36 : memref<!tpu.dma_semaphore, #tpu.memory_space<semaphore_mem>>) {add = true}
      %mul3A_887 = arith.constant 16 : i32
      %mul3A_888 = arith.muli %while3A_239, %mul3A_887 : i32
      %add3A_889 = arith.constant 12 : i32
      %add3A_890 = arith.addi %mul3A_888, %add3A_889 : i32
      %get3A_891 = arith.constant 12 : i32
      %get3A_892 = arith.index_cast %select_n3A_254 : i32 to index
      %get3A_893 = arith.index_cast %get3A_891 : i32 to index
      %get3A_894 = arith.constant 0 : index
      %get3A_895 = tpu.vector_load %arg9[%get3A_892, %get3A_893, %get3A_894] {strides = array<i32>} : memref<2x16x16xi32, #tpu.memory_space<vmem>>, vector<16xi32>,
      %get3A_896 = arith.constant 12 : i32
      %get3A_897 = arith.index_cast %select_n3A_254 : i32 to index
      %get3A_898 = arith.index_cast %get3A_896 : i32 to index
      %get3A_899 = arith.constant 0 : index
      %get3A_900 = tpu.vector_load %arg10[%get3A_897, %get3A_898, %get3A_899] {strides = array<i32>} : memref<2x16x16xi32, #tpu.memory_space<vmem>>, vector<16xi32>,
      %shift_right_logical3A_901 = arith.constant 7 : i32
      %shift_right_logical3A_902 = vector.broadcast %shift_right_logical3A_901 : i32 to vector<16xi32>
      %shift_right_logical3A_903 = arith.shrui %get3A_895, %shift_right_logical3A_902 : vector<16xi32>
      %and3A_904 = arith.constant 127 : i32
      %and3A_905 = vector.broadcast %and3A_904 : i32 to vector<16xi32>
      %and3A_906 = arith.andi %get3A_895, %and3A_905 : vector<16xi32>
      %gather3A_907 = tpu.vector_load_idx %arg20[%shift_right_logical3A_903, %and3A_906] : memref<80x128xf32, #tpu.memory_space<vmem>>[vector<16xi32>, vector<16xi32>], vector<16xf32>,
      %shift_right_logical3A_908 = arith.constant 7 : i32
      %shift_right_logical3A_909 = vector.broadcast %shift_right_logical3A_908 : i32 to vector<16xi32>
      %shift_right_logical3A_910 = arith.shrui %get3A_900, %shift_right_logical3A_909 : vector<16xi32>
      %and3A_911 = arith.constant 127 : i32
      %and3A_912 = vector.broadcast %and3A_911 : i32 to vector<16xi32>
      %and3A_913 = arith.andi %get3A_900, %and3A_912 : vector<16xi32>
      tpu.vector_store_idx %arg21[%shift_right_logical3A_910, %and3A_913], %gather3A_907 {add = true} : memref<80x128xf32, #tpu.memory_space<vmem>>[vector<16xi32>, vector<16xi32>], vector<16xf32>,
      %dma_wait3A_914 = arith.constant 12 : i32
      %dma_wait3A_915 = arith.constant 0 : i32
      %dma_wait3A_916 = tpu.memref_slice %arg9[%select_n3A_254, %dma_wait3A_914, %dma_wait3A_915] : memref<2x16x16xi32, #tpu.memory_space<vmem>> -> memref<1x1x16xi32, #tpu.memory_space<vmem>>
      %dma_wait3A_917 = tpu.memref_squeeze %dma_wait3A_916 : memref<1x1x16xi32, #tpu.memory_space<vmem>> -> memref<16xi32, #tpu.memory_space<vmem>>
      %dma_wait3A_918 = arith.constant 0 : i32
      %dma_wait3A_919 = arith.constant 0 : i32
      %dma_wait3A_920 = tpu.memref_slice %arg2[%dma_wait3A_918, %dma_wait3A_919] : memref<10000x128xf32, #tpu.memory_space<hbm>> -> memref<10000x128xf32, #tpu.memory_space<hbm>>
      tpu.wait_indirect_dma semaphore(%arg29 : memref<!tpu.dma_semaphore, #tpu.memory_space<semaphore_mem>>) src(%dma_wait3A_920 : memref<10000x128xf32, #tpu.memory_space<hbm>>) dst(%arg16 : memref<16x128xf32, #tpu.memory_space<vmem>>)
      %ge3A_921 = arith.constant 1 : i32
      %ge3A_922 = arith.cmpi sge, %add3A_890, %ge3A_921 : i32
      %convert_element_type3A_923 = arith.extui %ge3A_922 : i1 to i32
      %cond3A_924 = arith.constant 0 : i32
      %cond3A_925 = arith.cmpi ne, %convert_element_type3A_923, %cond3A_924 : i32
      scf.if %cond3A_925 {
        %dma_wait3A_1095 = arith.constant 12 : i32
        %dma_wait3A_1096 = arith.constant 0 : i32
        %dma_wait3A_1097 = tpu.memref_slice %arg10[%select_n3A_254, %dma_wait3A_1095, %dma_wait3A_1096] : memref<2x16x16xi32, #tpu.memory_space<vmem>> -> memref<1x1x16xi32, #tpu.memory_space<vmem>>
        %dma_wait3A_1098 = tpu.memref_squeeze %dma_wait3A_1097 : memref<1x1x16xi32, #tpu.memory_space<vmem>> -> memref<16xi32, #tpu.memory_space<vmem>>
        %dma_wait3A_1099 = arith.constant 0 : i32
        %dma_wait3A_1100 = arith.constant 0 : i32
        %dma_wait3A_1101 = tpu.memref_slice %arg22[%dma_wait3A_1099, %dma_wait3A_1100] : memref<10000x128xf32, #tpu.memory_space<vmem_shared>> -> memref<10000x128xf32, #tpu.memory_space<vmem_shared>>
        tpu.wait_indirect_dma semaphore(%arg36 : memref<!tpu.dma_semaphore, #tpu.memory_space<semaphore_mem>>) src(%arg15 : memref<16x128xf32, #tpu.memory_space<vmem>>) dst(%dma_wait3A_1101 : memref<10000x128xf32, #tpu.memory_space<vmem_shared>>)
      } else {
      }
      %add3A_926 = arith.constant 7 : i32
      %add3A_927 = arith.addi %add3A_890, %add3A_926 : i32
      %lt3A_928 = arith.cmpi slt, %add3A_927, %min3A_6 : i32
      %convert_element_type3A_929 = arith.extui %lt3A_928 : i1 to i32
      %cond3A_930 = arith.constant 0 : i32
      %cond3A_931 = arith.cmpi ne, %convert_element_type3A_929, %cond3A_930 : i32
      scf.if %cond3A_931 {
        %sub3A_1095 = arith.constant 1 : i32
        %sub3A_1096 = arith.subi %sub3A_1095, %select_n3A_254 : i32
        %dma_start3A_1097 = arith.constant 3 : i32
        %dma_start3A_1098 = arith.constant 0 : i32
        %dma_start3A_1099 = tpu.memref_slice %arg9[%sub3A_1096, %dma_start3A_1097, %dma_start3A_1098] : memref<2x16x16xi32, #tpu.memory_space<vmem>> -> memref<1x1x16xi32, #tpu.memory_space<vmem>>
        %dma_start3A_1100 = tpu.memref_squeeze %dma_start3A_1099 : memref<1x1x16xi32, #tpu.memory_space<vmem>> -> memref<16xi32, #tpu.memory_space<vmem>>
        %dma_start3A_1101 = arith.constant 0 : i32
        %dma_start3A_1102 = arith.constant 0 : i32
        %dma_start3A_1103 = tpu.memref_slice %arg2[%dma_start3A_1101, %dma_start3A_1102] : memref<10000x128xf32, #tpu.memory_space<hbm>> -> memref<10000x128xf32, #tpu.memory_space<hbm>>
        tpu.enqueue_indirect_dma source(%dma_start3A_1103 : memref<10000x128xf32, #tpu.memory_space<hbm>>) target(%arg15 : memref<16x128xf32, #tpu.memory_space<vmem>>) offsets(%dma_start3A_1100 : memref<16xi32, #tpu.memory_space<vmem>>) semaphore(%arg28 : memref<!tpu.dma_semaphore, #tpu.memory_space<semaphore_mem>>)
      } else {
      }
      %dma_start3A_932 = arith.constant 12 : i32
      %dma_start3A_933 = arith.constant 0 : i32
      %dma_start3A_934 = tpu.memref_slice %arg10[%select_n3A_254, %dma_start3A_932, %dma_start3A_933] : memref<2x16x16xi32, #tpu.memory_space<vmem>> -> memref<1x1x16xi32, #tpu.memory_space<vmem>>
      %dma_start3A_935 = tpu.memref_squeeze %dma_start3A_934 : memref<1x1x16xi32, #tpu.memory_space<vmem>> -> memref<16xi32, #tpu.memory_space<vmem>>
      %dma_start3A_936 = arith.constant 0 : i32
      %dma_start3A_937 = arith.constant 0 : i32
      %dma_start3A_938 = tpu.memref_slice %arg22[%dma_start3A_936, %dma_start3A_937] : memref<10000x128xf32, #tpu.memory_space<vmem_shared>> -> memref<10000x128xf32, #tpu.memory_space<vmem_shared>>
      tpu.enqueue_indirect_dma source(%arg16 : memref<16x128xf32, #tpu.memory_space<vmem>>) target(%dma_start3A_938 : memref<10000x128xf32, #tpu.memory_space<vmem_shared>>) offsets(%dma_start3A_935 : memref<16xi32, #tpu.memory_space<vmem>>) semaphore(%arg37 : memref<!tpu.dma_semaphore, #tpu.memory_space<semaphore_mem>>) {add = true}
      %mul3A_939 = arith.constant 16 : i32
      %mul3A_940 = arith.muli %while3A_239, %mul3A_939 : i32
      %add3A_941 = arith.constant 13 : i32
      %add3A_942 = arith.addi %mul3A_940, %add3A_941 : i32
      %get3A_943 = arith.constant 13 : i32
      %get3A_944 = arith.index_cast %select_n3A_254 : i32 to index
      %get3A_945 = arith.index_cast %get3A_943 : i32 to index
      %get3A_946 = arith.constant 0 : index
      %get3A_947 = tpu.vector_load %arg9[%get3A_944, %get3A_945, %get3A_946] {strides = array<i32>} : memref<2x16x16xi32, #tpu.memory_space<vmem>>, vector<16xi32>,
      %get3A_948 = arith.constant 13 : i32
      %get3A_949 = arith.index_cast %select_n3A_254 : i32 to index
      %get3A_950 = arith.index_cast %get3A_948 : i32 to index
      %get3A_951 = arith.constant 0 : index
      %get3A_952 = tpu.vector_load %arg10[%get3A_949, %get3A_950, %get3A_951] {strides = array<i32>} : memref<2x16x16xi32, #tpu.memory_space<vmem>>, vector<16xi32>,
      %shift_right_logical3A_953 = arith.constant 7 : i32
      %shift_right_logical3A_954 = vector.broadcast %shift_right_logical3A_953 : i32 to vector<16xi32>
      %shift_right_logical3A_955 = arith.shrui %get3A_947, %shift_right_logical3A_954 : vector<16xi32>
      %and3A_956 = arith.constant 127 : i32
      %and3A_957 = vector.broadcast %and3A_956 : i32 to vector<16xi32>
      %and3A_958 = arith.andi %get3A_947, %and3A_957 : vector<16xi32>
      %gather3A_959 = tpu.vector_load_idx %arg20[%shift_right_logical3A_955, %and3A_958] : memref<80x128xf32, #tpu.memory_space<vmem>>[vector<16xi32>, vector<16xi32>], vector<16xf32>,
      %shift_right_logical3A_960 = arith.constant 7 : i32
      %shift_right_logical3A_961 = vector.broadcast %shift_right_logical3A_960 : i32 to vector<16xi32>
      %shift_right_logical3A_962 = arith.shrui %get3A_952, %shift_right_logical3A_961 : vector<16xi32>
      %and3A_963 = arith.constant 127 : i32
      %and3A_964 = vector.broadcast %and3A_963 : i32 to vector<16xi32>
      %and3A_965 = arith.andi %get3A_952, %and3A_964 : vector<16xi32>
      tpu.vector_store_idx %arg21[%shift_right_logical3A_962, %and3A_965], %gather3A_959 {add = true} : memref<80x128xf32, #tpu.memory_space<vmem>>[vector<16xi32>, vector<16xi32>], vector<16xf32>,
      %dma_wait3A_966 = arith.constant 13 : i32
      %dma_wait3A_967 = arith.constant 0 : i32
      %dma_wait3A_968 = tpu.memref_slice %arg9[%select_n3A_254, %dma_wait3A_966, %dma_wait3A_967] : memref<2x16x16xi32, #tpu.memory_space<vmem>> -> memref<1x1x16xi32, #tpu.memory_space<vmem>>
      %dma_wait3A_969 = tpu.memref_squeeze %dma_wait3A_968 : memref<1x1x16xi32, #tpu.memory_space<vmem>> -> memref<16xi32, #tpu.memory_space<vmem>>
      %dma_wait3A_970 = arith.constant 0 : i32
      %dma_wait3A_971 = arith.constant 0 : i32
      %dma_wait3A_972 = tpu.memref_slice %arg2[%dma_wait3A_970, %dma_wait3A_971] : memref<10000x128xf32, #tpu.memory_space<hbm>> -> memref<10000x128xf32, #tpu.memory_space<hbm>>
      tpu.wait_indirect_dma semaphore(%arg30 : memref<!tpu.dma_semaphore, #tpu.memory_space<semaphore_mem>>) src(%dma_wait3A_972 : memref<10000x128xf32, #tpu.memory_space<hbm>>) dst(%arg17 : memref<16x128xf32, #tpu.memory_space<vmem>>)
      %ge3A_973 = arith.constant 1 : i32
      %ge3A_974 = arith.cmpi sge, %add3A_942, %ge3A_973 : i32
      %convert_element_type3A_975 = arith.extui %ge3A_974 : i1 to i32
      %cond3A_976 = arith.constant 0 : i32
      %cond3A_977 = arith.cmpi ne, %convert_element_type3A_975, %cond3A_976 : i32
      scf.if %cond3A_977 {
        %dma_wait3A_1095 = arith.constant 13 : i32
        %dma_wait3A_1096 = arith.constant 0 : i32
        %dma_wait3A_1097 = tpu.memref_slice %arg10[%select_n3A_254, %dma_wait3A_1095, %dma_wait3A_1096] : memref<2x16x16xi32, #tpu.memory_space<vmem>> -> memref<1x1x16xi32, #tpu.memory_space<vmem>>
        %dma_wait3A_1098 = tpu.memref_squeeze %dma_wait3A_1097 : memref<1x1x16xi32, #tpu.memory_space<vmem>> -> memref<16xi32, #tpu.memory_space<vmem>>
        %dma_wait3A_1099 = arith.constant 0 : i32
        %dma_wait3A_1100 = arith.constant 0 : i32
        %dma_wait3A_1101 = tpu.memref_slice %arg22[%dma_wait3A_1099, %dma_wait3A_1100] : memref<10000x128xf32, #tpu.memory_space<vmem_shared>> -> memref<10000x128xf32, #tpu.memory_space<vmem_shared>>
        tpu.wait_indirect_dma semaphore(%arg37 : memref<!tpu.dma_semaphore, #tpu.memory_space<semaphore_mem>>) src(%arg16 : memref<16x128xf32, #tpu.memory_space<vmem>>) dst(%dma_wait3A_1101 : memref<10000x128xf32, #tpu.memory_space<vmem_shared>>)
      } else {
      }
      %add3A_978 = arith.constant 7 : i32
      %add3A_979 = arith.addi %add3A_942, %add3A_978 : i32
      %lt3A_980 = arith.cmpi slt, %add3A_979, %min3A_6 : i32
      %convert_element_type3A_981 = arith.extui %lt3A_980 : i1 to i32
      %cond3A_982 = arith.constant 0 : i32
      %cond3A_983 = arith.cmpi ne, %convert_element_type3A_981, %cond3A_982 : i32
      scf.if %cond3A_983 {
        %sub3A_1095 = arith.constant 1 : i32
        %sub3A_1096 = arith.subi %sub3A_1095, %select_n3A_254 : i32
        %dma_start3A_1097 = arith.constant 4 : i32
        %dma_start3A_1098 = arith.constant 0 : i32
        %dma_start3A_1099 = tpu.memref_slice %arg9[%sub3A_1096, %dma_start3A_1097, %dma_start3A_1098] : memref<2x16x16xi32, #tpu.memory_space<vmem>> -> memref<1x1x16xi32, #tpu.memory_space<vmem>>
        %dma_start3A_1100 = tpu.memref_squeeze %dma_start3A_1099 : memref<1x1x16xi32, #tpu.memory_space<vmem>> -> memref<16xi32, #tpu.memory_space<vmem>>
        %dma_start3A_1101 = arith.constant 0 : i32
        %dma_start3A_1102 = arith.constant 0 : i32
        %dma_start3A_1103 = tpu.memref_slice %arg2[%dma_start3A_1101, %dma_start3A_1102] : memref<10000x128xf32, #tpu.memory_space<hbm>> -> memref<10000x128xf32, #tpu.memory_space<hbm>>
        tpu.enqueue_indirect_dma source(%dma_start3A_1103 : memref<10000x128xf32, #tpu.memory_space<hbm>>) target(%arg16 : memref<16x128xf32, #tpu.memory_space<vmem>>) offsets(%dma_start3A_1100 : memref<16xi32, #tpu.memory_space<vmem>>) semaphore(%arg29 : memref<!tpu.dma_semaphore, #tpu.memory_space<semaphore_mem>>)
      } else {
      }
      %dma_start3A_984 = arith.constant 13 : i32
      %dma_start3A_985 = arith.constant 0 : i32
      %dma_start3A_986 = tpu.memref_slice %arg10[%select_n3A_254, %dma_start3A_984, %dma_start3A_985] : memref<2x16x16xi32, #tpu.memory_space<vmem>> -> memref<1x1x16xi32, #tpu.memory_space<vmem>>
      %dma_start3A_987 = tpu.memref_squeeze %dma_start3A_986 : memref<1x1x16xi32, #tpu.memory_space<vmem>> -> memref<16xi32, #tpu.memory_space<vmem>>
      %dma_start3A_988 = arith.constant 0 : i32
      %dma_start3A_989 = arith.constant 0 : i32
      %dma_start3A_990 = tpu.memref_slice %arg22[%dma_start3A_988, %dma_start3A_989] : memref<10000x128xf32, #tpu.memory_space<vmem_shared>> -> memref<10000x128xf32, #tpu.memory_space<vmem_shared>>
      tpu.enqueue_indirect_dma source(%arg17 : memref<16x128xf32, #tpu.memory_space<vmem>>) target(%dma_start3A_990 : memref<10000x128xf32, #tpu.memory_space<vmem_shared>>) offsets(%dma_start3A_987 : memref<16xi32, #tpu.memory_space<vmem>>) semaphore(%arg38 : memref<!tpu.dma_semaphore, #tpu.memory_space<semaphore_mem>>) {add = true}
      %mul3A_991 = arith.constant 16 : i32
      %mul3A_992 = arith.muli %while3A_239, %mul3A_991 : i32
      %add3A_993 = arith.constant 14 : i32
      %add3A_994 = arith.addi %mul3A_992, %add3A_993 : i32
      %get3A_995 = arith.constant 14 : i32
      %get3A_996 = arith.index_cast %select_n3A_254 : i32 to index
      %get3A_997 = arith.index_cast %get3A_995 : i32 to index
      %get3A_998 = arith.constant 0 : index
      %get3A_999 = tpu.vector_load %arg9[%get3A_996, %get3A_997, %get3A_998] {strides = array<i32>} : memref<2x16x16xi32, #tpu.memory_space<vmem>>, vector<16xi32>,
      %get3A_1000 = arith.constant 14 : i32
      %get3A_1001 = arith.index_cast %select_n3A_254 : i32 to index
      %get3A_1002 = arith.index_cast %get3A_1000 : i32 to index
      %get3A_1003 = arith.constant 0 : index
      %get3A_1004 = tpu.vector_load %arg10[%get3A_1001, %get3A_1002, %get3A_1003] {strides = array<i32>} : memref<2x16x16xi32, #tpu.memory_space<vmem>>, vector<16xi32>,
      %shift_right_logical3A_1005 = arith.constant 7 : i32
      %shift_right_logical3A_1006 = vector.broadcast %shift_right_logical3A_1005 : i32 to vector<16xi32>
      %shift_right_logical3A_1007 = arith.shrui %get3A_999, %shift_right_logical3A_1006 : vector<16xi32>
      %and3A_1008 = arith.constant 127 : i32
      %and3A_1009 = vector.broadcast %and3A_1008 : i32 to vector<16xi32>
      %and3A_1010 = arith.andi %get3A_999, %and3A_1009 : vector<16xi32>
      %gather3A_1011 = tpu.vector_load_idx %arg20[%shift_right_logical3A_1007, %and3A_1010] : memref<80x128xf32, #tpu.memory_space<vmem>>[vector<16xi32>, vector<16xi32>], vector<16xf32>,
      %shift_right_logical3A_1012 = arith.constant 7 : i32
      %shift_right_logical3A_1013 = vector.broadcast %shift_right_logical3A_1012 : i32 to vector<16xi32>
      %shift_right_logical3A_1014 = arith.shrui %get3A_1004, %shift_right_logical3A_1013 : vector<16xi32>
      %and3A_1015 = arith.constant 127 : i32
      %and3A_1016 = vector.broadcast %and3A_1015 : i32 to vector<16xi32>
      %and3A_1017 = arith.andi %get3A_1004, %and3A_1016 : vector<16xi32>
      tpu.vector_store_idx %arg21[%shift_right_logical3A_1014, %and3A_1017], %gather3A_1011 {add = true} : memref<80x128xf32, #tpu.memory_space<vmem>>[vector<16xi32>, vector<16xi32>], vector<16xf32>,
      %dma_wait3A_1018 = arith.constant 14 : i32
      %dma_wait3A_1019 = arith.constant 0 : i32
      %dma_wait3A_1020 = tpu.memref_slice %arg9[%select_n3A_254, %dma_wait3A_1018, %dma_wait3A_1019] : memref<2x16x16xi32, #tpu.memory_space<vmem>> -> memref<1x1x16xi32, #tpu.memory_space<vmem>>
      %dma_wait3A_1021 = tpu.memref_squeeze %dma_wait3A_1020 : memref<1x1x16xi32, #tpu.memory_space<vmem>> -> memref<16xi32, #tpu.memory_space<vmem>>
      %dma_wait3A_1022 = arith.constant 0 : i32
      %dma_wait3A_1023 = arith.constant 0 : i32
      %dma_wait3A_1024 = tpu.memref_slice %arg2[%dma_wait3A_1022, %dma_wait3A_1023] : memref<10000x128xf32, #tpu.memory_space<hbm>> -> memref<10000x128xf32, #tpu.memory_space<hbm>>
      tpu.wait_indirect_dma semaphore(%arg31 : memref<!tpu.dma_semaphore, #tpu.memory_space<semaphore_mem>>) src(%dma_wait3A_1024 : memref<10000x128xf32, #tpu.memory_space<hbm>>) dst(%arg18 : memref<16x128xf32, #tpu.memory_space<vmem>>)
      %ge3A_1025 = arith.constant 1 : i32
      %ge3A_1026 = arith.cmpi sge, %add3A_994, %ge3A_1025 : i32
      %convert_element_type3A_1027 = arith.extui %ge3A_1026 : i1 to i32
      %cond3A_1028 = arith.constant 0 : i32
      %cond3A_1029 = arith.cmpi ne, %convert_element_type3A_1027, %cond3A_1028 : i32
      scf.if %cond3A_1029 {
        %dma_wait3A_1095 = arith.constant 14 : i32
        %dma_wait3A_1096 = arith.constant 0 : i32
        %dma_wait3A_1097 = tpu.memref_slice %arg10[%select_n3A_254, %dma_wait3A_1095, %dma_wait3A_1096] : memref<2x16x16xi32, #tpu.memory_space<vmem>> -> memref<1x1x16xi32, #tpu.memory_space<vmem>>
        %dma_wait3A_1098 = tpu.memref_squeeze %dma_wait3A_1097 : memref<1x1x16xi32, #tpu.memory_space<vmem>> -> memref<16xi32, #tpu.memory_space<vmem>>
        %dma_wait3A_1099 = arith.constant 0 : i32
        %dma_wait3A_1100 = arith.constant 0 : i32
        %dma_wait3A_1101 = tpu.memref_slice %arg22[%dma_wait3A_1099, %dma_wait3A_1100] : memref<10000x128xf32, #tpu.memory_space<vmem_shared>> -> memref<10000x128xf32, #tpu.memory_space<vmem_shared>>
        tpu.wait_indirect_dma semaphore(%arg38 : memref<!tpu.dma_semaphore, #tpu.memory_space<semaphore_mem>>) src(%arg17 : memref<16x128xf32, #tpu.memory_space<vmem>>) dst(%dma_wait3A_1101 : memref<10000x128xf32, #tpu.memory_space<vmem_shared>>)
      } else {
      }
      %add3A_1030 = arith.constant 7 : i32
      %add3A_1031 = arith.addi %add3A_994, %add3A_1030 : i32
      %lt3A_1032 = arith.cmpi slt, %add3A_1031, %min3A_6 : i32
      %convert_element_type3A_1033 = arith.extui %lt3A_1032 : i1 to i32
      %cond3A_1034 = arith.constant 0 : i32
      %cond3A_1035 = arith.cmpi ne, %convert_element_type3A_1033, %cond3A_1034 : i32
      scf.if %cond3A_1035 {
        %sub3A_1095 = arith.constant 1 : i32
        %sub3A_1096 = arith.subi %sub3A_1095, %select_n3A_254 : i32
        %dma_start3A_1097 = arith.constant 5 : i32
        %dma_start3A_1098 = arith.constant 0 : i32
        %dma_start3A_1099 = tpu.memref_slice %arg9[%sub3A_1096, %dma_start3A_1097, %dma_start3A_1098] : memref<2x16x16xi32, #tpu.memory_space<vmem>> -> memref<1x1x16xi32, #tpu.memory_space<vmem>>
        %dma_start3A_1100 = tpu.memref_squeeze %dma_start3A_1099 : memref<1x1x16xi32, #tpu.memory_space<vmem>> -> memref<16xi32, #tpu.memory_space<vmem>>
        %dma_start3A_1101 = arith.constant 0 : i32
        %dma_start3A_1102 = arith.constant 0 : i32
        %dma_start3A_1103 = tpu.memref_slice %arg2[%dma_start3A_1101, %dma_start3A_1102] : memref<10000x128xf32, #tpu.memory_space<hbm>> -> memref<10000x128xf32, #tpu.memory_space<hbm>>
        tpu.enqueue_indirect_dma source(%dma_start3A_1103 : memref<10000x128xf32, #tpu.memory_space<hbm>>) target(%arg17 : memref<16x128xf32, #tpu.memory_space<vmem>>) offsets(%dma_start3A_1100 : memref<16xi32, #tpu.memory_space<vmem>>) semaphore(%arg30 : memref<!tpu.dma_semaphore, #tpu.memory_space<semaphore_mem>>)
      } else {
      }
      %dma_start3A_1036 = arith.constant 14 : i32
      %dma_start3A_1037 = arith.constant 0 : i32
      %dma_start3A_1038 = tpu.memref_slice %arg10[%select_n3A_254, %dma_start3A_1036, %dma_start3A_1037] : memref<2x16x16xi32, #tpu.memory_space<vmem>> -> memref<1x1x16xi32, #tpu.memory_space<vmem>>
      %dma_start3A_1039 = tpu.memref_squeeze %dma_start3A_1038 : memref<1x1x16xi32, #tpu.memory_space<vmem>> -> memref<16xi32, #tpu.memory_space<vmem>>
      %dma_start3A_1040 = arith.constant 0 : i32
      %dma_start3A_1041 = arith.constant 0 : i32
      %dma_start3A_1042 = tpu.memref_slice %arg22[%dma_start3A_1040, %dma_start3A_1041] : memref<10000x128xf32, #tpu.memory_space<vmem_shared>> -> memref<10000x128xf32, #tpu.memory_space<vmem_shared>>
      tpu.enqueue_indirect_dma source(%arg18 : memref<16x128xf32, #tpu.memory_space<vmem>>) target(%dma_start3A_1042 : memref<10000x128xf32, #tpu.memory_space<vmem_shared>>) offsets(%dma_start3A_1039 : memref<16xi32, #tpu.memory_space<vmem>>) semaphore(%arg39 : memref<!tpu.dma_semaphore, #tpu.memory_space<semaphore_mem>>) {add = true}
      %mul3A_1043 = arith.constant 16 : i32
      %mul3A_1044 = arith.muli %while3A_239, %mul3A_1043 : i32
      %add3A_1045 = arith.constant 15 : i32
      %add3A_1046 = arith.addi %mul3A_1044, %add3A_1045 : i32
      %get3A_1047 = arith.constant 15 : i32
      %get3A_1048 = arith.index_cast %select_n3A_254 : i32 to index
      %get3A_1049 = arith.index_cast %get3A_1047 : i32 to index
      %get3A_1050 = arith.constant 0 : index
      %get3A_1051 = tpu.vector_load %arg9[%get3A_1048, %get3A_1049, %get3A_1050] {strides = array<i32>} : memref<2x16x16xi32, #tpu.memory_space<vmem>>, vector<16xi32>,
      %get3A_1052 = arith.constant 15 : i32
      %get3A_1053 = arith.index_cast %select_n3A_254 : i32 to index
      %get3A_1054 = arith.index_cast %get3A_1052 : i32 to index
      %get3A_1055 = arith.constant 0 : index
      %get3A_1056 = tpu.vector_load %arg10[%get3A_1053, %get3A_1054, %get3A_1055] {strides = array<i32>} : memref<2x16x16xi32, #tpu.memory_space<vmem>>, vector<16xi32>,
      %shift_right_logical3A_1057 = arith.constant 7 : i32
      %shift_right_logical3A_1058 = vector.broadcast %shift_right_logical3A_1057 : i32 to vector<16xi32>
      %shift_right_logical3A_1059 = arith.shrui %get3A_1051, %shift_right_logical3A_1058 : vector<16xi32>
      %and3A_1060 = arith.constant 127 : i32
      %and3A_1061 = vector.broadcast %and3A_1060 : i32 to vector<16xi32>
      %and3A_1062 = arith.andi %get3A_1051, %and3A_1061 : vector<16xi32>
      %gather3A_1063 = tpu.vector_load_idx %arg20[%shift_right_logical3A_1059, %and3A_1062] : memref<80x128xf32, #tpu.memory_space<vmem>>[vector<16xi32>, vector<16xi32>], vector<16xf32>,
      %shift_right_logical3A_1064 = arith.constant 7 : i32
      %shift_right_logical3A_1065 = vector.broadcast %shift_right_logical3A_1064 : i32 to vector<16xi32>
      %shift_right_logical3A_1066 = arith.shrui %get3A_1056, %shift_right_logical3A_1065 : vector<16xi32>
      %and3A_1067 = arith.constant 127 : i32
      %and3A_1068 = vector.broadcast %and3A_1067 : i32 to vector<16xi32>
      %and3A_1069 = arith.andi %get3A_1056, %and3A_1068 : vector<16xi32>
      tpu.vector_store_idx %arg21[%shift_right_logical3A_1066, %and3A_1069], %gather3A_1063 {add = true} : memref<80x128xf32, #tpu.memory_space<vmem>>[vector<16xi32>, vector<16xi32>], vector<16xf32>,
      %dma_wait3A_1070 = arith.constant 15 : i32
      %dma_wait3A_1071 = arith.constant 0 : i32
      %dma_wait3A_1072 = tpu.memref_slice %arg9[%select_n3A_254, %dma_wait3A_1070, %dma_wait3A_1071] : memref<2x16x16xi32, #tpu.memory_space<vmem>> -> memref<1x1x16xi32, #tpu.memory_space<vmem>>
      %dma_wait3A_1073 = tpu.memref_squeeze %dma_wait3A_1072 : memref<1x1x16xi32, #tpu.memory_space<vmem>> -> memref<16xi32, #tpu.memory_space<vmem>>
      %dma_wait3A_1074 = arith.constant 0 : i32
      %dma_wait3A_1075 = arith.constant 0 : i32
      %dma_wait3A_1076 = tpu.memref_slice %arg2[%dma_wait3A_1074, %dma_wait3A_1075] : memref<10000x128xf32, #tpu.memory_space<hbm>> -> memref<10000x128xf32, #tpu.memory_space<hbm>>
      tpu.wait_indirect_dma semaphore(%arg32 : memref<!tpu.dma_semaphore, #tpu.memory_space<semaphore_mem>>) src(%dma_wait3A_1076 : memref<10000x128xf32, #tpu.memory_space<hbm>>) dst(%arg19 : memref<16x128xf32, #tpu.memory_space<vmem>>)
      %ge3A_1077 = arith.constant 1 : i32
      %ge3A_1078 = arith.cmpi sge, %add3A_1046, %ge3A_1077 : i32
      %convert_element_type3A_1079 = arith.extui %ge3A_1078 : i1 to i32
      %cond3A_1080 = arith.constant 0 : i32
      %cond3A_1081 = arith.cmpi ne, %convert_element_type3A_1079, %cond3A_1080 : i32
      scf.if %cond3A_1081 {
        %dma_wait3A_1095 = arith.constant 15 : i32
        %dma_wait3A_1096 = arith.constant 0 : i32
        %dma_wait3A_1097 = tpu.memref_slice %arg10[%select_n3A_254, %dma_wait3A_1095, %dma_wait3A_1096] : memref<2x16x16xi32, #tpu.memory_space<vmem>> -> memref<1x1x16xi32, #tpu.memory_space<vmem>>
        %dma_wait3A_1098 = tpu.memref_squeeze %dma_wait3A_1097 : memref<1x1x16xi32, #tpu.memory_space<vmem>> -> memref<16xi32, #tpu.memory_space<vmem>>
        %dma_wait3A_1099 = arith.constant 0 : i32
        %dma_wait3A_1100 = arith.constant 0 : i32
        %dma_wait3A_1101 = tpu.memref_slice %arg22[%dma_wait3A_1099, %dma_wait3A_1100] : memref<10000x128xf32, #tpu.memory_space<vmem_shared>> -> memref<10000x128xf32, #tpu.memory_space<vmem_shared>>
        tpu.wait_indirect_dma semaphore(%arg39 : memref<!tpu.dma_semaphore, #tpu.memory_space<semaphore_mem>>) src(%arg18 : memref<16x128xf32, #tpu.memory_space<vmem>>) dst(%dma_wait3A_1101 : memref<10000x128xf32, #tpu.memory_space<vmem_shared>>)
      } else {
      }
      %add3A_1082 = arith.constant 7 : i32
      %add3A_1083 = arith.addi %add3A_1046, %add3A_1082 : i32
      %lt3A_1084 = arith.cmpi slt, %add3A_1083, %min3A_6 : i32
      %convert_element_type3A_1085 = arith.extui %lt3A_1084 : i1 to i32
      %cond3A_1086 = arith.constant 0 : i32
      %cond3A_1087 = arith.cmpi ne, %convert_element_type3A_1085, %cond3A_1086 : i32
      scf.if %cond3A_1087 {
        %sub3A_1095 = arith.constant 1 : i32
        %sub3A_1096 = arith.subi %sub3A_1095, %select_n3A_254 : i32
        %dma_start3A_1097 = arith.constant 6 : i32
        %dma_start3A_1098 = arith.constant 0 : i32
        %dma_start3A_1099 = tpu.memref_slice %arg9[%sub3A_1096, %dma_start3A_1097, %dma_start3A_1098] : memref<2x16x16xi32, #tpu.memory_space<vmem>> -> memref<1x1x16xi32, #tpu.memory_space<vmem>>
        %dma_start3A_1100 = tpu.memref_squeeze %dma_start3A_1099 : memref<1x1x16xi32, #tpu.memory_space<vmem>> -> memref<16xi32, #tpu.memory_space<vmem>>
        %dma_start3A_1101 = arith.constant 0 : i32
        %dma_start3A_1102 = arith.constant 0 : i32
        %dma_start3A_1103 = tpu.memref_slice %arg2[%dma_start3A_1101, %dma_start3A_1102] : memref<10000x128xf32, #tpu.memory_space<hbm>> -> memref<10000x128xf32, #tpu.memory_space<hbm>>
        tpu.enqueue_indirect_dma source(%dma_start3A_1103 : memref<10000x128xf32, #tpu.memory_space<hbm>>) target(%arg18 : memref<16x128xf32, #tpu.memory_space<vmem>>) offsets(%dma_start3A_1100 : memref<16xi32, #tpu.memory_space<vmem>>) semaphore(%arg31 : memref<!tpu.dma_semaphore, #tpu.memory_space<semaphore_mem>>)
      } else {
      }
      %dma_start3A_1088 = arith.constant 15 : i32
      %dma_start3A_1089 = arith.constant 0 : i32
      %dma_start3A_1090 = tpu.memref_slice %arg10[%select_n3A_254, %dma_start3A_1088, %dma_start3A_1089] : memref<2x16x16xi32, #tpu.memory_space<vmem>> -> memref<1x1x16xi32, #tpu.memory_space<vmem>>
      %dma_start3A_1091 = tpu.memref_squeeze %dma_start3A_1090 : memref<1x1x16xi32, #tpu.memory_space<vmem>> -> memref<16xi32, #tpu.memory_space<vmem>>
      %dma_start3A_1092 = arith.constant 0 : i32
      %dma_start3A_1093 = arith.constant 0 : i32
      %dma_start3A_1094 = tpu.memref_slice %arg22[%dma_start3A_1092, %dma_start3A_1093] : memref<10000x128xf32, #tpu.memory_space<vmem_shared>> -> memref<10000x128xf32, #tpu.memory_space<vmem_shared>>
      tpu.enqueue_indirect_dma source(%arg19 : memref<16x128xf32, #tpu.memory_space<vmem>>) target(%dma_start3A_1094 : memref<10000x128xf32, #tpu.memory_space<vmem_shared>>) offsets(%dma_start3A_1091 : memref<16xi32, #tpu.memory_space<vmem>>) semaphore(%arg40 : memref<!tpu.dma_semaphore, #tpu.memory_space<semaphore_mem>>) {add = true}
    }
    %while3A_204 = arith.constant 1 : i32
    scf.for %while3A_239 = %while3A_202 to %while3A_198 step %while3A_204  : i32 {
      %jit3A_240 = arith.constant 2 : i32
      %eq3A_241 = arith.constant 0 : i32
      %eq3A_242 = arith.cmpi eq, %jit3A_240, %eq3A_241 : i32
      %jit3A_243 = arith.constant 1 : i32
      %select_n3A_244 = arith.select %eq3A_242, %jit3A_243, %jit3A_240 : i32
      %rem3A_245 = arith.remsi %while3A_239, %select_n3A_244 : i32
      %ne3A_246 = arith.constant 0 : i32
      %ne3A_247 = arith.cmpi ne, %rem3A_245, %ne3A_246 : i32
      %lt3A = arith.constant 0 : i32
      %lt3A_248 = arith.cmpi slt, %rem3A_245, %lt3A : i32
      %lt3A_249 = arith.constant 0 : i32
      %lt3A_250 = arith.cmpi slt, %select_n3A_244, %lt3A_249 : i32
      %ne3A_251 = arith.xori %lt3A_248, %lt3A_250 : i1
      %and3A_252 = arith.andi %ne3A_251, %ne3A_247 : i1
      %add3A_253 = arith.addi %rem3A_245, %select_n3A_244 : i32
      %select_n3A_254 = arith.select %and3A_252, %add3A_253, %rem3A_245 : i32
      %mul3A_255 = arith.constant 16 : i32
      %mul3A_256 = arith.muli %while3A_239, %mul3A_255 : i32
      %add3A_257 = arith.constant 0 : i32
      %add3A_258 = arith.addi %mul3A_256, %add3A_257 : i32
      %get3A = arith.constant 0 : i32
      %get3A_259 = arith.index_cast %select_n3A_254 : i32 to index
      %get3A_260 = arith.index_cast %get3A : i32 to index
      %get3A_261 = arith.constant 0 : index
      %get3A_262 = tpu.vector_load %arg9[%get3A_259, %get3A_260, %get3A_261] {strides = array<i32>} : memref<2x16x16xi32, #tpu.memory_space<vmem>>, vector<16xi32>,
      %get3A_263 = arith.constant 0 : i32
      %get3A_264 = arith.index_cast %select_n3A_254 : i32 to index
      %get3A_265 = arith.index_cast %get3A_263 : i32 to index
      %get3A_266 = arith.constant 0 : index
      %get3A_267 = tpu.vector_load %arg10[%get3A_264, %get3A_265, %get3A_266] {strides = array<i32>} : memref<2x16x16xi32, #tpu.memory_space<vmem>>, vector<16xi32>,
      %shift_right_logical3A = arith.constant 7 : i32
      %shift_right_logical3A_268 = vector.broadcast %shift_right_logical3A : i32 to vector<16xi32>
      %shift_right_logical3A_269 = arith.shrui %get3A_262, %shift_right_logical3A_268 : vector<16xi32>
      %and3A_270 = arith.constant 127 : i32
      %and3A_271 = vector.broadcast %and3A_270 : i32 to vector<16xi32>
      %and3A_272 = arith.andi %get3A_262, %and3A_271 : vector<16xi32>
      %gather3A = tpu.vector_load_idx %arg20[%shift_right_logical3A_269, %and3A_272] : memref<80x128xf32, #tpu.memory_space<vmem>>[vector<16xi32>, vector<16xi32>], vector<16xf32>,
      %shift_right_logical3A_273 = arith.constant 7 : i32
      %shift_right_logical3A_274 = vector.broadcast %shift_right_logical3A_273 : i32 to vector<16xi32>
      %shift_right_logical3A_275 = arith.shrui %get3A_267, %shift_right_logical3A_274 : vector<16xi32>
      %and3A_276 = arith.constant 127 : i32
      %and3A_277 = vector.broadcast %and3A_276 : i32 to vector<16xi32>
      %and3A_278 = arith.andi %get3A_267, %and3A_277 : vector<16xi32>
      tpu.vector_store_idx %arg21[%shift_right_logical3A_275, %and3A_278], %gather3A {add = true} : memref<80x128xf32, #tpu.memory_space<vmem>>[vector<16xi32>, vector<16xi32>], vector<16xf32>,
      %dma_wait3A_279 = arith.constant 0 : i32
      %dma_wait3A_280 = arith.constant 0 : i32
      %dma_wait3A_281 = tpu.memref_slice %arg9[%select_n3A_254, %dma_wait3A_279, %dma_wait3A_280] : memref<2x16x16xi32, #tpu.memory_space<vmem>> -> memref<1x1x16xi32, #tpu.memory_space<vmem>>
      %dma_wait3A_282 = tpu.memref_squeeze %dma_wait3A_281 : memref<1x1x16xi32, #tpu.memory_space<vmem>> -> memref<16xi32, #tpu.memory_space<vmem>>
      %dma_wait3A_283 = arith.constant 0 : i32
      %dma_wait3A_284 = arith.constant 0 : i32
      %dma_wait3A_285 = tpu.memref_slice %arg2[%dma_wait3A_283, %dma_wait3A_284] : memref<10000x128xf32, #tpu.memory_space<hbm>> -> memref<10000x128xf32, #tpu.memory_space<hbm>>
      tpu.wait_indirect_dma semaphore(%arg25 : memref<!tpu.dma_semaphore, #tpu.memory_space<semaphore_mem>>) src(%dma_wait3A_285 : memref<10000x128xf32, #tpu.memory_space<hbm>>) dst(%arg12 : memref<16x128xf32, #tpu.memory_space<vmem>>)
      %ge3A = arith.constant 1 : i32
      %ge3A_286 = arith.cmpi sge, %add3A_258, %ge3A : i32
      %convert_element_type3A_287 = arith.extui %ge3A_286 : i1 to i32
      %cond3A_288 = arith.constant 0 : i32
      %cond3A_289 = arith.cmpi ne, %convert_element_type3A_287, %cond3A_288 : i32
      scf.if %cond3A_289 {
        %dma_wait3A_1095 = arith.constant 0 : i32
        %dma_wait3A_1096 = arith.constant 0 : i32
        %dma_wait3A_1097 = tpu.memref_slice %arg10[%select_n3A_254, %dma_wait3A_1095, %dma_wait3A_1096] : memref<2x16x16xi32, #tpu.memory_space<vmem>> -> memref<1x1x16xi32, #tpu.memory_space<vmem>>
        %dma_wait3A_1098 = tpu.memref_squeeze %dma_wait3A_1097 : memref<1x1x16xi32, #tpu.memory_space<vmem>> -> memref<16xi32, #tpu.memory_space<vmem>>
        %dma_wait3A_1099 = arith.constant 0 : i32
        %dma_wait3A_1100 = arith.constant 0 : i32
        %dma_wait3A_1101 = tpu.memref_slice %arg22[%dma_wait3A_1099, %dma_wait3A_1100] : memref<10000x128xf32, #tpu.memory_space<vmem_shared>> -> memref<10000x128xf32, #tpu.memory_space<vmem_shared>>
        tpu.wait_indirect_dma semaphore(%arg40 : memref<!tpu.dma_semaphore, #tpu.memory_space<semaphore_mem>>) src(%arg19 : memref<16x128xf32, #tpu.memory_space<vmem>>) dst(%dma_wait3A_1101 : memref<10000x128xf32, #tpu.memory_space<vmem_shared>>)
      } else {
      }
      %add3A_290 = arith.constant 7 : i32
      %add3A_291 = arith.addi %add3A_258, %add3A_290 : i32
      %lt3A_292 = arith.cmpi slt, %add3A_291, %min3A_6 : i32
      %convert_element_type3A_293 = arith.extui %lt3A_292 : i1 to i32
      %cond3A_294 = arith.constant 0 : i32
      %cond3A_295 = arith.cmpi ne, %convert_element_type3A_293, %cond3A_294 : i32
      scf.if %cond3A_295 {
        %dma_start3A_1095 = arith.constant 7 : i32
        %dma_start3A_1096 = arith.constant 0 : i32
        %dma_start3A_1097 = tpu.memref_slice %arg9[%select_n3A_254, %dma_start3A_1095, %dma_start3A_1096] : memref<2x16x16xi32, #tpu.memory_space<vmem>> -> memref<1x1x16xi32, #tpu.memory_space<vmem>>
        %dma_start3A_1098 = tpu.memref_squeeze %dma_start3A_1097 : memref<1x1x16xi32, #tpu.memory_space<vmem>> -> memref<16xi32, #tpu.memory_space<vmem>>
        %dma_start3A_1099 = arith.constant 0 : i32
        %dma_start3A_1100 = arith.constant 0 : i32
        %dma_start3A_1101 = tpu.memref_slice %arg2[%dma_start3A_1099, %dma_start3A_1100] : memref<10000x128xf32, #tpu.memory_space<hbm>> -> memref<10000x128xf32, #tpu.memory_space<hbm>>
        tpu.enqueue_indirect_dma source(%dma_start3A_1101 : memref<10000x128xf32, #tpu.memory_space<hbm>>) target(%arg19 : memref<16x128xf32, #tpu.memory_space<vmem>>) offsets(%dma_start3A_1098 : memref<16xi32, #tpu.memory_space<vmem>>) semaphore(%arg32 : memref<!tpu.dma_semaphore, #tpu.memory_space<semaphore_mem>>)
      } else {
      }
      %dma_start3A_296 = arith.constant 0 : i32
      %dma_start3A_297 = arith.constant 0 : i32
      %dma_start3A_298 = tpu.memref_slice %arg10[%select_n3A_254, %dma_start3A_296, %dma_start3A_297] : memref<2x16x16xi32, #tpu.memory_space<vmem>> -> memref<1x1x16xi32, #tpu.memory_space<vmem>>
      %dma_start3A_299 = tpu.memref_squeeze %dma_start3A_298 : memref<1x1x16xi32, #tpu.memory_space<vmem>> -> memref<16xi32, #tpu.memory_space<vmem>>
      %dma_start3A_300 = arith.constant 0 : i32
      %dma_start3A_301 = arith.constant 0 : i32
      %dma_start3A_302 = tpu.memref_slice %arg22[%dma_start3A_300, %dma_start3A_301] : memref<10000x128xf32, #tpu.memory_space<vmem_shared>> -> memref<10000x128xf32, #tpu.memory_space<vmem_shared>>
      tpu.enqueue_indirect_dma source(%arg12 : memref<16x128xf32, #tpu.memory_space<vmem>>) target(%dma_start3A_302 : memref<10000x128xf32, #tpu.memory_space<vmem_shared>>) offsets(%dma_start3A_299 : memref<16xi32, #tpu.memory_space<vmem>>) semaphore(%arg33 : memref<!tpu.dma_semaphore, #tpu.memory_space<semaphore_mem>>) {add = true}
      %mul3A_303 = arith.constant 16 : i32
      %mul3A_304 = arith.muli %while3A_239, %mul3A_303 : i32
      %add3A_305 = arith.constant 1 : i32
      %add3A_306 = arith.addi %mul3A_304, %add3A_305 : i32
      %get3A_307 = arith.constant 1 : i32
      %get3A_308 = arith.index_cast %select_n3A_254 : i32 to index
      %get3A_309 = arith.index_cast %get3A_307 : i32 to index
      %get3A_310 = arith.constant 0 : index
      %get3A_311 = tpu.vector_load %arg9[%get3A_308, %get3A_309, %get3A_310] {strides = array<i32>} : memref<2x16x16xi32, #tpu.memory_space<vmem>>, vector<16xi32>,
      %get3A_312 = arith.constant 1 : i32
      %get3A_313 = arith.index_cast %select_n3A_254 : i32 to index
      %get3A_314 = arith.index_cast %get3A_312 : i32 to index
      %get3A_315 = arith.constant 0 : index
      %get3A_316 = tpu.vector_load %arg10[%get3A_313, %get3A_314, %get3A_315] {strides = array<i32>} : memref<2x16x16xi32, #tpu.memory_space<vmem>>, vector<16xi32>,
      %shift_right_logical3A_317 = arith.constant 7 : i32
      %shift_right_logical3A_318 = vector.broadcast %shift_right_logical3A_317 : i32 to vector<16xi32>
      %shift_right_logical3A_319 = arith.shrui %get3A_311, %shift_right_logical3A_318 : vector<16xi32>
      %and3A_320 = arith.constant 127 : i32
      %and3A_321 = vector.broadcast %and3A_320 : i32 to vector<16xi32>
      %and3A_322 = arith.andi %get3A_311, %and3A_321 : vector<16xi32>
      %gather3A_323 = tpu.vector_load_idx %arg20[%shift_right_logical3A_319, %and3A_322] : memref<80x128xf32, #tpu.memory_space<vmem>>[vector<16xi32>, vector<16xi32>], vector<16xf32>,
      %shift_right_logical3A_324 = arith.constant 7 : i32
      %shift_right_logical3A_325 = vector.broadcast %shift_right_logical3A_324 : i32 to vector<16xi32>
      %shift_right_logical3A_326 = arith.shrui %get3A_316, %shift_right_logical3A_325 : vector<16xi32>
      %and3A_327 = arith.constant 127 : i32
      %and3A_328 = vector.broadcast %and3A_327 : i32 to vector<16xi32>
      %and3A_329 = arith.andi %get3A_316, %and3A_328 : vector<16xi32>
      tpu.vector_store_idx %arg21[%shift_right_logical3A_326, %and3A_329], %gather3A_323 {add = true} : memref<80x128xf32, #tpu.memory_space<vmem>>[vector<16xi32>, vector<16xi32>], vector<16xf32>,
      %dma_wait3A_330 = arith.constant 1 : i32
      %dma_wait3A_331 = arith.constant 0 : i32
      %dma_wait3A_332 = tpu.memref_slice %arg9[%select_n3A_254, %dma_wait3A_330, %dma_wait3A_331] : memref<2x16x16xi32, #tpu.memory_space<vmem>> -> memref<1x1x16xi32, #tpu.memory_space<vmem>>
      %dma_wait3A_333 = tpu.memref_squeeze %dma_wait3A_332 : memref<1x1x16xi32, #tpu.memory_space<vmem>> -> memref<16xi32, #tpu.memory_space<vmem>>
      %dma_wait3A_334 = arith.constant 0 : i32
      %dma_wait3A_335 = arith.constant 0 : i32
      %dma_wait3A_336 = tpu.memref_slice %arg2[%dma_wait3A_334, %dma_wait3A_335] : memref<10000x128xf32, #tpu.memory_space<hbm>> -> memref<10000x128xf32, #tpu.memory_space<hbm>>
      tpu.wait_indirect_dma semaphore(%arg26 : memref<!tpu.dma_semaphore, #tpu.memory_space<semaphore_mem>>) src(%dma_wait3A_336 : memref<10000x128xf32, #tpu.memory_space<hbm>>) dst(%arg13 : memref<16x128xf32, #tpu.memory_space<vmem>>)
      %ge3A_337 = arith.constant 1 : i32
      %ge3A_338 = arith.cmpi sge, %add3A_306, %ge3A_337 : i32
      %convert_element_type3A_339 = arith.extui %ge3A_338 : i1 to i32
      %cond3A_340 = arith.constant 0 : i32
      %cond3A_341 = arith.cmpi ne, %convert_element_type3A_339, %cond3A_340 : i32
      scf.if %cond3A_341 {
        %dma_wait3A_1095 = arith.constant 1 : i32
        %dma_wait3A_1096 = arith.constant 0 : i32
        %dma_wait3A_1097 = tpu.memref_slice %arg10[%select_n3A_254, %dma_wait3A_1095, %dma_wait3A_1096] : memref<2x16x16xi32, #tpu.memory_space<vmem>> -> memref<1x1x16xi32, #tpu.memory_space<vmem>>
        %dma_wait3A_1098 = tpu.memref_squeeze %dma_wait3A_1097 : memref<1x1x16xi32, #tpu.memory_space<vmem>> -> memref<16xi32, #tpu.memory_space<vmem>>
        %dma_wait3A_1099 = arith.constant 0 : i32
        %dma_wait3A_1100 = arith.constant 0 : i32
        %dma_wait3A_1101 = tpu.memref_slice %arg22[%dma_wait3A_1099, %dma_wait3A_1100] : memref<10000x128xf32, #tpu.memory_space<vmem_shared>> -> memref<10000x128xf32, #tpu.memory_space<vmem_shared>>
        tpu.wait_indirect_dma semaphore(%arg33 : memref<!tpu.dma_semaphore, #tpu.memory_space<semaphore_mem>>) src(%arg12 : memref<16x128xf32, #tpu.memory_space<vmem>>) dst(%dma_wait3A_1101 : memref<10000x128xf32, #tpu.memory_space<vmem_shared>>)
      } else {
      }
      %add3A_342 = arith.constant 7 : i32
      %add3A_343 = arith.addi %add3A_306, %add3A_342 : i32
      %lt3A_344 = arith.cmpi slt, %add3A_343, %min3A_6 : i32
      %convert_element_type3A_345 = arith.extui %lt3A_344 : i1 to i32
      %cond3A_346 = arith.constant 0 : i32
      %cond3A_347 = arith.cmpi ne, %convert_element_type3A_345, %cond3A_346 : i32
      scf.if %cond3A_347 {
        %dma_start3A_1095 = arith.constant 8 : i32
        %dma_start3A_1096 = arith.constant 0 : i32
        %dma_start3A_1097 = tpu.memref_slice %arg9[%select_n3A_254, %dma_start3A_1095, %dma_start3A_1096] : memref<2x16x16xi32, #tpu.memory_space<vmem>> -> memref<1x1x16xi32, #tpu.memory_space<vmem>>
        %dma_start3A_1098 = tpu.memref_squeeze %dma_start3A_1097 : memref<1x1x16xi32, #tpu.memory_space<vmem>> -> memref<16xi32, #tpu.memory_space<vmem>>
        %dma_start3A_1099 = arith.constant 0 : i32
        %dma_start3A_1100 = arith.constant 0 : i32
        %dma_start3A_1101 = tpu.memref_slice %arg2[%dma_start3A_1099, %dma_start3A_1100] : memref<10000x128xf32, #tpu.memory_space<hbm>> -> memref<10000x128xf32, #tpu.memory_space<hbm>>
        tpu.enqueue_indirect_dma source(%dma_start3A_1101 : memref<10000x128xf32, #tpu.memory_space<hbm>>) target(%arg12 : memref<16x128xf32, #tpu.memory_space<vmem>>) offsets(%dma_start3A_1098 : memref<16xi32, #tpu.memory_space<vmem>>) semaphore(%arg25 : memref<!tpu.dma_semaphore, #tpu.memory_space<semaphore_mem>>)
      } else {
      }
      %dma_start3A_348 = arith.constant 1 : i32
      %dma_start3A_349 = arith.constant 0 : i32
      %dma_start3A_350 = tpu.memref_slice %arg10[%select_n3A_254, %dma_start3A_348, %dma_start3A_349] : memref<2x16x16xi32, #tpu.memory_space<vmem>> -> memref<1x1x16xi32, #tpu.memory_space<vmem>>
      %dma_start3A_351 = tpu.memref_squeeze %dma_start3A_350 : memref<1x1x16xi32, #tpu.memory_space<vmem>> -> memref<16xi32, #tpu.memory_space<vmem>>
      %dma_start3A_352 = arith.constant 0 : i32
      %dma_start3A_353 = arith.constant 0 : i32
      %dma_start3A_354 = tpu.memref_slice %arg22[%dma_start3A_352, %dma_start3A_353] : memref<10000x128xf32, #tpu.memory_space<vmem_shared>> -> memref<10000x128xf32, #tpu.memory_space<vmem_shared>>
      tpu.enqueue_indirect_dma source(%arg13 : memref<16x128xf32, #tpu.memory_space<vmem>>) target(%dma_start3A_354 : memref<10000x128xf32, #tpu.memory_space<vmem_shared>>) offsets(%dma_start3A_351 : memref<16xi32, #tpu.memory_space<vmem>>) semaphore(%arg34 : memref<!tpu.dma_semaphore, #tpu.memory_space<semaphore_mem>>) {add = true}
      %mul3A_355 = arith.constant 16 : i32
      %mul3A_356 = arith.muli %while3A_239, %mul3A_355 : i32
      %add3A_357 = arith.constant 2 : i32
      %add3A_358 = arith.addi %mul3A_356, %add3A_357 : i32
      %add3A_359 = arith.constant 1 : i32
      %add3A_360 = arith.addi %while3A_239, %add3A_359 : i32
      %lt3A_361 = arith.cmpi slt, %add3A_360, %select_n3A_80 : i32
      %convert_element_type3A_362 = arith.extui %lt3A_361 : i1 to i32
      %cond3A_363 = arith.constant 0 : i32
      %cond3A_364 = arith.cmpi ne, %convert_element_type3A_362, %cond3A_363 : i32
      scf.if %cond3A_364 {
        %add3A_1095 = arith.constant 1 : i32
        %add3A_1096 = arith.addi %while3A_239, %add3A_1095 : i32
        %sub3A_1097 = arith.constant 1 : i32
        %sub3A_1098 = arith.subi %sub3A_1097, %select_n3A_254 : i32
        %mul3A_1099 = arith.constant 16 : i32
        %mul3A_1100 = arith.muli %add3A_1096, %mul3A_1099 : i32
        %add3A_1101 = arith.addi %mul3A_2, %mul3A_1100 : i32
        %dma_start3A_1102 = arith.constant 0 : i32
        %dma_start3A_1103 = arith.constant 0 : i32
        %dma_start3A_1104 = tpu.memref_slice %arg9[%sub3A_1098, %dma_start3A_1102, %dma_start3A_1103] : memref<2x16x16xi32, #tpu.memory_space<vmem>> -> memref<1x16x16xi32, #tpu.memory_space<vmem>>
        %dma_start3A_1105 = tpu.memref_squeeze %dma_start3A_1104 : memref<1x16x16xi32, #tpu.memory_space<vmem>> -> memref<16x16xi32, #tpu.memory_space<vmem>>
        %dma_start3A_1106 = arith.constant 0 : i32
        %dma_start3A_1107 = tpu.memref_slice %arg4[%add3A_1101, %dma_start3A_1106] : memref<20000x16xi32, #tpu.memory_space<hbm>> -> memref<16x16xi32, #tpu.memory_space<hbm>>
        %dma_start3A_1108 = arith.constant 0 : i32
        %dma_start3A_1109 = arith.constant 0 : i32
        %dma_start3A_1110 = tpu.memref_slice %arg9[%sub3A_1098, %dma_start3A_1108, %dma_start3A_1109] : memref<2x16x16xi32, #tpu.memory_space<vmem>> -> memref<1x16x16xi32, #tpu.memory_space<vmem>>
        %dma_start3A_1111 = tpu.memref_squeeze %dma_start3A_1110 : memref<1x16x16xi32, #tpu.memory_space<vmem>> -> memref<16x16xi32, #tpu.memory_space<vmem>>
        %dma_start3A_1112 = arith.constant 0 : i32
        %dma_start3A_1113 = tpu.memref_slice %arg4[%add3A_1101, %dma_start3A_1112] : memref<20000x16xi32, #tpu.memory_space<hbm>> -> memref<16x16xi32, #tpu.memory_space<hbm>>
        tpu.enqueue_dma source(%dma_start3A_1113 : memref<16x16xi32, #tpu.memory_space<hbm>>) target(%dma_start3A_1111 : memref<16x16xi32, #tpu.memory_space<vmem>>) target_semaphore(%arg24 : memref<!tpu.dma_semaphore, #tpu.memory_space<semaphore_mem>>)
        %add3A_1114 = arith.addi %mul3A_2, %mul3A_1100 : i32
        %dma_start3A_1115 = arith.constant 0 : i32
        %dma_start3A_1116 = arith.constant 0 : i32
        %dma_start3A_1117 = tpu.memref_slice %arg10[%sub3A_1098, %dma_start3A_1115, %dma_start3A_1116] : memref<2x16x16xi32, #tpu.memory_space<vmem>> -> memref<1x16x16xi32, #tpu.memory_space<vmem>>
        %dma_start3A_1118 = tpu.memref_squeeze %dma_start3A_1117 : memref<1x16x16xi32, #tpu.memory_space<vmem>> -> memref<16x16xi32, #tpu.memory_space<vmem>>
        %dma_start3A_1119 = arith.constant 0 : i32
        %dma_start3A_1120 = tpu.memref_slice %arg5[%add3A_1114, %dma_start3A_1119] : memref<20000x16xi32, #tpu.memory_space<hbm>> -> memref<16x16xi32, #tpu.memory_space<hbm>>
        %dma_start3A_1121 = arith.constant 0 : i32
        %dma_start3A_1122 = arith.constant 0 : i32
        %dma_start3A_1123 = tpu.memref_slice %arg10[%sub3A_1098, %dma_start3A_1121, %dma_start3A_1122] : memref<2x16x16xi32, #tpu.memory_space<vmem>> -> memref<1x16x16xi32, #tpu.memory_space<vmem>>
        %dma_start3A_1124 = tpu.memref_squeeze %dma_start3A_1123 : memref<1x16x16xi32, #tpu.memory_space<vmem>> -> memref<16x16xi32, #tpu.memory_space<vmem>>
        %dma_start3A_1125 = arith.constant 0 : i32
        %dma_start3A_1126 = tpu.memref_slice %arg5[%add3A_1114, %dma_start3A_1125] : memref<20000x16xi32, #tpu.memory_space<hbm>> -> memref<16x16xi32, #tpu.memory_space<hbm>>
        tpu.enqueue_dma source(%dma_start3A_1126 : memref<16x16xi32, #tpu.memory_space<hbm>>) target(%dma_start3A_1124 : memref<16x16xi32, #tpu.memory_space<vmem>>) target_semaphore(%arg24 : memref<!tpu.dma_semaphore, #tpu.memory_space<semaphore_mem>>)
      } else {
      }
      %get3A_365 = arith.constant 2 : i32
      %get3A_366 = arith.index_cast %select_n3A_254 : i32 to index
      %get3A_367 = arith.index_cast %get3A_365 : i32 to index
      %get3A_368 = arith.constant 0 : index
      %get3A_369 = tpu.vector_load %arg9[%get3A_366, %get3A_367, %get3A_368] {strides = array<i32>} : memref<2x16x16xi32, #tpu.memory_space<vmem>>, vector<16xi32>,
      %get3A_370 = arith.constant 2 : i32
      %get3A_371 = arith.index_cast %select_n3A_254 : i32 to index
      %get3A_372 = arith.index_cast %get3A_370 : i32 to index
      %get3A_373 = arith.constant 0 : index
      %get3A_374 = tpu.vector_load %arg10[%get3A_371, %get3A_372, %get3A_373] {strides = array<i32>} : memref<2x16x16xi32, #tpu.memory_space<vmem>>, vector<16xi32>,
      %shift_right_logical3A_375 = arith.constant 7 : i32
      %shift_right_logical3A_376 = vector.broadcast %shift_right_logical3A_375 : i32 to vector<16xi32>
      %shift_right_logical3A_377 = arith.shrui %get3A_369, %shift_right_logical3A_376 : vector<16xi32>
      %and3A_378 = arith.constant 127 : i32
      %and3A_379 = vector.broadcast %and3A_378 : i32 to vector<16xi32>
      %and3A_380 = arith.andi %get3A_369, %and3A_379 : vector<16xi32>
      %gather3A_381 = tpu.vector_load_idx %arg20[%shift_right_logical3A_377, %and3A_380] : memref<80x128xf32, #tpu.memory_space<vmem>>[vector<16xi32>, vector<16xi32>], vector<16xf32>,
      %shift_right_logical3A_382 = arith.constant 7 : i32
      %shift_right_logical3A_383 = vector.broadcast %shift_right_logical3A_382 : i32 to vector<16xi32>
      %shift_right_logical3A_384 = arith.shrui %get3A_374, %shift_right_logical3A_383 : vector<16xi32>
      %and3A_385 = arith.constant 127 : i32
      %and3A_386 = vector.broadcast %and3A_385 : i32 to vector<16xi32>
      %and3A_387 = arith.andi %get3A_374, %and3A_386 : vector<16xi32>
      tpu.vector_store_idx %arg21[%shift_right_logical3A_384, %and3A_387], %gather3A_381 {add = true} : memref<80x128xf32, #tpu.memory_space<vmem>>[vector<16xi32>, vector<16xi32>], vector<16xf32>,
      %dma_wait3A_388 = arith.constant 2 : i32
      %dma_wait3A_389 = arith.constant 0 : i32
      %dma_wait3A_390 = tpu.memref_slice %arg9[%select_n3A_254, %dma_wait3A_388, %dma_wait3A_389] : memref<2x16x16xi32, #tpu.memory_space<vmem>> -> memref<1x1x16xi32, #tpu.memory_space<vmem>>
      %dma_wait3A_391 = tpu.memref_squeeze %dma_wait3A_390 : memref<1x1x16xi32, #tpu.memory_space<vmem>> -> memref<16xi32, #tpu.memory_space<vmem>>
      %dma_wait3A_392 = arith.constant 0 : i32
      %dma_wait3A_393 = arith.constant 0 : i32
      %dma_wait3A_394 = tpu.memref_slice %arg2[%dma_wait3A_392, %dma_wait3A_393] : memref<10000x128xf32, #tpu.memory_space<hbm>> -> memref<10000x128xf32, #tpu.memory_space<hbm>>
      tpu.wait_indirect_dma semaphore(%arg27 : memref<!tpu.dma_semaphore, #tpu.memory_space<semaphore_mem>>) src(%dma_wait3A_394 : memref<10000x128xf32, #tpu.memory_space<hbm>>) dst(%arg14 : memref<16x128xf32, #tpu.memory_space<vmem>>)
      %ge3A_395 = arith.constant 1 : i32
      %ge3A_396 = arith.cmpi sge, %add3A_358, %ge3A_395 : i32
      %convert_element_type3A_397 = arith.extui %ge3A_396 : i1 to i32
      %cond3A_398 = arith.constant 0 : i32
      %cond3A_399 = arith.cmpi ne, %convert_element_type3A_397, %cond3A_398 : i32
      scf.if %cond3A_399 {
        %dma_wait3A_1095 = arith.constant 2 : i32
        %dma_wait3A_1096 = arith.constant 0 : i32
        %dma_wait3A_1097 = tpu.memref_slice %arg10[%select_n3A_254, %dma_wait3A_1095, %dma_wait3A_1096] : memref<2x16x16xi32, #tpu.memory_space<vmem>> -> memref<1x1x16xi32, #tpu.memory_space<vmem>>
        %dma_wait3A_1098 = tpu.memref_squeeze %dma_wait3A_1097 : memref<1x1x16xi32, #tpu.memory_space<vmem>> -> memref<16xi32, #tpu.memory_space<vmem>>
        %dma_wait3A_1099 = arith.constant 0 : i32
        %dma_wait3A_1100 = arith.constant 0 : i32
        %dma_wait3A_1101 = tpu.memref_slice %arg22[%dma_wait3A_1099, %dma_wait3A_1100] : memref<10000x128xf32, #tpu.memory_space<vmem_shared>> -> memref<10000x128xf32, #tpu.memory_space<vmem_shared>>
        tpu.wait_indirect_dma semaphore(%arg34 : memref<!tpu.dma_semaphore, #tpu.memory_space<semaphore_mem>>) src(%arg13 : memref<16x128xf32, #tpu.memory_space<vmem>>) dst(%dma_wait3A_1101 : memref<10000x128xf32, #tpu.memory_space<vmem_shared>>)
      } else {
      }
      %add3A_400 = arith.constant 7 : i32
      %add3A_401 = arith.addi %add3A_358, %add3A_400 : i32
      %lt3A_402 = arith.cmpi slt, %add3A_401, %min3A_6 : i32
      %convert_element_type3A_403 = arith.extui %lt3A_402 : i1 to i32
      %cond3A_404 = arith.constant 0 : i32
      %cond3A_405 = arith.cmpi ne, %convert_element_type3A_403, %cond3A_404 : i32
      scf.if %cond3A_405 {
        %dma_start3A_1095 = arith.constant 9 : i32
        %dma_start3A_1096 = arith.constant 0 : i32
        %dma_start3A_1097 = tpu.memref_slice %arg9[%select_n3A_254, %dma_start3A_1095, %dma_start3A_1096] : memref<2x16x16xi32, #tpu.memory_space<vmem>> -> memref<1x1x16xi32, #tpu.memory_space<vmem>>
        %dma_start3A_1098 = tpu.memref_squeeze %dma_start3A_1097 : memref<1x1x16xi32, #tpu.memory_space<vmem>> -> memref<16xi32, #tpu.memory_space<vmem>>
        %dma_start3A_1099 = arith.constant 0 : i32
        %dma_start3A_1100 = arith.constant 0 : i32
        %dma_start3A_1101 = tpu.memref_slice %arg2[%dma_start3A_1099, %dma_start3A_1100] : memref<10000x128xf32, #tpu.memory_space<hbm>> -> memref<10000x128xf32, #tpu.memory_space<hbm>>
        tpu.enqueue_indirect_dma source(%dma_start3A_1101 : memref<10000x128xf32, #tpu.memory_space<hbm>>) target(%arg13 : memref<16x128xf32, #tpu.memory_space<vmem>>) offsets(%dma_start3A_1098 : memref<16xi32, #tpu.memory_space<vmem>>) semaphore(%arg26 : memref<!tpu.dma_semaphore, #tpu.memory_space<semaphore_mem>>)
      } else {
      }
      %dma_start3A_406 = arith.constant 2 : i32
      %dma_start3A_407 = arith.constant 0 : i32
      %dma_start3A_408 = tpu.memref_slice %arg10[%select_n3A_254, %dma_start3A_406, %dma_start3A_407] : memref<2x16x16xi32, #tpu.memory_space<vmem>> -> memref<1x1x16xi32, #tpu.memory_space<vmem>>
      %dma_start3A_409 = tpu.memref_squeeze %dma_start3A_408 : memref<1x1x16xi32, #tpu.memory_space<vmem>> -> memref<16xi32, #tpu.memory_space<vmem>>
      %dma_start3A_410 = arith.constant 0 : i32
      %dma_start3A_411 = arith.constant 0 : i32
      %dma_start3A_412 = tpu.memref_slice %arg22[%dma_start3A_410, %dma_start3A_411] : memref<10000x128xf32, #tpu.memory_space<vmem_shared>> -> memref<10000x128xf32, #tpu.memory_space<vmem_shared>>
      tpu.enqueue_indirect_dma source(%arg14 : memref<16x128xf32, #tpu.memory_space<vmem>>) target(%dma_start3A_412 : memref<10000x128xf32, #tpu.memory_space<vmem_shared>>) offsets(%dma_start3A_409 : memref<16xi32, #tpu.memory_space<vmem>>) semaphore(%arg35 : memref<!tpu.dma_semaphore, #tpu.memory_space<semaphore_mem>>) {add = true}
      %mul3A_413 = arith.constant 16 : i32
      %mul3A_414 = arith.muli %while3A_239, %mul3A_413 : i32
      %add3A_415 = arith.constant 3 : i32
      %add3A_416 = arith.addi %mul3A_414, %add3A_415 : i32
      %get3A_417 = arith.constant 3 : i32
      %get3A_418 = arith.index_cast %select_n3A_254 : i32 to index
      %get3A_419 = arith.index_cast %get3A_417 : i32 to index
      %get3A_420 = arith.constant 0 : index
      %get3A_421 = tpu.vector_load %arg9[%get3A_418, %get3A_419, %get3A_420] {strides = array<i32>} : memref<2x16x16xi32, #tpu.memory_space<vmem>>, vector<16xi32>,
      %get3A_422 = arith.constant 3 : i32
      %get3A_423 = arith.index_cast %select_n3A_254 : i32 to index
      %get3A_424 = arith.index_cast %get3A_422 : i32 to index
      %get3A_425 = arith.constant 0 : index
      %get3A_426 = tpu.vector_load %arg10[%get3A_423, %get3A_424, %get3A_425] {strides = array<i32>} : memref<2x16x16xi32, #tpu.memory_space<vmem>>, vector<16xi32>,
      %shift_right_logical3A_427 = arith.constant 7 : i32
      %shift_right_logical3A_428 = vector.broadcast %shift_right_logical3A_427 : i32 to vector<16xi32>
      %shift_right_logical3A_429 = arith.shrui %get3A_421, %shift_right_logical3A_428 : vector<16xi32>
      %and3A_430 = arith.constant 127 : i32
      %and3A_431 = vector.broadcast %and3A_430 : i32 to vector<16xi32>
      %and3A_432 = arith.andi %get3A_421, %and3A_431 : vector<16xi32>
      %gather3A_433 = tpu.vector_load_idx %arg20[%shift_right_logical3A_429, %and3A_432] : memref<80x128xf32, #tpu.memory_space<vmem>>[vector<16xi32>, vector<16xi32>], vector<16xf32>,
      %shift_right_logical3A_434 = arith.constant 7 : i32
      %shift_right_logical3A_435 = vector.broadcast %shift_right_logical3A_434 : i32 to vector<16xi32>
      %shift_right_logical3A_436 = arith.shrui %get3A_426, %shift_right_logical3A_435 : vector<16xi32>
      %and3A_437 = arith.constant 127 : i32
      %and3A_438 = vector.broadcast %and3A_437 : i32 to vector<16xi32>
      %and3A_439 = arith.andi %get3A_426, %and3A_438 : vector<16xi32>
      tpu.vector_store_idx %arg21[%shift_right_logical3A_436, %and3A_439], %gather3A_433 {add = true} : memref<80x128xf32, #tpu.memory_space<vmem>>[vector<16xi32>, vector<16xi32>], vector<16xf32>,
      %dma_wait3A_440 = arith.constant 3 : i32
      %dma_wait3A_441 = arith.constant 0 : i32
      %dma_wait3A_442 = tpu.memref_slice %arg9[%select_n3A_254, %dma_wait3A_440, %dma_wait3A_441] : memref<2x16x16xi32, #tpu.memory_space<vmem>> -> memref<1x1x16xi32, #tpu.memory_space<vmem>>
      %dma_wait3A_443 = tpu.memref_squeeze %dma_wait3A_442 : memref<1x1x16xi32, #tpu.memory_space<vmem>> -> memref<16xi32, #tpu.memory_space<vmem>>
      %dma_wait3A_444 = arith.constant 0 : i32
      %dma_wait3A_445 = arith.constant 0 : i32
      %dma_wait3A_446 = tpu.memref_slice %arg2[%dma_wait3A_444, %dma_wait3A_445] : memref<10000x128xf32, #tpu.memory_space<hbm>> -> memref<10000x128xf32, #tpu.memory_space<hbm>>
      tpu.wait_indirect_dma semaphore(%arg28 : memref<!tpu.dma_semaphore, #tpu.memory_space<semaphore_mem>>) src(%dma_wait3A_446 : memref<10000x128xf32, #tpu.memory_space<hbm>>) dst(%arg15 : memref<16x128xf32, #tpu.memory_space<vmem>>)
      %ge3A_447 = arith.constant 1 : i32
      %ge3A_448 = arith.cmpi sge, %add3A_416, %ge3A_447 : i32
      %convert_element_type3A_449 = arith.extui %ge3A_448 : i1 to i32
      %cond3A_450 = arith.constant 0 : i32
      %cond3A_451 = arith.cmpi ne, %convert_element_type3A_449, %cond3A_450 : i32
      scf.if %cond3A_451 {
        %dma_wait3A_1095 = arith.constant 3 : i32
        %dma_wait3A_1096 = arith.constant 0 : i32
        %dma_wait3A_1097 = tpu.memref_slice %arg10[%select_n3A_254, %dma_wait3A_1095, %dma_wait3A_1096] : memref<2x16x16xi32, #tpu.memory_space<vmem>> -> memref<1x1x16xi32, #tpu.memory_space<vmem>>
        %dma_wait3A_1098 = tpu.memref_squeeze %dma_wait3A_1097 : memref<1x1x16xi32, #tpu.memory_space<vmem>> -> memref<16xi32, #tpu.memory_space<vmem>>
        %dma_wait3A_1099 = arith.constant 0 : i32
        %dma_wait3A_1100 = arith.constant 0 : i32
        %dma_wait3A_1101 = tpu.memref_slice %arg22[%dma_wait3A_1099, %dma_wait3A_1100] : memref<10000x128xf32, #tpu.memory_space<vmem_shared>> -> memref<10000x128xf32, #tpu.memory_space<vmem_shared>>
        tpu.wait_indirect_dma semaphore(%arg35 : memref<!tpu.dma_semaphore, #tpu.memory_space<semaphore_mem>>) src(%arg14 : memref<16x128xf32, #tpu.memory_space<vmem>>) dst(%dma_wait3A_1101 : memref<10000x128xf32, #tpu.memory_space<vmem_shared>>)
      } else {
      }
      %add3A_452 = arith.constant 7 : i32
      %add3A_453 = arith.addi %add3A_416, %add3A_452 : i32
      %lt3A_454 = arith.cmpi slt, %add3A_453, %min3A_6 : i32
      %convert_element_type3A_455 = arith.extui %lt3A_454 : i1 to i32
      %cond3A_456 = arith.constant 0 : i32
      %cond3A_457 = arith.cmpi ne, %convert_element_type3A_455, %cond3A_456 : i32
      scf.if %cond3A_457 {
        %dma_start3A_1095 = arith.constant 10 : i32
        %dma_start3A_1096 = arith.constant 0 : i32
        %dma_start3A_1097 = tpu.memref_slice %arg9[%select_n3A_254, %dma_start3A_1095, %dma_start3A_1096] : memref<2x16x16xi32, #tpu.memory_space<vmem>> -> memref<1x1x16xi32, #tpu.memory_space<vmem>>
        %dma_start3A_1098 = tpu.memref_squeeze %dma_start3A_1097 : memref<1x1x16xi32, #tpu.memory_space<vmem>> -> memref<16xi32, #tpu.memory_space<vmem>>
        %dma_start3A_1099 = arith.constant 0 : i32
        %dma_start3A_1100 = arith.constant 0 : i32
        %dma_start3A_1101 = tpu.memref_slice %arg2[%dma_start3A_1099, %dma_start3A_1100] : memref<10000x128xf32, #tpu.memory_space<hbm>> -> memref<10000x128xf32, #tpu.memory_space<hbm>>
        tpu.enqueue_indirect_dma source(%dma_start3A_1101 : memref<10000x128xf32, #tpu.memory_space<hbm>>) target(%arg14 : memref<16x128xf32, #tpu.memory_space<vmem>>) offsets(%dma_start3A_1098 : memref<16xi32, #tpu.memory_space<vmem>>) semaphore(%arg27 : memref<!tpu.dma_semaphore, #tpu.memory_space<semaphore_mem>>)
      } else {
      }
      %dma_start3A_458 = arith.constant 3 : i32
      %dma_start3A_459 = arith.constant 0 : i32
      %dma_start3A_460 = tpu.memref_slice %arg10[%select_n3A_254, %dma_start3A_458, %dma_start3A_459] : memref<2x16x16xi32, #tpu.memory_space<vmem>> -> memref<1x1x16xi32, #tpu.memory_space<vmem>>
      %dma_start3A_461 = tpu.memref_squeeze %dma_start3A_460 : memref<1x1x16xi32, #tpu.memory_space<vmem>> -> memref<16xi32, #tpu.memory_space<vmem>>
      %dma_start3A_462 = arith.constant 0 : i32
      %dma_start3A_463 = arith.constant 0 : i32
      %dma_start3A_464 = tpu.memref_slice %arg22[%dma_start3A_462, %dma_start3A_463] : memref<10000x128xf32, #tpu.memory_space<vmem_shared>> -> memref<10000x128xf32, #tpu.memory_space<vmem_shared>>
      tpu.enqueue_indirect_dma source(%arg15 : memref<16x128xf32, #tpu.memory_space<vmem>>) target(%dma_start3A_464 : memref<10000x128xf32, #tpu.memory_space<vmem_shared>>) offsets(%dma_start3A_461 : memref<16xi32, #tpu.memory_space<vmem>>) semaphore(%arg36 : memref<!tpu.dma_semaphore, #tpu.memory_space<semaphore_mem>>) {add = true}
      %mul3A_465 = arith.constant 16 : i32
      %mul3A_466 = arith.muli %while3A_239, %mul3A_465 : i32
      %add3A_467 = arith.constant 4 : i32
      %add3A_468 = arith.addi %mul3A_466, %add3A_467 : i32
      %get3A_469 = arith.constant 4 : i32
      %get3A_470 = arith.index_cast %select_n3A_254 : i32 to index
      %get3A_471 = arith.index_cast %get3A_469 : i32 to index
      %get3A_472 = arith.constant 0 : index
      %get3A_473 = tpu.vector_load %arg9[%get3A_470, %get3A_471, %get3A_472] {strides = array<i32>} : memref<2x16x16xi32, #tpu.memory_space<vmem>>, vector<16xi32>,
      %get3A_474 = arith.constant 4 : i32
      %get3A_475 = arith.index_cast %select_n3A_254 : i32 to index
      %get3A_476 = arith.index_cast %get3A_474 : i32 to index
      %get3A_477 = arith.constant 0 : index
      %get3A_478 = tpu.vector_load %arg10[%get3A_475, %get3A_476, %get3A_477] {strides = array<i32>} : memref<2x16x16xi32, #tpu.memory_space<vmem>>, vector<16xi32>,
      %shift_right_logical3A_479 = arith.constant 7 : i32
      %shift_right_logical3A_480 = vector.broadcast %shift_right_logical3A_479 : i32 to vector<16xi32>
      %shift_right_logical3A_481 = arith.shrui %get3A_473, %shift_right_logical3A_480 : vector<16xi32>
      %and3A_482 = arith.constant 127 : i32
      %and3A_483 = vector.broadcast %and3A_482 : i32 to vector<16xi32>
      %and3A_484 = arith.andi %get3A_473, %and3A_483 : vector<16xi32>
      %gather3A_485 = tpu.vector_load_idx %arg20[%shift_right_logical3A_481, %and3A_484] : memref<80x128xf32, #tpu.memory_space<vmem>>[vector<16xi32>, vector<16xi32>], vector<16xf32>,
      %shift_right_logical3A_486 = arith.constant 7 : i32
      %shift_right_logical3A_487 = vector.broadcast %shift_right_logical3A_486 : i32 to vector<16xi32>
      %shift_right_logical3A_488 = arith.shrui %get3A_478, %shift_right_logical3A_487 : vector<16xi32>
      %and3A_489 = arith.constant 127 : i32
      %and3A_490 = vector.broadcast %and3A_489 : i32 to vector<16xi32>
      %and3A_491 = arith.andi %get3A_478, %and3A_490 : vector<16xi32>
      tpu.vector_store_idx %arg21[%shift_right_logical3A_488, %and3A_491], %gather3A_485 {add = true} : memref<80x128xf32, #tpu.memory_space<vmem>>[vector<16xi32>, vector<16xi32>], vector<16xf32>,
      %dma_wait3A_492 = arith.constant 4 : i32
      %dma_wait3A_493 = arith.constant 0 : i32
      %dma_wait3A_494 = tpu.memref_slice %arg9[%select_n3A_254, %dma_wait3A_492, %dma_wait3A_493] : memref<2x16x16xi32, #tpu.memory_space<vmem>> -> memref<1x1x16xi32, #tpu.memory_space<vmem>>
      %dma_wait3A_495 = tpu.memref_squeeze %dma_wait3A_494 : memref<1x1x16xi32, #tpu.memory_space<vmem>> -> memref<16xi32, #tpu.memory_space<vmem>>
      %dma_wait3A_496 = arith.constant 0 : i32
      %dma_wait3A_497 = arith.constant 0 : i32
      %dma_wait3A_498 = tpu.memref_slice %arg2[%dma_wait3A_496, %dma_wait3A_497] : memref<10000x128xf32, #tpu.memory_space<hbm>> -> memref<10000x128xf32, #tpu.memory_space<hbm>>
      tpu.wait_indirect_dma semaphore(%arg29 : memref<!tpu.dma_semaphore, #tpu.memory_space<semaphore_mem>>) src(%dma_wait3A_498 : memref<10000x128xf32, #tpu.memory_space<hbm>>) dst(%arg16 : memref<16x128xf32, #tpu.memory_space<vmem>>)
      %ge3A_499 = arith.constant 1 : i32
      %ge3A_500 = arith.cmpi sge, %add3A_468, %ge3A_499 : i32
      %convert_element_type3A_501 = arith.extui %ge3A_500 : i1 to i32
      %cond3A_502 = arith.constant 0 : i32
      %cond3A_503 = arith.cmpi ne, %convert_element_type3A_501, %cond3A_502 : i32
      scf.if %cond3A_503 {
        %dma_wait3A_1095 = arith.constant 4 : i32
        %dma_wait3A_1096 = arith.constant 0 : i32
        %dma_wait3A_1097 = tpu.memref_slice %arg10[%select_n3A_254, %dma_wait3A_1095, %dma_wait3A_1096] : memref<2x16x16xi32, #tpu.memory_space<vmem>> -> memref<1x1x16xi32, #tpu.memory_space<vmem>>
        %dma_wait3A_1098 = tpu.memref_squeeze %dma_wait3A_1097 : memref<1x1x16xi32, #tpu.memory_space<vmem>> -> memref<16xi32, #tpu.memory_space<vmem>>
        %dma_wait3A_1099 = arith.constant 0 : i32
        %dma_wait3A_1100 = arith.constant 0 : i32
        %dma_wait3A_1101 = tpu.memref_slice %arg22[%dma_wait3A_1099, %dma_wait3A_1100] : memref<10000x128xf32, #tpu.memory_space<vmem_shared>> -> memref<10000x128xf32, #tpu.memory_space<vmem_shared>>
        tpu.wait_indirect_dma semaphore(%arg36 : memref<!tpu.dma_semaphore, #tpu.memory_space<semaphore_mem>>) src(%arg15 : memref<16x128xf32, #tpu.memory_space<vmem>>) dst(%dma_wait3A_1101 : memref<10000x128xf32, #tpu.memory_space<vmem_shared>>)
      } else {
      }
      %add3A_504 = arith.constant 7 : i32
      %add3A_505 = arith.addi %add3A_468, %add3A_504 : i32
      %lt3A_506 = arith.cmpi slt, %add3A_505, %min3A_6 : i32
      %convert_element_type3A_507 = arith.extui %lt3A_506 : i1 to i32
      %cond3A_508 = arith.constant 0 : i32
      %cond3A_509 = arith.cmpi ne, %convert_element_type3A_507, %cond3A_508 : i32
      scf.if %cond3A_509 {
        %dma_start3A_1095 = arith.constant 11 : i32
        %dma_start3A_1096 = arith.constant 0 : i32
        %dma_start3A_1097 = tpu.memref_slice %arg9[%select_n3A_254, %dma_start3A_1095, %dma_start3A_1096] : memref<2x16x16xi32, #tpu.memory_space<vmem>> -> memref<1x1x16xi32, #tpu.memory_space<vmem>>
        %dma_start3A_1098 = tpu.memref_squeeze %dma_start3A_1097 : memref<1x1x16xi32, #tpu.memory_space<vmem>> -> memref<16xi32, #tpu.memory_space<vmem>>
        %dma_start3A_1099 = arith.constant 0 : i32
        %dma_start3A_1100 = arith.constant 0 : i32
        %dma_start3A_1101 = tpu.memref_slice %arg2[%dma_start3A_1099, %dma_start3A_1100] : memref<10000x128xf32, #tpu.memory_space<hbm>> -> memref<10000x128xf32, #tpu.memory_space<hbm>>
        tpu.enqueue_indirect_dma source(%dma_start3A_1101 : memref<10000x128xf32, #tpu.memory_space<hbm>>) target(%arg15 : memref<16x128xf32, #tpu.memory_space<vmem>>) offsets(%dma_start3A_1098 : memref<16xi32, #tpu.memory_space<vmem>>) semaphore(%arg28 : memref<!tpu.dma_semaphore, #tpu.memory_space<semaphore_mem>>)
      } else {
      }
      %dma_start3A_510 = arith.constant 4 : i32
      %dma_start3A_511 = arith.constant 0 : i32
      %dma_start3A_512 = tpu.memref_slice %arg10[%select_n3A_254, %dma_start3A_510, %dma_start3A_511] : memref<2x16x16xi32, #tpu.memory_space<vmem>> -> memref<1x1x16xi32, #tpu.memory_space<vmem>>
      %dma_start3A_513 = tpu.memref_squeeze %dma_start3A_512 : memref<1x1x16xi32, #tpu.memory_space<vmem>> -> memref<16xi32, #tpu.memory_space<vmem>>
      %dma_start3A_514 = arith.constant 0 : i32
      %dma_start3A_515 = arith.constant 0 : i32
      %dma_start3A_516 = tpu.memref_slice %arg22[%dma_start3A_514, %dma_start3A_515] : memref<10000x128xf32, #tpu.memory_space<vmem_shared>> -> memref<10000x128xf32, #tpu.memory_space<vmem_shared>>
      tpu.enqueue_indirect_dma source(%arg16 : memref<16x128xf32, #tpu.memory_space<vmem>>) target(%dma_start3A_516 : memref<10000x128xf32, #tpu.memory_space<vmem_shared>>) offsets(%dma_start3A_513 : memref<16xi32, #tpu.memory_space<vmem>>) semaphore(%arg37 : memref<!tpu.dma_semaphore, #tpu.memory_space<semaphore_mem>>) {add = true}
      %mul3A_517 = arith.constant 16 : i32
      %mul3A_518 = arith.muli %while3A_239, %mul3A_517 : i32
      %add3A_519 = arith.constant 5 : i32
      %add3A_520 = arith.addi %mul3A_518, %add3A_519 : i32
      %get3A_521 = arith.constant 5 : i32
      %get3A_522 = arith.index_cast %select_n3A_254 : i32 to index
      %get3A_523 = arith.index_cast %get3A_521 : i32 to index
      %get3A_524 = arith.constant 0 : index
      %get3A_525 = tpu.vector_load %arg9[%get3A_522, %get3A_523, %get3A_524] {strides = array<i32>} : memref<2x16x16xi32, #tpu.memory_space<vmem>>, vector<16xi32>,
      %get3A_526 = arith.constant 5 : i32
      %get3A_527 = arith.index_cast %select_n3A_254 : i32 to index
      %get3A_528 = arith.index_cast %get3A_526 : i32 to index
      %get3A_529 = arith.constant 0 : index
      %get3A_530 = tpu.vector_load %arg10[%get3A_527, %get3A_528, %get3A_529] {strides = array<i32>} : memref<2x16x16xi32, #tpu.memory_space<vmem>>, vector<16xi32>,
      %shift_right_logical3A_531 = arith.constant 7 : i32
      %shift_right_logical3A_532 = vector.broadcast %shift_right_logical3A_531 : i32 to vector<16xi32>
      %shift_right_logical3A_533 = arith.shrui %get3A_525, %shift_right_logical3A_532 : vector<16xi32>
      %and3A_534 = arith.constant 127 : i32
      %and3A_535 = vector.broadcast %and3A_534 : i32 to vector<16xi32>
      %and3A_536 = arith.andi %get3A_525, %and3A_535 : vector<16xi32>
      %gather3A_537 = tpu.vector_load_idx %arg20[%shift_right_logical3A_533, %and3A_536] : memref<80x128xf32, #tpu.memory_space<vmem>>[vector<16xi32>, vector<16xi32>], vector<16xf32>,
      %shift_right_logical3A_538 = arith.constant 7 : i32
      %shift_right_logical3A_539 = vector.broadcast %shift_right_logical3A_538 : i32 to vector<16xi32>
      %shift_right_logical3A_540 = arith.shrui %get3A_530, %shift_right_logical3A_539 : vector<16xi32>
      %and3A_541 = arith.constant 127 : i32
      %and3A_542 = vector.broadcast %and3A_541 : i32 to vector<16xi32>
      %and3A_543 = arith.andi %get3A_530, %and3A_542 : vector<16xi32>
      tpu.vector_store_idx %arg21[%shift_right_logical3A_540, %and3A_543], %gather3A_537 {add = true} : memref<80x128xf32, #tpu.memory_space<vmem>>[vector<16xi32>, vector<16xi32>], vector<16xf32>,
      %dma_wait3A_544 = arith.constant 5 : i32
      %dma_wait3A_545 = arith.constant 0 : i32
      %dma_wait3A_546 = tpu.memref_slice %arg9[%select_n3A_254, %dma_wait3A_544, %dma_wait3A_545] : memref<2x16x16xi32, #tpu.memory_space<vmem>> -> memref<1x1x16xi32, #tpu.memory_space<vmem>>
      %dma_wait3A_547 = tpu.memref_squeeze %dma_wait3A_546 : memref<1x1x16xi32, #tpu.memory_space<vmem>> -> memref<16xi32, #tpu.memory_space<vmem>>
      %dma_wait3A_548 = arith.constant 0 : i32
      %dma_wait3A_549 = arith.constant 0 : i32
      %dma_wait3A_550 = tpu.memref_slice %arg2[%dma_wait3A_548, %dma_wait3A_549] : memref<10000x128xf32, #tpu.memory_space<hbm>> -> memref<10000x128xf32, #tpu.memory_space<hbm>>
      tpu.wait_indirect_dma semaphore(%arg30 : memref<!tpu.dma_semaphore, #tpu.memory_space<semaphore_mem>>) src(%dma_wait3A_550 : memref<10000x128xf32, #tpu.memory_space<hbm>>) dst(%arg17 : memref<16x128xf32, #tpu.memory_space<vmem>>)
      %ge3A_551 = arith.constant 1 : i32
      %ge3A_552 = arith.cmpi sge, %add3A_520, %ge3A_551 : i32
      %convert_element_type3A_553 = arith.extui %ge3A_552 : i1 to i32
      %cond3A_554 = arith.constant 0 : i32
      %cond3A_555 = arith.cmpi ne, %convert_element_type3A_553, %cond3A_554 : i32
      scf.if %cond3A_555 {
        %dma_wait3A_1095 = arith.constant 5 : i32
        %dma_wait3A_1096 = arith.constant 0 : i32
        %dma_wait3A_1097 = tpu.memref_slice %arg10[%select_n3A_254, %dma_wait3A_1095, %dma_wait3A_1096] : memref<2x16x16xi32, #tpu.memory_space<vmem>> -> memref<1x1x16xi32, #tpu.memory_space<vmem>>
        %dma_wait3A_1098 = tpu.memref_squeeze %dma_wait3A_1097 : memref<1x1x16xi32, #tpu.memory_space<vmem>> -> memref<16xi32, #tpu.memory_space<vmem>>
        %dma_wait3A_1099 = arith.constant 0 : i32
        %dma_wait3A_1100 = arith.constant 0 : i32
        %dma_wait3A_1101 = tpu.memref_slice %arg22[%dma_wait3A_1099, %dma_wait3A_1100] : memref<10000x128xf32, #tpu.memory_space<vmem_shared>> -> memref<10000x128xf32, #tpu.memory_space<vmem_shared>>
        tpu.wait_indirect_dma semaphore(%arg37 : memref<!tpu.dma_semaphore, #tpu.memory_space<semaphore_mem>>) src(%arg16 : memref<16x128xf32, #tpu.memory_space<vmem>>) dst(%dma_wait3A_1101 : memref<10000x128xf32, #tpu.memory_space<vmem_shared>>)
      } else {
      }
      %add3A_556 = arith.constant 7 : i32
      %add3A_557 = arith.addi %add3A_520, %add3A_556 : i32
      %lt3A_558 = arith.cmpi slt, %add3A_557, %min3A_6 : i32
      %convert_element_type3A_559 = arith.extui %lt3A_558 : i1 to i32
      %cond3A_560 = arith.constant 0 : i32
      %cond3A_561 = arith.cmpi ne, %convert_element_type3A_559, %cond3A_560 : i32
      scf.if %cond3A_561 {
        %dma_start3A_1095 = arith.constant 12 : i32
        %dma_start3A_1096 = arith.constant 0 : i32
        %dma_start3A_1097 = tpu.memref_slice %arg9[%select_n3A_254, %dma_start3A_1095, %dma_start3A_1096] : memref<2x16x16xi32, #tpu.memory_space<vmem>> -> memref<1x1x16xi32, #tpu.memory_space<vmem>>
        %dma_start3A_1098 = tpu.memref_squeeze %dma_start3A_1097 : memref<1x1x16xi32, #tpu.memory_space<vmem>> -> memref<16xi32, #tpu.memory_space<vmem>>
        %dma_start3A_1099 = arith.constant 0 : i32
        %dma_start3A_1100 = arith.constant 0 : i32
        %dma_start3A_1101 = tpu.memref_slice %arg2[%dma_start3A_1099, %dma_start3A_1100] : memref<10000x128xf32, #tpu.memory_space<hbm>> -> memref<10000x128xf32, #tpu.memory_space<hbm>>
        tpu.enqueue_indirect_dma source(%dma_start3A_1101 : memref<10000x128xf32, #tpu.memory_space<hbm>>) target(%arg16 : memref<16x128xf32, #tpu.memory_space<vmem>>) offsets(%dma_start3A_1098 : memref<16xi32, #tpu.memory_space<vmem>>) semaphore(%arg29 : memref<!tpu.dma_semaphore, #tpu.memory_space<semaphore_mem>>)
      } else {
      }
      %dma_start3A_562 = arith.constant 5 : i32
      %dma_start3A_563 = arith.constant 0 : i32
      %dma_start3A_564 = tpu.memref_slice %arg10[%select_n3A_254, %dma_start3A_562, %dma_start3A_563] : memref<2x16x16xi32, #tpu.memory_space<vmem>> -> memref<1x1x16xi32, #tpu.memory_space<vmem>>
      %dma_start3A_565 = tpu.memref_squeeze %dma_start3A_564 : memref<1x1x16xi32, #tpu.memory_space<vmem>> -> memref<16xi32, #tpu.memory_space<vmem>>
      %dma_start3A_566 = arith.constant 0 : i32
      %dma_start3A_567 = arith.constant 0 : i32
      %dma_start3A_568 = tpu.memref_slice %arg22[%dma_start3A_566, %dma_start3A_567] : memref<10000x128xf32, #tpu.memory_space<vmem_shared>> -> memref<10000x128xf32, #tpu.memory_space<vmem_shared>>
      tpu.enqueue_indirect_dma source(%arg17 : memref<16x128xf32, #tpu.memory_space<vmem>>) target(%dma_start3A_568 : memref<10000x128xf32, #tpu.memory_space<vmem_shared>>) offsets(%dma_start3A_565 : memref<16xi32, #tpu.memory_space<vmem>>) semaphore(%arg38 : memref<!tpu.dma_semaphore, #tpu.memory_space<semaphore_mem>>) {add = true}
      %mul3A_569 = arith.constant 16 : i32
      %mul3A_570 = arith.muli %while3A_239, %mul3A_569 : i32
      %add3A_571 = arith.constant 6 : i32
      %add3A_572 = arith.addi %mul3A_570, %add3A_571 : i32
      %get3A_573 = arith.constant 6 : i32
      %get3A_574 = arith.index_cast %select_n3A_254 : i32 to index
      %get3A_575 = arith.index_cast %get3A_573 : i32 to index
      %get3A_576 = arith.constant 0 : index
      %get3A_577 = tpu.vector_load %arg9[%get3A_574, %get3A_575, %get3A_576] {strides = array<i32>} : memref<2x16x16xi32, #tpu.memory_space<vmem>>, vector<16xi32>,
      %get3A_578 = arith.constant 6 : i32
      %get3A_579 = arith.index_cast %select_n3A_254 : i32 to index
      %get3A_580 = arith.index_cast %get3A_578 : i32 to index
      %get3A_581 = arith.constant 0 : index
      %get3A_582 = tpu.vector_load %arg10[%get3A_579, %get3A_580, %get3A_581] {strides = array<i32>} : memref<2x16x16xi32, #tpu.memory_space<vmem>>, vector<16xi32>,
      %shift_right_logical3A_583 = arith.constant 7 : i32
      %shift_right_logical3A_584 = vector.broadcast %shift_right_logical3A_583 : i32 to vector<16xi32>
      %shift_right_logical3A_585 = arith.shrui %get3A_577, %shift_right_logical3A_584 : vector<16xi32>
      %and3A_586 = arith.constant 127 : i32
      %and3A_587 = vector.broadcast %and3A_586 : i32 to vector<16xi32>
      %and3A_588 = arith.andi %get3A_577, %and3A_587 : vector<16xi32>
      %gather3A_589 = tpu.vector_load_idx %arg20[%shift_right_logical3A_585, %and3A_588] : memref<80x128xf32, #tpu.memory_space<vmem>>[vector<16xi32>, vector<16xi32>], vector<16xf32>,
      %shift_right_logical3A_590 = arith.constant 7 : i32
      %shift_right_logical3A_591 = vector.broadcast %shift_right_logical3A_590 : i32 to vector<16xi32>
      %shift_right_logical3A_592 = arith.shrui %get3A_582, %shift_right_logical3A_591 : vector<16xi32>
      %and3A_593 = arith.constant 127 : i32
      %and3A_594 = vector.broadcast %and3A_593 : i32 to vector<16xi32>
      %and3A_595 = arith.andi %get3A_582, %and3A_594 : vector<16xi32>
      tpu.vector_store_idx %arg21[%shift_right_logical3A_592, %and3A_595], %gather3A_589 {add = true} : memref<80x128xf32, #tpu.memory_space<vmem>>[vector<16xi32>, vector<16xi32>], vector<16xf32>,
      %dma_wait3A_596 = arith.constant 6 : i32
      %dma_wait3A_597 = arith.constant 0 : i32
      %dma_wait3A_598 = tpu.memref_slice %arg9[%select_n3A_254, %dma_wait3A_596, %dma_wait3A_597] : memref<2x16x16xi32, #tpu.memory_space<vmem>> -> memref<1x1x16xi32, #tpu.memory_space<vmem>>
      %dma_wait3A_599 = tpu.memref_squeeze %dma_wait3A_598 : memref<1x1x16xi32, #tpu.memory_space<vmem>> -> memref<16xi32, #tpu.memory_space<vmem>>
      %dma_wait3A_600 = arith.constant 0 : i32
      %dma_wait3A_601 = arith.constant 0 : i32
      %dma_wait3A_602 = tpu.memref_slice %arg2[%dma_wait3A_600, %dma_wait3A_601] : memref<10000x128xf32, #tpu.memory_space<hbm>> -> memref<10000x128xf32, #tpu.memory_space<hbm>>
      tpu.wait_indirect_dma semaphore(%arg31 : memref<!tpu.dma_semaphore, #tpu.memory_space<semaphore_mem>>) src(%dma_wait3A_602 : memref<10000x128xf32, #tpu.memory_space<hbm>>) dst(%arg18 : memref<16x128xf32, #tpu.memory_space<vmem>>)
      %ge3A_603 = arith.constant 1 : i32
      %ge3A_604 = arith.cmpi sge, %add3A_572, %ge3A_603 : i32
      %convert_element_type3A_605 = arith.extui %ge3A_604 : i1 to i32
      %cond3A_606 = arith.constant 0 : i32
      %cond3A_607 = arith.cmpi ne, %convert_element_type3A_605, %cond3A_606 : i32
      scf.if %cond3A_607 {
        %dma_wait3A_1095 = arith.constant 6 : i32
        %dma_wait3A_1096 = arith.constant 0 : i32
        %dma_wait3A_1097 = tpu.memref_slice %arg10[%select_n3A_254, %dma_wait3A_1095, %dma_wait3A_1096] : memref<2x16x16xi32, #tpu.memory_space<vmem>> -> memref<1x1x16xi32, #tpu.memory_space<vmem>>
        %dma_wait3A_1098 = tpu.memref_squeeze %dma_wait3A_1097 : memref<1x1x16xi32, #tpu.memory_space<vmem>> -> memref<16xi32, #tpu.memory_space<vmem>>
        %dma_wait3A_1099 = arith.constant 0 : i32
        %dma_wait3A_1100 = arith.constant 0 : i32
        %dma_wait3A_1101 = tpu.memref_slice %arg22[%dma_wait3A_1099, %dma_wait3A_1100] : memref<10000x128xf32, #tpu.memory_space<vmem_shared>> -> memref<10000x128xf32, #tpu.memory_space<vmem_shared>>
        tpu.wait_indirect_dma semaphore(%arg38 : memref<!tpu.dma_semaphore, #tpu.memory_space<semaphore_mem>>) src(%arg17 : memref<16x128xf32, #tpu.memory_space<vmem>>) dst(%dma_wait3A_1101 : memref<10000x128xf32, #tpu.memory_space<vmem_shared>>)
      } else {
      }
      %add3A_608 = arith.constant 7 : i32
      %add3A_609 = arith.addi %add3A_572, %add3A_608 : i32
      %lt3A_610 = arith.cmpi slt, %add3A_609, %min3A_6 : i32
      %convert_element_type3A_611 = arith.extui %lt3A_610 : i1 to i32
      %cond3A_612 = arith.constant 0 : i32
      %cond3A_613 = arith.cmpi ne, %convert_element_type3A_611, %cond3A_612 : i32
      scf.if %cond3A_613 {
        %dma_start3A_1095 = arith.constant 13 : i32
        %dma_start3A_1096 = arith.constant 0 : i32
        %dma_start3A_1097 = tpu.memref_slice %arg9[%select_n3A_254, %dma_start3A_1095, %dma_start3A_1096] : memref<2x16x16xi32, #tpu.memory_space<vmem>> -> memref<1x1x16xi32, #tpu.memory_space<vmem>>
        %dma_start3A_1098 = tpu.memref_squeeze %dma_start3A_1097 : memref<1x1x16xi32, #tpu.memory_space<vmem>> -> memref<16xi32, #tpu.memory_space<vmem>>
        %dma_start3A_1099 = arith.constant 0 : i32
        %dma_start3A_1100 = arith.constant 0 : i32
        %dma_start3A_1101 = tpu.memref_slice %arg2[%dma_start3A_1099, %dma_start3A_1100] : memref<10000x128xf32, #tpu.memory_space<hbm>> -> memref<10000x128xf32, #tpu.memory_space<hbm>>
        tpu.enqueue_indirect_dma source(%dma_start3A_1101 : memref<10000x128xf32, #tpu.memory_space<hbm>>) target(%arg17 : memref<16x128xf32, #tpu.memory_space<vmem>>) offsets(%dma_start3A_1098 : memref<16xi32, #tpu.memory_space<vmem>>) semaphore(%arg30 : memref<!tpu.dma_semaphore, #tpu.memory_space<semaphore_mem>>)
      } else {
      }
      %dma_start3A_614 = arith.constant 6 : i32
      %dma_start3A_615 = arith.constant 0 : i32
      %dma_start3A_616 = tpu.memref_slice %arg10[%select_n3A_254, %dma_start3A_614, %dma_start3A_615] : memref<2x16x16xi32, #tpu.memory_space<vmem>> -> memref<1x1x16xi32, #tpu.memory_space<vmem>>
      %dma_start3A_617 = tpu.memref_squeeze %dma_start3A_616 : memref<1x1x16xi32, #tpu.memory_space<vmem>> -> memref<16xi32, #tpu.memory_space<vmem>>
      %dma_start3A_618 = arith.constant 0 : i32
      %dma_start3A_619 = arith.constant 0 : i32
      %dma_start3A_620 = tpu.memref_slice %arg22[%dma_start3A_618, %dma_start3A_619] : memref<10000x128xf32, #tpu.memory_space<vmem_shared>> -> memref<10000x128xf32, #tpu.memory_space<vmem_shared>>
      tpu.enqueue_indirect_dma source(%arg18 : memref<16x128xf32, #tpu.memory_space<vmem>>) target(%dma_start3A_620 : memref<10000x128xf32, #tpu.memory_space<vmem_shared>>) offsets(%dma_start3A_617 : memref<16xi32, #tpu.memory_space<vmem>>) semaphore(%arg39 : memref<!tpu.dma_semaphore, #tpu.memory_space<semaphore_mem>>) {add = true}
      %mul3A_621 = arith.constant 16 : i32
      %mul3A_622 = arith.muli %while3A_239, %mul3A_621 : i32
      %add3A_623 = arith.constant 7 : i32
      %add3A_624 = arith.addi %mul3A_622, %add3A_623 : i32
      %get3A_625 = arith.constant 7 : i32
      %get3A_626 = arith.index_cast %select_n3A_254 : i32 to index
      %get3A_627 = arith.index_cast %get3A_625 : i32 to index
      %get3A_628 = arith.constant 0 : index
      %get3A_629 = tpu.vector_load %arg9[%get3A_626, %get3A_627, %get3A_628] {strides = array<i32>} : memref<2x16x16xi32, #tpu.memory_space<vmem>>, vector<16xi32>,
      %get3A_630 = arith.constant 7 : i32
      %get3A_631 = arith.index_cast %select_n3A_254 : i32 to index
      %get3A_632 = arith.index_cast %get3A_630 : i32 to index
      %get3A_633 = arith.constant 0 : index
      %get3A_634 = tpu.vector_load %arg10[%get3A_631, %get3A_632, %get3A_633] {strides = array<i32>} : memref<2x16x16xi32, #tpu.memory_space<vmem>>, vector<16xi32>,
      %shift_right_logical3A_635 = arith.constant 7 : i32
      %shift_right_logical3A_636 = vector.broadcast %shift_right_logical3A_635 : i32 to vector<16xi32>
      %shift_right_logical3A_637 = arith.shrui %get3A_629, %shift_right_logical3A_636 : vector<16xi32>
      %and3A_638 = arith.constant 127 : i32
      %and3A_639 = vector.broadcast %and3A_638 : i32 to vector<16xi32>
      %and3A_640 = arith.andi %get3A_629, %and3A_639 : vector<16xi32>
      %gather3A_641 = tpu.vector_load_idx %arg20[%shift_right_logical3A_637, %and3A_640] : memref<80x128xf32, #tpu.memory_space<vmem>>[vector<16xi32>, vector<16xi32>], vector<16xf32>,
      %shift_right_logical3A_642 = arith.constant 7 : i32
      %shift_right_logical3A_643 = vector.broadcast %shift_right_logical3A_642 : i32 to vector<16xi32>
      %shift_right_logical3A_644 = arith.shrui %get3A_634, %shift_right_logical3A_643 : vector<16xi32>
      %and3A_645 = arith.constant 127 : i32
      %and3A_646 = vector.broadcast %and3A_645 : i32 to vector<16xi32>
      %and3A_647 = arith.andi %get3A_634, %and3A_646 : vector<16xi32>
      tpu.vector_store_idx %arg21[%shift_right_logical3A_644, %and3A_647], %gather3A_641 {add = true} : memref<80x128xf32, #tpu.memory_space<vmem>>[vector<16xi32>, vector<16xi32>], vector<16xf32>,
      %dma_wait3A_648 = arith.constant 7 : i32
      %dma_wait3A_649 = arith.constant 0 : i32
      %dma_wait3A_650 = tpu.memref_slice %arg9[%select_n3A_254, %dma_wait3A_648, %dma_wait3A_649] : memref<2x16x16xi32, #tpu.memory_space<vmem>> -> memref<1x1x16xi32, #tpu.memory_space<vmem>>
      %dma_wait3A_651 = tpu.memref_squeeze %dma_wait3A_650 : memref<1x1x16xi32, #tpu.memory_space<vmem>> -> memref<16xi32, #tpu.memory_space<vmem>>
      %dma_wait3A_652 = arith.constant 0 : i32
      %dma_wait3A_653 = arith.constant 0 : i32
      %dma_wait3A_654 = tpu.memref_slice %arg2[%dma_wait3A_652, %dma_wait3A_653] : memref<10000x128xf32, #tpu.memory_space<hbm>> -> memref<10000x128xf32, #tpu.memory_space<hbm>>
      tpu.wait_indirect_dma semaphore(%arg32 : memref<!tpu.dma_semaphore, #tpu.memory_space<semaphore_mem>>) src(%dma_wait3A_654 : memref<10000x128xf32, #tpu.memory_space<hbm>>) dst(%arg19 : memref<16x128xf32, #tpu.memory_space<vmem>>)
      %ge3A_655 = arith.constant 1 : i32
      %ge3A_656 = arith.cmpi sge, %add3A_624, %ge3A_655 : i32
      %convert_element_type3A_657 = arith.extui %ge3A_656 : i1 to i32
      %cond3A_658 = arith.constant 0 : i32
      %cond3A_659 = arith.cmpi ne, %convert_element_type3A_657, %cond3A_658 : i32
      scf.if %cond3A_659 {
        %dma_wait3A_1095 = arith.constant 7 : i32
        %dma_wait3A_1096 = arith.constant 0 : i32
        %dma_wait3A_1097 = tpu.memref_slice %arg10[%select_n3A_254, %dma_wait3A_1095, %dma_wait3A_1096] : memref<2x16x16xi32, #tpu.memory_space<vmem>> -> memref<1x1x16xi32, #tpu.memory_space<vmem>>
        %dma_wait3A_1098 = tpu.memref_squeeze %dma_wait3A_1097 : memref<1x1x16xi32, #tpu.memory_space<vmem>> -> memref<16xi32, #tpu.memory_space<vmem>>
        %dma_wait3A_1099 = arith.constant 0 : i32
        %dma_wait3A_1100 = arith.constant 0 : i32
        %dma_wait3A_1101 = tpu.memref_slice %arg22[%dma_wait3A_1099, %dma_wait3A_1100] : memref<10000x128xf32, #tpu.memory_space<vmem_shared>> -> memref<10000x128xf32, #tpu.memory_space<vmem_shared>>
        tpu.wait_indirect_dma semaphore(%arg39 : memref<!tpu.dma_semaphore, #tpu.memory_space<semaphore_mem>>) src(%arg18 : memref<16x128xf32, #tpu.memory_space<vmem>>) dst(%dma_wait3A_1101 : memref<10000x128xf32, #tpu.memory_space<vmem_shared>>)
      } else {
      }
      %add3A_660 = arith.constant 7 : i32
      %add3A_661 = arith.addi %add3A_624, %add3A_660 : i32
      %lt3A_662 = arith.cmpi slt, %add3A_661, %min3A_6 : i32
      %convert_element_type3A_663 = arith.extui %lt3A_662 : i1 to i32
      %cond3A_664 = arith.constant 0 : i32
      %cond3A_665 = arith.cmpi ne, %convert_element_type3A_663, %cond3A_664 : i32
      scf.if %cond3A_665 {
        %dma_start3A_1095 = arith.constant 14 : i32
        %dma_start3A_1096 = arith.constant 0 : i32
        %dma_start3A_1097 = tpu.memref_slice %arg9[%select_n3A_254, %dma_start3A_1095, %dma_start3A_1096] : memref<2x16x16xi32, #tpu.memory_space<vmem>> -> memref<1x1x16xi32, #tpu.memory_space<vmem>>
        %dma_start3A_1098 = tpu.memref_squeeze %dma_start3A_1097 : memref<1x1x16xi32, #tpu.memory_space<vmem>> -> memref<16xi32, #tpu.memory_space<vmem>>
        %dma_start3A_1099 = arith.constant 0 : i32
        %dma_start3A_1100 = arith.constant 0 : i32
        %dma_start3A_1101 = tpu.memref_slice %arg2[%dma_start3A_1099, %dma_start3A_1100] : memref<10000x128xf32, #tpu.memory_space<hbm>> -> memref<10000x128xf32, #tpu.memory_space<hbm>>
        tpu.enqueue_indirect_dma source(%dma_start3A_1101 : memref<10000x128xf32, #tpu.memory_space<hbm>>) target(%arg18 : memref<16x128xf32, #tpu.memory_space<vmem>>) offsets(%dma_start3A_1098 : memref<16xi32, #tpu.memory_space<vmem>>) semaphore(%arg31 : memref<!tpu.dma_semaphore, #tpu.memory_space<semaphore_mem>>)
      } else {
      }
      %dma_start3A_666 = arith.constant 7 : i32
      %dma_start3A_667 = arith.constant 0 : i32
      %dma_start3A_668 = tpu.memref_slice %arg10[%select_n3A_254, %dma_start3A_666, %dma_start3A_667] : memref<2x16x16xi32, #tpu.memory_space<vmem>> -> memref<1x1x16xi32, #tpu.memory_space<vmem>>
      %dma_start3A_669 = tpu.memref_squeeze %dma_start3A_668 : memref<1x1x16xi32, #tpu.memory_space<vmem>> -> memref<16xi32, #tpu.memory_space<vmem>>
      %dma_start3A_670 = arith.constant 0 : i32
      %dma_start3A_671 = arith.constant 0 : i32
      %dma_start3A_672 = tpu.memref_slice %arg22[%dma_start3A_670, %dma_start3A_671] : memref<10000x128xf32, #tpu.memory_space<vmem_shared>> -> memref<10000x128xf32, #tpu.memory_space<vmem_shared>>
      tpu.enqueue_indirect_dma source(%arg19 : memref<16x128xf32, #tpu.memory_space<vmem>>) target(%dma_start3A_672 : memref<10000x128xf32, #tpu.memory_space<vmem_shared>>) offsets(%dma_start3A_669 : memref<16xi32, #tpu.memory_space<vmem>>) semaphore(%arg40 : memref<!tpu.dma_semaphore, #tpu.memory_space<semaphore_mem>>) {add = true}
      %mul3A_673 = arith.constant 16 : i32
      %mul3A_674 = arith.muli %while3A_239, %mul3A_673 : i32
      %add3A_675 = arith.constant 8 : i32
      %add3A_676 = arith.addi %mul3A_674, %add3A_675 : i32
      %get3A_677 = arith.constant 8 : i32
      %get3A_678 = arith.index_cast %select_n3A_254 : i32 to index
      %get3A_679 = arith.index_cast %get3A_677 : i32 to index
      %get3A_680 = arith.constant 0 : index
      %get3A_681 = tpu.vector_load %arg9[%get3A_678, %get3A_679, %get3A_680] {strides = array<i32>} : memref<2x16x16xi32, #tpu.memory_space<vmem>>, vector<16xi32>,
      %get3A_682 = arith.constant 8 : i32
      %get3A_683 = arith.index_cast %select_n3A_254 : i32 to index
      %get3A_684 = arith.index_cast %get3A_682 : i32 to index
      %get3A_685 = arith.constant 0 : index
      %get3A_686 = tpu.vector_load %arg10[%get3A_683, %get3A_684, %get3A_685] {strides = array<i32>} : memref<2x16x16xi32, #tpu.memory_space<vmem>>, vector<16xi32>,
      %shift_right_logical3A_687 = arith.constant 7 : i32
      %shift_right_logical3A_688 = vector.broadcast %shift_right_logical3A_687 : i32 to vector<16xi32>
      %shift_right_logical3A_689 = arith.shrui %get3A_681, %shift_right_logical3A_688 : vector<16xi32>
      %and3A_690 = arith.constant 127 : i32
      %and3A_691 = vector.broadcast %and3A_690 : i32 to vector<16xi32>
      %and3A_692 = arith.andi %get3A_681, %and3A_691 : vector<16xi32>
      %gather3A_693 = tpu.vector_load_idx %arg20[%shift_right_logical3A_689, %and3A_692] : memref<80x128xf32, #tpu.memory_space<vmem>>[vector<16xi32>, vector<16xi32>], vector<16xf32>,
      %shift_right_logical3A_694 = arith.constant 7 : i32
      %shift_right_logical3A_695 = vector.broadcast %shift_right_logical3A_694 : i32 to vector<16xi32>
      %shift_right_logical3A_696 = arith.shrui %get3A_686, %shift_right_logical3A_695 : vector<16xi32>
      %and3A_697 = arith.constant 127 : i32
      %and3A_698 = vector.broadcast %and3A_697 : i32 to vector<16xi32>
      %and3A_699 = arith.andi %get3A_686, %and3A_698 : vector<16xi32>
      tpu.vector_store_idx %arg21[%shift_right_logical3A_696, %and3A_699], %gather3A_693 {add = true} : memref<80x128xf32, #tpu.memory_space<vmem>>[vector<16xi32>, vector<16xi32>], vector<16xf32>,
      %dma_wait3A_700 = arith.constant 8 : i32
      %dma_wait3A_701 = arith.constant 0 : i32
      %dma_wait3A_702 = tpu.memref_slice %arg9[%select_n3A_254, %dma_wait3A_700, %dma_wait3A_701] : memref<2x16x16xi32, #tpu.memory_space<vmem>> -> memref<1x1x16xi32, #tpu.memory_space<vmem>>
      %dma_wait3A_703 = tpu.memref_squeeze %dma_wait3A_702 : memref<1x1x16xi32, #tpu.memory_space<vmem>> -> memref<16xi32, #tpu.memory_space<vmem>>
      %dma_wait3A_704 = arith.constant 0 : i32
      %dma_wait3A_705 = arith.constant 0 : i32
      %dma_wait3A_706 = tpu.memref_slice %arg2[%dma_wait3A_704, %dma_wait3A_705] : memref<10000x128xf32, #tpu.memory_space<hbm>> -> memref<10000x128xf32, #tpu.memory_space<hbm>>
      tpu.wait_indirect_dma semaphore(%arg25 : memref<!tpu.dma_semaphore, #tpu.memory_space<semaphore_mem>>) src(%dma_wait3A_706 : memref<10000x128xf32, #tpu.memory_space<hbm>>) dst(%arg12 : memref<16x128xf32, #tpu.memory_space<vmem>>)
      %ge3A_707 = arith.constant 1 : i32
      %ge3A_708 = arith.cmpi sge, %add3A_676, %ge3A_707 : i32
      %convert_element_type3A_709 = arith.extui %ge3A_708 : i1 to i32
      %cond3A_710 = arith.constant 0 : i32
      %cond3A_711 = arith.cmpi ne, %convert_element_type3A_709, %cond3A_710 : i32
      scf.if %cond3A_711 {
        %dma_wait3A_1095 = arith.constant 8 : i32
        %dma_wait3A_1096 = arith.constant 0 : i32
        %dma_wait3A_1097 = tpu.memref_slice %arg10[%select_n3A_254, %dma_wait3A_1095, %dma_wait3A_1096] : memref<2x16x16xi32, #tpu.memory_space<vmem>> -> memref<1x1x16xi32, #tpu.memory_space<vmem>>
        %dma_wait3A_1098 = tpu.memref_squeeze %dma_wait3A_1097 : memref<1x1x16xi32, #tpu.memory_space<vmem>> -> memref<16xi32, #tpu.memory_space<vmem>>
        %dma_wait3A_1099 = arith.constant 0 : i32
        %dma_wait3A_1100 = arith.constant 0 : i32
        %dma_wait3A_1101 = tpu.memref_slice %arg22[%dma_wait3A_1099, %dma_wait3A_1100] : memref<10000x128xf32, #tpu.memory_space<vmem_shared>> -> memref<10000x128xf32, #tpu.memory_space<vmem_shared>>
        tpu.wait_indirect_dma semaphore(%arg40 : memref<!tpu.dma_semaphore, #tpu.memory_space<semaphore_mem>>) src(%arg19 : memref<16x128xf32, #tpu.memory_space<vmem>>) dst(%dma_wait3A_1101 : memref<10000x128xf32, #tpu.memory_space<vmem_shared>>)
      } else {
      }
      %add3A_712 = arith.constant 7 : i32
      %add3A_713 = arith.addi %add3A_676, %add3A_712 : i32
      %lt3A_714 = arith.cmpi slt, %add3A_713, %min3A_6 : i32
      %convert_element_type3A_715 = arith.extui %lt3A_714 : i1 to i32
      %cond3A_716 = arith.constant 0 : i32
      %cond3A_717 = arith.cmpi ne, %convert_element_type3A_715, %cond3A_716 : i32
      scf.if %cond3A_717 {
        %dma_start3A_1095 = arith.constant 15 : i32
        %dma_start3A_1096 = arith.constant 0 : i32
        %dma_start3A_1097 = tpu.memref_slice %arg9[%select_n3A_254, %dma_start3A_1095, %dma_start3A_1096] : memref<2x16x16xi32, #tpu.memory_space<vmem>> -> memref<1x1x16xi32, #tpu.memory_space<vmem>>
        %dma_start3A_1098 = tpu.memref_squeeze %dma_start3A_1097 : memref<1x1x16xi32, #tpu.memory_space<vmem>> -> memref<16xi32, #tpu.memory_space<vmem>>
        %dma_start3A_1099 = arith.constant 0 : i32
        %dma_start3A_1100 = arith.constant 0 : i32
        %dma_start3A_1101 = tpu.memref_slice %arg2[%dma_start3A_1099, %dma_start3A_1100] : memref<10000x128xf32, #tpu.memory_space<hbm>> -> memref<10000x128xf32, #tpu.memory_space<hbm>>
        tpu.enqueue_indirect_dma source(%dma_start3A_1101 : memref<10000x128xf32, #tpu.memory_space<hbm>>) target(%arg19 : memref<16x128xf32, #tpu.memory_space<vmem>>) offsets(%dma_start3A_1098 : memref<16xi32, #tpu.memory_space<vmem>>) semaphore(%arg32 : memref<!tpu.dma_semaphore, #tpu.memory_space<semaphore_mem>>)
      } else {
      }
      %dma_start3A_718 = arith.constant 8 : i32
      %dma_start3A_719 = arith.constant 0 : i32
      %dma_start3A_720 = tpu.memref_slice %arg10[%select_n3A_254, %dma_start3A_718, %dma_start3A_719] : memref<2x16x16xi32, #tpu.memory_space<vmem>> -> memref<1x1x16xi32, #tpu.memory_space<vmem>>
      %dma_start3A_721 = tpu.memref_squeeze %dma_start3A_720 : memref<1x1x16xi32, #tpu.memory_space<vmem>> -> memref<16xi32, #tpu.memory_space<vmem>>
      %dma_start3A_722 = arith.constant 0 : i32
      %dma_start3A_723 = arith.constant 0 : i32
      %dma_start3A_724 = tpu.memref_slice %arg22[%dma_start3A_722, %dma_start3A_723] : memref<10000x128xf32, #tpu.memory_space<vmem_shared>> -> memref<10000x128xf32, #tpu.memory_space<vmem_shared>>
      tpu.enqueue_indirect_dma source(%arg12 : memref<16x128xf32, #tpu.memory_space<vmem>>) target(%dma_start3A_724 : memref<10000x128xf32, #tpu.memory_space<vmem_shared>>) offsets(%dma_start3A_721 : memref<16xi32, #tpu.memory_space<vmem>>) semaphore(%arg33 : memref<!tpu.dma_semaphore, #tpu.memory_space<semaphore_mem>>) {add = true}
      %mul3A_725 = arith.constant 16 : i32
      %mul3A_726 = arith.muli %while3A_239, %mul3A_725 : i32
      %add3A_727 = arith.constant 9 : i32
      %add3A_728 = arith.addi %mul3A_726, %add3A_727 : i32
      %add3A_729 = arith.constant 1 : i32
      %add3A_730 = arith.addi %while3A_239, %add3A_729 : i32
      %lt3A_731 = arith.cmpi slt, %add3A_730, %select_n3A_80 : i32
      %convert_element_type3A_732 = arith.extui %lt3A_731 : i1 to i32
      %cond3A_733 = arith.constant 0 : i32
      %cond3A_734 = arith.cmpi ne, %convert_element_type3A_732, %cond3A_733 : i32
      scf.if %cond3A_734 {
        %add3A_1095 = arith.constant 1 : i32
        %add3A_1096 = arith.addi %while3A_239, %add3A_1095 : i32
        %sub3A_1097 = arith.constant 1 : i32
        %sub3A_1098 = arith.subi %sub3A_1097, %select_n3A_254 : i32
        %mul3A_1099 = arith.constant 16 : i32
        %mul3A_1100 = arith.muli %add3A_1096, %mul3A_1099 : i32
        %add3A_1101 = arith.addi %mul3A_2, %mul3A_1100 : i32
        %dma_wait3A_1102 = arith.constant 0 : i32
        %dma_wait3A_1103 = arith.constant 0 : i32
        %dma_wait3A_1104 = tpu.memref_slice %arg9[%sub3A_1098, %dma_wait3A_1102, %dma_wait3A_1103] : memref<2x16x16xi32, #tpu.memory_space<vmem>> -> memref<1x16x16xi32, #tpu.memory_space<vmem>>
        %dma_wait3A_1105 = tpu.memref_squeeze %dma_wait3A_1104 : memref<1x16x16xi32, #tpu.memory_space<vmem>> -> memref<16x16xi32, #tpu.memory_space<vmem>>
        %dma_wait3A_1106 = arith.constant 0 : i32
        %dma_wait3A_1107 = tpu.memref_slice %arg4[%add3A_1101, %dma_wait3A_1106] : memref<20000x16xi32, #tpu.memory_space<hbm>> -> memref<16x16xi32, #tpu.memory_space<hbm>>
        %dma_wait3A_1108 = arith.constant 0 : i32
        %dma_wait3A_1109 = arith.constant 0 : i32
        %dma_wait3A_1110 = tpu.memref_slice %arg9[%sub3A_1098, %dma_wait3A_1108, %dma_wait3A_1109] : memref<2x16x16xi32, #tpu.memory_space<vmem>> -> memref<1x16x16xi32, #tpu.memory_space<vmem>>
        %dma_wait3A_1111 = tpu.memref_squeeze %dma_wait3A_1110 : memref<1x16x16xi32, #tpu.memory_space<vmem>> -> memref<16x16xi32, #tpu.memory_space<vmem>>
        %dma_wait3A_1112 = arith.constant 0 : i32
        %dma_wait3A_1113 = tpu.memref_slice %arg4[%add3A_1101, %dma_wait3A_1112] : memref<20000x16xi32, #tpu.memory_space<hbm>> -> memref<16x16xi32, #tpu.memory_space<hbm>>
        tpu.wait_dma2 semaphore(%arg24 : memref<!tpu.dma_semaphore, #tpu.memory_space<semaphore_mem>>) src(%dma_wait3A_1113 : memref<16x16xi32, #tpu.memory_space<hbm>>) dst(%dma_wait3A_1111 : memref<16x16xi32, #tpu.memory_space<vmem>>)
        %add3A_1114 = arith.addi %mul3A_2, %mul3A_1100 : i32
        %dma_wait3A_1115 = arith.constant 0 : i32
        %dma_wait3A_1116 = arith.constant 0 : i32
        %dma_wait3A_1117 = tpu.memref_slice %arg10[%sub3A_1098, %dma_wait3A_1115, %dma_wait3A_1116] : memref<2x16x16xi32, #tpu.memory_space<vmem>> -> memref<1x16x16xi32, #tpu.memory_space<vmem>>
        %dma_wait3A_1118 = tpu.memref_squeeze %dma_wait3A_1117 : memref<1x16x16xi32, #tpu.memory_space<vmem>> -> memref<16x16xi32, #tpu.memory_space<vmem>>
        %dma_wait3A_1119 = arith.constant 0 : i32
        %dma_wait3A_1120 = tpu.memref_slice %arg5[%add3A_1114, %dma_wait3A_1119] : memref<20000x16xi32, #tpu.memory_space<hbm>> -> memref<16x16xi32, #tpu.memory_space<hbm>>
        %dma_wait3A_1121 = arith.constant 0 : i32
        %dma_wait3A_1122 = arith.constant 0 : i32
        %dma_wait3A_1123 = tpu.memref_slice %arg10[%sub3A_1098, %dma_wait3A_1121, %dma_wait3A_1122] : memref<2x16x16xi32, #tpu.memory_space<vmem>> -> memref<1x16x16xi32, #tpu.memory_space<vmem>>
        %dma_wait3A_1124 = tpu.memref_squeeze %dma_wait3A_1123 : memref<1x16x16xi32, #tpu.memory_space<vmem>> -> memref<16x16xi32, #tpu.memory_space<vmem>>
        %dma_wait3A_1125 = arith.constant 0 : i32
        %dma_wait3A_1126 = tpu.memref_slice %arg5[%add3A_1114, %dma_wait3A_1125] : memref<20000x16xi32, #tpu.memory_space<hbm>> -> memref<16x16xi32, #tpu.memory_space<hbm>>
        tpu.wait_dma2 semaphore(%arg24 : memref<!tpu.dma_semaphore, #tpu.memory_space<semaphore_mem>>) src(%dma_wait3A_1126 : memref<16x16xi32, #tpu.memory_space<hbm>>) dst(%dma_wait3A_1124 : memref<16x16xi32, #tpu.memory_space<vmem>>)
      } else {
      }
      %get3A_735 = arith.constant 9 : i32
      %get3A_736 = arith.index_cast %select_n3A_254 : i32 to index
      %get3A_737 = arith.index_cast %get3A_735 : i32 to index
      %get3A_738 = arith.constant 0 : index
      %get3A_739 = tpu.vector_load %arg9[%get3A_736, %get3A_737, %get3A_738] {strides = array<i32>} : memref<2x16x16xi32, #tpu.memory_space<vmem>>, vector<16xi32>,
      %get3A_740 = arith.constant 9 : i32
      %get3A_741 = arith.index_cast %select_n3A_254 : i32 to index
      %get3A_742 = arith.index_cast %get3A_740 : i32 to index
      %get3A_743 = arith.constant 0 : index
      %get3A_744 = tpu.vector_load %arg10[%get3A_741, %get3A_742, %get3A_743] {strides = array<i32>} : memref<2x16x16xi32, #tpu.memory_space<vmem>>, vector<16xi32>,
      %shift_right_logical3A_745 = arith.constant 7 : i32
      %shift_right_logical3A_746 = vector.broadcast %shift_right_logical3A_745 : i32 to vector<16xi32>
      %shift_right_logical3A_747 = arith.shrui %get3A_739, %shift_right_logical3A_746 : vector<16xi32>
      %and3A_748 = arith.constant 127 : i32
      %and3A_749 = vector.broadcast %and3A_748 : i32 to vector<16xi32>
      %and3A_750 = arith.andi %get3A_739, %and3A_749 : vector<16xi32>
      %gather3A_751 = tpu.vector_load_idx %arg20[%shift_right_logical3A_747, %and3A_750] : memref<80x128xf32, #tpu.memory_space<vmem>>[vector<16xi32>, vector<16xi32>], vector<16xf32>,
      %shift_right_logical3A_752 = arith.constant 7 : i32
      %shift_right_logical3A_753 = vector.broadcast %shift_right_logical3A_752 : i32 to vector<16xi32>
      %shift_right_logical3A_754 = arith.shrui %get3A_744, %shift_right_logical3A_753 : vector<16xi32>
      %and3A_755 = arith.constant 127 : i32
      %and3A_756 = vector.broadcast %and3A_755 : i32 to vector<16xi32>
      %and3A_757 = arith.andi %get3A_744, %and3A_756 : vector<16xi32>
      tpu.vector_store_idx %arg21[%shift_right_logical3A_754, %and3A_757], %gather3A_751 {add = true} : memref<80x128xf32, #tpu.memory_space<vmem>>[vector<16xi32>, vector<16xi32>], vector<16xf32>,
      %dma_wait3A_758 = arith.constant 9 : i32
      %dma_wait3A_759 = arith.constant 0 : i32
      %dma_wait3A_760 = tpu.memref_slice %arg9[%select_n3A_254, %dma_wait3A_758, %dma_wait3A_759] : memref<2x16x16xi32, #tpu.memory_space<vmem>> -> memref<1x1x16xi32, #tpu.memory_space<vmem>>
      %dma_wait3A_761 = tpu.memref_squeeze %dma_wait3A_760 : memref<1x1x16xi32, #tpu.memory_space<vmem>> -> memref<16xi32, #tpu.memory_space<vmem>>
      %dma_wait3A_762 = arith.constant 0 : i32
      %dma_wait3A_763 = arith.constant 0 : i32
      %dma_wait3A_764 = tpu.memref_slice %arg2[%dma_wait3A_762, %dma_wait3A_763] : memref<10000x128xf32, #tpu.memory_space<hbm>> -> memref<10000x128xf32, #tpu.memory_space<hbm>>
      tpu.wait_indirect_dma semaphore(%arg26 : memref<!tpu.dma_semaphore, #tpu.memory_space<semaphore_mem>>) src(%dma_wait3A_764 : memref<10000x128xf32, #tpu.memory_space<hbm>>) dst(%arg13 : memref<16x128xf32, #tpu.memory_space<vmem>>)
      %ge3A_765 = arith.constant 1 : i32
      %ge3A_766 = arith.cmpi sge, %add3A_728, %ge3A_765 : i32
      %convert_element_type3A_767 = arith.extui %ge3A_766 : i1 to i32
      %cond3A_768 = arith.constant 0 : i32
      %cond3A_769 = arith.cmpi ne, %convert_element_type3A_767, %cond3A_768 : i32
      scf.if %cond3A_769 {
        %dma_wait3A_1095 = arith.constant 9 : i32
        %dma_wait3A_1096 = arith.constant 0 : i32
        %dma_wait3A_1097 = tpu.memref_slice %arg10[%select_n3A_254, %dma_wait3A_1095, %dma_wait3A_1096] : memref<2x16x16xi32, #tpu.memory_space<vmem>> -> memref<1x1x16xi32, #tpu.memory_space<vmem>>
        %dma_wait3A_1098 = tpu.memref_squeeze %dma_wait3A_1097 : memref<1x1x16xi32, #tpu.memory_space<vmem>> -> memref<16xi32, #tpu.memory_space<vmem>>
        %dma_wait3A_1099 = arith.constant 0 : i32
        %dma_wait3A_1100 = arith.constant 0 : i32
        %dma_wait3A_1101 = tpu.memref_slice %arg22[%dma_wait3A_1099, %dma_wait3A_1100] : memref<10000x128xf32, #tpu.memory_space<vmem_shared>> -> memref<10000x128xf32, #tpu.memory_space<vmem_shared>>
        tpu.wait_indirect_dma semaphore(%arg33 : memref<!tpu.dma_semaphore, #tpu.memory_space<semaphore_mem>>) src(%arg12 : memref<16x128xf32, #tpu.memory_space<vmem>>) dst(%dma_wait3A_1101 : memref<10000x128xf32, #tpu.memory_space<vmem_shared>>)
      } else {
      }
      %add3A_770 = arith.constant 7 : i32
      %add3A_771 = arith.addi %add3A_728, %add3A_770 : i32
      %lt3A_772 = arith.cmpi slt, %add3A_771, %min3A_6 : i32
      %convert_element_type3A_773 = arith.extui %lt3A_772 : i1 to i32
      %cond3A_774 = arith.constant 0 : i32
      %cond3A_775 = arith.cmpi ne, %convert_element_type3A_773, %cond3A_774 : i32
      scf.if %cond3A_775 {
        %sub3A_1095 = arith.constant 1 : i32
        %sub3A_1096 = arith.subi %sub3A_1095, %select_n3A_254 : i32
        %dma_start3A_1097 = arith.constant 0 : i32
        %dma_start3A_1098 = arith.constant 0 : i32
        %dma_start3A_1099 = tpu.memref_slice %arg9[%sub3A_1096, %dma_start3A_1097, %dma_start3A_1098] : memref<2x16x16xi32, #tpu.memory_space<vmem>> -> memref<1x1x16xi32, #tpu.memory_space<vmem>>
        %dma_start3A_1100 = tpu.memref_squeeze %dma_start3A_1099 : memref<1x1x16xi32, #tpu.memory_space<vmem>> -> memref<16xi32, #tpu.memory_space<vmem>>
        %dma_start3A_1101 = arith.constant 0 : i32
        %dma_start3A_1102 = arith.constant 0 : i32
        %dma_start3A_1103 = tpu.memref_slice %arg2[%dma_start3A_1101, %dma_start3A_1102] : memref<10000x128xf32, #tpu.memory_space<hbm>> -> memref<10000x128xf32, #tpu.memory_space<hbm>>
        tpu.enqueue_indirect_dma source(%dma_start3A_1103 : memref<10000x128xf32, #tpu.memory_space<hbm>>) target(%arg12 : memref<16x128xf32, #tpu.memory_space<vmem>>) offsets(%dma_start3A_1100 : memref<16xi32, #tpu.memory_space<vmem>>) semaphore(%arg25 : memref<!tpu.dma_semaphore, #tpu.memory_space<semaphore_mem>>)
      } else {
      }
      %dma_start3A_776 = arith.constant 9 : i32
      %dma_start3A_777 = arith.constant 0 : i32
      %dma_start3A_778 = tpu.memref_slice %arg10[%select_n3A_254, %dma_start3A_776, %dma_start3A_777] : memref<2x16x16xi32, #tpu.memory_space<vmem>> -> memref<1x1x16xi32, #tpu.memory_space<vmem>>
      %dma_start3A_779 = tpu.memref_squeeze %dma_start3A_778 : memref<1x1x16xi32, #tpu.memory_space<vmem>> -> memref<16xi32, #tpu.memory_space<vmem>>
      %dma_start3A_780 = arith.constant 0 : i32
      %dma_start3A_781 = arith.constant 0 : i32
      %dma_start3A_782 = tpu.memref_slice %arg22[%dma_start3A_780, %dma_start3A_781] : memref<10000x128xf32, #tpu.memory_space<vmem_shared>> -> memref<10000x128xf32, #tpu.memory_space<vmem_shared>>
      tpu.enqueue_indirect_dma source(%arg13 : memref<16x128xf32, #tpu.memory_space<vmem>>) target(%dma_start3A_782 : memref<10000x128xf32, #tpu.memory_space<vmem_shared>>) offsets(%dma_start3A_779 : memref<16xi32, #tpu.memory_space<vmem>>) semaphore(%arg34 : memref<!tpu.dma_semaphore, #tpu.memory_space<semaphore_mem>>) {add = true}
      %mul3A_783 = arith.constant 16 : i32
      %mul3A_784 = arith.muli %while3A_239, %mul3A_783 : i32
      %add3A_785 = arith.constant 10 : i32
      %add3A_786 = arith.addi %mul3A_784, %add3A_785 : i32
      %get3A_787 = arith.constant 10 : i32
      %get3A_788 = arith.index_cast %select_n3A_254 : i32 to index
      %get3A_789 = arith.index_cast %get3A_787 : i32 to index
      %get3A_790 = arith.constant 0 : index
      %get3A_791 = tpu.vector_load %arg9[%get3A_788, %get3A_789, %get3A_790] {strides = array<i32>} : memref<2x16x16xi32, #tpu.memory_space<vmem>>, vector<16xi32>,
      %get3A_792 = arith.constant 10 : i32
      %get3A_793 = arith.index_cast %select_n3A_254 : i32 to index
      %get3A_794 = arith.index_cast %get3A_792 : i32 to index
      %get3A_795 = arith.constant 0 : index
      %get3A_796 = tpu.vector_load %arg10[%get3A_793, %get3A_794, %get3A_795] {strides = array<i32>} : memref<2x16x16xi32, #tpu.memory_space<vmem>>, vector<16xi32>,
      %shift_right_logical3A_797 = arith.constant 7 : i32
      %shift_right_logical3A_798 = vector.broadcast %shift_right_logical3A_797 : i32 to vector<16xi32>
      %shift_right_logical3A_799 = arith.shrui %get3A_791, %shift_right_logical3A_798 : vector<16xi32>
      %and3A_800 = arith.constant 127 : i32
      %and3A_801 = vector.broadcast %and3A_800 : i32 to vector<16xi32>
      %and3A_802 = arith.andi %get3A_791, %and3A_801 : vector<16xi32>
      %gather3A_803 = tpu.vector_load_idx %arg20[%shift_right_logical3A_799, %and3A_802] : memref<80x128xf32, #tpu.memory_space<vmem>>[vector<16xi32>, vector<16xi32>], vector<16xf32>,
      %shift_right_logical3A_804 = arith.constant 7 : i32
      %shift_right_logical3A_805 = vector.broadcast %shift_right_logical3A_804 : i32 to vector<16xi32>
      %shift_right_logical3A_806 = arith.shrui %get3A_796, %shift_right_logical3A_805 : vector<16xi32>
      %and3A_807 = arith.constant 127 : i32
      %and3A_808 = vector.broadcast %and3A_807 : i32 to vector<16xi32>
      %and3A_809 = arith.andi %get3A_796, %and3A_808 : vector<16xi32>
      tpu.vector_store_idx %arg21[%shift_right_logical3A_806, %and3A_809], %gather3A_803 {add = true} : memref<80x128xf32, #tpu.memory_space<vmem>>[vector<16xi32>, vector<16xi32>], vector<16xf32>,
      %dma_wait3A_810 = arith.constant 10 : i32
      %dma_wait3A_811 = arith.constant 0 : i32
      %dma_wait3A_812 = tpu.memref_slice %arg9[%select_n3A_254, %dma_wait3A_810, %dma_wait3A_811] : memref<2x16x16xi32, #tpu.memory_space<vmem>> -> memref<1x1x16xi32, #tpu.memory_space<vmem>>
      %dma_wait3A_813 = tpu.memref_squeeze %dma_wait3A_812 : memref<1x1x16xi32, #tpu.memory_space<vmem>> -> memref<16xi32, #tpu.memory_space<vmem>>
      %dma_wait3A_814 = arith.constant 0 : i32
      %dma_wait3A_815 = arith.constant 0 : i32
      %dma_wait3A_816 = tpu.memref_slice %arg2[%dma_wait3A_814, %dma_wait3A_815] : memref<10000x128xf32, #tpu.memory_space<hbm>> -> memref<10000x128xf32, #tpu.memory_space<hbm>>
      tpu.wait_indirect_dma semaphore(%arg27 : memref<!tpu.dma_semaphore, #tpu.memory_space<semaphore_mem>>) src(%dma_wait3A_816 : memref<10000x128xf32, #tpu.memory_space<hbm>>) dst(%arg14 : memref<16x128xf32, #tpu.memory_space<vmem>>)
      %ge3A_817 = arith.constant 1 : i32
      %ge3A_818 = arith.cmpi sge, %add3A_786, %ge3A_817 : i32
      %convert_element_type3A_819 = arith.extui %ge3A_818 : i1 to i32
      %cond3A_820 = arith.constant 0 : i32
      %cond3A_821 = arith.cmpi ne, %convert_element_type3A_819, %cond3A_820 : i32
      scf.if %cond3A_821 {
        %dma_wait3A_1095 = arith.constant 10 : i32
        %dma_wait3A_1096 = arith.constant 0 : i32
        %dma_wait3A_1097 = tpu.memref_slice %arg10[%select_n3A_254, %dma_wait3A_1095, %dma_wait3A_1096] : memref<2x16x16xi32, #tpu.memory_space<vmem>> -> memref<1x1x16xi32, #tpu.memory_space<vmem>>
        %dma_wait3A_1098 = tpu.memref_squeeze %dma_wait3A_1097 : memref<1x1x16xi32, #tpu.memory_space<vmem>> -> memref<16xi32, #tpu.memory_space<vmem>>
        %dma_wait3A_1099 = arith.constant 0 : i32
        %dma_wait3A_1100 = arith.constant 0 : i32
        %dma_wait3A_1101 = tpu.memref_slice %arg22[%dma_wait3A_1099, %dma_wait3A_1100] : memref<10000x128xf32, #tpu.memory_space<vmem_shared>> -> memref<10000x128xf32, #tpu.memory_space<vmem_shared>>
        tpu.wait_indirect_dma semaphore(%arg34 : memref<!tpu.dma_semaphore, #tpu.memory_space<semaphore_mem>>) src(%arg13 : memref<16x128xf32, #tpu.memory_space<vmem>>) dst(%dma_wait3A_1101 : memref<10000x128xf32, #tpu.memory_space<vmem_shared>>)
      } else {
      }
      %add3A_822 = arith.constant 7 : i32
      %add3A_823 = arith.addi %add3A_786, %add3A_822 : i32
      %lt3A_824 = arith.cmpi slt, %add3A_823, %min3A_6 : i32
      %convert_element_type3A_825 = arith.extui %lt3A_824 : i1 to i32
      %cond3A_826 = arith.constant 0 : i32
      %cond3A_827 = arith.cmpi ne, %convert_element_type3A_825, %cond3A_826 : i32
      scf.if %cond3A_827 {
        %sub3A_1095 = arith.constant 1 : i32
        %sub3A_1096 = arith.subi %sub3A_1095, %select_n3A_254 : i32
        %dma_start3A_1097 = arith.constant 1 : i32
        %dma_start3A_1098 = arith.constant 0 : i32
        %dma_start3A_1099 = tpu.memref_slice %arg9[%sub3A_1096, %dma_start3A_1097, %dma_start3A_1098] : memref<2x16x16xi32, #tpu.memory_space<vmem>> -> memref<1x1x16xi32, #tpu.memory_space<vmem>>
        %dma_start3A_1100 = tpu.memref_squeeze %dma_start3A_1099 : memref<1x1x16xi32, #tpu.memory_space<vmem>> -> memref<16xi32, #tpu.memory_space<vmem>>
        %dma_start3A_1101 = arith.constant 0 : i32
        %dma_start3A_1102 = arith.constant 0 : i32
        %dma_start3A_1103 = tpu.memref_slice %arg2[%dma_start3A_1101, %dma_start3A_1102] : memref<10000x128xf32, #tpu.memory_space<hbm>> -> memref<10000x128xf32, #tpu.memory_space<hbm>>
        tpu.enqueue_indirect_dma source(%dma_start3A_1103 : memref<10000x128xf32, #tpu.memory_space<hbm>>) target(%arg13 : memref<16x128xf32, #tpu.memory_space<vmem>>) offsets(%dma_start3A_1100 : memref<16xi32, #tpu.memory_space<vmem>>) semaphore(%arg26 : memref<!tpu.dma_semaphore, #tpu.memory_space<semaphore_mem>>)
      } else {
      }
      %dma_start3A_828 = arith.constant 10 : i32
      %dma_start3A_829 = arith.constant 0 : i32
      %dma_start3A_830 = tpu.memref_slice %arg10[%select_n3A_254, %dma_start3A_828, %dma_start3A_829] : memref<2x16x16xi32, #tpu.memory_space<vmem>> -> memref<1x1x16xi32, #tpu.memory_space<vmem>>
      %dma_start3A_831 = tpu.memref_squeeze %dma_start3A_830 : memref<1x1x16xi32, #tpu.memory_space<vmem>> -> memref<16xi32, #tpu.memory_space<vmem>>
      %dma_start3A_832 = arith.constant 0 : i32
      %dma_start3A_833 = arith.constant 0 : i32
      %dma_start3A_834 = tpu.memref_slice %arg22[%dma_start3A_832, %dma_start3A_833] : memref<10000x128xf32, #tpu.memory_space<vmem_shared>> -> memref<10000x128xf32, #tpu.memory_space<vmem_shared>>
      tpu.enqueue_indirect_dma source(%arg14 : memref<16x128xf32, #tpu.memory_space<vmem>>) target(%dma_start3A_834 : memref<10000x128xf32, #tpu.memory_space<vmem_shared>>) offsets(%dma_start3A_831 : memref<16xi32, #tpu.memory_space<vmem>>) semaphore(%arg35 : memref<!tpu.dma_semaphore, #tpu.memory_space<semaphore_mem>>) {add = true}
      %mul3A_835 = arith.constant 16 : i32
      %mul3A_836 = arith.muli %while3A_239, %mul3A_835 : i32
      %add3A_837 = arith.constant 11 : i32
      %add3A_838 = arith.addi %mul3A_836, %add3A_837 : i32
      %get3A_839 = arith.constant 11 : i32
      %get3A_840 = arith.index_cast %select_n3A_254 : i32 to index
      %get3A_841 = arith.index_cast %get3A_839 : i32 to index
      %get3A_842 = arith.constant 0 : index
      %get3A_843 = tpu.vector_load %arg9[%get3A_840, %get3A_841, %get3A_842] {strides = array<i32>} : memref<2x16x16xi32, #tpu.memory_space<vmem>>, vector<16xi32>,
      %get3A_844 = arith.constant 11 : i32
      %get3A_845 = arith.index_cast %select_n3A_254 : i32 to index
      %get3A_846 = arith.index_cast %get3A_844 : i32 to index
      %get3A_847 = arith.constant 0 : index
      %get3A_848 = tpu.vector_load %arg10[%get3A_845, %get3A_846, %get3A_847] {strides = array<i32>} : memref<2x16x16xi32, #tpu.memory_space<vmem>>, vector<16xi32>,
      %shift_right_logical3A_849 = arith.constant 7 : i32
      %shift_right_logical3A_850 = vector.broadcast %shift_right_logical3A_849 : i32 to vector<16xi32>
      %shift_right_logical3A_851 = arith.shrui %get3A_843, %shift_right_logical3A_850 : vector<16xi32>
      %and3A_852 = arith.constant 127 : i32
      %and3A_853 = vector.broadcast %and3A_852 : i32 to vector<16xi32>
      %and3A_854 = arith.andi %get3A_843, %and3A_853 : vector<16xi32>
      %gather3A_855 = tpu.vector_load_idx %arg20[%shift_right_logical3A_851, %and3A_854] : memref<80x128xf32, #tpu.memory_space<vmem>>[vector<16xi32>, vector<16xi32>], vector<16xf32>,
      %shift_right_logical3A_856 = arith.constant 7 : i32
      %shift_right_logical3A_857 = vector.broadcast %shift_right_logical3A_856 : i32 to vector<16xi32>
      %shift_right_logical3A_858 = arith.shrui %get3A_848, %shift_right_logical3A_857 : vector<16xi32>
      %and3A_859 = arith.constant 127 : i32
      %and3A_860 = vector.broadcast %and3A_859 : i32 to vector<16xi32>
      %and3A_861 = arith.andi %get3A_848, %and3A_860 : vector<16xi32>
      tpu.vector_store_idx %arg21[%shift_right_logical3A_858, %and3A_861], %gather3A_855 {add = true} : memref<80x128xf32, #tpu.memory_space<vmem>>[vector<16xi32>, vector<16xi32>], vector<16xf32>,
      %dma_wait3A_862 = arith.constant 11 : i32
      %dma_wait3A_863 = arith.constant 0 : i32
      %dma_wait3A_864 = tpu.memref_slice %arg9[%select_n3A_254, %dma_wait3A_862, %dma_wait3A_863] : memref<2x16x16xi32, #tpu.memory_space<vmem>> -> memref<1x1x16xi32, #tpu.memory_space<vmem>>
      %dma_wait3A_865 = tpu.memref_squeeze %dma_wait3A_864 : memref<1x1x16xi32, #tpu.memory_space<vmem>> -> memref<16xi32, #tpu.memory_space<vmem>>
      %dma_wait3A_866 = arith.constant 0 : i32
      %dma_wait3A_867 = arith.constant 0 : i32
      %dma_wait3A_868 = tpu.memref_slice %arg2[%dma_wait3A_866, %dma_wait3A_867] : memref<10000x128xf32, #tpu.memory_space<hbm>> -> memref<10000x128xf32, #tpu.memory_space<hbm>>
      tpu.wait_indirect_dma semaphore(%arg28 : memref<!tpu.dma_semaphore, #tpu.memory_space<semaphore_mem>>) src(%dma_wait3A_868 : memref<10000x128xf32, #tpu.memory_space<hbm>>) dst(%arg15 : memref<16x128xf32, #tpu.memory_space<vmem>>)
      %ge3A_869 = arith.constant 1 : i32
      %ge3A_870 = arith.cmpi sge, %add3A_838, %ge3A_869 : i32
      %convert_element_type3A_871 = arith.extui %ge3A_870 : i1 to i32
      %cond3A_872 = arith.constant 0 : i32
      %cond3A_873 = arith.cmpi ne, %convert_element_type3A_871, %cond3A_872 : i32
      scf.if %cond3A_873 {
        %dma_wait3A_1095 = arith.constant 11 : i32
        %dma_wait3A_1096 = arith.constant 0 : i32
        %dma_wait3A_1097 = tpu.memref_slice %arg10[%select_n3A_254, %dma_wait3A_1095, %dma_wait3A_1096] : memref<2x16x16xi32, #tpu.memory_space<vmem>> -> memref<1x1x16xi32, #tpu.memory_space<vmem>>
        %dma_wait3A_1098 = tpu.memref_squeeze %dma_wait3A_1097 : memref<1x1x16xi32, #tpu.memory_space<vmem>> -> memref<16xi32, #tpu.memory_space<vmem>>
        %dma_wait3A_1099 = arith.constant 0 : i32
        %dma_wait3A_1100 = arith.constant 0 : i32
        %dma_wait3A_1101 = tpu.memref_slice %arg22[%dma_wait3A_1099, %dma_wait3A_1100] : memref<10000x128xf32, #tpu.memory_space<vmem_shared>> -> memref<10000x128xf32, #tpu.memory_space<vmem_shared>>
        tpu.wait_indirect_dma semaphore(%arg35 : memref<!tpu.dma_semaphore, #tpu.memory_space<semaphore_mem>>) src(%arg14 : memref<16x128xf32, #tpu.memory_space<vmem>>) dst(%dma_wait3A_1101 : memref<10000x128xf32, #tpu.memory_space<vmem_shared>>)
      } else {
      }
      %add3A_874 = arith.constant 7 : i32
      %add3A_875 = arith.addi %add3A_838, %add3A_874 : i32
      %lt3A_876 = arith.cmpi slt, %add3A_875, %min3A_6 : i32
      %convert_element_type3A_877 = arith.extui %lt3A_876 : i1 to i32
      %cond3A_878 = arith.constant 0 : i32
      %cond3A_879 = arith.cmpi ne, %convert_element_type3A_877, %cond3A_878 : i32
      scf.if %cond3A_879 {
        %sub3A_1095 = arith.constant 1 : i32
        %sub3A_1096 = arith.subi %sub3A_1095, %select_n3A_254 : i32
        %dma_start3A_1097 = arith.constant 2 : i32
        %dma_start3A_1098 = arith.constant 0 : i32
        %dma_start3A_1099 = tpu.memref_slice %arg9[%sub3A_1096, %dma_start3A_1097, %dma_start3A_1098] : memref<2x16x16xi32, #tpu.memory_space<vmem>> -> memref<1x1x16xi32, #tpu.memory_space<vmem>>
        %dma_start3A_1100 = tpu.memref_squeeze %dma_start3A_1099 : memref<1x1x16xi32, #tpu.memory_space<vmem>> -> memref<16xi32, #tpu.memory_space<vmem>>
        %dma_start3A_1101 = arith.constant 0 : i32
        %dma_start3A_1102 = arith.constant 0 : i32
        %dma_start3A_1103 = tpu.memref_slice %arg2[%dma_start3A_1101, %dma_start3A_1102] : memref<10000x128xf32, #tpu.memory_space<hbm>> -> memref<10000x128xf32, #tpu.memory_space<hbm>>
        tpu.enqueue_indirect_dma source(%dma_start3A_1103 : memref<10000x128xf32, #tpu.memory_space<hbm>>) target(%arg14 : memref<16x128xf32, #tpu.memory_space<vmem>>) offsets(%dma_start3A_1100 : memref<16xi32, #tpu.memory_space<vmem>>) semaphore(%arg27 : memref<!tpu.dma_semaphore, #tpu.memory_space<semaphore_mem>>)
      } else {
      }
      %dma_start3A_880 = arith.constant 11 : i32
      %dma_start3A_881 = arith.constant 0 : i32
      %dma_start3A_882 = tpu.memref_slice %arg10[%select_n3A_254, %dma_start3A_880, %dma_start3A_881] : memref<2x16x16xi32, #tpu.memory_space<vmem>> -> memref<1x1x16xi32, #tpu.memory_space<vmem>>
      %dma_start3A_883 = tpu.memref_squeeze %dma_start3A_882 : memref<1x1x16xi32, #tpu.memory_space<vmem>> -> memref<16xi32, #tpu.memory_space<vmem>>
      %dma_start3A_884 = arith.constant 0 : i32
      %dma_start3A_885 = arith.constant 0 : i32
      %dma_start3A_886 = tpu.memref_slice %arg22[%dma_start3A_884, %dma_start3A_885] : memref<10000x128xf32, #tpu.memory_space<vmem_shared>> -> memref<10000x128xf32, #tpu.memory_space<vmem_shared>>
      tpu.enqueue_indirect_dma source(%arg15 : memref<16x128xf32, #tpu.memory_space<vmem>>) target(%dma_start3A_886 : memref<10000x128xf32, #tpu.memory_space<vmem_shared>>) offsets(%dma_start3A_883 : memref<16xi32, #tpu.memory_space<vmem>>) semaphore(%arg36 : memref<!tpu.dma_semaphore, #tpu.memory_space<semaphore_mem>>) {add = true}
      %mul3A_887 = arith.constant 16 : i32
      %mul3A_888 = arith.muli %while3A_239, %mul3A_887 : i32
      %add3A_889 = arith.constant 12 : i32
      %add3A_890 = arith.addi %mul3A_888, %add3A_889 : i32
      %get3A_891 = arith.constant 12 : i32
      %get3A_892 = arith.index_cast %select_n3A_254 : i32 to index
      %get3A_893 = arith.index_cast %get3A_891 : i32 to index
      %get3A_894 = arith.constant 0 : index
      %get3A_895 = tpu.vector_load %arg9[%get3A_892, %get3A_893, %get3A_894] {strides = array<i32>} : memref<2x16x16xi32, #tpu.memory_space<vmem>>, vector<16xi32>,
      %get3A_896 = arith.constant 12 : i32
      %get3A_897 = arith.index_cast %select_n3A_254 : i32 to index
      %get3A_898 = arith.index_cast %get3A_896 : i32 to index
      %get3A_899 = arith.constant 0 : index
      %get3A_900 = tpu.vector_load %arg10[%get3A_897, %get3A_898, %get3A_899] {strides = array<i32>} : memref<2x16x16xi32, #tpu.memory_space<vmem>>, vector<16xi32>,
      %shift_right_logical3A_901 = arith.constant 7 : i32
      %shift_right_logical3A_902 = vector.broadcast %shift_right_logical3A_901 : i32 to vector<16xi32>
      %shift_right_logical3A_903 = arith.shrui %get3A_895, %shift_right_logical3A_902 : vector<16xi32>
      %and3A_904 = arith.constant 127 : i32
      %and3A_905 = vector.broadcast %and3A_904 : i32 to vector<16xi32>
      %and3A_906 = arith.andi %get3A_895, %and3A_905 : vector<16xi32>
      %gather3A_907 = tpu.vector_load_idx %arg20[%shift_right_logical3A_903, %and3A_906] : memref<80x128xf32, #tpu.memory_space<vmem>>[vector<16xi32>, vector<16xi32>], vector<16xf32>,
      %shift_right_logical3A_908 = arith.constant 7 : i32
      %shift_right_logical3A_909 = vector.broadcast %shift_right_logical3A_908 : i32 to vector<16xi32>
      %shift_right_logical3A_910 = arith.shrui %get3A_900, %shift_right_logical3A_909 : vector<16xi32>
      %and3A_911 = arith.constant 127 : i32
      %and3A_912 = vector.broadcast %and3A_911 : i32 to vector<16xi32>
      %and3A_913 = arith.andi %get3A_900, %and3A_912 : vector<16xi32>
      tpu.vector_store_idx %arg21[%shift_right_logical3A_910, %and3A_913], %gather3A_907 {add = true} : memref<80x128xf32, #tpu.memory_space<vmem>>[vector<16xi32>, vector<16xi32>], vector<16xf32>,
      %dma_wait3A_914 = arith.constant 12 : i32
      %dma_wait3A_915 = arith.constant 0 : i32
      %dma_wait3A_916 = tpu.memref_slice %arg9[%select_n3A_254, %dma_wait3A_914, %dma_wait3A_915] : memref<2x16x16xi32, #tpu.memory_space<vmem>> -> memref<1x1x16xi32, #tpu.memory_space<vmem>>
      %dma_wait3A_917 = tpu.memref_squeeze %dma_wait3A_916 : memref<1x1x16xi32, #tpu.memory_space<vmem>> -> memref<16xi32, #tpu.memory_space<vmem>>
      %dma_wait3A_918 = arith.constant 0 : i32
      %dma_wait3A_919 = arith.constant 0 : i32
      %dma_wait3A_920 = tpu.memref_slice %arg2[%dma_wait3A_918, %dma_wait3A_919] : memref<10000x128xf32, #tpu.memory_space<hbm>> -> memref<10000x128xf32, #tpu.memory_space<hbm>>
      tpu.wait_indirect_dma semaphore(%arg29 : memref<!tpu.dma_semaphore, #tpu.memory_space<semaphore_mem>>) src(%dma_wait3A_920 : memref<10000x128xf32, #tpu.memory_space<hbm>>) dst(%arg16 : memref<16x128xf32, #tpu.memory_space<vmem>>)
      %ge3A_921 = arith.constant 1 : i32
      %ge3A_922 = arith.cmpi sge, %add3A_890, %ge3A_921 : i32
      %convert_element_type3A_923 = arith.extui %ge3A_922 : i1 to i32
      %cond3A_924 = arith.constant 0 : i32
      %cond3A_925 = arith.cmpi ne, %convert_element_type3A_923, %cond3A_924 : i32
      scf.if %cond3A_925 {
        %dma_wait3A_1095 = arith.constant 12 : i32
        %dma_wait3A_1096 = arith.constant 0 : i32
        %dma_wait3A_1097 = tpu.memref_slice %arg10[%select_n3A_254, %dma_wait3A_1095, %dma_wait3A_1096] : memref<2x16x16xi32, #tpu.memory_space<vmem>> -> memref<1x1x16xi32, #tpu.memory_space<vmem>>
        %dma_wait3A_1098 = tpu.memref_squeeze %dma_wait3A_1097 : memref<1x1x16xi32, #tpu.memory_space<vmem>> -> memref<16xi32, #tpu.memory_space<vmem>>
        %dma_wait3A_1099 = arith.constant 0 : i32
        %dma_wait3A_1100 = arith.constant 0 : i32
        %dma_wait3A_1101 = tpu.memref_slice %arg22[%dma_wait3A_1099, %dma_wait3A_1100] : memref<10000x128xf32, #tpu.memory_space<vmem_shared>> -> memref<10000x128xf32, #tpu.memory_space<vmem_shared>>
        tpu.wait_indirect_dma semaphore(%arg36 : memref<!tpu.dma_semaphore, #tpu.memory_space<semaphore_mem>>) src(%arg15 : memref<16x128xf32, #tpu.memory_space<vmem>>) dst(%dma_wait3A_1101 : memref<10000x128xf32, #tpu.memory_space<vmem_shared>>)
      } else {
      }
      %add3A_926 = arith.constant 7 : i32
      %add3A_927 = arith.addi %add3A_890, %add3A_926 : i32
      %lt3A_928 = arith.cmpi slt, %add3A_927, %min3A_6 : i32
      %convert_element_type3A_929 = arith.extui %lt3A_928 : i1 to i32
      %cond3A_930 = arith.constant 0 : i32
      %cond3A_931 = arith.cmpi ne, %convert_element_type3A_929, %cond3A_930 : i32
      scf.if %cond3A_931 {
        %sub3A_1095 = arith.constant 1 : i32
        %sub3A_1096 = arith.subi %sub3A_1095, %select_n3A_254 : i32
        %dma_start3A_1097 = arith.constant 3 : i32
        %dma_start3A_1098 = arith.constant 0 : i32
        %dma_start3A_1099 = tpu.memref_slice %arg9[%sub3A_1096, %dma_start3A_1097, %dma_start3A_1098] : memref<2x16x16xi32, #tpu.memory_space<vmem>> -> memref<1x1x16xi32, #tpu.memory_space<vmem>>
        %dma_start3A_1100 = tpu.memref_squeeze %dma_start3A_1099 : memref<1x1x16xi32, #tpu.memory_space<vmem>> -> memref<16xi32, #tpu.memory_space<vmem>>
        %dma_start3A_1101 = arith.constant 0 : i32
        %dma_start3A_1102 = arith.constant 0 : i32
        %dma_start3A_1103 = tpu.memref_slice %arg2[%dma_start3A_1101, %dma_start3A_1102] : memref<10000x128xf32, #tpu.memory_space<hbm>> -> memref<10000x128xf32, #tpu.memory_space<hbm>>
        tpu.enqueue_indirect_dma source(%dma_start3A_1103 : memref<10000x128xf32, #tpu.memory_space<hbm>>) target(%arg15 : memref<16x128xf32, #tpu.memory_space<vmem>>) offsets(%dma_start3A_1100 : memref<16xi32, #tpu.memory_space<vmem>>) semaphore(%arg28 : memref<!tpu.dma_semaphore, #tpu.memory_space<semaphore_mem>>)
      } else {
      }
      %dma_start3A_932 = arith.constant 12 : i32
      %dma_start3A_933 = arith.constant 0 : i32
      %dma_start3A_934 = tpu.memref_slice %arg10[%select_n3A_254, %dma_start3A_932, %dma_start3A_933] : memref<2x16x16xi32, #tpu.memory_space<vmem>> -> memref<1x1x16xi32, #tpu.memory_space<vmem>>
      %dma_start3A_935 = tpu.memref_squeeze %dma_start3A_934 : memref<1x1x16xi32, #tpu.memory_space<vmem>> -> memref<16xi32, #tpu.memory_space<vmem>>
      %dma_start3A_936 = arith.constant 0 : i32
      %dma_start3A_937 = arith.constant 0 : i32
      %dma_start3A_938 = tpu.memref_slice %arg22[%dma_start3A_936, %dma_start3A_937] : memref<10000x128xf32, #tpu.memory_space<vmem_shared>> -> memref<10000x128xf32, #tpu.memory_space<vmem_shared>>
      tpu.enqueue_indirect_dma source(%arg16 : memref<16x128xf32, #tpu.memory_space<vmem>>) target(%dma_start3A_938 : memref<10000x128xf32, #tpu.memory_space<vmem_shared>>) offsets(%dma_start3A_935 : memref<16xi32, #tpu.memory_space<vmem>>) semaphore(%arg37 : memref<!tpu.dma_semaphore, #tpu.memory_space<semaphore_mem>>) {add = true}
      %mul3A_939 = arith.constant 16 : i32
      %mul3A_940 = arith.muli %while3A_239, %mul3A_939 : i32
      %add3A_941 = arith.constant 13 : i32
      %add3A_942 = arith.addi %mul3A_940, %add3A_941 : i32
      %get3A_943 = arith.constant 13 : i32
      %get3A_944 = arith.index_cast %select_n3A_254 : i32 to index
      %get3A_945 = arith.index_cast %get3A_943 : i32 to index
      %get3A_946 = arith.constant 0 : index
      %get3A_947 = tpu.vector_load %arg9[%get3A_944, %get3A_945, %get3A_946] {strides = array<i32>} : memref<2x16x16xi32, #tpu.memory_space<vmem>>, vector<16xi32>,
      %get3A_948 = arith.constant 13 : i32
      %get3A_949 = arith.index_cast %select_n3A_254 : i32 to index
      %get3A_950 = arith.index_cast %get3A_948 : i32 to index
      %get3A_951 = arith.constant 0 : index
      %get3A_952 = tpu.vector_load %arg10[%get3A_949, %get3A_950, %get3A_951] {strides = array<i32>} : memref<2x16x16xi32, #tpu.memory_space<vmem>>, vector<16xi32>,
      %shift_right_logical3A_953 = arith.constant 7 : i32
      %shift_right_logical3A_954 = vector.broadcast %shift_right_logical3A_953 : i32 to vector<16xi32>
      %shift_right_logical3A_955 = arith.shrui %get3A_947, %shift_right_logical3A_954 : vector<16xi32>
      %and3A_956 = arith.constant 127 : i32
      %and3A_957 = vector.broadcast %and3A_956 : i32 to vector<16xi32>
      %and3A_958 = arith.andi %get3A_947, %and3A_957 : vector<16xi32>
      %gather3A_959 = tpu.vector_load_idx %arg20[%shift_right_logical3A_955, %and3A_958] : memref<80x128xf32, #tpu.memory_space<vmem>>[vector<16xi32>, vector<16xi32>], vector<16xf32>,
      %shift_right_logical3A_960 = arith.constant 7 : i32
      %shift_right_logical3A_961 = vector.broadcast %shift_right_logical3A_960 : i32 to vector<16xi32>
      %shift_right_logical3A_962 = arith.shrui %get3A_952, %shift_right_logical3A_961 : vector<16xi32>
      %and3A_963 = arith.constant 127 : i32
      %and3A_964 = vector.broadcast %and3A_963 : i32 to vector<16xi32>
      %and3A_965 = arith.andi %get3A_952, %and3A_964 : vector<16xi32>
      tpu.vector_store_idx %arg21[%shift_right_logical3A_962, %and3A_965], %gather3A_959 {add = true} : memref<80x128xf32, #tpu.memory_space<vmem>>[vector<16xi32>, vector<16xi32>], vector<16xf32>,
      %dma_wait3A_966 = arith.constant 13 : i32
      %dma_wait3A_967 = arith.constant 0 : i32
      %dma_wait3A_968 = tpu.memref_slice %arg9[%select_n3A_254, %dma_wait3A_966, %dma_wait3A_967] : memref<2x16x16xi32, #tpu.memory_space<vmem>> -> memref<1x1x16xi32, #tpu.memory_space<vmem>>
      %dma_wait3A_969 = tpu.memref_squeeze %dma_wait3A_968 : memref<1x1x16xi32, #tpu.memory_space<vmem>> -> memref<16xi32, #tpu.memory_space<vmem>>
      %dma_wait3A_970 = arith.constant 0 : i32
      %dma_wait3A_971 = arith.constant 0 : i32
      %dma_wait3A_972 = tpu.memref_slice %arg2[%dma_wait3A_970, %dma_wait3A_971] : memref<10000x128xf32, #tpu.memory_space<hbm>> -> memref<10000x128xf32, #tpu.memory_space<hbm>>
      tpu.wait_indirect_dma semaphore(%arg30 : memref<!tpu.dma_semaphore, #tpu.memory_space<semaphore_mem>>) src(%dma_wait3A_972 : memref<10000x128xf32, #tpu.memory_space<hbm>>) dst(%arg17 : memref<16x128xf32, #tpu.memory_space<vmem>>)
      %ge3A_973 = arith.constant 1 : i32
      %ge3A_974 = arith.cmpi sge, %add3A_942, %ge3A_973 : i32
      %convert_element_type3A_975 = arith.extui %ge3A_974 : i1 to i32
      %cond3A_976 = arith.constant 0 : i32
      %cond3A_977 = arith.cmpi ne, %convert_element_type3A_975, %cond3A_976 : i32
      scf.if %cond3A_977 {
        %dma_wait3A_1095 = arith.constant 13 : i32
        %dma_wait3A_1096 = arith.constant 0 : i32
        %dma_wait3A_1097 = tpu.memref_slice %arg10[%select_n3A_254, %dma_wait3A_1095, %dma_wait3A_1096] : memref<2x16x16xi32, #tpu.memory_space<vmem>> -> memref<1x1x16xi32, #tpu.memory_space<vmem>>
        %dma_wait3A_1098 = tpu.memref_squeeze %dma_wait3A_1097 : memref<1x1x16xi32, #tpu.memory_space<vmem>> -> memref<16xi32, #tpu.memory_space<vmem>>
        %dma_wait3A_1099 = arith.constant 0 : i32
        %dma_wait3A_1100 = arith.constant 0 : i32
        %dma_wait3A_1101 = tpu.memref_slice %arg22[%dma_wait3A_1099, %dma_wait3A_1100] : memref<10000x128xf32, #tpu.memory_space<vmem_shared>> -> memref<10000x128xf32, #tpu.memory_space<vmem_shared>>
        tpu.wait_indirect_dma semaphore(%arg37 : memref<!tpu.dma_semaphore, #tpu.memory_space<semaphore_mem>>) src(%arg16 : memref<16x128xf32, #tpu.memory_space<vmem>>) dst(%dma_wait3A_1101 : memref<10000x128xf32, #tpu.memory_space<vmem_shared>>)
      } else {
      }
      %add3A_978 = arith.constant 7 : i32
      %add3A_979 = arith.addi %add3A_942, %add3A_978 : i32
      %lt3A_980 = arith.cmpi slt, %add3A_979, %min3A_6 : i32
      %convert_element_type3A_981 = arith.extui %lt3A_980 : i1 to i32
      %cond3A_982 = arith.constant 0 : i32
      %cond3A_983 = arith.cmpi ne, %convert_element_type3A_981, %cond3A_982 : i32
      scf.if %cond3A_983 {
        %sub3A_1095 = arith.constant 1 : i32
        %sub3A_1096 = arith.subi %sub3A_1095, %select_n3A_254 : i32
        %dma_start3A_1097 = arith.constant 4 : i32
        %dma_start3A_1098 = arith.constant 0 : i32
        %dma_start3A_1099 = tpu.memref_slice %arg9[%sub3A_1096, %dma_start3A_1097, %dma_start3A_1098] : memref<2x16x16xi32, #tpu.memory_space<vmem>> -> memref<1x1x16xi32, #tpu.memory_space<vmem>>
        %dma_start3A_1100 = tpu.memref_squeeze %dma_start3A_1099 : memref<1x1x16xi32, #tpu.memory_space<vmem>> -> memref<16xi32, #tpu.memory_space<vmem>>
        %dma_start3A_1101 = arith.constant 0 : i32
        %dma_start3A_1102 = arith.constant 0 : i32
        %dma_start3A_1103 = tpu.memref_slice %arg2[%dma_start3A_1101, %dma_start3A_1102] : memref<10000x128xf32, #tpu.memory_space<hbm>> -> memref<10000x128xf32, #tpu.memory_space<hbm>>
        tpu.enqueue_indirect_dma source(%dma_start3A_1103 : memref<10000x128xf32, #tpu.memory_space<hbm>>) target(%arg16 : memref<16x128xf32, #tpu.memory_space<vmem>>) offsets(%dma_start3A_1100 : memref<16xi32, #tpu.memory_space<vmem>>) semaphore(%arg29 : memref<!tpu.dma_semaphore, #tpu.memory_space<semaphore_mem>>)
      } else {
      }
      %dma_start3A_984 = arith.constant 13 : i32
      %dma_start3A_985 = arith.constant 0 : i32
      %dma_start3A_986 = tpu.memref_slice %arg10[%select_n3A_254, %dma_start3A_984, %dma_start3A_985] : memref<2x16x16xi32, #tpu.memory_space<vmem>> -> memref<1x1x16xi32, #tpu.memory_space<vmem>>
      %dma_start3A_987 = tpu.memref_squeeze %dma_start3A_986 : memref<1x1x16xi32, #tpu.memory_space<vmem>> -> memref<16xi32, #tpu.memory_space<vmem>>
      %dma_start3A_988 = arith.constant 0 : i32
      %dma_start3A_989 = arith.constant 0 : i32
      %dma_start3A_990 = tpu.memref_slice %arg22[%dma_start3A_988, %dma_start3A_989] : memref<10000x128xf32, #tpu.memory_space<vmem_shared>> -> memref<10000x128xf32, #tpu.memory_space<vmem_shared>>
      tpu.enqueue_indirect_dma source(%arg17 : memref<16x128xf32, #tpu.memory_space<vmem>>) target(%dma_start3A_990 : memref<10000x128xf32, #tpu.memory_space<vmem_shared>>) offsets(%dma_start3A_987 : memref<16xi32, #tpu.memory_space<vmem>>) semaphore(%arg38 : memref<!tpu.dma_semaphore, #tpu.memory_space<semaphore_mem>>) {add = true}
      %mul3A_991 = arith.constant 16 : i32
      %mul3A_992 = arith.muli %while3A_239, %mul3A_991 : i32
      %add3A_993 = arith.constant 14 : i32
      %add3A_994 = arith.addi %mul3A_992, %add3A_993 : i32
      %get3A_995 = arith.constant 14 : i32
      %get3A_996 = arith.index_cast %select_n3A_254 : i32 to index
      %get3A_997 = arith.index_cast %get3A_995 : i32 to index
      %get3A_998 = arith.constant 0 : index
      %get3A_999 = tpu.vector_load %arg9[%get3A_996, %get3A_997, %get3A_998] {strides = array<i32>} : memref<2x16x16xi32, #tpu.memory_space<vmem>>, vector<16xi32>,
      %get3A_1000 = arith.constant 14 : i32
      %get3A_1001 = arith.index_cast %select_n3A_254 : i32 to index
      %get3A_1002 = arith.index_cast %get3A_1000 : i32 to index
      %get3A_1003 = arith.constant 0 : index
      %get3A_1004 = tpu.vector_load %arg10[%get3A_1001, %get3A_1002, %get3A_1003] {strides = array<i32>} : memref<2x16x16xi32, #tpu.memory_space<vmem>>, vector<16xi32>,
      %shift_right_logical3A_1005 = arith.constant 7 : i32
      %shift_right_logical3A_1006 = vector.broadcast %shift_right_logical3A_1005 : i32 to vector<16xi32>
      %shift_right_logical3A_1007 = arith.shrui %get3A_999, %shift_right_logical3A_1006 : vector<16xi32>
      %and3A_1008 = arith.constant 127 : i32
      %and3A_1009 = vector.broadcast %and3A_1008 : i32 to vector<16xi32>
      %and3A_1010 = arith.andi %get3A_999, %and3A_1009 : vector<16xi32>
      %gather3A_1011 = tpu.vector_load_idx %arg20[%shift_right_logical3A_1007, %and3A_1010] : memref<80x128xf32, #tpu.memory_space<vmem>>[vector<16xi32>, vector<16xi32>], vector<16xf32>,
      %shift_right_logical3A_1012 = arith.constant 7 : i32
      %shift_right_logical3A_1013 = vector.broadcast %shift_right_logical3A_1012 : i32 to vector<16xi32>
      %shift_right_logical3A_1014 = arith.shrui %get3A_1004, %shift_right_logical3A_1013 : vector<16xi32>
      %and3A_1015 = arith.constant 127 : i32
      %and3A_1016 = vector.broadcast %and3A_1015 : i32 to vector<16xi32>
      %and3A_1017 = arith.andi %get3A_1004, %and3A_1016 : vector<16xi32>
      tpu.vector_store_idx %arg21[%shift_right_logical3A_1014, %and3A_1017], %gather3A_1011 {add = true} : memref<80x128xf32, #tpu.memory_space<vmem>>[vector<16xi32>, vector<16xi32>], vector<16xf32>,
      %dma_wait3A_1018 = arith.constant 14 : i32
      %dma_wait3A_1019 = arith.constant 0 : i32
      %dma_wait3A_1020 = tpu.memref_slice %arg9[%select_n3A_254, %dma_wait3A_1018, %dma_wait3A_1019] : memref<2x16x16xi32, #tpu.memory_space<vmem>> -> memref<1x1x16xi32, #tpu.memory_space<vmem>>
      %dma_wait3A_1021 = tpu.memref_squeeze %dma_wait3A_1020 : memref<1x1x16xi32, #tpu.memory_space<vmem>> -> memref<16xi32, #tpu.memory_space<vmem>>
      %dma_wait3A_1022 = arith.constant 0 : i32
      %dma_wait3A_1023 = arith.constant 0 : i32
      %dma_wait3A_1024 = tpu.memref_slice %arg2[%dma_wait3A_1022, %dma_wait3A_1023] : memref<10000x128xf32, #tpu.memory_space<hbm>> -> memref<10000x128xf32, #tpu.memory_space<hbm>>
      tpu.wait_indirect_dma semaphore(%arg31 : memref<!tpu.dma_semaphore, #tpu.memory_space<semaphore_mem>>) src(%dma_wait3A_1024 : memref<10000x128xf32, #tpu.memory_space<hbm>>) dst(%arg18 : memref<16x128xf32, #tpu.memory_space<vmem>>)
      %ge3A_1025 = arith.constant 1 : i32
      %ge3A_1026 = arith.cmpi sge, %add3A_994, %ge3A_1025 : i32
      %convert_element_type3A_1027 = arith.extui %ge3A_1026 : i1 to i32
      %cond3A_1028 = arith.constant 0 : i32
      %cond3A_1029 = arith.cmpi ne, %convert_element_type3A_1027, %cond3A_1028 : i32
      scf.if %cond3A_1029 {
        %dma_wait3A_1095 = arith.constant 14 : i32
        %dma_wait3A_1096 = arith.constant 0 : i32
        %dma_wait3A_1097 = tpu.memref_slice %arg10[%select_n3A_254, %dma_wait3A_1095, %dma_wait3A_1096] : memref<2x16x16xi32, #tpu.memory_space<vmem>> -> memref<1x1x16xi32, #tpu.memory_space<vmem>>
        %dma_wait3A_1098 = tpu.memref_squeeze %dma_wait3A_1097 : memref<1x1x16xi32, #tpu.memory_space<vmem>> -> memref<16xi32, #tpu.memory_space<vmem>>
        %dma_wait3A_1099 = arith.constant 0 : i32
        %dma_wait3A_1100 = arith.constant 0 : i32
        %dma_wait3A_1101 = tpu.memref_slice %arg22[%dma_wait3A_1099, %dma_wait3A_1100] : memref<10000x128xf32, #tpu.memory_space<vmem_shared>> -> memref<10000x128xf32, #tpu.memory_space<vmem_shared>>
        tpu.wait_indirect_dma semaphore(%arg38 : memref<!tpu.dma_semaphore, #tpu.memory_space<semaphore_mem>>) src(%arg17 : memref<16x128xf32, #tpu.memory_space<vmem>>) dst(%dma_wait3A_1101 : memref<10000x128xf32, #tpu.memory_space<vmem_shared>>)
      } else {
      }
      %add3A_1030 = arith.constant 7 : i32
      %add3A_1031 = arith.addi %add3A_994, %add3A_1030 : i32
      %lt3A_1032 = arith.cmpi slt, %add3A_1031, %min3A_6 : i32
      %convert_element_type3A_1033 = arith.extui %lt3A_1032 : i1 to i32
      %cond3A_1034 = arith.constant 0 : i32
      %cond3A_1035 = arith.cmpi ne, %convert_element_type3A_1033, %cond3A_1034 : i32
      scf.if %cond3A_1035 {
        %sub3A_1095 = arith.constant 1 : i32
        %sub3A_1096 = arith.subi %sub3A_1095, %select_n3A_254 : i32
        %dma_start3A_1097 = arith.constant 5 : i32
        %dma_start3A_1098 = arith.constant 0 : i32
        %dma_start3A_1099 = tpu.memref_slice %arg9[%sub3A_1096, %dma_start3A_1097, %dma_start3A_1098] : memref<2x16x16xi32, #tpu.memory_space<vmem>> -> memref<1x1x16xi32, #tpu.memory_space<vmem>>
        %dma_start3A_1100 = tpu.memref_squeeze %dma_start3A_1099 : memref<1x1x16xi32, #tpu.memory_space<vmem>> -> memref<16xi32, #tpu.memory_space<vmem>>
        %dma_start3A_1101 = arith.constant 0 : i32
        %dma_start3A_1102 = arith.constant 0 : i32
        %dma_start3A_1103 = tpu.memref_slice %arg2[%dma_start3A_1101, %dma_start3A_1102] : memref<10000x128xf32, #tpu.memory_space<hbm>> -> memref<10000x128xf32, #tpu.memory_space<hbm>>
        tpu.enqueue_indirect_dma source(%dma_start3A_1103 : memref<10000x128xf32, #tpu.memory_space<hbm>>) target(%arg17 : memref<16x128xf32, #tpu.memory_space<vmem>>) offsets(%dma_start3A_1100 : memref<16xi32, #tpu.memory_space<vmem>>) semaphore(%arg30 : memref<!tpu.dma_semaphore, #tpu.memory_space<semaphore_mem>>)
      } else {
      }
      %dma_start3A_1036 = arith.constant 14 : i32
      %dma_start3A_1037 = arith.constant 0 : i32
      %dma_start3A_1038 = tpu.memref_slice %arg10[%select_n3A_254, %dma_start3A_1036, %dma_start3A_1037] : memref<2x16x16xi32, #tpu.memory_space<vmem>> -> memref<1x1x16xi32, #tpu.memory_space<vmem>>
      %dma_start3A_1039 = tpu.memref_squeeze %dma_start3A_1038 : memref<1x1x16xi32, #tpu.memory_space<vmem>> -> memref<16xi32, #tpu.memory_space<vmem>>
      %dma_start3A_1040 = arith.constant 0 : i32
      %dma_start3A_1041 = arith.constant 0 : i32
      %dma_start3A_1042 = tpu.memref_slice %arg22[%dma_start3A_1040, %dma_start3A_1041] : memref<10000x128xf32, #tpu.memory_space<vmem_shared>> -> memref<10000x128xf32, #tpu.memory_space<vmem_shared>>
      tpu.enqueue_indirect_dma source(%arg18 : memref<16x128xf32, #tpu.memory_space<vmem>>) target(%dma_start3A_1042 : memref<10000x128xf32, #tpu.memory_space<vmem_shared>>) offsets(%dma_start3A_1039 : memref<16xi32, #tpu.memory_space<vmem>>) semaphore(%arg39 : memref<!tpu.dma_semaphore, #tpu.memory_space<semaphore_mem>>) {add = true}
      %mul3A_1043 = arith.constant 16 : i32
      %mul3A_1044 = arith.muli %while3A_239, %mul3A_1043 : i32
      %add3A_1045 = arith.constant 15 : i32
      %add3A_1046 = arith.addi %mul3A_1044, %add3A_1045 : i32
      %get3A_1047 = arith.constant 15 : i32
      %get3A_1048 = arith.index_cast %select_n3A_254 : i32 to index
      %get3A_1049 = arith.index_cast %get3A_1047 : i32 to index
      %get3A_1050 = arith.constant 0 : index
      %get3A_1051 = tpu.vector_load %arg9[%get3A_1048, %get3A_1049, %get3A_1050] {strides = array<i32>} : memref<2x16x16xi32, #tpu.memory_space<vmem>>, vector<16xi32>,
      %get3A_1052 = arith.constant 15 : i32
      %get3A_1053 = arith.index_cast %select_n3A_254 : i32 to index
      %get3A_1054 = arith.index_cast %get3A_1052 : i32 to index
      %get3A_1055 = arith.constant 0 : index
      %get3A_1056 = tpu.vector_load %arg10[%get3A_1053, %get3A_1054, %get3A_1055] {strides = array<i32>} : memref<2x16x16xi32, #tpu.memory_space<vmem>>, vector<16xi32>,
      %shift_right_logical3A_1057 = arith.constant 7 : i32
      %shift_right_logical3A_1058 = vector.broadcast %shift_right_logical3A_1057 : i32 to vector<16xi32>
      %shift_right_logical3A_1059 = arith.shrui %get3A_1051, %shift_right_logical3A_1058 : vector<16xi32>
      %and3A_1060 = arith.constant 127 : i32
      %and3A_1061 = vector.broadcast %and3A_1060 : i32 to vector<16xi32>
      %and3A_1062 = arith.andi %get3A_1051, %and3A_1061 : vector<16xi32>
      %gather3A_1063 = tpu.vector_load_idx %arg20[%shift_right_logical3A_1059, %and3A_1062] : memref<80x128xf32, #tpu.memory_space<vmem>>[vector<16xi32>, vector<16xi32>], vector<16xf32>,
      %shift_right_logical3A_1064 = arith.constant 7 : i32
      %shift_right_logical3A_1065 = vector.broadcast %shift_right_logical3A_1064 : i32 to vector<16xi32>
      %shift_right_logical3A_1066 = arith.shrui %get3A_1056, %shift_right_logical3A_1065 : vector<16xi32>
      %and3A_1067 = arith.constant 127 : i32
      %and3A_1068 = vector.broadcast %and3A_1067 : i32 to vector<16xi32>
      %and3A_1069 = arith.andi %get3A_1056, %and3A_1068 : vector<16xi32>
      tpu.vector_store_idx %arg21[%shift_right_logical3A_1066, %and3A_1069], %gather3A_1063 {add = true} : memref<80x128xf32, #tpu.memory_space<vmem>>[vector<16xi32>, vector<16xi32>], vector<16xf32>,
      %dma_wait3A_1070 = arith.constant 15 : i32
      %dma_wait3A_1071 = arith.constant 0 : i32
      %dma_wait3A_1072 = tpu.memref_slice %arg9[%select_n3A_254, %dma_wait3A_1070, %dma_wait3A_1071] : memref<2x16x16xi32, #tpu.memory_space<vmem>> -> memref<1x1x16xi32, #tpu.memory_space<vmem>>
      %dma_wait3A_1073 = tpu.memref_squeeze %dma_wait3A_1072 : memref<1x1x16xi32, #tpu.memory_space<vmem>> -> memref<16xi32, #tpu.memory_space<vmem>>
      %dma_wait3A_1074 = arith.constant 0 : i32
      %dma_wait3A_1075 = arith.constant 0 : i32
      %dma_wait3A_1076 = tpu.memref_slice %arg2[%dma_wait3A_1074, %dma_wait3A_1075] : memref<10000x128xf32, #tpu.memory_space<hbm>> -> memref<10000x128xf32, #tpu.memory_space<hbm>>
      tpu.wait_indirect_dma semaphore(%arg32 : memref<!tpu.dma_semaphore, #tpu.memory_space<semaphore_mem>>) src(%dma_wait3A_1076 : memref<10000x128xf32, #tpu.memory_space<hbm>>) dst(%arg19 : memref<16x128xf32, #tpu.memory_space<vmem>>)
      %ge3A_1077 = arith.constant 1 : i32
      %ge3A_1078 = arith.cmpi sge, %add3A_1046, %ge3A_1077 : i32
      %convert_element_type3A_1079 = arith.extui %ge3A_1078 : i1 to i32
      %cond3A_1080 = arith.constant 0 : i32
      %cond3A_1081 = arith.cmpi ne, %convert_element_type3A_1079, %cond3A_1080 : i32
      scf.if %cond3A_1081 {
        %dma_wait3A_1095 = arith.constant 15 : i32
        %dma_wait3A_1096 = arith.constant 0 : i32
        %dma_wait3A_1097 = tpu.memref_slice %arg10[%select_n3A_254, %dma_wait3A_1095, %dma_wait3A_1096] : memref<2x16x16xi32, #tpu.memory_space<vmem>> -> memref<1x1x16xi32, #tpu.memory_space<vmem>>
        %dma_wait3A_1098 = tpu.memref_squeeze %dma_wait3A_1097 : memref<1x1x16xi32, #tpu.memory_space<vmem>> -> memref<16xi32, #tpu.memory_space<vmem>>
        %dma_wait3A_1099 = arith.constant 0 : i32
        %dma_wait3A_1100 = arith.constant 0 : i32
        %dma_wait3A_1101 = tpu.memref_slice %arg22[%dma_wait3A_1099, %dma_wait3A_1100] : memref<10000x128xf32, #tpu.memory_space<vmem_shared>> -> memref<10000x128xf32, #tpu.memory_space<vmem_shared>>
        tpu.wait_indirect_dma semaphore(%arg39 : memref<!tpu.dma_semaphore, #tpu.memory_space<semaphore_mem>>) src(%arg18 : memref<16x128xf32, #tpu.memory_space<vmem>>) dst(%dma_wait3A_1101 : memref<10000x128xf32, #tpu.memory_space<vmem_shared>>)
      } else {
      }
      %add3A_1082 = arith.constant 7 : i32
      %add3A_1083 = arith.addi %add3A_1046, %add3A_1082 : i32
      %lt3A_1084 = arith.cmpi slt, %add3A_1083, %min3A_6 : i32
      %convert_element_type3A_1085 = arith.extui %lt3A_1084 : i1 to i32
      %cond3A_1086 = arith.constant 0 : i32
      %cond3A_1087 = arith.cmpi ne, %convert_element_type3A_1085, %cond3A_1086 : i32
      scf.if %cond3A_1087 {
        %sub3A_1095 = arith.constant 1 : i32
        %sub3A_1096 = arith.subi %sub3A_1095, %select_n3A_254 : i32
        %dma_start3A_1097 = arith.constant 6 : i32
        %dma_start3A_1098 = arith.constant 0 : i32
        %dma_start3A_1099 = tpu.memref_slice %arg9[%sub3A_1096, %dma_start3A_1097, %dma_start3A_1098] : memref<2x16x16xi32, #tpu.memory_space<vmem>> -> memref<1x1x16xi32, #tpu.memory_space<vmem>>
        %dma_start3A_1100 = tpu.memref_squeeze %dma_start3A_1099 : memref<1x1x16xi32, #tpu.memory_space<vmem>> -> memref<16xi32, #tpu.memory_space<vmem>>
        %dma_start3A_1101 = arith.constant 0 : i32
        %dma_start3A_1102 = arith.constant 0 : i32
        %dma_start3A_1103 = tpu.memref_slice %arg2[%dma_start3A_1101, %dma_start3A_1102] : memref<10000x128xf32, #tpu.memory_space<hbm>> -> memref<10000x128xf32, #tpu.memory_space<hbm>>
        tpu.enqueue_indirect_dma source(%dma_start3A_1103 : memref<10000x128xf32, #tpu.memory_space<hbm>>) target(%arg18 : memref<16x128xf32, #tpu.memory_space<vmem>>) offsets(%dma_start3A_1100 : memref<16xi32, #tpu.memory_space<vmem>>) semaphore(%arg31 : memref<!tpu.dma_semaphore, #tpu.memory_space<semaphore_mem>>)
      } else {
      }
      %dma_start3A_1088 = arith.constant 15 : i32
      %dma_start3A_1089 = arith.constant 0 : i32
      %dma_start3A_1090 = tpu.memref_slice %arg10[%select_n3A_254, %dma_start3A_1088, %dma_start3A_1089] : memref<2x16x16xi32, #tpu.memory_space<vmem>> -> memref<1x1x16xi32, #tpu.memory_space<vmem>>
      %dma_start3A_1091 = tpu.memref_squeeze %dma_start3A_1090 : memref<1x1x16xi32, #tpu.memory_space<vmem>> -> memref<16xi32, #tpu.memory_space<vmem>>
      %dma_start3A_1092 = arith.constant 0 : i32
      %dma_start3A_1093 = arith.constant 0 : i32
      %dma_start3A_1094 = tpu.memref_slice %arg22[%dma_start3A_1092, %dma_start3A_1093] : memref<10000x128xf32, #tpu.memory_space<vmem_shared>> -> memref<10000x128xf32, #tpu.memory_space<vmem_shared>>
      tpu.enqueue_indirect_dma source(%arg19 : memref<16x128xf32, #tpu.memory_space<vmem>>) target(%dma_start3A_1094 : memref<10000x128xf32, #tpu.memory_space<vmem_shared>>) offsets(%dma_start3A_1091 : memref<16xi32, #tpu.memory_space<vmem>>) semaphore(%arg40 : memref<!tpu.dma_semaphore, #tpu.memory_space<semaphore_mem>>) {add = true}
    }
    %dma_wait3A_205 = arith.constant 0 : i32
    %dma_wait3A_206 = arith.constant 0 : i32
    %dma_wait3A_207 = arith.constant 0 : i32
    %dma_wait3A_208 = tpu.memref_slice %arg10[%dma_wait3A_205, %dma_wait3A_206, %dma_wait3A_207] : memref<2x16x16xi32, #tpu.memory_space<vmem>> -> memref<1x1x16xi32, #tpu.memory_space<vmem>>
    %dma_wait3A_209 = tpu.memref_squeeze %dma_wait3A_208 : memref<1x1x16xi32, #tpu.memory_space<vmem>> -> memref<16xi32, #tpu.memory_space<vmem>>
    %dma_wait3A_210 = arith.constant 0 : i32
    %dma_wait3A_211 = arith.constant 0 : i32
    %dma_wait3A_212 = tpu.memref_slice %arg22[%dma_wait3A_210, %dma_wait3A_211] : memref<10000x128xf32, #tpu.memory_space<vmem_shared>> -> memref<10000x128xf32, #tpu.memory_space<vmem_shared>>
    tpu.wait_indirect_dma semaphore(%arg40 : memref<!tpu.dma_semaphore, #tpu.memory_space<semaphore_mem>>) src(%arg19 : memref<16x128xf32, #tpu.memory_space<vmem>>) dst(%dma_wait3A_212 : memref<10000x128xf32, #tpu.memory_space<vmem_shared>>)
    %run_scoped3A = arith.constant 0 : i32
    "tpu.region"() ({
      %run_scoped3A_239 = tpu.sem_alloc : memref<!tpu.dma_semaphore, #tpu.memory_space<semaphore_mem>>
      %dma_start3A_240 = arith.constant 0 : i32
      %dma_start3A_241 = tpu.memref_slice %arg11[%run_scoped3A, %dma_start3A_240] : memref<1x80xi32, #tpu.memory_space<vmem>> -> memref<1x80xi32, #tpu.memory_space<vmem>>
      %dma_start3A_242 = tpu.memref_squeeze %dma_start3A_241 : memref<1x80xi32, #tpu.memory_space<vmem>> -> memref<80xi32, #tpu.memory_space<vmem>>
      %dma_start3A_243 = arith.constant 0 : i32
      %dma_start3A_244 = arith.constant 0 : i32
      %dma_start3A_245 = tpu.memref_slice %arg23[%dma_start3A_243, %dma_start3A_244] : memref<80x128xf32, #tpu.memory_space<vmem_shared>> -> memref<80x128xf32, #tpu.memory_space<vmem_shared>>
      tpu.enqueue_indirect_dma source(%arg21 : memref<80x128xf32, #tpu.memory_space<vmem>>) target(%dma_start3A_245 : memref<80x128xf32, #tpu.memory_space<vmem_shared>>) offsets(%dma_start3A_242 : memref<80xi32, #tpu.memory_space<vmem>>) semaphore(%run_scoped3A_239 : memref<!tpu.dma_semaphore, #tpu.memory_space<semaphore_mem>>) {add = true}
      %dma_wait3A_246 = arith.constant 0 : i32
      %dma_wait3A_247 = tpu.memref_slice %arg11[%run_scoped3A, %dma_wait3A_246] : memref<1x80xi32, #tpu.memory_space<vmem>> -> memref<1x80xi32, #tpu.memory_space<vmem>>
      %dma_wait3A_248 = tpu.memref_squeeze %dma_wait3A_247 : memref<1x80xi32, #tpu.memory_space<vmem>> -> memref<80xi32, #tpu.memory_space<vmem>>
      %dma_wait3A_249 = arith.constant 0 : i32
      %dma_wait3A_250 = arith.constant 0 : i32
      %dma_wait3A_251 = tpu.memref_slice %arg23[%dma_wait3A_249, %dma_wait3A_250] : memref<80x128xf32, #tpu.memory_space<vmem_shared>> -> memref<80x128xf32, #tpu.memory_space<vmem_shared>>
      tpu.wait_indirect_dma semaphore(%run_scoped3A_239 : memref<!tpu.dma_semaphore, #tpu.memory_space<semaphore_mem>>) src(%arg21 : memref<80x128xf32, #tpu.memory_space<vmem>>) dst(%dma_wait3A_251 : memref<80x128xf32, #tpu.memory_space<vmem_shared>>)
      tpu.yield
    }) : () -> ()
    %barrier3A_213 = arith.constant 0 : index
    tpu.barrier barrier_id(%barrier3A_213)
    %while3A_214 = arith.constant 0 : i32
    %while3A_215 = arith.constant 0 : i32
    %while3A_216 = arith.subi %select_n3A, %while3A_215 : i32
    %while3A_217 = arith.addi %while3A_215, %while3A_216 : i32
    %while3A_218 = arith.constant 1 : i32
    %while3A_219 = arith.divsi %while3A_216, %while3A_218 : i32
    %while3A_220 = arith.muli %while3A_219, %while3A_218 : i32
    %while3A_221 = arith.addi %while3A_215, %while3A_220 : i32
    %while3A_222 = arith.constant 1 : i32
    scf.for %while3A_239 = %while3A_215 to %while3A_221 step %while3A_222  : i32 {
      %mul3A_240 = arith.constant 16 : i32
      %mul3A_241 = arith.muli %mul3A_240, %while3A_239 : i32
      %add3A_242 = arith.addi %arg1, %mul3A_241 : i32
      %mul3A_243 = arith.constant 80 : i32
      %mul3A_244 = arith.muli %add3A_242, %mul3A_243 : i32
      %multiple_of3A = tpu.assume_multiple %mul3A_244, 80 : i32
      %dma_start3A_245 = arith.constant 0 : i32
      %dma_start3A_246 = tpu.memref_slice %arg7[%arg0, %multiple_of3A, %dma_start3A_245] : memref<2x10000x128xf32, #tpu.memory_space<hbm>> -> memref<1x80x128xf32, #tpu.memory_space<hbm>>
      %dma_start3A_247 = tpu.memref_squeeze %dma_start3A_246 : memref<1x80x128xf32, #tpu.memory_space<hbm>> -> memref<80x128xf32, #tpu.memory_space<hbm>>
      %dma_start3A_248 = arith.constant 0 : i32
      %dma_start3A_249 = tpu.memref_slice %arg22[%multiple_of3A, %dma_start3A_248] : memref<10000x128xf32, #tpu.memory_space<vmem_shared>> -> memref<80x128xf32, #tpu.memory_space<vmem_shared>>
      tpu.enqueue_dma source(%dma_start3A_249 : memref<80x128xf32, #tpu.memory_space<vmem_shared>>) target(%dma_start3A_247 : memref<80x128xf32, #tpu.memory_space<hbm>>) target_semaphore(%arg24 : memref<!tpu.dma_semaphore, #tpu.memory_space<semaphore_mem>>)
    }
    %while3A_223 = arith.constant 1 : i32
    scf.for %while3A_239 = %while3A_221 to %while3A_217 step %while3A_223  : i32 {
      %mul3A_240 = arith.constant 16 : i32
      %mul3A_241 = arith.muli %mul3A_240, %while3A_239 : i32
      %add3A_242 = arith.addi %arg1, %mul3A_241 : i32
      %mul3A_243 = arith.constant 80 : i32
      %mul3A_244 = arith.muli %add3A_242, %mul3A_243 : i32
      %multiple_of3A = tpu.assume_multiple %mul3A_244, 80 : i32
      %dma_start3A_245 = arith.constant 0 : i32
      %dma_start3A_246 = tpu.memref_slice %arg7[%arg0, %multiple_of3A, %dma_start3A_245] : memref<2x10000x128xf32, #tpu.memory_space<hbm>> -> memref<1x80x128xf32, #tpu.memory_space<hbm>>
      %dma_start3A_247 = tpu.memref_squeeze %dma_start3A_246 : memref<1x80x128xf32, #tpu.memory_space<hbm>> -> memref<80x128xf32, #tpu.memory_space<hbm>>
      %dma_start3A_248 = arith.constant 0 : i32
      %dma_start3A_249 = tpu.memref_slice %arg22[%multiple_of3A, %dma_start3A_248] : memref<10000x128xf32, #tpu.memory_space<vmem_shared>> -> memref<80x128xf32, #tpu.memory_space<vmem_shared>>
      tpu.enqueue_dma source(%dma_start3A_249 : memref<80x128xf32, #tpu.memory_space<vmem_shared>>) target(%dma_start3A_247 : memref<80x128xf32, #tpu.memory_space<hbm>>) target_semaphore(%arg24 : memref<!tpu.dma_semaphore, #tpu.memory_space<semaphore_mem>>)
    }
    %while3A_224 = arith.constant 0 : i32
    %while3A_225 = arith.constant 0 : i32
    %while3A_226 = arith.subi %select_n3A, %while3A_225 : i32
    %while3A_227 = arith.addi %while3A_225, %while3A_226 : i32
    %while3A_228 = arith.constant 1 : i32
    %while3A_229 = arith.divsi %while3A_226, %while3A_228 : i32
    %while3A_230 = arith.muli %while3A_229, %while3A_228 : i32
    %while3A_231 = arith.addi %while3A_225, %while3A_230 : i32
    %while3A_232 = arith.constant 1 : i32
    scf.for %while3A_239 = %while3A_225 to %while3A_231 step %while3A_232  : i32 {
      %mul3A_240 = arith.constant 16 : i32
      %mul3A_241 = arith.muli %mul3A_240, %while3A_239 : i32
      %add3A_242 = arith.addi %arg1, %mul3A_241 : i32
      %mul3A_243 = arith.constant 80 : i32
      %mul3A_244 = arith.muli %add3A_242, %mul3A_243 : i32
      %multiple_of3A = tpu.assume_multiple %mul3A_244, 80 : i32
      %dma_wait3A_245 = arith.constant 0 : i32
      %dma_wait3A_246 = tpu.memref_slice %arg7[%arg0, %multiple_of3A, %dma_wait3A_245] : memref<2x10000x128xf32, #tpu.memory_space<hbm>> -> memref<1x80x128xf32, #tpu.memory_space<hbm>>
      %dma_wait3A_247 = tpu.memref_squeeze %dma_wait3A_246 : memref<1x80x128xf32, #tpu.memory_space<hbm>> -> memref<80x128xf32, #tpu.memory_space<hbm>>
      %dma_wait3A_248 = arith.constant 0 : i32
      %dma_wait3A_249 = tpu.memref_slice %arg22[%multiple_of3A, %dma_wait3A_248] : memref<10000x128xf32, #tpu.memory_space<vmem_shared>> -> memref<80x128xf32, #tpu.memory_space<vmem_shared>>
      tpu.wait_dma2 semaphore(%arg24 : memref<!tpu.dma_semaphore, #tpu.memory_space<semaphore_mem>>) src(%dma_wait3A_249 : memref<80x128xf32, #tpu.memory_space<vmem_shared>>) dst(%dma_wait3A_247 : memref<80x128xf32, #tpu.memory_space<hbm>>)
    }
    %while3A_233 = arith.constant 1 : i32
    scf.for %while3A_239 = %while3A_231 to %while3A_227 step %while3A_233  : i32 {
      %mul3A_240 = arith.constant 16 : i32
      %mul3A_241 = arith.muli %mul3A_240, %while3A_239 : i32
      %add3A_242 = arith.addi %arg1, %mul3A_241 : i32
      %mul3A_243 = arith.constant 80 : i32
      %mul3A_244 = arith.muli %add3A_242, %mul3A_243 : i32
      %multiple_of3A = tpu.assume_multiple %mul3A_244, 80 : i32
      %dma_wait3A_245 = arith.constant 0 : i32
      %dma_wait3A_246 = tpu.memref_slice %arg7[%arg0, %multiple_of3A, %dma_wait3A_245] : memref<2x10000x128xf32, #tpu.memory_space<hbm>> -> memref<1x80x128xf32, #tpu.memory_space<hbm>>
      %dma_wait3A_247 = tpu.memref_squeeze %dma_wait3A_246 : memref<1x80x128xf32, #tpu.memory_space<hbm>> -> memref<80x128xf32, #tpu.memory_space<hbm>>
      %dma_wait3A_248 = arith.constant 0 : i32
      %dma_wait3A_249 = tpu.memref_slice %arg22[%multiple_of3A, %dma_wait3A_248] : memref<10000x128xf32, #tpu.memory_space<vmem_shared>> -> memref<80x128xf32, #tpu.memory_space<vmem_shared>>
      tpu.wait_dma2 semaphore(%arg24 : memref<!tpu.dma_semaphore, #tpu.memory_space<semaphore_mem>>) src(%dma_wait3A_249 : memref<80x128xf32, #tpu.memory_space<vmem_shared>>) dst(%dma_wait3A_247 : memref<80x128xf32, #tpu.memory_space<hbm>>)
    }
    %eq3A_234 = arith.constant 0 : i32
    %eq3A_235 = arith.cmpi eq, %arg1, %eq3A_234 : i32
    %convert_element_type3A_236 = arith.extui %eq3A_235 : i1 to i32
    %cond3A_237 = arith.constant 0 : i32
    %cond3A_238 = arith.cmpi ne, %convert_element_type3A_236, %cond3A_237 : i32
    scf.if %cond3A_238 {
      "tpu.region"() ({
        %run_scoped3A_239 = tpu.sem_alloc : memref<!tpu.dma_semaphore, #tpu.memory_space<semaphore_mem>>
        %dma_start3A_240 = arith.constant 0 : i32
        %dma_start3A_241 = arith.constant 0 : i32
        %dma_start3A_242 = tpu.memref_slice %arg8[%arg0, %dma_start3A_240, %dma_start3A_241] : memref<2x80x128xf32, #tpu.memory_space<hbm>> -> memref<1x80x128xf32, #tpu.memory_space<hbm>>
        %dma_start3A_243 = tpu.memref_squeeze %dma_start3A_242 : memref<1x80x128xf32, #tpu.memory_space<hbm>> -> memref<80x128xf32, #tpu.memory_space<hbm>>
        tpu.enqueue_dma source(%arg23 : memref<80x128xf32, #tpu.memory_space<vmem_shared>>) target(%dma_start3A_243 : memref<80x128xf32, #tpu.memory_space<hbm>>) target_semaphore(%run_scoped3A_239 : memref<!tpu.dma_semaphore, #tpu.memory_space<semaphore_mem>>)
        %dma_wait3A_244 = arith.constant 0 : i32
        %dma_wait3A_245 = arith.constant 0 : i32
        %dma_wait3A_246 = tpu.memref_slice %arg8[%arg0, %dma_wait3A_244, %dma_wait3A_245] : memref<2x80x128xf32, #tpu.memory_space<hbm>> -> memref<1x80x128xf32, #tpu.memory_space<hbm>>
        %dma_wait3A_247 = tpu.memref_squeeze %dma_wait3A_246 : memref<1x80x128xf32, #tpu.memory_space<hbm>> -> memref<80x128xf32, #tpu.memory_space<hbm>>
        tpu.wait_dma2 semaphore(%run_scoped3A_239 : memref<!tpu.dma_semaphore, #tpu.memory_space<semaphore_mem>>) src(%arg23 : memref<80x128xf32, #tpu.memory_space<vmem_shared>>) dst(%dma_wait3A_247 : memref<80x128xf32, #tpu.memory_space<hbm>>)
        tpu.yield
      }) : () -> ()
    } else {
    }
    return
  }
}

module attributes {stable_mosaic.version = 14 : i64} {
  func.func @_p1_body(%arg0: i32, %arg1: memref<2000x128xf32, #tpu.memory_space<vmem>>, %arg2: memref<128x128xf32, #tpu.memory_space<vmem>>, %arg3: memref<128x1xf32, #tpu.memory_space<vmem>>, %arg4: memref<2000x128xf32, #tpu.memory_space<vmem>>, %arg5: memref<2000x1xf32, #tpu.memory_space<vmem>>) attributes {dimension_semantics = [#tpu.dimension_semantics<arbitrary>], iteration_bounds = array<i64: 5>, scalar_prefetch = 0 : i64, scratch_operands = 0 : i64, tpu.core_type = #tpu.core_type<tc>, window_params = [{transform_indices = @transform_0, window_bounds = array<i64: 2000, 128>}, {pipeline_mode = #tpu.pipeline_mode<synchronous>, transform_indices = @transform_1, window_bounds = array<i64: 128, 128>}, {pipeline_mode = #tpu.pipeline_mode<synchronous>, transform_indices = @transform_2, window_bounds = array<i64: 128, 1>}, {transform_indices = @transform_3, window_bounds = array<i64: 2000, 128>}, {transform_indices = @transform_4, window_bounds = array<i64: 2000, 1>}]} {
    %get3A = arith.constant 0 : index
    %get3A_0 = arith.constant 0 : index
    %get3A_1 = vector.load %arg1[%get3A, %get3A_0] : memref<2000x128xf32, #tpu.memory_space<vmem>>, vector<2000x128xf32>
    %get3A_2 = arith.constant 0 : index
    %get3A_3 = arith.constant 0 : index
    %get3A_4 = vector.load %arg2[%get3A_2, %get3A_3] : memref<128x128xf32, #tpu.memory_space<vmem>>, vector<128x128xf32>
    %dot_general3A = arith.constant dense<0.000000e+00> : vector<2000x128xf32>
    %dot_general3A_5 = tpu.matmul %get3A_1, %get3A_4, %dot_general3A {dimension_numbers = #tpu.dot_dimension_numbers<[1], [0], [0], [1], [0, 0, 1, 1], [], []>, transpose_lhs_hint = false} : vector<2000x128xf32>, vector<128x128xf32>, vector<2000x128xf32> -> vector<2000x128xf32>
    %get3A_6 = arith.constant 0 : index
    %get3A_7 = arith.constant 0 : index
    %get3A_8 = vector.load %arg3[%get3A_6, %get3A_7] : memref<128x1xf32, #tpu.memory_space<vmem>>, vector<128x1xf32>
    %dot_general3A_9 = arith.constant dense<0.000000e+00> : vector<2000x1xf32>
    %dot_general3A_10 = tpu.matmul %dot_general3A_5, %get3A_8, %dot_general3A_9 {dimension_numbers = #tpu.dot_dimension_numbers<[1], [0], [0], [1], [0, 0, 1, 1], [], []>, transpose_lhs_hint = false} : vector<2000x128xf32>, vector<128x1xf32>, vector<2000x1xf32> -> vector<2000x1xf32>
    %gt3A = arith.constant 0.000000e+00 : f32
    %gt3A_11 = vector.broadcast %gt3A : f32 to vector<2000x1xf32>
    %gt3A_12 = arith.cmpf ogt, %dot_general3A_10, %gt3A_11 : vector<2000x1xf32>
    %mul3A = arith.constant 0.00999999977 : f32
    %mul3A_13 = vector.broadcast %mul3A : f32 to vector<2000x1xf32>
    %mul3A_14 = arith.mulf %mul3A_13, %dot_general3A_10 : vector<2000x1xf32>
    %select_n3A = arith.select %gt3A_12, %dot_general3A_10, %mul3A_14 : vector<2000x1xi1>, vector<2000x1xf32>
    %exp3A = math.exp %select_n3A : vector<2000x1xf32>
    %mul3A_15 = vector.broadcast %exp3A : vector<2000x1xf32> to vector<2000x128xf32>
    %mul3A_16 = arith.mulf %dot_general3A_5, %mul3A_15 : vector<2000x128xf32>
    %swap3A = arith.constant 0 : index
    %swap3A_17 = arith.constant 0 : index
    %swap3A_18 = vector.load %arg4[%swap3A, %swap3A_17] : memref<2000x128xf32, #tpu.memory_space<vmem>>, vector<2000x128xf32>
    tpu.vector_store %arg4[%swap3A, %swap3A_17], %mul3A_16 {strides = array<i32>} : memref<2000x128xf32, #tpu.memory_space<vmem>>, vector<2000x128xf32>,
    %swap3A_19 = arith.constant 0 : index
    %swap3A_20 = arith.constant 0 : index
    %swap3A_21 = vector.load %arg5[%swap3A_19, %swap3A_20] : memref<2000x1xf32, #tpu.memory_space<vmem>>, vector<2000x1xf32>
    tpu.vector_store %arg5[%swap3A_19, %swap3A_20], %exp3A {strides = array<i32>} : memref<2000x1xf32, #tpu.memory_space<vmem>>, vector<2000x1xf32>,
    return
  }
  func.func @transform_0(%arg0: i32) -> (i32, i32) {
    %c0_i32 = arith.constant 0 : i32
    %c0_i32_0 = arith.constant 0 : i32
    return %arg0, %c0_i32 : i32, i32
  }
  func.func @transform_1(%arg0: i32) -> (i32, i32) {
    %c0_i32 = arith.constant 0 : i32
    %c0_i32_0 = arith.constant 0 : i32
    %c0_i32_1 = arith.constant 0 : i32
    return %c0_i32, %c0_i32_0 : i32, i32
  }
  func.func @transform_2(%arg0: i32) -> (i32, i32) {
    %c0_i32 = arith.constant 0 : i32
    %c0_i32_0 = arith.constant 0 : i32
    %c0_i32_1 = arith.constant 0 : i32
    return %c0_i32, %c0_i32_0 : i32, i32
  }
  func.func @transform_3(%arg0: i32) -> (i32, i32) {
    %c0_i32 = arith.constant 0 : i32
    %c0_i32_0 = arith.constant 0 : i32
    return %arg0, %c0_i32 : i32, i32
  }
  func.func @transform_4(%arg0: i32) -> (i32, i32) {
    %c0_i32 = arith.constant 0 : i32
    %c0_i32_0 = arith.constant 0 : i32
    return %arg0, %c0_i32 : i32, i32
  }
}

module attributes {stable_mosaic.version = 14 : i64} {
  func.func @_p3_body(%arg0: i32, %arg1: memref<2000x128xf32, #tpu.memory_space<vmem>>, %arg2: memref<2000x128xf32, #tpu.memory_space<vmem>>, %arg3: memref<2000x1xf32, #tpu.memory_space<vmem>>, %arg4: memref<2000x1xf32, #tpu.memory_space<vmem>>, %arg5: memref<2000x128xf32, #tpu.memory_space<vmem>>, %arg6: memref<128x512xf32, #tpu.memory_space<vmem>>, %arg7: memref<1x512xf32, #tpu.memory_space<vmem>>, %arg8: memref<512x128xf32, #tpu.memory_space<vmem>>, %arg9: memref<1x128xf32, #tpu.memory_space<vmem>>, %arg10: memref<1x128xf32, #tpu.memory_space<vmem>>, %arg11: memref<1x128xf32, #tpu.memory_space<vmem>>, %arg12: memref<2000x128xf32, #tpu.memory_space<vmem>>) attributes {dimension_semantics = [#tpu.dimension_semantics<arbitrary>], iteration_bounds = array<i64: 5>, scalar_prefetch = 0 : i64, scratch_operands = 0 : i64, tpu.core_type = #tpu.core_type<tc>, window_params = [{transform_indices = @transform_0, window_bounds = array<i64: 2000, 128>}, {transform_indices = @transform_1, window_bounds = array<i64: 2000, 128>}, {transform_indices = @transform_2, window_bounds = array<i64: 2000, 1>}, {transform_indices = @transform_3, window_bounds = array<i64: 2000, 1>}, {transform_indices = @transform_4, window_bounds = array<i64: 2000, 128>}, {pipeline_mode = #tpu.pipeline_mode<synchronous>, transform_indices = @transform_5, window_bounds = array<i64: 128, 512>}, {pipeline_mode = #tpu.pipeline_mode<synchronous>, transform_indices = @transform_6, window_bounds = array<i64: 1, 512>}, {pipeline_mode = #tpu.pipeline_mode<synchronous>, transform_indices = @transform_7, window_bounds = array<i64: 512, 128>}, {pipeline_mode = #tpu.pipeline_mode<synchronous>, transform_indices = @transform_8, window_bounds = array<i64: 1, 128>}, {pipeline_mode = #tpu.pipeline_mode<synchronous>, transform_indices = @transform_9, window_bounds = array<i64: 1, 128>}, {pipeline_mode = #tpu.pipeline_mode<synchronous>, transform_indices = @transform_10, window_bounds = array<i64: 1, 128>}, {transform_indices = @transform_11, window_bounds = array<i64: 2000, 128>}]} {
    %get3A = arith.constant 0 : index
    %get3A_0 = arith.constant 0 : index
    %get3A_1 = vector.load %arg3[%get3A, %get3A_0] : memref<2000x1xf32, #tpu.memory_space<vmem>>, vector<2000x1xf32>
    %get3A_2 = arith.constant 0 : index
    %get3A_3 = arith.constant 0 : index
    %get3A_4 = vector.load %arg4[%get3A_2, %get3A_3] : memref<2000x1xf32, #tpu.memory_space<vmem>>, vector<2000x1xf32>
    %add3A = arith.addf %get3A_1, %get3A_4 : vector<2000x1xf32>
    %gt3A = arith.constant 0.000000e+00 : f32
    %gt3A_5 = vector.broadcast %gt3A : f32 to vector<2000x1xf32>
    %gt3A_6 = arith.cmpf ogt, %add3A, %gt3A_5 : vector<2000x1xf32>
    %div3A = arith.constant 1.000000e+00 : f32
    %div3A_7 = vector.broadcast %div3A : f32 to vector<2000x1xf32>
    %div3A_8 = arith.divf %div3A_7, %add3A : vector<2000x1xf32>
    %jit3A = arith.constant 0.000000e+00 : f32
    %broadcast_in_dim3A = vector.broadcast %jit3A : f32 to vector<2000x1xf32>
    %select_n3A = arith.select %gt3A_6, %div3A_8, %broadcast_in_dim3A : vector<2000x1xi1>, vector<2000x1xf32>
    %get3A_9 = arith.constant 0 : index
    %get3A_10 = arith.constant 0 : index
    %get3A_11 = vector.load %arg1[%get3A_9, %get3A_10] : memref<2000x128xf32, #tpu.memory_space<vmem>>, vector<2000x128xf32>
    %get3A_12 = arith.constant 0 : index
    %get3A_13 = arith.constant 0 : index
    %get3A_14 = vector.load %arg2[%get3A_12, %get3A_13] : memref<2000x128xf32, #tpu.memory_space<vmem>>, vector<2000x128xf32>
    %add3A_15 = arith.addf %get3A_11, %get3A_14 : vector<2000x128xf32>
    %mul3A = vector.broadcast %select_n3A : vector<2000x1xf32> to vector<2000x128xf32>
    %mul3A_16 = arith.mulf %add3A_15, %mul3A : vector<2000x128xf32>
    %gt3A_17 = arith.constant 0.000000e+00 : f32
    %gt3A_18 = vector.broadcast %gt3A_17 : f32 to vector<2000x128xf32>
    %gt3A_19 = arith.cmpf ogt, %mul3A_16, %gt3A_18 : vector<2000x128xf32>
    %exp3A = math.exp %mul3A_16 : vector<2000x128xf32>
    %sub3A = arith.constant 1.000000e+00 : f32
    %sub3A_20 = vector.broadcast %sub3A : f32 to vector<2000x128xf32>
    %sub3A_21 = arith.subf %exp3A, %sub3A_20 : vector<2000x128xf32>
    %select_n3A_22 = arith.select %gt3A_19, %mul3A_16, %sub3A_21 : vector<2000x128xi1>, vector<2000x128xf32>
    %get3A_23 = arith.constant 0 : index
    %get3A_24 = arith.constant 0 : index
    %get3A_25 = vector.load %arg5[%get3A_23, %get3A_24] : memref<2000x128xf32, #tpu.memory_space<vmem>>, vector<2000x128xf32>
    %add3A_26 = arith.addf %select_n3A_22, %get3A_25 : vector<2000x128xf32>
    %get3A_27 = arith.constant 0 : index
    %get3A_28 = arith.constant 0 : index
    %get3A_29 = vector.load %arg6[%get3A_27, %get3A_28] : memref<128x512xf32, #tpu.memory_space<vmem>>, vector<128x512xf32>
    %dot_general3A = arith.constant dense<0.000000e+00> : vector<2000x512xf32>
    %dot_general3A_30 = tpu.matmul %add3A_26, %get3A_29, %dot_general3A {dimension_numbers = #tpu.dot_dimension_numbers<[1], [0], [0], [1], [0, 0, 1, 1], [], []>, transpose_lhs_hint = false} : vector<2000x128xf32>, vector<128x512xf32>, vector<2000x512xf32> -> vector<2000x512xf32>
    %get3A_31 = arith.constant 0 : index
    %get3A_32 = arith.constant 0 : index
    %get3A_33 = vector.load %arg7[%get3A_31, %get3A_32] : memref<1x512xf32, #tpu.memory_space<vmem>>, vector<1x512xf32>
    %add3A_34 = vector.broadcast %get3A_33 : vector<1x512xf32> to vector<2000x512xf32>
    %add3A_35 = arith.addf %dot_general3A_30, %add3A_34 : vector<2000x512xf32>
    %max3A = arith.constant 0.000000e+00 : f32
    %max3A_36 = vector.broadcast %max3A : f32 to vector<2000x512xf32>
    %max3A_37 = arith.maximumf %add3A_35, %max3A_36 : vector<2000x512xf32>
    %get3A_38 = arith.constant 0 : index
    %get3A_39 = arith.constant 0 : index
    %get3A_40 = vector.load %arg8[%get3A_38, %get3A_39] : memref<512x128xf32, #tpu.memory_space<vmem>>, vector<512x128xf32>
    %dot_general3A_41 = arith.constant dense<0.000000e+00> : vector<2000x128xf32>
    %dot_general3A_42 = tpu.matmul %max3A_37, %get3A_40, %dot_general3A_41 {dimension_numbers = #tpu.dot_dimension_numbers<[1], [0], [0], [1], [0, 0, 1, 1], [], []>, transpose_lhs_hint = false} : vector<2000x512xf32>, vector<512x128xf32>, vector<2000x128xf32> -> vector<2000x128xf32>
    %get3A_43 = arith.constant 0 : index
    %get3A_44 = arith.constant 0 : index
    %get3A_45 = vector.load %arg9[%get3A_43, %get3A_44] : memref<1x128xf32, #tpu.memory_space<vmem>>, vector<1x128xf32>
    %add3A_46 = vector.broadcast %get3A_45 : vector<1x128xf32> to vector<2000x128xf32>
    %add3A_47 = arith.addf %dot_general3A_42, %add3A_46 : vector<2000x128xf32>
    %add3A_48 = arith.addf %add3A_47, %add3A_26 : vector<2000x128xf32>
    %reduce_sum3A = arith.constant dense<0.000000e+00> : vector<2000xf32>
    %reduce_sum3A_49 = vector.multi_reduction <add>, %add3A_48, %reduce_sum3A [1] : vector<2000x128xf32> to vector<2000xf32>
    %broadcast_in_dim3A_50 = vector.shape_cast %reduce_sum3A_49 : vector<2000xf32> to vector<2000x1xf32>
    %div3A_51 = arith.constant 1.280000e+02 : f32
    %div3A_52 = vector.broadcast %div3A_51 : f32 to vector<2000x1xf32>
    %div3A_53 = arith.divf %broadcast_in_dim3A_50, %div3A_52 : vector<2000x1xf32>
    %sub3A_54 = vector.broadcast %div3A_53 : vector<2000x1xf32> to vector<2000x128xf32>
    %sub3A_55 = arith.subf %add3A_48, %sub3A_54 : vector<2000x128xf32>
    %integer_pow3A = arith.mulf %sub3A_55, %sub3A_55 : vector<2000x128xf32>
    %reduce_sum3A_56 = arith.constant dense<0.000000e+00> : vector<2000xf32>
    %reduce_sum3A_57 = vector.multi_reduction <add>, %integer_pow3A, %reduce_sum3A_56 [1] : vector<2000x128xf32> to vector<2000xf32>
    %broadcast_in_dim3A_58 = vector.shape_cast %reduce_sum3A_57 : vector<2000xf32> to vector<2000x1xf32>
    %div3A_59 = arith.constant 1.280000e+02 : f32
    %div3A_60 = vector.broadcast %div3A_59 : f32 to vector<2000x1xf32>
    %div3A_61 = arith.divf %broadcast_in_dim3A_58, %div3A_60 : vector<2000x1xf32>
    %sub3A_62 = vector.broadcast %div3A_53 : vector<2000x1xf32> to vector<2000x128xf32>
    %sub3A_63 = arith.subf %add3A_48, %sub3A_62 : vector<2000x128xf32>
    %add3A_64 = arith.constant 9.99999974E-6 : f32
    %add3A_65 = vector.broadcast %add3A_64 : f32 to vector<2000x1xf32>
    %add3A_66 = arith.addf %div3A_61, %add3A_65 : vector<2000x1xf32>
    %rsqrt3A = math.rsqrt %add3A_66 : vector<2000x1xf32>
    %mul3A_67 = vector.broadcast %rsqrt3A : vector<2000x1xf32> to vector<2000x128xf32>
    %mul3A_68 = arith.mulf %sub3A_63, %mul3A_67 : vector<2000x128xf32>
    %get3A_69 = arith.constant 0 : index
    %get3A_70 = arith.constant 0 : index
    %get3A_71 = vector.load %arg10[%get3A_69, %get3A_70] : memref<1x128xf32, #tpu.memory_space<vmem>>, vector<1x128xf32>
    %mul3A_72 = vector.broadcast %get3A_71 : vector<1x128xf32> to vector<2000x128xf32>
    %mul3A_73 = arith.mulf %mul3A_68, %mul3A_72 : vector<2000x128xf32>
    %get3A_74 = arith.constant 0 : index
    %get3A_75 = arith.constant 0 : index
    %get3A_76 = vector.load %arg11[%get3A_74, %get3A_75] : memref<1x128xf32, #tpu.memory_space<vmem>>, vector<1x128xf32>
    %add3A_77 = vector.broadcast %get3A_76 : vector<1x128xf32> to vector<2000x128xf32>
    %add3A_78 = arith.addf %mul3A_73, %add3A_77 : vector<2000x128xf32>
    %swap3A = arith.constant 0 : index
    %swap3A_79 = arith.constant 0 : index
    %swap3A_80 = vector.load %arg12[%swap3A, %swap3A_79] : memref<2000x128xf32, #tpu.memory_space<vmem>>, vector<2000x128xf32>
    tpu.vector_store %arg12[%swap3A, %swap3A_79], %add3A_78 {strides = array<i32>} : memref<2000x128xf32, #tpu.memory_space<vmem>>, vector<2000x128xf32>,
    return
  }
  func.func @transform_0(%arg0: i32) -> (i32, i32) {
    %c0_i32 = arith.constant 0 : i32
    %c0_i32_0 = arith.constant 0 : i32
    return %arg0, %c0_i32 : i32, i32
  }
  func.func @transform_1(%arg0: i32) -> (i32, i32) {
    %c0_i32 = arith.constant 0 : i32
    %c0_i32_0 = arith.constant 0 : i32
    return %arg0, %c0_i32 : i32, i32
  }
  func.func @transform_2(%arg0: i32) -> (i32, i32) {
    %c0_i32 = arith.constant 0 : i32
    %c0_i32_0 = arith.constant 0 : i32
    return %arg0, %c0_i32 : i32, i32
  }
  func.func @transform_3(%arg0: i32) -> (i32, i32) {
    %c0_i32 = arith.constant 0 : i32
    %c0_i32_0 = arith.constant 0 : i32
    return %arg0, %c0_i32 : i32, i32
  }
  func.func @transform_4(%arg0: i32) -> (i32, i32) {
    %c0_i32 = arith.constant 0 : i32
    %c0_i32_0 = arith.constant 0 : i32
    return %arg0, %c0_i32 : i32, i32
  }
  func.func @transform_5(%arg0: i32) -> (i32, i32) {
    %c0_i32 = arith.constant 0 : i32
    %c0_i32_0 = arith.constant 0 : i32
    %c0_i32_1 = arith.constant 0 : i32
    return %c0_i32, %c0_i32_0 : i32, i32
  }
  func.func @transform_6(%arg0: i32) -> (i32, i32) {
    %c0_i32 = arith.constant 0 : i32
    %c0_i32_0 = arith.constant 0 : i32
    %c0_i32_1 = arith.constant 0 : i32
    return %c0_i32, %c0_i32_0 : i32, i32
  }
  func.func @transform_7(%arg0: i32) -> (i32, i32) {
    %c0_i32 = arith.constant 0 : i32
    %c0_i32_0 = arith.constant 0 : i32
    %c0_i32_1 = arith.constant 0 : i32
    return %c0_i32, %c0_i32_0 : i32, i32
  }
  func.func @transform_8(%arg0: i32) -> (i32, i32) {
    %c0_i32 = arith.constant 0 : i32
    %c0_i32_0 = arith.constant 0 : i32
    %c0_i32_1 = arith.constant 0 : i32
    return %c0_i32, %c0_i32_0 : i32, i32
  }
  func.func @transform_9(%arg0: i32) -> (i32, i32) {
    %c0_i32 = arith.constant 0 : i32
    %c0_i32_0 = arith.constant 0 : i32
    %c0_i32_1 = arith.constant 0 : i32
    return %c0_i32, %c0_i32_0 : i32, i32
  }
  func.func @transform_10(%arg0: i32) -> (i32, i32) {
    %c0_i32 = arith.constant 0 : i32
    %c0_i32_0 = arith.constant 0 : i32
    %c0_i32_1 = arith.constant 0 : i32
    return %c0_i32, %c0_i32_0 : i32, i32
  }
  func.func @transform_11(%arg0: i32) -> (i32, i32) {
    %c0_i32 = arith.constant 0 : i32
    %c0_i32_0 = arith.constant 0 : i32
    return %arg0, %c0_i32 : i32, i32
  }
}

</mosaic_0001>

<sc_bundles>
// kernel: kernel.5.cloned.1.call-start
scs
__scs_entry_jumppad:
0x0: {  	(pc) =	sbr.rel $0x88, $3  }
0x1: {  	(tag) =	ssettag $0x0;
	lr =	simm.s32 $0x1  }
0x2: {  	[smem:$0x3F96] =	sst lr;
	_ =	strace $0xD0000000  }
0x3: {  	_ = 	snop  }
0x4: {  	_ = 	snop  }
0x5: {  	_ = 	snop  }
0x6: {  	_ = 	snop  }
0x7: {  	_ = 	snop  }
__scs_overlays_trampoline_lowered:
0x8: {  	[smem:$0x3FA5] =	sst s0  }
0x9: {  	[smem:$0x3FA6] =	sst s1  }
0xa: {  	[smem:$0x3FA7] =	sst s2  }
0xb: {  	[smem:$0x3FA8] =	sst s3  }
0xc: {  	[smem:$0x3FA9] =	sst s4  }
0xd: {  	[smem:$0x3FAA] =	sst s5  }
0xe: {  	[smem:$0x3FAB] =	sst s6  }
0xf: {  	[smem:$0x3FAC] =	sst s7  }
0x10: {  	[smem:$0x3FAD] =	sst s8  }
0x11: {  	[smem:$0x3FAE] =	sst s9;
	s0 =	simm.s32 @!p0 $0x0  }
0x12: {  	s1 =	sld [smem:$0x3F94];
	s0 =	simm.s32 @p0 $0x1  }
0x13: {  	[smem:$0x3FAF] =	sst s0;
	s0 =	simm.s32 @!p1 $0x0  }
0x14: {  	s2 =	sld [smem:$0x3F93];
	s0 =	simm.s32 @p1 $0x1  }
0x15: {  	[smem:$0x3FB0] =	sst s0;
	s0 =	simm.s32 @!p2 $0x0  }
0x16: {  	s3 =	sld [smem:$0x3FDB];
	s0 =	simm.s32 @p2 $0x1  }
0x17: {  	s4 =	simm.s32 $0x1BF5;
	[smem:$0x3FB2] =	sst s0  }
0x18: {  	s0 =	sld [smem:$0x3F95];
	_ =	swait.ge [sflag:s4], $0x0  }
0x19: {  	s7 =	sld [smem:$0x3F96]  }
0x1a: {  	s8 =	sadd.s32 $0xFFFFE003, lr  }
0x1b: {  	s9 =	sadd.s32 $0xFFFFFEF7, lr;
	s5 =	simm.s32 $0xFFFFFFFF;
	p2 =	slt.u32 s8, $0xFFFFF086  }
0x1c: {  	p1 =	slt.u32 s9, $0xF7A;
	s5 =	simm.s32 @!p2 $0x0  }
0x1d: {  	s5 =	simm.s32 @p1 $0x1;
	p0 =	seq.s32 s7, s2  }
0x1e: {  	s7 =	smul.u32 @!p0 $0xF7A, s2;
	p2 =	seq.s32 @!p0 s5, $0x0  }
0x1f: {  	s9 =	smul.u32 $0xF7A, s1;
	s8 =	simm.s32 @!p0 $0x1BF5;
	p2 =	por !p2, p0  }
0x20: {  	[sflag:s8] =	ssyncset.s32 @!p0 $0xFFFFF086;
	s6 =	sadd.s32 @!p0 s3, s7;
	s7 =	simm.s32 @!p0 $0x108  }
0x21: {  	s3 =	sadd.s32 s3, s9;
	s6 =	sadd.s32 @!p0 $0x88, s6;
	s7 =	simm.s32 @p2 $0x1082  }
0x22: {  	[simem:s7], [sflag:s8] =	dma.local @!p0 [hbm:s6], $0xF7A  }
0x23: {  	s9 =	sor.u32 $0xD0000000, s2;
	s6 =	simm.s32 $0x108;
	_ =	swait.ge @!p0 [sflag:s8], $0x0  }
0x24: {  	s3 =	sadd.s32 $0x88, s3;
	s6 =	simm.s32 @!p1 $0x1082;
	[sflag:s4] =	ssyncset.s32 $0xFFFFF086  }
0x25: {  	[simem:s6], [sflag:s4] =	dma.local [hbm:s3], $0xF7A  }
0x26: {  	[smem:$0x3F96] =	sst s1;
	(tag) =	ssettag s2;
	_ =	strace s9  }
0x27: {  	s1 =	sld [smem:$0x3FA6]  }
0x28: {  	s2 =	sld [smem:$0x3FA7]  }
0x29: {  	s4 =	sld [smem:$0x3FA9]  }
0x2a: {  	p0 =	seq.s32 s5, $0x0;
	s5 =	sld [smem:$0x3FAA]  }
0x2b: {  	s6 =	sld [smem:$0x3FAB]  }
0x2c: {  	s7 =	sld [smem:$0x3FAC]  }
0x2d: {  	s3 =	simm.s32 $0x108;
	s8 =	sld [smem:$0x3FAD]  }
0x2e: {  	s3 =	simm.s32 @!p0 $0x1082;
	s9 =	sld [smem:$0x3FAE]  }
0x2f: {  	lr =	sadd.s32 s0, s3;
	s0 =	sld [smem:$0x3FA5]  }
0x30: {  	s3 =	sld [smem:$0x3FA8]  }
0x31: {  	[smem:$0x3FB1] =	sst s10  }
0x32: {  	s10 =	sld [smem:$0x3FAF];
	_ =	sdelay $0x3  }
0x33: {  	p0 =	seq.s32 s10, $0x1;
	s10 =	sld [smem:$0x3FB1];
	_ =	sdelay $0x3  }
0x34: {  	[smem:$0x3FB1] =	sst s10  }
0x35: {  	s10 =	sld [smem:$0x3FB0];
	_ =	sdelay $0x3  }
0x36: {  	p1 =	seq.s32 s10, $0x1;
	s10 =	sld [smem:$0x3FB1];
	_ =	sdelay $0x3  }
0x37: {  	[smem:$0x3FB1] =	sst s10  }
0x38: {  	s10 =	sld [smem:$0x3FB2]  }
0x39: {  	_ = 	snop;
	(pc) =	sbr.ind lr, $3  }
0x3a: {  	_ = 	snop  }
0x3b: {  	_ = 	snop  }
0x3c: {  	p2 =	seq.s32 s10, $0x1;
	s10 =	sld [smem:$0x3FB1]  }
0x3d: {  	_ =	shalt  }
0x3e: {  	_ =	shalt  }
0x3f: {  	_ =	shalt  }
0x40: {  	_ =	shalt  }
0x41: {  	_ =	shalt  }
0x42: {  	_ =	shalt  }
0x43: {  	_ =	shalt  }
0x44: {  	_ =	shalt  }
0x45: {  	_ =	shalt  }
0x46: {  	_ =	shalt  }
0x47: {  	_ =	shalt  }
0x48: {  	_ =	shalt  }
0x49: {  	_ =	shalt  }
0x4a: {  	_ =	shalt  }
0x4b: {  	_ =	shalt  }
0x4c: {  	_ =	shalt  }
0x4d: {  	_ =	shalt  }
0x4e: {  	_ =	shalt  }
0x4f: {  	_ =	shalt  }
0x50: {  	_ =	shalt  }
0x51: {  	_ =	shalt  }
0x52: {  	_ =	shalt  }
0x53: {  	_ =	shalt  }
0x54: {  	_ =	shalt  }
0x55: {  	_ =	shalt  }
0x56: {  	_ =	shalt  }
0x57: {  	_ =	shalt  }
0x58: {  	_ =	shalt  }
0x59: {  	_ =	shalt  }
0x5a: {  	_ =	shalt  }
0x5b: {  	_ =	shalt  }
0x5c: {  	_ =	shalt  }
0x5d: {  	_ =	shalt  }
0x5e: {  	_ =	shalt  }
0x5f: {  	_ =	shalt  }
0x60: {  	_ =	shalt  }
0x61: {  	_ =	shalt  }
0x62: {  	_ =	shalt  }
0x63: {  	_ =	shalt  }
0x64: {  	_ =	shalt  }
0x65: {  	_ =	shalt  }
0x66: {  	_ =	shalt  }
0x67: {  	_ =	shalt  }
0x68: {  	_ =	shalt  }
0x69: {  	_ =	shalt  }
0x6a: {  	_ =	shalt  }
0x6b: {  	_ =	shalt  }
0x6c: {  	_ =	shalt  }
0x6d: {  	_ =	shalt  }
0x6e: {  	_ =	shalt  }
0x6f: {  	_ =	shalt  }
0x70: {  	_ =	shalt  }
0x71: {  	_ =	shalt  }
0x72: {  	_ =	shalt  }
0x73: {  	_ =	shalt  }
0x74: {  	_ =	shalt  }
0x75: {  	_ =	shalt  }
0x76: {  	_ =	shalt  }
0x77: {  	_ =	shalt  }
0x78: {  	_ =	shalt  }
0x79: {  	_ =	shalt  }
0x7a: {  	_ =	shalt  }
0x7b: {  	_ =	shalt  }
0x7c: {  	_ =	shalt  }
0x7d: {  	_ =	shalt  }
0x7e: {  	_ =	shalt  }
0x7f: {  	_ =	shalt  }
0x80: {  	_ =	shalt  }
0x81: {  	_ =	shalt  }
0x82: {  	_ =	shalt  }
0x83: {  	_ =	shalt  }
0x84: {  	_ =	shalt  }
0x85: {  	_ =	shalt  }
0x86: {  	_ =	shalt  }
0x87: {  	_ =	shalt  }
.Lfunc_end0:
.L_simem_size_0:
called_computation_lowered:
.L_overlay_start_0:
0x88: {  	s2 =	sld [smem:$0x3FD9]  }
0x89: {  	s3 =	sld [smem:$0x3FFE];
	_ =	sdelay $0x1  }
0x8a: {  	s1 =	srdreg.scid  }
0x8b: {  	s0 =	sand.u32 $0x1, s1  }
0x8c: {  	s17 =	sshll.u32 s0, $0xA;
	s2 =	sadd.s32 s3, s2  }
0x8d: {  	s2 =	sadd.s32 s2, s17  }
0x8e: {  	[smem:$0x3FBD] =	sst s2  }
0x8f: {  	_ = 	snop  }
0x90: {  	s2 =	sld [smem:$0x3FD0];
	(tm) =	ssettm $0x1  }
0x91: {  	s18 =	sld [smem:$0x3FFB];
	_ =	sdelay $0x3  }
0x92: {  	_ =	strace s18  }
0x93: {  	s3 =	sld [smem:$0x3FFC];
	_ =	sdelay $0x3  }
0x94: {  	_ =	strace s3  }
0x95: {  	s3 =	sld [smem:$0x3FFD];
	_ =	sdelay $0x3  }
0x96: {  	_ =	strace s3  }
0x97: {  	_ =	strace $0x8FFFFFFF  }
0x98: {  	s19 =	sld [smem:$0x3FDB];
	_ =	sdelay $0x1  }
0x99: {  	s4 =	simm.s32 $_scs_section_size  }
0x9a: {  	s5 =	simm.s32 $_size__tile_overlayer_lowered;
	s6 =	simm.s32 $_tile_overlayer_lowered  }
0x9b: {  	s22 =	simm.s32 $0x1BFF;
	s21 =	sshll.u32 s6, $0x1;
	s3 =	sadd.s32 s4, s19  }
0x9c: {  	s7 =	simm.s32 $0x0;
	s20 =	sshll.u32 s5, $0x1;
	s5 =	sadd.s32 s21, s3  }
0x9d: {  	[timem:s7], [sflag:s22] =	dma.local [hbm:s5], s20  }
0x9e: {  	_ =	swait.ge [sflag:s22], s20  }
0x9f: {  	s4 =	ssub.s32 $0x0, s20;
	[sflag:s22] =	ssyncset.done $0x0  }
0xa0: {  	[sflag:s22] =	ssyncadd.s32 s4;
	_ =	sdelay $0x1  }
0xa1: {  	s23 =	simm.s32 $0x1B8B  }
0xa2: {  	_ =	swait.ge [sflag:s23], $0x1  }
0xa3: {  	[sflag:s23] =	ssyncset.done $0x0  }
0xa4: {  	s25 =	simm.s32 $0x1B8E;
	s24 =	sld [smem:$0x3FFE];
	[sflag:s23] =	ssyncadd.s32 $0xFFFFFFFF  }
0xa5: {  	s26 =	simm.s32 $execute0_lowered;
	[smem:$0x3FD2] =	sst s25  }
0xa6: {  	s5 =	sshll.u32 s26, $0x1;
	_ =	strace $0x80000046;
	[dreg:$0x1] =	wrdreg $0xFFFFFFFF  }
0xa7: {  	s28 =	simm.s32 $_size_execute0_lowered;
	s3 =	sadd.s32 s3, s5;
	[dreg:$0x0] =	wrdreg $0x0  }
0xa8: {  	s5 =	sshll.u32 s28, $0x1;
	[dreg:$0x2] =	wrdreg s3  }
0xa9: {  	[dreg:$0x3] =	wrdreg s5  }
0xaa: {  	[dreg:$0x4] =	wrdreg $0xC0  }
0xab: {  	_ =	task [dreg:s7], $0x5FFFF  }
0xac: {  	[dreg:$0x1] =	wrdreg $0xFFFFFFFF  }
0xad: {  	[dreg:$0x0] =	wrdreg $0x60  }
0xae: {  	[dreg:$0x2] =	wrdreg s2  }
0xaf: {  	[dreg:$0x3] =	wrdreg s24  }
0xb0: {  	[dreg:$0x4] =	wrdreg $0xB0800  }
0xb1: {  	[dreg:$0x5] =	wrdreg $0x1E9000  }
0xb2: {  	[dreg:$0x6] =	wrdreg $0x9  }
0xb3: {  	_ =	task.clear_ibuf [dreg:s7], $0x7FFFF;
	_ =	strace $0x90000046  }
0xb4: {  	s29 =	simm.s32 $0x9;
	_ =	strace $0x80000048  }
0xb5: {  	_ =	swait.ge [sflag:s29], $0x1  }
0xb6: {  	[sflag:s29] =	ssyncadd.s32 $0xFFFFFFFF  }
0xb7: {  	_ =	strace $0x90000048  }
0xb8: {  	_ =	sfence  }
0xb9: {  	s30 =	sld [smem:$0x0];
	_ =	sdelay $0x2  }
0xba: {  	s31 =	sshll.u32 s1, $0xD;
	s1 =	sshrl.u32 s1, $0x2  }
0xbb: {  	s3 =	sand.u32 $0x4000, s31;
	s1 =	sadd.s32 s1, s30  }
0xbc: {  	s0 =	sor.u32 s3, s0;
	s1 =	sshll.u32 s1, $0x11  }
0xbd: {  	s0 =	sor.u32 s1, s0  }
0xbe: {  	s0 =	sadd.s32 $0x8F2B, s0  }
0xbf: {  	[sflag:s0] =	ssyncadd.remote.s32 $0x1  }
0xc0: {  	_ =	sfence.sel $0xFFFF  }
0xc1: {  	[dreg:$0x0] =	wrdreg $0xFFFFFFFF;
	(pc) =	sbr.abs _section_cstart, $3  }
0xc2: {  	[dreg:$0x1] =	wrdreg $0xFFFFFFFF  }
0xc3: {  	_ =	task.clear_ibuf [dreg:s7], $0x2FFFF;
	_ =	strace $0x9FFFFFFF  }
0xc4: {  	(tm) =	ssettm $0x7FFFFFFF  }
0xc5: {  	_ =	shalt  }
tec
execute0_lowered:
.L_overlay_start_1:
0x0: {  	(tag) =	ssettag $0x1  }
0x1: {  	s0 =	rddreg [dreg:$0x0]  }
0x2: {  	s1 =	rddreg [dreg:$0x1]  }
0x3: {  	s2 =	rddreg [dreg:$0x2];
	s3 =	srdreg.scid  }
0x4: {  	s15 =	rddreg [dreg:$0x3];
	s12 =	stileid.u32  }
0x5: {  	s7 =	simm.s32 $0x0;
	s31 =	simm.s32 $0x2880;
	s29 =	simm.s32 $0x3080  }
0x6: {  	s28 =	simm.s32 $0x5080;
	s30 =	simm.s32 $0x2;
	s3 =	sand.u32 $0x1, s3  }
0x7: {  	s5 =	sshll.u32 s12, $0x1;
	s6 =	smul.u32 $0x2800, s12;
	[smem:$0x7FF] =	sst s7  }
0x8: {  	s8 =	sadd.s32 $0x9E000, s1;
	s25 =	sadd.s32 $0x1C00, s1;
	s20 =	sadd.s32 $0x4FE00, s1  }
0x9: {  	s18 =	sadd.s32 $0x9E600, s1;
	s4 =	smul.u32 $0x138800, s3;
	s5 =	sor.u32 s3, s5  }
0xa: {  	_ =	strace $0x80000047;
	[dreg:$0x11] =	wrdreg s8;
	s17 =	smul.u32 $0x500, s3  }
0xb: {  	s24 =	ssub.s32 $0x8C, s12;
	[dreg:$0x12] =	wrdreg s18;
	s7 =	smul.u32 $0xFFFFFD80, s5  }
0xc: {  	s19 =	ssub.s32 $0x2, s3;
	s16 =	sshrl.u32 s24, $0x4;
	s14 =	smul.u32 $0xFFFFFD80, s3  }
0xd: {  	s3 =	smul.u32 $0x14000, s3;
	s8 =	simm.s32 $0x4080;
	p0 =	slt.s32 s7, $0xFFFFB460  }
0xe: {  	s9 =	sshrl.u32 s19, $0x1;
	s5 =	smul.u32 $0x2800, s5;
	s7 =	simm.s32 @!p0 $0xFFFFB460  }
0xf: {  	[dreg:$0x13] =	wrdreg s16;
	s4 =	sadd.s32 s6, s4;
	s22 =	sadd.s32 $0x4E19, s7  }
0x10: {  	s6 =	ssub.s32 s19, s9;
	s23 =	sadd.s32 $0x4E18, s7;
	[dreg:$0x6] =	wrdreg s22  }
0x11: {  	s4 =	sshrl.u32 s4, $0x3;
	s26 =	sadd.s32 $0x4E17, s7;
	[dreg:$0x7] =	wrdreg s23  }
0x12: {  	s4 =	sadd.s32 s4, s1;
	s11 =	sadd.s32 $0x4E16, s7;
	[dreg:$0x8] =	wrdreg s26  }
0x13: {  	s1 =	sadd.s32 s17, s1;
	s13 =	sadd.s32 $0x4E15, s7;
	[dreg:$0x9] =	wrdreg s11  }
0x14: {  	s10 =	sadd.s32 $0x4E20, s7;
	s17 =	sadd.s32 $0x4E14, s7;
	[dreg:$0xa] =	wrdreg s13  }
0x15: {  	s18 =	sadd.s32 $0x4E13, s7;
	s19 =	sadd.s32 $0x4E12, s7;
	[dreg:$0xb] =	wrdreg s17  }
0x16: {  	s7 =	sadd.s32 $0x4E11, s7;
	s11 =	smul.u32 $0xFFFFFB00, s12;
	[dreg:$0xc] =	wrdreg s18  }
0x17: {  	s1 =	sadd.s32 $0xECA00, s1;
	[dreg:$0xd] =	wrdreg s19;
	s22 =	smul.u32 $0x28000, s12  }
0x18: {  	s21 =	sshrl.u32 s10, $0x4;
	[dreg:$0xe] =	wrdreg s7;
	s26 =	smul.u32 $0xA000, s12  }
0x19: {  	[dreg:$0x16] =	wrdreg s1;
	s13 =	sadd.s32 $0x9E800, s4;
	s18 =	simm.s32 $0x6080  }
0x1a: {  	s19 =	simm.s32 $0x12;
	s4 =	simm.s32 $0x3;
	[dreg:$0x5] =	wrdreg s21  }
0x1b: {  	s21 =	sadd.s32 s25, s5;
	s5 =	sadd.s32 s20, s5;
	[dreg:$0x19] =	wrdreg s13  }
0x1c: {  	s13 =	simm.s32 $0x7;
	s9 =	sadd.s32 s14, s11;
	[dreg:$0x14] =	wrdreg s21  }
0x1d: {  	[dreg:$0x15] =	wrdreg s5;
	s7 =	sadd.s32 s3, s22;
	s11 =	sshrl.u32 s26, $0x2  }
0x1e: {  	s21 =	simm.s32 $0x8880;
	s22 =	simm.s32 $0x1;
	s26 =	simm.s32 $0x3880  }
0x1f: {  	s14 =	simm.s32 $0x0;
	p0 =	slt.s32 s9, $0xFFFFB460;
	s1 =	sor.u32 $0x800, s7  }
0x20: {  	s17 =	sadd.s32 s11, s2;
	s7 =	simm.s32 $0x2080;
	[dreg:$0x1a] =	wrdreg s14  }
0x21: {  	s11 =	simm.s32 $0x4880;
	s14 =	simm.s32 $0x8;
	[dreg:$0x10] =	wrdreg s1  }
0x22: {  	s9 =	simm.s32 @!p0 $0xFFFFB460;
	p0 =	sne.s32 s12, $0x0;
	[dreg:$0x18] =	wrdreg s17  }
0x23: {  	s12 =	simm.s32 $0x6;
	s23 =	sadd.s32 $0x4E20, s9;
	s9 =	smax.u32 s6, $0x1  }
0x24: {  	s24 =	sshrl.u32 s23, $0x4;
	[dreg:$0x17] =	wrdreg s9;
	s23 =	simm.s32 $0x2000  }
0x25: {  	v0 =	vimm.f32 $0.0e+00;
	s9 =	simm.s32 $0x9;
	[dreg:$0xf] =	wrdreg s24;
	s24 =	simm.s32 $0x10  }
.LBB2_1:
0x26: {  	s1 =	simm.s32 $0x0;
	s3 =	rddreg [dreg:$0x11]  }
0x27: {  	[tilespmem:s18], [sflag:$0x12] =	stream.linear.gather [hbm4b:s3+s1], $0x2800, $0x38;
	[tilespmem:$0x1EB80] =	vst v63  }
0x28: {  	_ =	swait.ge [sflag:s19], $0x2800  }
0x29: {  	[sflag:s19] =	ssyncset.done $0x0  }
0x2a: {  	s6 =	rddreg [dreg:$0x12];
	[sflag:s19] =	ssyncadd.s32 $0xFFFFD800  }
0x2b: {  	[tilespmem:s23], [sflag:$0x12] =	stream.linear.gather [hbm4b:s6+s1], $0x80, $0x38;
	[tilespmem:$0x1EB80] =	vst v63  }
0x2c: {  	_ =	swait.ge [sflag:s19], $0x80  }
0x2d: {  	[sflag:s19] =	ssyncset.done $0x0  }
0x2e: {  	s3 =	simm.s32 $0x200;
	s1 =	simm.s32 $0x0;
	[sflag:s19] =	ssyncadd.s32 $0xFFFFFF80  }
.LBB2_2:
0x2f: {  	p1 =	sne.s32 s3, $0x9E00;
	[tilespmem:s1+$0x88F0] =	vst v0  }
0x30: {  	[tilespmem:s1+$0x8880] =	vst v0  }
0x31: {  	[tilespmem:s1+$0x8890] =	vst v0  }
.Ltmp0:
0x32: {  	[tilespmem:s1+$0x88A0] =	vst v0;
	(pc) =	sbr.rel @p1 .LBB2_2-.Ltmp0, $4  }
0x33: {  	[tilespmem:s1+$0x88B0] =	vst v0  }
0x34: {  	[tilespmem:s1+$0x88C0] =	vst v0  }
0x35: {  	[tilespmem:s1+$0x88D0] =	vst v0  }
0x36: {  	[tilespmem:s1+$0x88E0] =	vst v0;
	s1 =	sshra.s32 s3, $0x2;
	s3 =	sadd.s32 $0x200, s3  }
0x37: {  	[tilespmem:s1+$0x88F0] =	vst v0  }
0x38: {  	[tilespmem:s1+$0x8880] =	vst v0  }
0x39: {  	[tilespmem:s1+$0x8890] =	vst v0  }
0x3a: {  	[tilespmem:s1+$0x88A0] =	vst v0;
	p1 =	sne.s32 s16, $0x1  }
.Ltmp1:
0x3b: {  	[tilespmem:s1+$0x88B0] =	vst v0;
	(pc) =	sbr.rel @!p1 .LBB2_5-.Ltmp1, $4  }
0x3c: {  	[tilespmem:s1+$0x88C0] =	vst v0  }
0x3d: {  	[tilespmem:s1+$0x88D0] =	vst v0  }
0x3e: {  	[tilespmem:s1+$0x88E0] =	vst v0;
	s1 =	sadd.s32 $0xFFFFFFFF, s16;
	s3 =	smov.u32 s17  }
0x3f: {  	[spmem:s17] =	stream.linear.scatter [tilespmem:s21], [sflag:$0x1], $0x2800, $0x38;
	[tilespmem:$0x1EB80] =	vst v63  }
.LBB2_4:
0x40: {  	p2 =	sne.s32 s1, $0x1  }
.Ltmp2:
0x41: {  	_ = 	snop;
	(pc) =	sbr.rel @p2 .LBB2_4-.Ltmp2, $3  }
0x42: {  	_ = 	snop  }
0x43: {  	s1 =	sadd.s32 $0xFFFFFFFF, s1;
	s3 =	sadd.s32 $0x28000, s3;
	_ =	sdelay $0x1  }
0x44: {  	[spmem:s3] =	stream.linear.scatter [tilespmem:s21], [sflag:$0x1], $0x2800, $0x38;
	[tilespmem:$0x1EB80] =	vst v63  }
.LBB2_5:
0x45: {  	s1 =	simm.s32 @!p0 $0x8880  }
0x46: {  	[spmem:s15] =	stream.linear.scatter @!p0 [tilespmem:s1], [sflag:$0x12], $0x2800, $0x38;
	[tilespmem:$0x1EB80] =	vst v63  }
0x47: {  	s1 =	simm.s32 @!p0 $0x12  }
.Ltmp3:
0x48: {  	_ =	swait.ge @!p0 [sflag:s1], $0x2800;
	(pc) =	sbr.rel @!p1 .LBB2_7-.Ltmp3, $4  }
0x49: {  	[sflag:s1] =	ssyncset.done @!p0 $0x0  }
0x4a: {  	[sflag:s1] =	ssyncadd.s32 @!p0 $0xFFFFD800  }
0x4b: {  	_ =	swait.ge [sflag:s22], $0x2800  }
0x4c: {  	s1 =	sadd.s32 $0xFFFFFFFF, s16;
	[sflag:s22] =	ssyncset.done $0x0  }
.LBB2_6:
0x4d: {  	p2 =	sne.s32 s1, $0x1;
	s1 =	sadd.s32 $0xFFFFFFFF, s1;
	[sflag:s22] =	ssyncadd.s32 $0xFFFFD800  }
.Ltmp4:
0x4e: {  	(pc) =	sbr.rel @p2 .LBB2_6-.Ltmp4, $3  }
0x4f: {  	_ =	sdelay $0x1  }
0x50: {  	_ =	swait.ge [sflag:s22], $0x2800  }
0x51: {  	[sflag:s22] =	ssyncset.done $0x0  }
.LBB2_7:
0x52: {  	[sflag:s22] =	ssyncadd.s32 $0xFFFFD800  }
0x53: {  	[bflag:$0x0] =	sbarrier.arrive $0xFFFF  }
0x54: {  	s15 =	simm.s32 $0x0;
	s1 =	rddreg [dreg:$0x14]  }
0x55: {  	[tilespmem:s15], [sflag:$0x1] =	stream.linear.gather [hbm4b:s1+s15], $0x800, $0x38;
	[tilespmem:$0x1EB80] =	vst v63  }
0x56: {  	s3 =	simm.s32 $0x1000;
	s5 =	rddreg [dreg:$0x15]  }
0x57: {  	[tilespmem:s3], [sflag:$0x1] =	stream.linear.gather [hbm4b:s5+s15], $0x800, $0x38;
	[tilespmem:$0x1EB80] =	vst v63  }
0x58: {  	_ =	swait.ge [sflag:s22], $0x800  }
0x59: {  	[sflag:s22] =	ssyncset.done $0x0  }
0x5a: {  	[sflag:s22] =	ssyncadd.s32 $0xFFFFF800  }
0x5b: {  	_ =	swait.ge [sflag:s22], $0x800  }
0x5c: {  	[sflag:s22] =	ssyncset.done $0x0  }
0x5d: {  	[sflag:s22] =	ssyncadd.s32 $0xFFFFF800  }
0x5e: {  	[tilespmem:s7], [sflag:$0x2] =	stream.indirect.gather [hbm4b:s0+s24], $0x80, s15, s24, $0xb8;
	[tilespmem:$0x1EB80] =	vst v63  }
0x5f: {  	s6 =	simm.s32 $0x80  }
0x60: {  	[tilespmem:s31], [sflag:$0x3] =	stream.indirect.gather [hbm4b:s0+s24], $0x80, s6, s24, $0xb8;
	[tilespmem:$0x1EB80] =	vst v63  }
0x61: {  	s7 =	simm.s32 $0x100  }
0x62: {  	[tilespmem:s29], [sflag:$0x4] =	stream.indirect.gather [hbm4b:s0+s24], $0x80, s7, s24, $0xb8;
	[tilespmem:$0x1EB80] =	vst v63  }
0x63: {  	s16 =	simm.s32 $0x180  }
0x64: {  	[tilespmem:s26], [sflag:$0x5] =	stream.indirect.gather [hbm4b:s0+s24], $0x80, s16, s24, $0xb8;
	[tilespmem:$0x1EB80] =	vst v63  }
0x65: {  	s17 =	simm.s32 $0x200  }
0x66: {  	[tilespmem:s8], [sflag:$0x6] =	stream.indirect.gather [hbm4b:s0+s24], $0x80, s17, s24, $0xb8;
	[tilespmem:$0x1EB80] =	vst v63  }
0x67: {  	s19 =	simm.s32 $0x280  }
0x68: {  	[tilespmem:s11], [sflag:$0x7] =	stream.indirect.gather [hbm4b:s0+s24], $0x80, s19, s24, $0xb8;
	[tilespmem:$0x1EB80] =	vst v63  }
0x69: {  	s23 =	simm.s32 $0x300;
	s16 =	simm.s32 $0x0;
	s17 =	simm.s32 $0x0  }
0x6a: {  	[tilespmem:s28], [sflag:$0x8] =	stream.indirect.gather [hbm4b:s0+s24], $0x80, s23, s24, $0xb8;
	[tilespmem:$0x1EB80] =	vst v63  }
.LBB2_8:
0x6b: {  	s19 =	sand.u32 $0x800, s17  }
0x6c: {  	v1 =	vld [tilespmem:s19+$0x0];
	_ =	sdelay $0x4  }
0x6d: {  	v2 =	vld [tilespmem:s19+$0x1000];
	_ =	sdelay $0x2  }
0x6e: {  	v1 =	vld.idx.msk [tilespmem:v1+s18+$0x0], $0xffff;
	_ =	sdelay $0x4  }
0x6f: {  	[tilespmem:v2+s21+$0x0] =	vst.idx.add.f32.msk $0xffff, v1  }
0x70: {  	_ =	swait.ge [sflag:s30], $0x800  }
0x71: {  	p2 =	slt.s32 s15, $0x1;
	[sflag:s30] =	ssyncset.done $0x0  }
0x72: {  	s1 =	simm.s32 @!p2 $0x11;
	[sflag:s30] =	ssyncadd.s32 $0xFFFFF800  }
0x73: {  	_ =	swait.ge @!p2 [sflag:s1], $0x800  }
0x74: {  	s3 =	rddreg [dreg:$0x6];
	[sflag:s1] =	ssyncset.done @!p2 $0x0  }
0x75: {  	[sflag:s1] =	ssyncadd.s32 @!p2 $0xFFFFF800;
	p2 =	sge.s32 s15, s3  }
0x76: {  	s1 =	sadd.s32 @!p2 $0x380, s19;
	s3 =	simm.s32 @!p2 $0x10;
	s7 =	simm.s32 @!p2 $0x5880  }
0x77: {  	[tilespmem:s7], [sflag:$0x9] =	stream.indirect.gather @!p2 [hbm4b:s0+s3], $0x80, s1, s3, $0xb8;
	[tilespmem:$0x1EB80] =	vst v63  }
0x78: {  	s5 =	simm.s32 $0x2080;
	s8 =	sor.u32 $0x1000, s19;
	s11 =	sor.u32 $0x80, s19  }
0x79: {  	[spmem:s2] =	stream.indirect.scatter.add.f32 [tilespmem:s5], [sflag:$0xA], $0x80, s8, s24, $0xb8;
	[tilespmem:$0x1EB80] =	vst v63  }
0x7a: {  	v1 =	vld [tilespmem:s11+$0x0];
	_ =	sdelay $0x3  }
0x7b: {  	s28 =	sor.u32 $0x1080, s19  }
0x7c: {  	v2 =	vld [tilespmem:s28+$0x0];
	_ =	sdelay $0x2  }
0x7d: {  	v1 =	vld.idx.msk [tilespmem:v1+s18+$0x0], $0xffff;
	_ =	sdelay $0x4  }
0x7e: {  	[tilespmem:v2+s21+$0x0] =	vst.idx.add.f32.msk $0xffff, v1  }
0x7f: {  	_ =	swait.ge [sflag:s4], $0x800  }
0x80: {  	p2 =	slt.s32 s15, $0x0;
	[sflag:s4] =	ssyncset.done $0x0  }
0x81: {  	s11 =	simm.s32 @!p2 $0xA;
	[sflag:s4] =	ssyncadd.s32 $0xFFFFF800  }
0x82: {  	_ =	swait.ge @!p2 [sflag:s11], $0x800  }
0x83: {  	s8 =	rddreg [dreg:$0x7];
	[sflag:s11] =	ssyncset.done @!p2 $0x0  }
0x84: {  	[sflag:s11] =	ssyncadd.s32 @!p2 $0xFFFFF800;
	p3 =	sge.s32 s15, s8  }
0x85: {  	s3 =	sadd.s32 @!p3 $0x400, s19;
	s7 =	simm.s32 @!p3 $0x10;
	s8 =	simm.s32 @!p3 $0x2080  }
0x86: {  	[tilespmem:s8], [sflag:$0x2] =	stream.indirect.gather @!p3 [hbm4b:s0+s7], $0x80, s3, s7, $0xb8;
	[tilespmem:$0x1EB80] =	vst v63  }
0x87: {  	_ = 	snop  }
0x88: {  	[spmem:s2] =	stream.indirect.scatter.add.f32 [tilespmem:s31], [sflag:$0xB], $0x80, s28, s24, $0xb8;
	[tilespmem:$0x1EB80] =	vst v63  }
0x89: {  	s16 =	sadd.s32 $0x1, s16;
	s28 =	rddreg [dreg:$0x5]  }
0x8a: {  	s3 =	rddreg [dreg:$0x10];
	p3 =	sge.u32 s16, s28  }
0x8b: {  	s1 =	sadd.s32 @!p3 s17, s3  }
0x8c: {  	s1 =	sshrl.u32 @!p3 s1, $0x3  }
0x8d: {  	s3 =	sxor.u32 @!p3 $0x800, s19;
	s8 =	simm.s32 @!p3 $0x0;
	s7 =	sadd.s32 @!p3 s25, s1  }
0x8e: {  	[tilespmem:s3], [sflag:$0x1] =	stream.linear.gather @!p3 [hbm4b:s7+s8], $0x800, $0x38;
	[tilespmem:$0x1EB80] =	vst v63  }
0x8f: {  	s1 =	sadd.s32 @!p3 s20, s1;
	s3 =	sor.u32 @!p3 $0x1000, s3  }
0x90: {  	[tilespmem:s3], [sflag:$0x1] =	stream.linear.gather @!p3 [hbm4b:s1+s8], $0x800, $0x38;
	[tilespmem:$0x1EB80] =	vst v63  }
0x91: {  	s3 =	sor.u32 $0x100, s19  }
0x92: {  	v1 =	vld [tilespmem:s3+$0x0];
	_ =	sdelay $0x3  }
0x93: {  	s4 =	sor.u32 $0x1100, s19  }
0x94: {  	v2 =	vld [tilespmem:s4+$0x0];
	_ =	sdelay $0x2  }
0x95: {  	v1 =	vld.idx.msk [tilespmem:v1+s18+$0x0], $0xffff;
	_ =	sdelay $0x4  }
0x96: {  	s23 =	simm.s32 $0x4;
	[tilespmem:v2+s21+$0x0] =	vst.idx.add.f32.msk $0xffff, v1  }
0x97: {  	_ =	swait.ge [sflag:s23], $0x800  }
0x98: {  	[sflag:s23] =	ssyncset.done $0x0  }
0x99: {  	s3 =	simm.s32 @!p2 $0xB;
	[sflag:s23] =	ssyncadd.s32 $0xFFFFF800  }
0x9a: {  	_ =	swait.ge @!p2 [sflag:s3], $0x800  }
0x9b: {  	[sflag:s3] =	ssyncset.done @!p2 $0x0  }
0x9c: {  	s23 =	rddreg [dreg:$0x8];
	[sflag:s3] =	ssyncadd.s32 @!p2 $0xFFFFF800  }
0x9d: {  	p4 =	sge.s32 s15, s23;
	s23 =	smov.u32 s20;
	s20 =	smov.u32 s25  }
0x9e: {  	s7 =	sadd.s32 @!p4 $0x480, s19;
	s8 =	simm.s32 @!p4 $0x10;
	s25 =	simm.s32 @!p4 $0x2880  }
0x9f: {  	[tilespmem:s25], [sflag:$0x3] =	stream.indirect.gather @!p4 [hbm4b:s0+s8], $0x80, s7, s8, $0xb8;
	[tilespmem:$0x1EB80] =	vst v63  }
0xa0: {  	s28 =	sor.u32 $0x180, s19  }
0xa1: {  	[spmem:s2] =	stream.indirect.scatter.add.f32 [tilespmem:s29], [sflag:$0xC], $0x80, s4, s24, $0xb8;
	[tilespmem:$0x1EB80] =	vst v63  }
0xa2: {  	v1 =	vld [tilespmem:s28+$0x0];
	_ =	sdelay $0x3  }
0xa3: {  	s4 =	sor.u32 $0x1180, s19  }
0xa4: {  	v2 =	vld [tilespmem:s4+$0x0];
	_ =	sdelay $0x2  }
0xa5: {  	v1 =	vld.idx.msk [tilespmem:v1+s18+$0x0], $0xffff;
	_ =	sdelay $0x4  }
0xa6: {  	s6 =	simm.s32 $0x5;
	[tilespmem:v2+s21+$0x0] =	vst.idx.add.f32.msk $0xffff, v1  }
0xa7: {  	_ =	swait.ge [sflag:s6], $0x800  }
0xa8: {  	[sflag:s6] =	ssyncset.done $0x0  }
0xa9: {  	s7 =	simm.s32 @!p2 $0xC;
	[sflag:s6] =	ssyncadd.s32 $0xFFFFF800  }
0xaa: {  	_ =	swait.ge @!p2 [sflag:s7], $0x800  }
0xab: {  	s28 =	rddreg [dreg:$0x9];
	[sflag:s7] =	ssyncset.done @!p2 $0x0  }
0xac: {  	[sflag:s7] =	ssyncadd.s32 @!p2 $0xFFFFF800;
	p4 =	sge.s32 s15, s28  }
0xad: {  	s8 =	sadd.s32 @!p4 $0x500, s19;
	s25 =	simm.s32 @!p4 $0x10;
	s28 =	simm.s32 @!p4 $0x3080  }
0xae: {  	[tilespmem:s28], [sflag:$0x4] =	stream.indirect.gather @!p4 [hbm4b:s0+s25], $0x80, s8, s25, $0xb8;
	[tilespmem:$0x1EB80] =	vst v63  }
0xaf: {  	_ = 	snop  }
0xb0: {  	[spmem:s2] =	stream.indirect.scatter.add.f32 [tilespmem:s26], [sflag:$0xD], $0x80, s4, s24, $0xb8;
	[tilespmem:$0x1EB80] =	vst v63  }
0xb1: {  	s4 =	sor.u32 $0x200, s19  }
0xb2: {  	v1 =	vld [tilespmem:s4+$0x0];
	_ =	sdelay $0x3  }
0xb3: {  	s1 =	sor.u32 $0x1200, s19  }
0xb4: {  	v2 =	vld [tilespmem:s1+$0x0];
	_ =	sdelay $0x2  }
0xb5: {  	v1 =	vld.idx.msk [tilespmem:v1+s18+$0x0], $0xffff;
	_ =	sdelay $0x4  }
0xb6: {  	[tilespmem:v2+s21+$0x0] =	vst.idx.add.f32.msk $0xffff, v1  }
0xb7: {  	_ =	swait.ge [sflag:s12], $0x800  }
0xb8: {  	[sflag:s12] =	ssyncset.done $0x0  }
0xb9: {  	s8 =	simm.s32 @!p2 $0xD;
	[sflag:s12] =	ssyncadd.s32 $0xFFFFF800  }
0xba: {  	_ =	swait.ge @!p2 [sflag:s8], $0x800  }
0xbb: {  	s6 =	rddreg [dreg:$0xa];
	[sflag:s8] =	ssyncset.done @!p2 $0x0  }
0xbc: {  	[sflag:s8] =	ssyncadd.s32 @!p2 $0xFFFFF800;
	p4 =	sge.s32 s15, s6  }
0xbd: {  	s25 =	sadd.s32 @!p4 $0x580, s19;
	s28 =	simm.s32 @!p4 $0x10;
	s30 =	simm.s32 @!p4 $0x3880  }
0xbe: {  	[tilespmem:s30], [sflag:$0x5] =	stream.indirect.gather @!p4 [hbm4b:s0+s28], $0x80, s25, s28, $0xb8;
	[tilespmem:$0x1EB80] =	vst v63  }
0xbf: {  	s26 =	simm.s32 $0x4080;
	s28 =	sor.u32 $0x280, s19  }
0xc0: {  	[spmem:s2] =	stream.indirect.scatter.add.f32 [tilespmem:s26], [sflag:$0xE], $0x80, s1, s24, $0xb8;
	[tilespmem:$0x1EB80] =	vst v63  }
0xc1: {  	v1 =	vld [tilespmem:s28+$0x0];
	_ =	sdelay $0x3  }
0xc2: {  	s1 =	sor.u32 $0x1280, s19  }
0xc3: {  	v2 =	vld [tilespmem:s1+$0x0];
	_ =	sdelay $0x2  }
0xc4: {  	v1 =	vld.idx.msk [tilespmem:v1+s18+$0x0], $0xffff;
	_ =	sdelay $0x4  }
0xc5: {  	[tilespmem:v2+s21+$0x0] =	vst.idx.add.f32.msk $0xffff, v1  }
0xc6: {  	_ =	swait.ge [sflag:s13], $0x800  }
0xc7: {  	[sflag:s13] =	ssyncset.done $0x0  }
0xc8: {  	s25 =	simm.s32 @!p2 $0xE;
	[sflag:s13] =	ssyncadd.s32 $0xFFFFF800  }
0xc9: {  	_ =	swait.ge @!p2 [sflag:s25], $0x800  }
0xca: {  	s6 =	rddreg [dreg:$0xb];
	[sflag:s25] =	ssyncset.done @!p2 $0x0  }
0xcb: {  	[sflag:s25] =	ssyncadd.s32 @!p2 $0xFFFFF800;
	p4 =	sge.s32 s15, s6  }
0xcc: {  	s28 =	sadd.s32 @!p4 $0x600, s19;
	s30 =	simm.s32 @!p4 $0x10;
	s26 =	simm.s32 @!p4 $0x4080  }
0xcd: {  	[tilespmem:s26], [sflag:$0x6] =	stream.indirect.gather @!p4 [hbm4b:s0+s30], $0x80, s28, s30, $0xb8;
	[tilespmem:$0x1EB80] =	vst v63  }
0xce: {  	s26 =	simm.s32 $0x4880;
	s28 =	sor.u32 $0x300, s19  }
0xcf: {  	[spmem:s2] =	stream.indirect.scatter.add.f32 [tilespmem:s26], [sflag:$0xF], $0x80, s1, s24, $0xb8;
	[tilespmem:$0x1EB80] =	vst v63  }
0xd0: {  	v1 =	vld [tilespmem:s28+$0x0];
	_ =	sdelay $0x3  }
0xd1: {  	s1 =	sor.u32 $0x1300, s19  }
0xd2: {  	v2 =	vld [tilespmem:s1+$0x0];
	_ =	sdelay $0x2  }
0xd3: {  	v1 =	vld.idx.msk [tilespmem:v1+s18+$0x0], $0xffff;
	_ =	sdelay $0x4  }
0xd4: {  	[tilespmem:v2+s21+$0x0] =	vst.idx.add.f32.msk $0xffff, v1  }
0xd5: {  	_ =	swait.ge [sflag:s14], $0x800  }
0xd6: {  	[sflag:s14] =	ssyncset.done $0x0  }
0xd7: {  	s28 =	simm.s32 @!p2 $0xF;
	[sflag:s14] =	ssyncadd.s32 $0xFFFFF800  }
0xd8: {  	_ =	swait.ge @!p2 [sflag:s28], $0x800  }
0xd9: {  	s6 =	rddreg [dreg:$0xc];
	[sflag:s28] =	ssyncset.done @!p2 $0x0  }
0xda: {  	[sflag:s28] =	ssyncadd.s32 @!p2 $0xFFFFF800;
	p4 =	sge.s32 s15, s6  }
0xdb: {  	s26 =	sadd.s32 @!p4 $0x680, s19;
	s30 =	simm.s32 @!p4 $0x10;
	s31 =	simm.s32 @!p4 $0x4880  }
0xdc: {  	[tilespmem:s31], [sflag:$0x7] =	stream.indirect.gather @!p4 [hbm4b:s0+s30], $0x80, s26, s30, $0xb8;
	[tilespmem:$0x1EB80] =	vst v63  }
0xdd: {  	s6 =	simm.s32 $0x5080;
	s26 =	sor.u32 $0x380, s19  }
0xde: {  	[spmem:s2] =	stream.indirect.scatter.add.f32 [tilespmem:s6], [sflag:$0x10], $0x80, s1, s24, $0xb8;
	[tilespmem:$0x1EB80] =	vst v63  }
0xdf: {  	v1 =	vld [tilespmem:s26+$0x0];
	_ =	sdelay $0x3  }
0xe0: {  	s1 =	sor.u32 $0x1380, s19  }
0xe1: {  	v2 =	vld [tilespmem:s1+$0x0];
	_ =	sdelay $0x2  }
0xe2: {  	v1 =	vld.idx.msk [tilespmem:v1+s18+$0x0], $0xffff;
	_ =	sdelay $0x4  }
0xe3: {  	[tilespmem:v2+s21+$0x0] =	vst.idx.add.f32.msk $0xffff, v1  }
0xe4: {  	_ =	swait.ge [sflag:s9], $0x800  }
0xe5: {  	[sflag:s9] =	ssyncset.done $0x0  }
0xe6: {  	s30 =	simm.s32 @!p2 $0x10;
	[sflag:s9] =	ssyncadd.s32 $0xFFFFF800  }
0xe7: {  	_ =	swait.ge @!p2 [sflag:s30], $0x800  }
0xe8: {  	s26 =	rddreg [dreg:$0xd];
	[sflag:s30] =	ssyncset.done @!p2 $0x0  }
0xe9: {  	[sflag:s30] =	ssyncadd.s32 @!p2 $0xFFFFF800;
	p4 =	sge.s32 s15, s26  }
0xea: {  	s26 =	sadd.s32 @!p4 $0x700, s19;
	s31 =	simm.s32 @!p4 $0x10;
	s29 =	simm.s32 @!p4 $0x5080  }
0xeb: {  	[tilespmem:s29], [sflag:$0x8] =	stream.indirect.gather @!p4 [hbm4b:s0+s31], $0x80, s26, s31, $0xb8;
	[tilespmem:$0x1EB80] =	vst v63  }
0xec: {  	s26 =	simm.s32 $0x5880  }
0xed: {  	[spmem:s2] =	stream.indirect.scatter.add.f32 [tilespmem:s26], [sflag:$0x11], $0x80, s1, s24, $0xb8;
	[tilespmem:$0x1EB80] =	vst v63  }
0xee: {  	s26 =	sor.u32 $0x400, s19  }
0xef: {  	v1 =	vld [tilespmem:s26+$0x0];
	_ =	sdelay $0x3  }
0xf0: {  	s1 =	sor.u32 $0x1400, s19  }
0xf1: {  	v2 =	vld [tilespmem:s1+$0x0];
	_ =	sdelay $0x2  }
0xf2: {  	v1 =	vld.idx.msk [tilespmem:v1+s18+$0x0], $0xffff;
	_ =	sdelay $0x4  }
0xf3: {  	s4 =	simm.s32 $0x2;
	[tilespmem:v2+s21+$0x0] =	vst.idx.add.f32.msk $0xffff, v1  }
0xf4: {  	_ =	swait.ge [sflag:s4], $0x800  }
0xf5: {  	[sflag:s4] =	ssyncset.done $0x0  }
0xf6: {  	s26 =	simm.s32 @!p2 $0x11;
	[sflag:s4] =	ssyncadd.s32 $0xFFFFF800  }
0xf7: {  	_ =	swait.ge @!p2 [sflag:s26], $0x800  }
0xf8: {  	s29 =	rddreg [dreg:$0xe];
	[sflag:s26] =	ssyncset.done @!p2 $0x0  }
0xf9: {  	[sflag:s26] =	ssyncadd.s32 @!p2 $0xFFFFF800;
	p4 =	sge.s32 s15, s29  }
0xfa: {  	s26 =	sadd.s32 @!p4 $0x780, s19;
	s29 =	simm.s32 @!p4 $0x10;
	s31 =	simm.s32 @!p4 $0x5880  }
0xfb: {  	[tilespmem:s31], [sflag:$0x9] =	stream.indirect.gather @!p4 [hbm4b:s0+s29], $0x80, s26, s29, $0xb8;
	[tilespmem:$0x1EB80] =	vst v63  }
0xfc: {  	_ = 	snop  }
0xfd: {  	[spmem:s2] =	stream.indirect.scatter.add.f32 [tilespmem:s5], [sflag:$0xA], $0x80, s1, s24, $0xb8;
	[tilespmem:$0x1EB80] =	vst v63  }
0xfe: {  	s1 =	simm.s32 @!p3 $0x1  }
0xff: {  	_ =	swait.ge @!p3 [sflag:s1], $0x800  }
0x100: {  	[sflag:s1] =	ssyncset.done @!p3 $0x0  }
0x101: {  	[sflag:s1] =	ssyncadd.s32 @!p3 $0xFFFFF800  }
0x102: {  	_ =	swait.ge @!p3 [sflag:s1], $0x800  }
0x103: {  	[sflag:s1] =	ssyncset.done @!p3 $0x0  }
0x104: {  	s26 =	sor.u32 $0x480, s19;
	[sflag:s1] =	ssyncadd.s32 @!p3 $0xFFFFF800  }
0x105: {  	v1 =	vld [tilespmem:s26+$0x0];
	_ =	sdelay $0x3  }
0x106: {  	s26 =	sor.u32 $0x1480, s19  }
0x107: {  	v2 =	vld [tilespmem:s26+$0x0];
	_ =	sdelay $0x2  }
0x108: {  	v1 =	vld.idx.msk [tilespmem:v1+s18+$0x0], $0xffff;
	_ =	sdelay $0x4  }
0x109: {  	s4 =	simm.s32 $0x3;
	[tilespmem:v2+s21+$0x0] =	vst.idx.add.f32.msk $0xffff, v1  }
0x10a: {  	_ =	swait.ge [sflag:s4], $0x800  }
0x10b: {  	[sflag:s4] =	ssyncset.done $0x0  }
0x10c: {  	s1 =	sadd.s32 $0x10, s15;
	[sflag:s4] =	ssyncadd.s32 $0xFFFFF800  }
0x10d: {  	p3 =	sge.s32 s1, s10;
	_ =	swait.ge @!p2 [sflag:s11], $0x800  }
0x10e: {  	s29 =	simm.s32 @!p3 $0x10;
	[sflag:s11] =	ssyncset.done @!p2 $0x0  }
0x10f: {  	s31 =	simm.s32 @!p3 $0x2080;
	[sflag:s11] =	ssyncadd.s32 @!p2 $0xFFFFF800;
	s11 =	sxor.u32 @!p3 $0x800, s19  }
0x110: {  	[tilespmem:s31], [sflag:$0x2] =	stream.indirect.gather @!p3 [hbm4b:s0+s29], $0x80, s11, s29, $0xb8;
	[tilespmem:$0x1EB80] =	vst v63  }
0x111: {  	s31 =	simm.s32 $0x2880  }
0x112: {  	[spmem:s2] =	stream.indirect.scatter.add.f32 [tilespmem:s31], [sflag:$0xB], $0x80, s26, s24, $0xb8;
	[tilespmem:$0x1EB80] =	vst v63  }
0x113: {  	s26 =	sor.u32 $0x500, s19  }
0x114: {  	v1 =	vld [tilespmem:s26+$0x0];
	_ =	sdelay $0x3  }
0x115: {  	s11 =	sor.u32 $0x1500, s19  }
0x116: {  	v2 =	vld [tilespmem:s11+$0x0];
	_ =	sdelay $0x2  }
0x117: {  	v1 =	vld.idx.msk [tilespmem:v1+s18+$0x0], $0xffff;
	_ =	sdelay $0x4  }
0x118: {  	s5 =	simm.s32 $0x4;
	[tilespmem:v2+s21+$0x0] =	vst.idx.add.f32.msk $0xffff, v1  }
0x119: {  	_ =	swait.ge [sflag:s5], $0x800  }
0x11a: {  	[sflag:s5] =	ssyncset.done $0x0  }
0x11b: {  	s26 =	sadd.s32 $0x11, s15;
	[sflag:s5] =	ssyncadd.s32 $0xFFFFF800  }
0x11c: {  	p3 =	sge.s32 s26, s10;
	_ =	swait.ge @!p2 [sflag:s3], $0x800  }
0x11d: {  	s26 =	simm.s32 @!p3 $0x10;
	[sflag:s3] =	ssyncset.done @!p2 $0x0  }
0x11e: {  	s29 =	simm.s32 @!p3 $0x2880;
	[sflag:s3] =	ssyncadd.s32 @!p2 $0xFFFFF800;
	s3 =	ssub.s32 @!p3 $0x880, s19  }
0x11f: {  	[tilespmem:s29], [sflag:$0x3] =	stream.indirect.gather @!p3 [hbm4b:s0+s26], $0x80, s3, s26, $0xb8;
	[tilespmem:$0x1EB80] =	vst v63  }
0x120: {  	s29 =	simm.s32 $0x3080;
	s26 =	sor.u32 $0x580, s19  }
0x121: {  	[spmem:s2] =	stream.indirect.scatter.add.f32 [tilespmem:s29], [sflag:$0xC], $0x80, s11, s24, $0xb8;
	[tilespmem:$0x1EB80] =	vst v63  }
0x122: {  	v1 =	vld [tilespmem:s26+$0x0];
	_ =	sdelay $0x3  }
0x123: {  	s3 =	sor.u32 $0x1580, s19  }
0x124: {  	v2 =	vld [tilespmem:s3+$0x0];
	_ =	sdelay $0x2  }
0x125: {  	v1 =	vld.idx.msk [tilespmem:v1+s18+$0x0], $0xffff;
	_ =	sdelay $0x4  }
0x126: {  	s5 =	simm.s32 $0x5;
	[tilespmem:v2+s21+$0x0] =	vst.idx.add.f32.msk $0xffff, v1  }
0x127: {  	_ =	swait.ge [sflag:s5], $0x800  }
0x128: {  	[sflag:s5] =	ssyncset.done $0x0  }
0x129: {  	[sflag:s5] =	ssyncadd.s32 $0xFFFFF800;
	s5 =	sadd.s32 $0x12, s15  }
0x12a: {  	_ =	swait.ge @!p2 [sflag:s7], $0x800;
	p3 =	sge.s32 s5, s10  }
0x12b: {  	[sflag:s7] =	ssyncset.done @!p2 $0x0;
	s11 =	simm.s32 @!p3 $0x10  }
0x12c: {  	s26 =	simm.s32 @!p3 $0x3080;
	[sflag:s7] =	ssyncadd.s32 @!p2 $0xFFFFF800;
	s7 =	ssub.s32 @!p3 $0x900, s19  }
0x12d: {  	[tilespmem:s26], [sflag:$0x4] =	stream.indirect.gather @!p3 [hbm4b:s0+s11], $0x80, s7, s11, $0xb8;
	[tilespmem:$0x1EB80] =	vst v63  }
0x12e: {  	s26 =	simm.s32 $0x3880;
	s11 =	sor.u32 $0x600, s19  }
0x12f: {  	[spmem:s2] =	stream.indirect.scatter.add.f32 [tilespmem:s26], [sflag:$0xD], $0x80, s3, s24, $0xb8;
	[tilespmem:$0x1EB80] =	vst v63  }
0x130: {  	v1 =	vld [tilespmem:s11+$0x0];
	_ =	sdelay $0x3  }
0x131: {  	s3 =	sor.u32 $0x1600, s19  }
0x132: {  	v2 =	vld [tilespmem:s3+$0x0];
	_ =	sdelay $0x2  }
0x133: {  	v1 =	vld.idx.msk [tilespmem:v1+s18+$0x0], $0xffff;
	_ =	sdelay $0x4  }
0x134: {  	[tilespmem:v2+s21+$0x0] =	vst.idx.add.f32.msk $0xffff, v1  }
0x135: {  	_ =	swait.ge [sflag:s12], $0x800  }
0x136: {  	[sflag:s12] =	ssyncset.done $0x0  }
0x137: {  	s5 =	sadd.s32 $0x13, s15;
	[sflag:s12] =	ssyncadd.s32 $0xFFFFF800  }
0x138: {  	p3 =	sge.s32 s5, s10;
	_ =	swait.ge @!p2 [sflag:s8], $0x800  }
0x139: {  	s7 =	ssub.s32 @!p3 $0x980, s19;
	[sflag:s8] =	ssyncset.done @!p2 $0x0  }
0x13a: {  	s11 =	simm.s32 @!p3 $0x3880;
	[sflag:s8] =	ssyncadd.s32 @!p2 $0xFFFFF800;
	s8 =	simm.s32 @!p3 $0x10  }
0x13b: {  	[tilespmem:s11], [sflag:$0x5] =	stream.indirect.gather @!p3 [hbm4b:s0+s8], $0x80, s7, s8, $0xb8;
	[tilespmem:$0x1EB80] =	vst v63  }
0x13c: {  	s8 =	simm.s32 $0x4080;
	s11 =	sor.u32 $0x680, s19  }
0x13d: {  	[spmem:s2] =	stream.indirect.scatter.add.f32 [tilespmem:s8], [sflag:$0xE], $0x80, s3, s24, $0xb8;
	[tilespmem:$0x1EB80] =	vst v63  }
0x13e: {  	v1 =	vld [tilespmem:s11+$0x0];
	_ =	sdelay $0x3  }
0x13f: {  	s5 =	sor.u32 $0x1680, s19  }
0x140: {  	v2 =	vld [tilespmem:s5+$0x0];
	_ =	sdelay $0x2  }
0x141: {  	v1 =	vld.idx.msk [tilespmem:v1+s18+$0x0], $0xffff;
	_ =	sdelay $0x4  }
0x142: {  	[tilespmem:v2+s21+$0x0] =	vst.idx.add.f32.msk $0xffff, v1  }
0x143: {  	_ =	swait.ge [sflag:s13], $0x800  }
0x144: {  	[sflag:s13] =	ssyncset.done $0x0  }
0x145: {  	s8 =	sadd.s32 $0x14, s15;
	[sflag:s13] =	ssyncadd.s32 $0xFFFFF800  }
0x146: {  	p3 =	sge.s32 s8, s10;
	_ =	swait.ge @!p2 [sflag:s25], $0x800  }
0x147: {  	s7 =	ssub.s32 @!p3 $0xA00, s19;
	s8 =	simm.s32 @!p3 $0x10;
	[sflag:s25] =	ssyncset.done @!p2 $0x0  }
0x148: {  	s11 =	simm.s32 @!p3 $0x4080;
	[sflag:s25] =	ssyncadd.s32 @!p2 $0xFFFFF800;
	s25 =	smov.u32 s20  }
0x149: {  	[tilespmem:s11], [sflag:$0x6] =	stream.indirect.gather @!p3 [hbm4b:s0+s8], $0x80, s7, s8, $0xb8;
	[tilespmem:$0x1EB80] =	vst v63  }
0x14a: {  	s20 =	smov.u32 s23;
	s23 =	sor.u32 $0x700, s19;
	s11 =	simm.s32 $0x4880  }
0x14b: {  	[spmem:s2] =	stream.indirect.scatter.add.f32 [tilespmem:s11], [sflag:$0xF], $0x80, s5, s24, $0xb8;
	[tilespmem:$0x1EB80] =	vst v63  }
0x14c: {  	v1 =	vld [tilespmem:s23+$0x0];
	_ =	sdelay $0x3  }
0x14d: {  	s5 =	sor.u32 $0x1700, s19  }
0x14e: {  	v2 =	vld [tilespmem:s5+$0x0];
	_ =	sdelay $0x2  }
0x14f: {  	v1 =	vld.idx.msk [tilespmem:v1+s18+$0x0], $0xffff;
	_ =	sdelay $0x4  }
0x150: {  	[tilespmem:v2+s21+$0x0] =	vst.idx.add.f32.msk $0xffff, v1  }
0x151: {  	_ =	swait.ge [sflag:s14], $0x800  }
0x152: {  	[sflag:s14] =	ssyncset.done $0x0  }
0x153: {  	s23 =	sadd.s32 $0x15, s15;
	[sflag:s14] =	ssyncadd.s32 $0xFFFFF800  }
0x154: {  	p3 =	sge.s32 s23, s10;
	_ =	swait.ge @!p2 [sflag:s28], $0x800  }
0x155: {  	s7 =	ssub.s32 @!p3 $0xA80, s19;
	[sflag:s28] =	ssyncset.done @!p2 $0x0  }
0x156: {  	s8 =	simm.s32 @!p3 $0x10;
	s11 =	simm.s32 @!p3 $0x4880;
	[sflag:s28] =	ssyncadd.s32 @!p2 $0xFFFFF800  }
0x157: {  	[tilespmem:s11], [sflag:$0x7] =	stream.indirect.gather @!p3 [hbm4b:s0+s8], $0x80, s7, s8, $0xb8;
	[tilespmem:$0x1EB80] =	vst v63  }
0x158: {  	_ = 	snop  }
0x159: {  	[spmem:s2] =	stream.indirect.scatter.add.f32 [tilespmem:s6], [sflag:$0x10], $0x80, s5, s24, $0xb8;
	[tilespmem:$0x1EB80] =	vst v63  }
0x15a: {  	s5 =	sor.u32 $0x780, s19  }
0x15b: {  	v1 =	vld [tilespmem:s5+$0x0];
	_ =	sdelay $0x3  }
0x15c: {  	s6 =	sor.u32 $0x1780, s19  }
0x15d: {  	v2 =	vld [tilespmem:s6+$0x0];
	_ =	sdelay $0x2  }
0x15e: {  	v1 =	vld.idx.msk [tilespmem:v1+s18+$0x0], $0xffff;
	_ =	sdelay $0x4  }
0x15f: {  	[tilespmem:v2+s21+$0x0] =	vst.idx.add.f32.msk $0xffff, v1  }
0x160: {  	_ =	swait.ge [sflag:s9], $0x800  }
0x161: {  	[sflag:s9] =	ssyncset.done $0x0  }
0x162: {  	[sflag:s9] =	ssyncadd.s32 $0xFFFFF800  }
0x163: {  	_ =	swait.ge @!p2 [sflag:s30], $0x800  }
0x164: {  	s15 =	sadd.s32 $0x16, s15;
	[sflag:s30] =	ssyncset.done @!p2 $0x0  }
0x165: {  	s23 =	rddreg [dreg:$0xf];
	[sflag:s30] =	ssyncadd.s32 @!p2 $0xFFFFF800;
	p2 =	sge.s32 s15, s10  }
0x166: {  	s7 =	ssub.s32 @!p2 $0xB00, s19;
	s8 =	simm.s32 @!p2 $0x10;
	s11 =	simm.s32 @!p2 $0x5080  }
0x167: {  	[tilespmem:s11], [sflag:$0x8] =	stream.indirect.gather @!p2 [hbm4b:s0+s8], $0x80, s7, s8, $0xb8;
	[tilespmem:$0x1EB80] =	vst v63  }
0x168: {  	p2 =	sne.s32 s23, s16  }
.Ltmp5:
0x169: {  	_ = 	snop;
	(pc) =	sbr.rel @p2 .LBB2_8-.Ltmp5, $4  }
0x16a: {  	_ = 	snop  }
0x16b: {  	s17 =	sadd.s32 $0x800, s17  }
0x16c: {  	s28 =	simm.s32 $0x5880;
	s30 =	simm.s32 $0x2;
	s15 =	smov.u32 s1  }
0x16d: {  	[spmem:s2] =	stream.indirect.scatter.add.f32 [tilespmem:s28], [sflag:$0x11], $0x80, s6, s24, $0xb8;
	[tilespmem:$0x1EB80] =	vst v63  }
0x16e: {  	s1 =	simm.s32 $0x11  }
0x16f: {  	_ =	swait.ge [sflag:s1], $0x800  }
0x170: {  	[sflag:s1] =	ssyncset.done $0x0  }
0x171: {  	[sflag:s1] =	ssyncadd.s32 $0xFFFFF800  }
0x172: {  	s23 =	simm.s32 $0x2000;
	s19 =	simm.s32 $0x50;
	s15 =	rddreg [dreg:$0x3]  }
0x173: {  	[spmem:s15] =	stream.indirect.scatter.add.f32 [tilespmem:s21], [sflag:$0x12], $0x80, s23, s19, $0xb8;
	[tilespmem:$0x1EB80] =	vst v63  }
0x174: {  	s19 =	simm.s32 $0x12  }
0x175: {  	_ =	swait.ge [sflag:s19], $0x2800  }
0x176: {  	[sflag:s19] =	ssyncset.done $0x0  }
0x177: {  	[sflag:s19] =	ssyncadd.s32 $0xFFFFD800  }
0x178: {  	s28 =	stileid.u32;
	[bflag:$0x0] =	sbarrier.arrive $0xFFFF  }
.Ltmp6:
0x179: {  	s1 =	sshll.u32 s28, $0x6;
	s17 =	rddreg [dreg:$0x18];
	(pc) =	sbr.rel @!p1 .LBB2_11-.Ltmp6, $4  }
0x17a: {  	s1 =	sor.u32 $0x1C01, s1;
	s8 =	rddreg [dreg:$0x19];
	s3 =	sshrl.u32 s17, $0x3  }
0x17b: {  	[hbm:s8], [sflag:s1] =	dma.local [spmem:s3], $0x500  }
0x17c: {  	s16 =	rddreg [dreg:$0x13]  }
0x17d: {  	s7 =	sadd.s32 $0x28000, s17;
	s3 =	sadd.s32 $0xFFFFFFFF, s16  }
.LBB2_10:
0x17e: {  	p2 =	sne.s32 s3, $0x1;
	s3 =	sadd.s32 $0xFFFFFFFF, s3  }
.Ltmp7:
0x17f: {  	s11 =	sshrl.u32 s7, $0x3;
	s8 =	sadd.s32 $0x5000, s8;
	(pc) =	sbr.rel @p2 .LBB2_10-.Ltmp7, $3  }
0x180: {  	[hbm:s8], [sflag:s1] =	dma.local [spmem:s11], $0x500  }
0x181: {  	_ =	sdelay $0x1  }
0x182: {  	s7 =	sadd.s32 $0x28000, s7  }
.LBB2_11:
.Ltmp8:
0x183: {  	(pc) =	sbr.rel @!p1 .LBB2_13-.Ltmp8, $3  }
0x184: {  	_ =	sdelay $0x1  }
0x185: {  	_ =	swait.ge [sflag:s22], $0x500  }
0x186: {  	s1 =	sadd.s32 $0xFFFFFFFF, s16;
	s28 =	simm.s32 $0x5080;
	[sflag:s22] =	ssyncset.done $0x0  }
.LBB2_12:
0x187: {  	p1 =	sne.s32 s1, $0x1;
	s1 =	sadd.s32 $0xFFFFFFFF, s1;
	[sflag:s22] =	ssyncadd.s32 $0xFFFFFB00  }
.Ltmp9:
0x188: {  	(pc) =	sbr.rel @p1 .LBB2_12-.Ltmp9, $3  }
0x189: {  	_ =	sdelay $0x1  }
0x18a: {  	_ =	swait.ge [sflag:s22], $0x500  }
0x18b: {  	[sflag:s22] =	ssyncset.done $0x0  }
.LBB2_13:
0x18c: {  	[sflag:s22] =	ssyncadd.s32 $0xFFFFFB00  }
0x18d: {  	s1 =	sshrl.u32 @!p0 s15, $0x3;
	s3 =	simm.s32 @!p0 $0x1C12;
	s7 =	rddreg [dreg:$0x16]  }
0x18e: {  	[hbm:s7], [sflag:s3] =	dma.local @!p0 [spmem:s1], $0x500  }
0x18f: {  	s1 =	simm.s32 @!p0 $0x12  }
0x190: {  	_ =	swait.ge @!p0 [sflag:s1], $0x500  }
0x191: {  	s8 =	rddreg [dreg:$0x1a]  }
0x192: {  	s11 =	rddreg [dreg:$0x17];
	s7 =	sadd.s32 $0x1, s8  }
0x193: {  	p1 =	sne.s32 s7, s11  }
.Ltmp10:
0x194: {  	_ = 	snop;
	(pc) =	sbr.rel @p1 .LBB2_1-.Ltmp10, $4  }
0x195: {  	_ = 	snop  }
0x196: {  	[sflag:s1] =	ssyncset.done @!p0 $0x0  }
0x197: {  	[sflag:s1] =	ssyncadd.s32 @!p0 $0xFFFFFB00;
	s8 =	simm.s32 $0x4080  }
0x198: {  	[dreg:$0x1a] =	wrdreg s7;
	s7 =	simm.s32 $0x2080;
	s11 =	simm.s32 $0x4880  }
0x199: {  	_ =	sfence.sel $0x180000  }
0x19a: {  	[bflag:$0x0] =	sbarrier.arrive $0xFFFF  }
0x19b: {  	_ =	strace $0x90000047  }
0x19c: {  	[bflag:$0x2] =	sbarrier.arrive $0xFFFF  }
0x19d: {  	s0 =	rddreg [dreg:$0x4]  }
0x19e: {  	s0 =	sadd.s32 @!p0 $0x100000, s0  }
0x19f: {  	[sflag:s0] =	ssyncadd.tile.s32 @!p0 $0x1;
	_ =	shalt  }
.Lfunc_end2:
_tile_overlayer_lowered:
.L_overlay_start_2:
0x1a0: {  	(tag) =	ssettag $0x2  }
0x1a1: {  	s0 =	rddreg [dreg:$0x0];
	s2 =	stileid.u32  }
0x1a2: {  	s1 =	rddreg [dreg:$0x1];
	p0 =	sne.s32 s2, $0x0  }
0x1a3: {  	s3 =	rddreg [dreg:$0x2];
	[bflag:$0x3] =	sbarrier.arrive $0xFFFF;
	s2 =	simm.s32 @!p0 $0x1C12  }
0x1a4: {  	[timem:s3], [sflag:s2] =	dma.local @!p0 [hbm:s0], s1  }
0x1a5: {  	s0 =	simm.s32 @!p0 $0x12  }
0x1a6: {  	_ =	swait.ge @!p0 [sflag:s0], s1  }
0x1a7: {  	s1 =	ssub.s32 @!p0 $0x0, s1;
	[sflag:s0] =	ssyncset.done @!p0 $0x0  }
0x1a8: {  	[sflag:s0] =	ssyncadd.s32 @!p0 s1  }
0x1a9: {  	[bflag:$0x3] =	sbarrier.arrive $0xFFFF  }
0x1aa: {  	_ =	shalt  }

</sc_bundles>
